<compile_context>
chip_gen: v7x
topology: tpu7x:2x2x1
jax: 0.10.2.dev20260603
libtpu: 0.0.44.dev20260713+nightly
codegen_flags: <defaults>
</compile_context>

<pallas_src>
import functools

import jax
import jax.numpy as jnp
from jax import lax
from jax.experimental import pallas as pl
from jax.experimental.pallas import tpu as pltpu

N_NODES = 10000
NPAD = 10240
B = 64



def _mm_bias_kernel(a_ref, w_ref, b_ref, o_ref):
    o_ref[...] = jnp.dot(a_ref[...], w_ref[...],
                         preferred_element_type=jnp.float32) + b_ref[...]


def _relu_mm_kernel(s_ref, b_ref, w_ref, o_ref):
    h = jnp.maximum(s_ref[...] + b_ref[...], 0.0)
    o_ref[...] = jnp.dot(h, w_ref[...], preferred_element_type=jnp.float32)


def _mm(a, w):
    M, K = a.shape
    N = w.shape[1]
    G = 10
    return pl.pallas_call(
        lambda a_ref, w_ref, o_ref: o_ref.__setitem__(
            (...,), jnp.dot(a_ref[...], w_ref[...],
                            preferred_element_type=jnp.float32)),
        out_shape=jax.ShapeDtypeStruct((M, N), jnp.float32),
        grid=(G,),
        in_specs=[pl.BlockSpec((M // G, K), lambda i: (i, 0)),
                  pl.BlockSpec((K, N), lambda i: (0, 0))],
        out_specs=pl.BlockSpec((M // G, N), lambda i: (i, 0)),
    )(a, w)


def _relu_mm(s, b, w):
    M, K = s.shape
    N = w.shape[1]
    G = 10
    return pl.pallas_call(
        _relu_mm_kernel,
        out_shape=jax.ShapeDtypeStruct((M, N), jnp.float32),
        grid=(G,),
        in_specs=[pl.BlockSpec((M // G, K), lambda i: (i, 0)),
                  pl.BlockSpec((K,), lambda i: (0,)),
                  pl.BlockSpec((K, N), lambda i: (0, 0))],
        out_specs=pl.BlockSpec((M // G, N), lambda i: (i, 0)),
    )(s, b, w)


def _mlp_kernel(s_ref, b3_ref, m1_ref, mb1_ref, m2_ref, mb2_ref, o_ref):
    h3 = jnp.maximum(s_ref[...] + b3_ref[...], 0.0)
    z = jnp.dot(h3, m1_ref[...], preferred_element_type=jnp.float32) + mb1_ref[...]
    z = jnp.maximum(z, 0.0)
    o_ref[...] = jnp.dot(z, m2_ref[...], preferred_element_type=jnp.float32) + mb2_ref[...]


def _mlp(s3, b3, M1, mb1, M2, mb2):
    M = s3.shape[0]
    G = 10
    return pl.pallas_call(
        _mlp_kernel,
        out_shape=jax.ShapeDtypeStruct((M, 512), jnp.float32),
        grid=(G,),
        in_specs=[pl.BlockSpec((M // G, 64), lambda i: (i, 0)),
                  pl.BlockSpec((64,), lambda i: (0,)),
                  pl.BlockSpec((64, 512), lambda i: (0, 0)),
                  pl.BlockSpec((512,), lambda i: (0,)),
                  pl.BlockSpec((512, 512), lambda i: (0, 0)),
                  pl.BlockSpec((512,), lambda i: (0,))],
        out_specs=pl.BlockSpec((M // G, 512), lambda i: (i, 0)),
    )(s3, b3, M1, mb1, M2, mb2)


def _score_kernel(agg_ref, h_ref, wrel_ref, brel_ref, wroot_ref, o_ref):
    u = jnp.dot(agg_ref[...], wrel_ref[...],
                preferred_element_type=jnp.float32) + brel_ref[...]
    u = u + jnp.dot(h_ref[...], wroot_ref[...],
                    preferred_element_type=jnp.float32)
    o_ref[...] = jnp.tanh(u)


def _score(agg, h, Wrel, brel, Wroot):
    M = agg.shape[0]
    G = 10
    return pl.pallas_call(
        _score_kernel,
        out_shape=jax.ShapeDtypeStruct((M, 1), jnp.float32),
        grid=(G,),
        in_specs=[pl.BlockSpec((M // G, 512), lambda i: (i, 0)),
                  pl.BlockSpec((M // G, 512), lambda i: (i, 0)),
                  pl.BlockSpec((512, 1), lambda i: (0, 0)),
                  pl.BlockSpec((1,), lambda i: (0,)),
                  pl.BlockSpec((512, 1), lambda i: (0, 0))],
        out_specs=pl.BlockSpec((M // G, 1), lambda i: (i, 0)),
    )(agg, h, Wrel, brel, Wroot)



def _topk_kernel(score_ref, batch_ref, w_ref):
    score = score_ref[...]
    batch = batch_ref[...]
    gids = lax.broadcasted_iota(jnp.int32, (1, B), 1)
    O = batch == gids

    counts = jnp.sum(O.astype(jnp.float32), axis=0, keepdims=True)
    kf = jnp.ceil(0.5 * counts)

    ibits = lax.bitcast_convert_type(score, jnp.int32)
    key = jnp.where(ibits >= 0, ibits, ibits ^ jnp.int32(0x7FFFFFFF))

    def count_gt(t):
        ind = jnp.logical_and(O, key > t)
        return jnp.sum(ind.astype(jnp.float32), axis=0, keepdims=True)

    def body(it, lohi):
        lo, hi = lohi
        mid = (lo >> 1) + (hi >> 1) + (lo & hi & 1)
        pred = count_gt(mid) < kf
        return (jnp.where(pred, lo, mid + 1), jnp.where(pred, mid, hi))

    lo = jnp.full((1, B), -2**31, jnp.int32)
    hi = jnp.full((1, B), 2**31 - 1, jnp.int32)
    lo, hi = lax.fori_loop(0, 32, body, (lo, hi))
    v = lo

    gtM = jnp.logical_and(O, key > v)
    tieM = jnp.logical_and(O, key == v)
    gcnt = jnp.sum(gtM.astype(jnp.float32), axis=0, keepdims=True)
    r = kf - gcnt

    pos = lax.broadcasted_iota(jnp.int32, (NPAD, 1), 0)

    def count_tie_lt(t):
        ind = jnp.logical_and(tieM, pos < t)
        return jnp.sum(ind.astype(jnp.float32), axis=0, keepdims=True)

    def body2(it, lohi):
        lo, hi = lohi
        mid = (lo + hi) >> 1
        pred = count_tie_lt(mid) >= r
        return (jnp.where(pred, lo, mid + 1), jnp.where(pred, mid, hi))

    lo2 = jnp.zeros((1, B), jnp.int32)
    hi2 = jnp.full((1, B), 16384, jnp.int32)
    lo2, hi2 = lax.fori_loop(0, 15, body2, (lo2, hi2))
    theta = lo2

    selM = jnp.logical_or(gtM, jnp.logical_and(tieM, pos < theta))
    sel = jnp.any(selM, axis=1, keepdims=True)
    w_ref[...] = score * sel.astype(jnp.float32)


def _topk(score_pad, batch_pad):
    return pl.pallas_call(
        _topk_kernel,
        out_shape=jax.ShapeDtypeStruct((NPAD, 1), jnp.float32),
    )(score_pad, batch_pad)



def _pool_kernel(h_ref, w_ref, batch_ref, p1_ref, pb1_ref, p2_ref, pb2_ref,
                 o_ref, acc_ref):
    i = pl.program_id(0)

    @pl.when(i == 0)
    def _():
        acc_ref[...] = jnp.zeros_like(acc_ref)

    gids = lax.broadcasted_iota(jnp.int32, (1, B), 1)
    O = (batch_ref[...] == gids).astype(jnp.float32)
    hw = h_ref[...] * w_ref[...]
    acc_ref[...] += lax.dot_general(
        O, hw, (((0,), (0,)), ((), ())),
        precision=lax.Precision.HIGHEST,
        preferred_element_type=jnp.float32)

    @pl.when(i == pl.num_programs(0) - 1)
    def _():
        pooled = acc_ref[...]
        o1 = jnp.dot(pooled, p1_ref[...],
                     preferred_element_type=jnp.float32) + pb1_ref[...]
        o1 = jnp.maximum(o1, 0.0)
        o_ref[...] = jnp.dot(o1, p2_ref[...],
                             preferred_element_type=jnp.float32) + pb2_ref[...]


def _pool_head(h_pad, w_pad, batch_pad, P1, pb1, P2, pb2):
    G = 10
    blk = NPAD // G
    return pl.pallas_call(
        _pool_kernel,
        out_shape=jax.ShapeDtypeStruct((B, 256), jnp.float32),
        grid=(G,),
        in_specs=[pl.BlockSpec((blk, 512), lambda i: (i, 0)),
                  pl.BlockSpec((blk, 1), lambda i: (i, 0)),
                  pl.BlockSpec((blk, 1), lambda i: (i, 0)),
                  pl.BlockSpec((512, 512), lambda i: (0, 0)),
                  pl.BlockSpec((512,), lambda i: (0,)),
                  pl.BlockSpec((512, 256), lambda i: (0, 0)),
                  pl.BlockSpec((256,), lambda i: (0,))],
        out_specs=pl.BlockSpec((B, 256), lambda i: (0, 0)),
        scratch_shapes=[pltpu.VMEM((B, 512), jnp.float32)],
    )(h_pad, w_pad, batch_pad, P1, pb1, P2, pb2)



def kernel(x, edge_index, batch, W1, b1, W2, b2, W3, b3, M1, mb1, M2, mb2,
           Wrel, brel, Wroot, P1, pb1, P2, pb2):
    n = x.shape[0]
    src, dst = edge_index[0], edge_index[1]
    loops = jnp.arange(n)
    src2 = jnp.concatenate([src, loops])
    dst2 = jnp.concatenate([dst, loops])

    deg = jax.ops.segment_sum(jnp.ones(src2.shape[0], x.dtype), dst2,
                              num_segments=n)
    dinv = jnp.where(deg > 0, 1.0 / jnp.sqrt(deg), 0.0)
    norm = dinv[src2] * dinv[dst2]

    def conv_agg(Y):
        msg = Y[src2] * norm[:, None]
        return jax.ops.segment_sum(msg, dst2, num_segments=n)

    Y1 = _mm(x, W1)
    S1 = conv_agg(Y1)
    Y2 = _relu_mm(S1, b1, W2)
    S2 = conv_agg(Y2)
    Y3 = _relu_mm(S2, b2, W3)
    S3 = conv_agg(Y3)

    h = _mlp(S3, b3, M1, mb1, M2, mb2)

    agg = jax.ops.segment_sum(h[src], dst, num_segments=n)
    score = _score(agg, h, Wrel, brel, Wroot)

    pad = NPAD - n
    score_pad = jnp.concatenate([score, jnp.zeros((pad, 1), jnp.float32)])
    batch_pad = jnp.concatenate(
        [batch.astype(jnp.int32), jnp.full((pad,), 127, jnp.int32)]
    ).reshape(NPAD, 1)

    w_pad = _topk(score_pad, batch_pad)

    h_pad = jnp.concatenate([h, jnp.zeros((pad, 512), jnp.float32)])
    out = _pool_head(h_pad, w_pad, batch_pad, P1, pb1, P2, pb2)
    return out

# --- scband reference (transcript-rebuilt; emitter-appended) ---
"""Pipeline reference for scband-sag-37546604102395 (READ-ONLY COPY).

The authoritative reference and input builder live on the scoring server;
editing this copy changes nothing except your own understanding.
"""

import jax, jax.numpy as jnp
import numpy as np

def _lin(key, i, o):
    return jax.random.normal(key, (i, o), jnp.float32) / np.sqrt(i)

def _gcn_conv(x, W, b, src, dst, n):
    loops = jnp.arange(n)
    src2 = jnp.concatenate([src, loops])
    dst2 = jnp.concatenate([dst, loops])
    deg = jax.ops.segment_sum(jnp.ones(src2.shape[0], x.dtype), dst2, num_segments=n)
    dinv = jnp.where(deg > 0, 1.0 / jnp.sqrt(deg), 0.0)
    norm = dinv[src2] * dinv[dst2]
    h = x @ W
    msg = h[src2] * norm[:, None]
    return jax.ops.segment_sum(msg, dst2, num_segments=n) + b

def _graph_conv(x, Wrel, brel, Wroot, src, dst, n):
    agg = jax.ops.segment_sum(x[src], dst, num_segments=n)
    return agg @ Wrel + brel + x @ Wroot

def setup_inputs(seed: int = 0):
    key = jax.random.key(seed)
    ks = jax.random.split(key, 24)
    N, E, D = 10000, 320000, 128
    x = jax.random.normal(ks[0], (N, D), jnp.float32)
    edge_index = jax.random.randint(ks[1], (2, E), 0, N)
    batch = jnp.sort(jax.random.randint(ks[2], (N,), 0, 64))
    inp = {"x": x, "edge_index": edge_index, "batch": batch}
    inp["W1"] = _lin(ks[3], D, 64); inp["b1"] = jnp.zeros((64,), jnp.float32)
    inp["W2"] = _lin(ks[4], 64, 64); inp["b2"] = jnp.zeros((64,), jnp.float32)
    inp["W3"] = _lin(ks[5], 64, 64); inp["b3"] = jnp.zeros((64,), jnp.float32)
    inp["M1"] = _lin(ks[6], 64, 512); inp["mb1"] = jnp.zeros((512,), jnp.float32)
    inp["M2"] = _lin(ks[7], 512, 512); inp["mb2"] = jnp.zeros((512,), jnp.float32)
    inp["Wrel"] = _lin(ks[8], 512, 1); inp["brel"] = jnp.zeros((1,), jnp.float32)
    inp["Wroot"] = _lin(ks[9], 512, 1)
    inp["P1"] = _lin(ks[10], 512, 512); inp["pb1"] = jnp.zeros((512,), jnp.float32)
    inp["P2"] = _lin(ks[11], 512, 256); inp["pb2"] = jnp.zeros((256,), jnp.float32)
    return inp

def reference(x, edge_index, batch, W1, b1, W2, b2, W3, b3, M1, mb1, M2, mb2, Wrel, brel, Wroot, P1, pb1, P2, pb2):
    n = x.shape[0]
    src, dst = edge_index[0], edge_index[1]
    h = jax.nn.relu(_gcn_conv(x, W1, b1, src, dst, n))
    h = jax.nn.relu(_gcn_conv(h, W2, b2, src, dst, n))
    h = jax.nn.relu(_gcn_conv(h, W3, b3, src, dst, n))
    h = jax.nn.relu(h @ M1 + mb1)
    h = h @ M2 + mb2
    score = jnp.tanh(_graph_conv(h, Wrel, brel, Wroot, src, dst, n).reshape(-1))
    B = 64
    counts = jax.ops.segment_sum(jnp.ones((n,), jnp.float32), batch, num_segments=B)
    kvec = jnp.ceil(0.5 * counts)
    counts_i = counts.astype(jnp.int32)
    starts = jnp.concatenate([jnp.zeros((1,), jnp.int32), jnp.cumsum(counts_i)[:-1]])
    maxc = n
    pos = jnp.arange(n) - starts[batch]
    dense = jnp.full((B, maxc), -jnp.inf, jnp.float32).at[batch, pos].set(score)
    order = jnp.argsort(-dense, axis=1)
    node = starts[:, None] + order
    valid = jnp.arange(maxc)[None, :] < kvec[:, None]
    node_flat = node.reshape(-1)
    valid_flat = valid.reshape(-1)
    safe = jnp.where(valid_flat, node_flat, n)
    sel = jnp.zeros((n,), jnp.float32).at[safe].add(valid_flat.astype(jnp.float32), mode='drop')
    pooled = jax.ops.segment_sum(h * (score * sel)[:, None], batch, num_segments=B)
    out = jax.nn.relu(pooled @ P1 + pb1)
    out = out @ P2 + pb2
    return out

if __name__ == "__main__":
    import jax
    _d = setup_inputs()
    print(jax.jit(kernel)(*tuple(_d.values())))

</pallas_src>

<mosaic_0001>
module attributes {stable_mosaic.version = 14 : i64} {
  func.func @_lambda_(%arg0: i32, %arg1: memref<1000x128xf32, #tpu.memory_space<vmem>>, %arg2: memref<128x64xf32, #tpu.memory_space<vmem>>, %arg3: memref<1000x64xf32, #tpu.memory_space<vmem>>) attributes {dimension_semantics = [#tpu.dimension_semantics<arbitrary>], iteration_bounds = array<i64: 10>, scalar_prefetch = 0 : i64, scratch_operands = 0 : i64, tpu.core_type = #tpu.core_type<tc>, window_params = [{transform_indices = @transform_0, window_bounds = array<i64: 1000, 128>}, {pipeline_mode = #tpu.pipeline_mode<synchronous>, transform_indices = @transform_1, window_bounds = array<i64: 128, 64>}, {transform_indices = @transform_2, window_bounds = array<i64: 1000, 64>}]} {
    %get3A = arith.constant 0 : index
    %get3A_0 = arith.constant 0 : index
    %get3A_1 = vector.load %arg1[%get3A, %get3A_0] : memref<1000x128xf32, #tpu.memory_space<vmem>>, vector<1000x128xf32>
    %get3A_2 = arith.constant 0 : index
    %get3A_3 = arith.constant 0 : index
    %get3A_4 = vector.load %arg2[%get3A_2, %get3A_3] : memref<128x64xf32, #tpu.memory_space<vmem>>, vector<128x64xf32>
    %dot_general3A = arith.constant dense<0.000000e+00> : vector<1000x64xf32>
    %dot_general3A_5 = tpu.matmul %get3A_1, %get3A_4, %dot_general3A {dimension_numbers = #tpu.dot_dimension_numbers<[1], [0], [0], [1], [0, 0, 1, 1], [], []>, transpose_lhs_hint = false} : vector<1000x128xf32>, vector<128x64xf32>, vector<1000x64xf32> -> vector<1000x64xf32>
    %swap3A = arith.constant 0 : index
    %swap3A_6 = arith.constant 0 : index
    %swap3A_7 = vector.load %arg3[%swap3A, %swap3A_6] : memref<1000x64xf32, #tpu.memory_space<vmem>>, vector<1000x64xf32>
    tpu.vector_store %arg3[%swap3A, %swap3A_6], %dot_general3A_5 {strides = array<i32>} : memref<1000x64xf32, #tpu.memory_space<vmem>>, vector<1000x64xf32>,
    return
  }
  func.func @transform_0(%arg0: i32) -> (i32, i32) {
    %c0_i32 = arith.constant 0 : i32
    %c0_i32_0 = arith.constant 0 : i32
    return %arg0, %c0_i32 : i32, i32
  }
  func.func @transform_1(%arg0: i32) -> (i32, i32) {
    %c0_i32 = arith.constant 0 : i32
    %c0_i32_0 = arith.constant 0 : i32
    %c0_i32_1 = arith.constant 0 : i32
    return %c0_i32, %c0_i32_0 : i32, i32
  }
  func.func @transform_2(%arg0: i32) -> (i32, i32) {
    %c0_i32 = arith.constant 0 : i32
    %c0_i32_0 = arith.constant 0 : i32
    return %arg0, %c0_i32 : i32, i32
  }
}

module attributes {stable_mosaic.version = 14 : i64} {
  func.func @_relu_mm_kernel(%arg0: i32, %arg1: memref<1000x64xf32, #tpu.memory_space<vmem>>, %arg2: memref<64xf32, #tpu.memory_space<vmem>>, %arg3: memref<64x64xf32, #tpu.memory_space<vmem>>, %arg4: memref<1000x64xf32, #tpu.memory_space<vmem>>) attributes {dimension_semantics = [#tpu.dimension_semantics<arbitrary>], iteration_bounds = array<i64: 10>, scalar_prefetch = 0 : i64, scratch_operands = 0 : i64, tpu.core_type = #tpu.core_type<tc>, window_params = [{transform_indices = @transform_0, window_bounds = array<i64: 1000, 64>}, {pipeline_mode = #tpu.pipeline_mode<synchronous>, transform_indices = @transform_1, window_bounds = array<i64: 64>}, {pipeline_mode = #tpu.pipeline_mode<synchronous>, transform_indices = @transform_2, window_bounds = array<i64: 64, 64>}, {transform_indices = @transform_3, window_bounds = array<i64: 1000, 64>}]} {
    %get3A = arith.constant 0 : index
    %get3A_0 = arith.constant 0 : index
    %get3A_1 = vector.load %arg1[%get3A, %get3A_0] : memref<1000x64xf32, #tpu.memory_space<vmem>>, vector<1000x64xf32>
    %get3A_2 = arith.constant 0 : index
    %get3A_3 = vector.load %arg2[%get3A_2] : memref<64xf32, #tpu.memory_space<vmem>>, vector<64xf32>
    %broadcast_in_dim3A = vector.shape_cast %get3A_3 : vector<64xf32> to vector<1x64xf32>
    %add3A = vector.broadcast %broadcast_in_dim3A : vector<1x64xf32> to vector<1000x64xf32>
    %add3A_4 = arith.addf %get3A_1, %add3A : vector<1000x64xf32>
    %max3A = arith.constant 0.000000e+00 : f32
    %max3A_5 = vector.broadcast %max3A : f32 to vector<1000x64xf32>
    %max3A_6 = arith.maximumf %add3A_4, %max3A_5 : vector<1000x64xf32>
    %get3A_7 = arith.constant 0 : index
    %get3A_8 = arith.constant 0 : index
    %get3A_9 = vector.load %arg3[%get3A_7, %get3A_8] : memref<64x64xf32, #tpu.memory_space<vmem>>, vector<64x64xf32>
    %dot_general3A = arith.constant dense<0.000000e+00> : vector<1000x64xf32>
    %dot_general3A_10 = tpu.matmul %max3A_6, %get3A_9, %dot_general3A {dimension_numbers = #tpu.dot_dimension_numbers<[1], [0], [0], [1], [0, 0, 1, 1], [], []>, transpose_lhs_hint = false} : vector<1000x64xf32>, vector<64x64xf32>, vector<1000x64xf32> -> vector<1000x64xf32>
    %swap3A = arith.constant 0 : index
    %swap3A_11 = arith.constant 0 : index
    %swap3A_12 = vector.load %arg4[%swap3A, %swap3A_11] : memref<1000x64xf32, #tpu.memory_space<vmem>>, vector<1000x64xf32>
    tpu.vector_store %arg4[%swap3A, %swap3A_11], %dot_general3A_10 {strides = array<i32>} : memref<1000x64xf32, #tpu.memory_space<vmem>>, vector<1000x64xf32>,
    return
  }
  func.func @transform_0(%arg0: i32) -> (i32, i32) {
    %c0_i32 = arith.constant 0 : i32
    %c0_i32_0 = arith.constant 0 : i32
    return %arg0, %c0_i32 : i32, i32
  }
  func.func @transform_1(%arg0: i32) -> i32 {
    %c0_i32 = arith.constant 0 : i32
    %c0_i32_0 = arith.constant 0 : i32
    return %c0_i32 : i32
  }
  func.func @transform_2(%arg0: i32) -> (i32, i32) {
    %c0_i32 = arith.constant 0 : i32
    %c0_i32_0 = arith.constant 0 : i32
    %c0_i32_1 = arith.constant 0 : i32
    return %c0_i32, %c0_i32_0 : i32, i32
  }
  func.func @transform_3(%arg0: i32) -> (i32, i32) {
    %c0_i32 = arith.constant 0 : i32
    %c0_i32_0 = arith.constant 0 : i32
    return %arg0, %c0_i32 : i32, i32
  }
}

module attributes {stable_mosaic.version = 14 : i64} {
  func.func @_mlp_kernel(%arg0: i32, %arg1: memref<1000x64xf32, #tpu.memory_space<vmem>>, %arg2: memref<64xf32, #tpu.memory_space<vmem>>, %arg3: memref<64x512xf32, #tpu.memory_space<vmem>>, %arg4: memref<512xf32, #tpu.memory_space<vmem>>, %arg5: memref<512x512xf32, #tpu.memory_space<vmem>>, %arg6: memref<512xf32, #tpu.memory_space<vmem>>, %arg7: memref<1000x512xf32, #tpu.memory_space<vmem>>) attributes {dimension_semantics = [#tpu.dimension_semantics<arbitrary>], iteration_bounds = array<i64: 10>, scalar_prefetch = 0 : i64, scratch_operands = 0 : i64, tpu.core_type = #tpu.core_type<tc>, window_params = [{transform_indices = @transform_0, window_bounds = array<i64: 1000, 64>}, {pipeline_mode = #tpu.pipeline_mode<synchronous>, transform_indices = @transform_1, window_bounds = array<i64: 64>}, {pipeline_mode = #tpu.pipeline_mode<synchronous>, transform_indices = @transform_2, window_bounds = array<i64: 64, 512>}, {pipeline_mode = #tpu.pipeline_mode<synchronous>, transform_indices = @transform_3, window_bounds = array<i64: 512>}, {pipeline_mode = #tpu.pipeline_mode<synchronous>, transform_indices = @transform_4, window_bounds = array<i64: 512, 512>}, {pipeline_mode = #tpu.pipeline_mode<synchronous>, transform_indices = @transform_5, window_bounds = array<i64: 512>}, {transform_indices = @transform_6, window_bounds = array<i64: 1000, 512>}]} {
    %get3A = arith.constant 0 : index
    %get3A_0 = arith.constant 0 : index
    %get3A_1 = vector.load %arg1[%get3A, %get3A_0] : memref<1000x64xf32, #tpu.memory_space<vmem>>, vector<1000x64xf32>
    %get3A_2 = arith.constant 0 : index
    %get3A_3 = vector.load %arg2[%get3A_2] : memref<64xf32, #tpu.memory_space<vmem>>, vector<64xf32>
    %broadcast_in_dim3A = vector.shape_cast %get3A_3 : vector<64xf32> to vector<1x64xf32>
    %add3A = vector.broadcast %broadcast_in_dim3A : vector<1x64xf32> to vector<1000x64xf32>
    %add3A_4 = arith.addf %get3A_1, %add3A : vector<1000x64xf32>
    %max3A = arith.constant 0.000000e+00 : f32
    %max3A_5 = vector.broadcast %max3A : f32 to vector<1000x64xf32>
    %max3A_6 = arith.maximumf %add3A_4, %max3A_5 : vector<1000x64xf32>
    %get3A_7 = arith.constant 0 : index
    %get3A_8 = arith.constant 0 : index
    %get3A_9 = vector.load %arg3[%get3A_7, %get3A_8] : memref<64x512xf32, #tpu.memory_space<vmem>>, vector<64x512xf32>
    %dot_general3A = arith.constant dense<0.000000e+00> : vector<1000x512xf32>
    %dot_general3A_10 = tpu.matmul %max3A_6, %get3A_9, %dot_general3A {dimension_numbers = #tpu.dot_dimension_numbers<[1], [0], [0], [1], [0, 0, 1, 1], [], []>, transpose_lhs_hint = false} : vector<1000x64xf32>, vector<64x512xf32>, vector<1000x512xf32> -> vector<1000x512xf32>
    %get3A_11 = arith.constant 0 : index
    %get3A_12 = vector.load %arg4[%get3A_11] : memref<512xf32, #tpu.memory_space<vmem>>, vector<512xf32>
    %broadcast_in_dim3A_13 = vector.shape_cast %get3A_12 : vector<512xf32> to vector<1x512xf32>
    %add3A_14 = vector.broadcast %broadcast_in_dim3A_13 : vector<1x512xf32> to vector<1000x512xf32>
    %add3A_15 = arith.addf %dot_general3A_10, %add3A_14 : vector<1000x512xf32>
    %max3A_16 = arith.constant 0.000000e+00 : f32
    %max3A_17 = vector.broadcast %max3A_16 : f32 to vector<1000x512xf32>
    %max3A_18 = arith.maximumf %add3A_15, %max3A_17 : vector<1000x512xf32>
    %get3A_19 = arith.constant 0 : index
    %get3A_20 = arith.constant 0 : index
    %get3A_21 = vector.load %arg5[%get3A_19, %get3A_20] : memref<512x512xf32, #tpu.memory_space<vmem>>, vector<512x512xf32>
    %dot_general3A_22 = arith.constant dense<0.000000e+00> : vector<1000x512xf32>
    %dot_general3A_23 = tpu.matmul %max3A_18, %get3A_21, %dot_general3A_22 {dimension_numbers = #tpu.dot_dimension_numbers<[1], [0], [0], [1], [0, 0, 1, 1], [], []>, transpose_lhs_hint = false} : vector<1000x512xf32>, vector<512x512xf32>, vector<1000x512xf32> -> vector<1000x512xf32>
    %get3A_24 = arith.constant 0 : index
    %get3A_25 = vector.load %arg6[%get3A_24] : memref<512xf32, #tpu.memory_space<vmem>>, vector<512xf32>
    %broadcast_in_dim3A_26 = vector.shape_cast %get3A_25 : vector<512xf32> to vector<1x512xf32>
    %add3A_27 = vector.broadcast %broadcast_in_dim3A_26 : vector<1x512xf32> to vector<1000x512xf32>
    %add3A_28 = arith.addf %dot_general3A_23, %add3A_27 : vector<1000x512xf32>
    %swap3A = arith.constant 0 : index
    %swap3A_29 = arith.constant 0 : index
    %swap3A_30 = vector.load %arg7[%swap3A, %swap3A_29] : memref<1000x512xf32, #tpu.memory_space<vmem>>, vector<1000x512xf32>
    tpu.vector_store %arg7[%swap3A, %swap3A_29], %add3A_28 {strides = array<i32>} : memref<1000x512xf32, #tpu.memory_space<vmem>>, vector<1000x512xf32>,
    return
  }
  func.func @transform_0(%arg0: i32) -> (i32, i32) {
    %c0_i32 = arith.constant 0 : i32
    %c0_i32_0 = arith.constant 0 : i32
    return %arg0, %c0_i32 : i32, i32
  }
  func.func @transform_1(%arg0: i32) -> i32 {
    %c0_i32 = arith.constant 0 : i32
    %c0_i32_0 = arith.constant 0 : i32
    return %c0_i32 : i32
  }
  func.func @transform_2(%arg0: i32) -> (i32, i32) {
    %c0_i32 = arith.constant 0 : i32
    %c0_i32_0 = arith.constant 0 : i32
    %c0_i32_1 = arith.constant 0 : i32
    return %c0_i32, %c0_i32_0 : i32, i32
  }
  func.func @transform_3(%arg0: i32) -> i32 {
    %c0_i32 = arith.constant 0 : i32
    %c0_i32_0 = arith.constant 0 : i32
    return %c0_i32 : i32
  }
  func.func @transform_4(%arg0: i32) -> (i32, i32) {
    %c0_i32 = arith.constant 0 : i32
    %c0_i32_0 = arith.constant 0 : i32
    %c0_i32_1 = arith.constant 0 : i32
    return %c0_i32, %c0_i32_0 : i32, i32
  }
  func.func @transform_5(%arg0: i32) -> i32 {
    %c0_i32 = arith.constant 0 : i32
    %c0_i32_0 = arith.constant 0 : i32
    return %c0_i32 : i32
  }
  func.func @transform_6(%arg0: i32) -> (i32, i32) {
    %c0_i32 = arith.constant 0 : i32
    %c0_i32_0 = arith.constant 0 : i32
    return %arg0, %c0_i32 : i32, i32
  }
}

module attributes {stable_mosaic.version = 14 : i64} {
  func.func @_score_kernel(%arg0: i32, %arg1: memref<1000x512xf32, #tpu.memory_space<vmem>>, %arg2: memref<1000x512xf32, #tpu.memory_space<vmem>>, %arg3: memref<512x1xf32, #tpu.memory_space<vmem>>, %arg4: memref<1xf32, #tpu.memory_space<vmem>>, %arg5: memref<512x1xf32, #tpu.memory_space<vmem>>, %arg6: memref<1000x1xf32, #tpu.memory_space<vmem>>) attributes {dimension_semantics = [#tpu.dimension_semantics<arbitrary>], iteration_bounds = array<i64: 10>, scalar_prefetch = 0 : i64, scratch_operands = 0 : i64, tpu.core_type = #tpu.core_type<tc>, window_params = [{transform_indices = @transform_0, window_bounds = array<i64: 1000, 512>}, {transform_indices = @transform_1, window_bounds = array<i64: 1000, 512>}, {pipeline_mode = #tpu.pipeline_mode<synchronous>, transform_indices = @transform_2, window_bounds = array<i64: 512, 1>}, {pipeline_mode = #tpu.pipeline_mode<synchronous>, transform_indices = @transform_3, window_bounds = array<i64: 1>}, {pipeline_mode = #tpu.pipeline_mode<synchronous>, transform_indices = @transform_4, window_bounds = array<i64: 512, 1>}, {transform_indices = @transform_5, window_bounds = array<i64: 1000, 1>}]} {
    %get3A = arith.constant 0 : index
    %get3A_0 = arith.constant 0 : index
    %get3A_1 = vector.load %arg1[%get3A, %get3A_0] : memref<1000x512xf32, #tpu.memory_space<vmem>>, vector<1000x512xf32>
    %get3A_2 = arith.constant 0 : index
    %get3A_3 = arith.constant 0 : index
    %get3A_4 = vector.load %arg3[%get3A_2, %get3A_3] : memref<512x1xf32, #tpu.memory_space<vmem>>, vector<512x1xf32>
    %dot_general3A = arith.constant dense<0.000000e+00> : vector<1000x1xf32>
    %dot_general3A_5 = tpu.matmul %get3A_1, %get3A_4, %dot_general3A {dimension_numbers = #tpu.dot_dimension_numbers<[1], [0], [0], [1], [0, 0, 1, 1], [], []>, transpose_lhs_hint = false} : vector<1000x512xf32>, vector<512x1xf32>, vector<1000x1xf32> -> vector<1000x1xf32>
    %get3A_6 = arith.constant 0 : index
    %get3A_7 = vector.load %arg4[%get3A_6] : memref<1xf32, #tpu.memory_space<vmem>>, vector<1xf32>
    %broadcast_in_dim3A = vector.shape_cast %get3A_7 : vector<1xf32> to vector<1x1xf32>
    %add3A = vector.broadcast %broadcast_in_dim3A : vector<1x1xf32> to vector<1000x1xf32>
    %add3A_8 = arith.addf %dot_general3A_5, %add3A : vector<1000x1xf32>
    %get3A_9 = arith.constant 0 : index
    %get3A_10 = arith.constant 0 : index
    %get3A_11 = vector.load %arg2[%get3A_9, %get3A_10] : memref<1000x512xf32, #tpu.memory_space<vmem>>, vector<1000x512xf32>
    %get3A_12 = arith.constant 0 : index
    %get3A_13 = arith.constant 0 : index
    %get3A_14 = vector.load %arg5[%get3A_12, %get3A_13] : memref<512x1xf32, #tpu.memory_space<vmem>>, vector<512x1xf32>
    %dot_general3A_15 = arith.constant dense<0.000000e+00> : vector<1000x1xf32>
    %dot_general3A_16 = tpu.matmul %get3A_11, %get3A_14, %dot_general3A_15 {dimension_numbers = #tpu.dot_dimension_numbers<[1], [0], [0], [1], [0, 0, 1, 1], [], []>, transpose_lhs_hint = false} : vector<1000x512xf32>, vector<512x1xf32>, vector<1000x1xf32> -> vector<1000x1xf32>
    %add3A_17 = arith.addf %add3A_8, %dot_general3A_16 : vector<1000x1xf32>
    %tanh3A = math.tanh %add3A_17 : vector<1000x1xf32>
    %swap3A = arith.constant 0 : index
    %swap3A_18 = arith.constant 0 : index
    %swap3A_19 = vector.load %arg6[%swap3A, %swap3A_18] : memref<1000x1xf32, #tpu.memory_space<vmem>>, vector<1000x1xf32>
    tpu.vector_store %arg6[%swap3A, %swap3A_18], %tanh3A {strides = array<i32>} : memref<1000x1xf32, #tpu.memory_space<vmem>>, vector<1000x1xf32>,
    return
  }
  func.func @transform_0(%arg0: i32) -> (i32, i32) {
    %c0_i32 = arith.constant 0 : i32
    %c0_i32_0 = arith.constant 0 : i32
    return %arg0, %c0_i32 : i32, i32
  }
  func.func @transform_1(%arg0: i32) -> (i32, i32) {
    %c0_i32 = arith.constant 0 : i32
    %c0_i32_0 = arith.constant 0 : i32
    return %arg0, %c0_i32 : i32, i32
  }
  func.func @transform_2(%arg0: i32) -> (i32, i32) {
    %c0_i32 = arith.constant 0 : i32
    %c0_i32_0 = arith.constant 0 : i32
    %c0_i32_1 = arith.constant 0 : i32
    return %c0_i32, %c0_i32_0 : i32, i32
  }
  func.func @transform_3(%arg0: i32) -> i32 {
    %c0_i32 = arith.constant 0 : i32
    %c0_i32_0 = arith.constant 0 : i32
    return %c0_i32 : i32
  }
  func.func @transform_4(%arg0: i32) -> (i32, i32) {
    %c0_i32 = arith.constant 0 : i32
    %c0_i32_0 = arith.constant 0 : i32
    %c0_i32_1 = arith.constant 0 : i32
    return %c0_i32, %c0_i32_0 : i32, i32
  }
  func.func @transform_5(%arg0: i32) -> (i32, i32) {
    %c0_i32 = arith.constant 0 : i32
    %c0_i32_0 = arith.constant 0 : i32
    return %arg0, %c0_i32 : i32, i32
  }
}

module attributes {stable_mosaic.version = 14 : i64} {
  func.func @_topk_kernel(%arg0: memref<10240x1xf32, #tpu.memory_space<vmem>>, %arg1: memref<10240x1xi32, #tpu.memory_space<vmem>>, %arg2: memref<10240x1xf32, #tpu.memory_space<vmem>>) attributes {dimension_semantics = [], scalar_prefetch = 0 : i64, scratch_operands = 0 : i64, tpu.core_type = #tpu.core_type<tc>} {
    %get3A = arith.constant 0 : index
    %get3A_0 = arith.constant 0 : index
    %get3A_1 = vector.load %arg0[%get3A, %get3A_0] : memref<10240x1xf32, #tpu.memory_space<vmem>>, vector<10240x1xf32>
    %get3A_2 = arith.constant 0 : index
    %get3A_3 = arith.constant 0 : index
    %get3A_4 = vector.load %arg1[%get3A_2, %get3A_3] : memref<10240x1xi32, #tpu.memory_space<vmem>>, vector<10240x1xi32>
    %iota3A = tpu.iota {dimensions = array<i32: 1>} : vector<1x64xi32>
    %eq3A = vector.broadcast %get3A_4 : vector<10240x1xi32> to vector<10240x64xi32>
    %eq3A_5 = vector.broadcast %iota3A : vector<1x64xi32> to vector<10240x64xi32>
    %eq3A_6 = arith.cmpi eq, %eq3A, %eq3A_5 : vector<10240x64xi32>
    %convert_element_type3A = arith.extui %eq3A_6 : vector<10240x64xi1> to vector<10240x64xi32>
    %convert_element_type3A_7 = arith.sitofp %convert_element_type3A : vector<10240x64xi32> to vector<10240x64xf32>
    %reduce_sum3A = arith.constant dense<0.000000e+00> : vector<64xf32>
    %reduce_sum3A_8 = vector.multi_reduction <add>, %convert_element_type3A_7, %reduce_sum3A [0] : vector<10240x64xf32> to vector<64xf32>
    %broadcast_in_dim3A = vector.shape_cast %reduce_sum3A_8 : vector<64xf32> to vector<1x64xf32>
    %mul3A = arith.constant 5.000000e-01 : f32
    %mul3A_9 = vector.broadcast %mul3A : f32 to vector<1x64xf32>
    %mul3A_10 = arith.mulf %mul3A_9, %broadcast_in_dim3A : vector<1x64xf32>
    %ceil3A = math.ceil %mul3A_10 : vector<1x64xf32>
    %bitcast_convert_type3A = tpu.bitcast %get3A_1 : vector<10240x1xf32> -> vector<10240x1xi32>
    %ge3A = arith.constant 0 : i32
    %ge3A_11 = vector.broadcast %ge3A : i32 to vector<10240x1xi32>
    %ge3A_12 = arith.cmpi sge, %bitcast_convert_type3A, %ge3A_11 : vector<10240x1xi32>
    %xor3A = arith.constant 2147483647 : i32
    %xor3A_13 = vector.broadcast %xor3A : i32 to vector<10240x1xi32>
    %xor3A_14 = arith.xori %bitcast_convert_type3A, %xor3A_13 : vector<10240x1xi32>
    %select_n3A = arith.select %ge3A_12, %bitcast_convert_type3A, %xor3A_14 : vector<10240x1xi1>, vector<10240x1xi32>
    %broadcast_in_dim3A_15 = arith.constant -2147483648 : i32
    %broadcast_in_dim3A_16 = vector.broadcast %broadcast_in_dim3A_15 : i32 to vector<1x64xi32>
    %broadcast_in_dim3A_17 = arith.constant 2147483647 : i32
    %broadcast_in_dim3A_18 = vector.broadcast %broadcast_in_dim3A_17 : i32 to vector<1x64xi32>
    %scan3A = arith.constant 0 : i32
    %scan3A_19 = arith.constant 32 : i32
    %scan3A_20 = arith.addi %scan3A, %scan3A_19 : i32
    %scan3A_21 = arith.constant 1 : i32
    %scan3A_22:2 = scf.for %scan3A_62 = %scan3A to %scan3A_20 step %scan3A_21 iter_args(%scan3A_63 = %broadcast_in_dim3A_16, %scan3A_64 = %broadcast_in_dim3A_18) -> (vector<1x64xi32>, vector<1x64xi32>)  : i32 {
      %shift_right_arithmetic3A = arith.constant 1 : i32
      %shift_right_arithmetic3A_65 = vector.broadcast %shift_right_arithmetic3A : i32 to vector<1x64xi32>
      %shift_right_arithmetic3A_66 = arith.shrsi %scan3A_63, %shift_right_arithmetic3A_65 : vector<1x64xi32>
      %shift_right_arithmetic3A_67 = arith.constant 1 : i32
      %shift_right_arithmetic3A_68 = vector.broadcast %shift_right_arithmetic3A_67 : i32 to vector<1x64xi32>
      %shift_right_arithmetic3A_69 = arith.shrsi %scan3A_64, %shift_right_arithmetic3A_68 : vector<1x64xi32>
      %add3A = arith.addi %shift_right_arithmetic3A_66, %shift_right_arithmetic3A_69 : vector<1x64xi32>
      %and3A_70 = arith.andi %scan3A_63, %scan3A_64 : vector<1x64xi32>
      %and3A_71 = arith.constant 1 : i32
      %and3A_72 = vector.broadcast %and3A_71 : i32 to vector<1x64xi32>
      %and3A_73 = arith.andi %and3A_70, %and3A_72 : vector<1x64xi32>
      %add3A_74 = arith.addi %add3A, %and3A_73 : vector<1x64xi32>
      %gt3A_75 = vector.broadcast %select_n3A : vector<10240x1xi32> to vector<10240x64xi32>
      %gt3A_76 = vector.broadcast %add3A_74 : vector<1x64xi32> to vector<10240x64xi32>
      %gt3A_77 = arith.cmpi sgt, %gt3A_75, %gt3A_76 : vector<10240x64xi32>
      %and3A_78 = arith.andi %eq3A_6, %gt3A_77 : vector<10240x64xi1>
      %convert_element_type3A_79 = arith.extui %and3A_78 : vector<10240x64xi1> to vector<10240x64xi32>
      %convert_element_type3A_80 = arith.sitofp %convert_element_type3A_79 : vector<10240x64xi32> to vector<10240x64xf32>
      %reduce_sum3A_81 = arith.constant dense<0.000000e+00> : vector<64xf32>
      %reduce_sum3A_82 = vector.multi_reduction <add>, %convert_element_type3A_80, %reduce_sum3A_81 [0] : vector<10240x64xf32> to vector<64xf32>
      %broadcast_in_dim3A_83 = vector.shape_cast %reduce_sum3A_82 : vector<64xf32> to vector<1x64xf32>
      %lt3A_84 = arith.cmpf olt, %broadcast_in_dim3A_83, %ceil3A : vector<1x64xf32>
      %add3A_85 = arith.constant 1 : i32
      %add3A_86 = vector.broadcast %add3A_85 : i32 to vector<1x64xi32>
      %add3A_87 = arith.addi %add3A_74, %add3A_86 : vector<1x64xi32>
      %select_n3A_88 = arith.select %lt3A_84, %scan3A_63, %add3A_87 : vector<1x64xi1>, vector<1x64xi32>
      %select_n3A_89 = arith.select %lt3A_84, %add3A_74, %scan3A_64 : vector<1x64xi1>, vector<1x64xi32>
      scf.yield %select_n3A_88, %select_n3A_89 : vector<1x64xi32>, vector<1x64xi32>
    }
    %gt3A = vector.broadcast %select_n3A : vector<10240x1xi32> to vector<10240x64xi32>
    %gt3A_23 = vector.broadcast %scan3A_22#0 : vector<1x64xi32> to vector<10240x64xi32>
    %gt3A_24 = arith.cmpi sgt, %gt3A, %gt3A_23 : vector<10240x64xi32>
    %and3A = arith.andi %eq3A_6, %gt3A_24 : vector<10240x64xi1>
    %eq3A_25 = vector.broadcast %select_n3A : vector<10240x1xi32> to vector<10240x64xi32>
    %eq3A_26 = vector.broadcast %scan3A_22#0 : vector<1x64xi32> to vector<10240x64xi32>
    %eq3A_27 = arith.cmpi eq, %eq3A_25, %eq3A_26 : vector<10240x64xi32>
    %and3A_28 = arith.andi %eq3A_6, %eq3A_27 : vector<10240x64xi1>
    %convert_element_type3A_29 = arith.extui %and3A : vector<10240x64xi1> to vector<10240x64xi32>
    %convert_element_type3A_30 = arith.sitofp %convert_element_type3A_29 : vector<10240x64xi32> to vector<10240x64xf32>
    %reduce_sum3A_31 = arith.constant dense<0.000000e+00> : vector<64xf32>
    %reduce_sum3A_32 = vector.multi_reduction <add>, %convert_element_type3A_30, %reduce_sum3A_31 [0] : vector<10240x64xf32> to vector<64xf32>
    %broadcast_in_dim3A_33 = vector.shape_cast %reduce_sum3A_32 : vector<64xf32> to vector<1x64xf32>
    %sub3A = arith.subf %ceil3A, %broadcast_in_dim3A_33 : vector<1x64xf32>
    %iota3A_34 = tpu.iota {dimensions = array<i32: 0>} : vector<10240x1xi32>
    %broadcast_in_dim3A_35 = arith.constant 0 : i32
    %broadcast_in_dim3A_36 = vector.broadcast %broadcast_in_dim3A_35 : i32 to vector<1x64xi32>
    %broadcast_in_dim3A_37 = arith.constant 16384 : i32
    %broadcast_in_dim3A_38 = vector.broadcast %broadcast_in_dim3A_37 : i32 to vector<1x64xi32>
    %scan3A_39 = arith.constant 0 : i32
    %scan3A_40 = arith.constant 15 : i32
    %scan3A_41 = arith.addi %scan3A_39, %scan3A_40 : i32
    %scan3A_42 = arith.constant 1 : i32
    %scan3A_43:2 = scf.for %scan3A_62 = %scan3A_39 to %scan3A_41 step %scan3A_42 iter_args(%scan3A_63 = %broadcast_in_dim3A_36, %scan3A_64 = %broadcast_in_dim3A_38) -> (vector<1x64xi32>, vector<1x64xi32>)  : i32 {
      %add3A = arith.addi %scan3A_63, %scan3A_64 : vector<1x64xi32>
      %shift_right_arithmetic3A = arith.constant 1 : i32
      %shift_right_arithmetic3A_65 = vector.broadcast %shift_right_arithmetic3A : i32 to vector<1x64xi32>
      %shift_right_arithmetic3A_66 = arith.shrsi %add3A, %shift_right_arithmetic3A_65 : vector<1x64xi32>
      %lt3A_67 = vector.broadcast %iota3A_34 : vector<10240x1xi32> to vector<10240x64xi32>
      %lt3A_68 = vector.broadcast %shift_right_arithmetic3A_66 : vector<1x64xi32> to vector<10240x64xi32>
      %lt3A_69 = arith.cmpi slt, %lt3A_67, %lt3A_68 : vector<10240x64xi32>
      %and3A_70 = arith.andi %and3A_28, %lt3A_69 : vector<10240x64xi1>
      %convert_element_type3A_71 = arith.extui %and3A_70 : vector<10240x64xi1> to vector<10240x64xi32>
      %convert_element_type3A_72 = arith.sitofp %convert_element_type3A_71 : vector<10240x64xi32> to vector<10240x64xf32>
      %reduce_sum3A_73 = arith.constant dense<0.000000e+00> : vector<64xf32>
      %reduce_sum3A_74 = vector.multi_reduction <add>, %convert_element_type3A_72, %reduce_sum3A_73 [0] : vector<10240x64xf32> to vector<64xf32>
      %broadcast_in_dim3A_75 = vector.shape_cast %reduce_sum3A_74 : vector<64xf32> to vector<1x64xf32>
      %ge3A_76 = arith.cmpf oge, %broadcast_in_dim3A_75, %sub3A : vector<1x64xf32>
      %add3A_77 = arith.constant 1 : i32
      %add3A_78 = vector.broadcast %add3A_77 : i32 to vector<1x64xi32>
      %add3A_79 = arith.addi %shift_right_arithmetic3A_66, %add3A_78 : vector<1x64xi32>
      %select_n3A_80 = arith.select %ge3A_76, %scan3A_63, %add3A_79 : vector<1x64xi1>, vector<1x64xi32>
      %select_n3A_81 = arith.select %ge3A_76, %shift_right_arithmetic3A_66, %scan3A_64 : vector<1x64xi1>, vector<1x64xi32>
      scf.yield %select_n3A_80, %select_n3A_81 : vector<1x64xi32>, vector<1x64xi32>
    }
    %lt3A = vector.broadcast %iota3A_34 : vector<10240x1xi32> to vector<10240x64xi32>
    %lt3A_44 = vector.broadcast %scan3A_43#0 : vector<1x64xi32> to vector<10240x64xi32>
    %lt3A_45 = arith.cmpi slt, %lt3A, %lt3A_44 : vector<10240x64xi32>
    %and3A_46 = arith.andi %and3A_28, %lt3A_45 : vector<10240x64xi1>
    %or3A = arith.ori %and3A, %and3A_46 : vector<10240x64xi1>
    %reduce_or3A = arith.constant 1.000000e+00 : f32
    %reduce_or3A_47 = arith.constant 0.000000e+00 : f32
    %reduce_or3A_48 = vector.broadcast %reduce_or3A : f32 to vector<10240x64xf32>
    %reduce_or3A_49 = vector.broadcast %reduce_or3A_47 : f32 to vector<10240x64xf32>
    %reduce_or3A_50 = arith.select %or3A, %reduce_or3A_48, %reduce_or3A_49 : vector<10240x64xi1>, vector<10240x64xf32>
    %reduce_or3A_51 = arith.constant dense<0xFF800000> : vector<10240xf32>
    %reduce_or3A_52 = vector.multi_reduction <maximumf>, %reduce_or3A_50, %reduce_or3A_51 [1] : vector<10240x64xf32> to vector<10240xf32>
    %reduce_or3A_53 = arith.constant 0.000000e+00 : f32
    %reduce_or3A_54 = vector.broadcast %reduce_or3A_53 : f32 to vector<10240xf32>
    %reduce_or3A_55 = arith.cmpf ogt, %reduce_or3A_52, %reduce_or3A_54 : vector<10240xf32>
    %broadcast_in_dim3A_56 = vector.shape_cast %reduce_or3A_55 : vector<10240xi1> to vector<10240x1xi1>
    %convert_element_type3A_57 = arith.extui %broadcast_in_dim3A_56 : vector<10240x1xi1> to vector<10240x1xi32>
    %convert_element_type3A_58 = arith.sitofp %convert_element_type3A_57 : vector<10240x1xi32> to vector<10240x1xf32>
    %mul3A_59 = arith.mulf %get3A_1, %convert_element_type3A_58 : vector<10240x1xf32>
    %swap3A = arith.constant 0 : index
    %swap3A_60 = arith.constant 0 : index
    %swap3A_61 = vector.load %arg2[%swap3A, %swap3A_60] : memref<10240x1xf32, #tpu.memory_space<vmem>>, vector<10240x1xf32>
    tpu.vector_store %arg2[%swap3A, %swap3A_60], %mul3A_59 {strides = array<i32>} : memref<10240x1xf32, #tpu.memory_space<vmem>>, vector<10240x1xf32>,
    return
  }
}

module attributes {stable_mosaic.version = 14 : i64} {
  func.func @_pool_kernel(%arg0: i32, %arg1: memref<1024x512xf32, #tpu.memory_space<vmem>>, %arg2: memref<1024x1xf32, #tpu.memory_space<vmem>>, %arg3: memref<1024x1xi32, #tpu.memory_space<vmem>>, %arg4: memref<512x512xf32, #tpu.memory_space<vmem>>, %arg5: memref<512xf32, #tpu.memory_space<vmem>>, %arg6: memref<512x256xf32, #tpu.memory_space<vmem>>, %arg7: memref<256xf32, #tpu.memory_space<vmem>>, %arg8: memref<64x256xf32, #tpu.memory_space<vmem>>, %arg9: memref<64x512xf32, #tpu.memory_space<vmem>>) attributes {dimension_semantics = [#tpu.dimension_semantics<arbitrary>], iteration_bounds = array<i64: 10>, scalar_prefetch = 0 : i64, scratch_operands = 1 : i64, tpu.core_type = #tpu.core_type<tc>, window_params = [{transform_indices = @transform_0, window_bounds = array<i64: 1024, 512>}, {transform_indices = @transform_1, window_bounds = array<i64: 1024, 1>}, {transform_indices = @transform_2, window_bounds = array<i64: 1024, 1>}, {pipeline_mode = #tpu.pipeline_mode<synchronous>, transform_indices = @transform_3, window_bounds = array<i64: 512, 512>}, {pipeline_mode = #tpu.pipeline_mode<synchronous>, transform_indices = @transform_4, window_bounds = array<i64: 512>}, {pipeline_mode = #tpu.pipeline_mode<synchronous>, transform_indices = @transform_5, window_bounds = array<i64: 512, 256>}, {pipeline_mode = #tpu.pipeline_mode<synchronous>, transform_indices = @transform_6, window_bounds = array<i64: 256>}, {pipeline_mode = #tpu.pipeline_mode<synchronous>, transform_indices = @transform_7, window_bounds = array<i64: 64, 256>}]} {
    %eq3A = arith.constant 0 : i32
    %eq3A_0 = arith.cmpi eq, %arg0, %eq3A : i32
    %convert_element_type3A = arith.extui %eq3A_0 : i1 to i32
    %cond3A = arith.constant 0 : i32
    %cond3A_1 = arith.cmpi ne, %convert_element_type3A, %cond3A : i32
    scf.if %cond3A_1 {
      %broadcast_in_dim3A = arith.constant 0.000000e+00 : f32
      %broadcast_in_dim3A_27 = vector.broadcast %broadcast_in_dim3A : f32 to vector<64x512xf32>
      %swap3A_28 = arith.constant 0 : index
      %swap3A_29 = arith.constant 0 : index
      %swap3A_30 = vector.load %arg9[%swap3A_28, %swap3A_29] : memref<64x512xf32, #tpu.memory_space<vmem>>, vector<64x512xf32>
      tpu.vector_store %arg9[%swap3A_28, %swap3A_29], %broadcast_in_dim3A_27 {strides = array<i32>} : memref<64x512xf32, #tpu.memory_space<vmem>>, vector<64x512xf32>,
    } else {
    }
    %iota3A = tpu.iota {dimensions = array<i32: 1>} : vector<1x64xi32>
    %get3A = arith.constant 0 : index
    %get3A_2 = arith.constant 0 : index
    %get3A_3 = vector.load %arg3[%get3A, %get3A_2] : memref<1024x1xi32, #tpu.memory_space<vmem>>, vector<1024x1xi32>
    %eq3A_4 = vector.broadcast %get3A_3 : vector<1024x1xi32> to vector<1024x64xi32>
    %eq3A_5 = vector.broadcast %iota3A : vector<1x64xi32> to vector<1024x64xi32>
    %eq3A_6 = arith.cmpi eq, %eq3A_4, %eq3A_5 : vector<1024x64xi32>
    %convert_element_type3A_7 = arith.extui %eq3A_6 : vector<1024x64xi1> to vector<1024x64xi32>
    %convert_element_type3A_8 = arith.sitofp %convert_element_type3A_7 : vector<1024x64xi32> to vector<1024x64xf32>
    %get3A_9 = arith.constant 0 : index
    %get3A_10 = arith.constant 0 : index
    %get3A_11 = vector.load %arg1[%get3A_9, %get3A_10] : memref<1024x512xf32, #tpu.memory_space<vmem>>, vector<1024x512xf32>
    %get3A_12 = arith.constant 0 : index
    %get3A_13 = arith.constant 0 : index
    %get3A_14 = vector.load %arg2[%get3A_12, %get3A_13] : memref<1024x1xf32, #tpu.memory_space<vmem>>, vector<1024x1xf32>
    %mul3A = vector.broadcast %get3A_14 : vector<1024x1xf32> to vector<1024x512xf32>
    %mul3A_15 = arith.mulf %get3A_11, %mul3A : vector<1024x512xf32>
    %get3A_16 = arith.constant 0 : index
    %get3A_17 = arith.constant 0 : index
    %get3A_18 = vector.load %arg9[%get3A_16, %get3A_17] : memref<64x512xf32, #tpu.memory_space<vmem>>, vector<64x512xf32>
    %dot_general3A = arith.constant dense<0.000000e+00> : vector<64x512xf32>
    %dot_general3A_19 = tpu.matmul %convert_element_type3A_8, %mul3A_15, %dot_general3A {dimension_numbers = #tpu.dot_dimension_numbers<[0], [0], [1], [1], [0, 1, 1, 1], [], []>, precision = #tpu.contract_precision<fp32>, transpose_lhs_hint = false} : vector<1024x64xf32>, vector<1024x512xf32>, vector<64x512xf32> -> vector<64x512xf32>
    %add3A = arith.addf %get3A_18, %dot_general3A_19 : vector<64x512xf32>
    %swap3A = arith.constant 0 : index
    %swap3A_20 = arith.constant 0 : index
    %swap3A_21 = vector.load %arg9[%swap3A, %swap3A_20] : memref<64x512xf32, #tpu.memory_space<vmem>>, vector<64x512xf32>
    tpu.vector_store %arg9[%swap3A, %swap3A_20], %add3A {strides = array<i32>} : memref<64x512xf32, #tpu.memory_space<vmem>>, vector<64x512xf32>,
    %eq3A_22 = arith.constant 9 : i32
    %eq3A_23 = arith.cmpi eq, %arg0, %eq3A_22 : i32
    %convert_element_type3A_24 = arith.extui %eq3A_23 : i1 to i32
    %cond3A_25 = arith.constant 0 : i32
    %cond3A_26 = arith.cmpi ne, %convert_element_type3A_24, %cond3A_25 : i32
    scf.if %cond3A_26 {
      %get3A_27 = arith.constant 0 : index
      %get3A_28 = arith.constant 0 : index
      %get3A_29 = vector.load %arg9[%get3A_27, %get3A_28] : memref<64x512xf32, #tpu.memory_space<vmem>>, vector<64x512xf32>
      %get3A_30 = arith.constant 0 : index
      %get3A_31 = arith.constant 0 : index
      %get3A_32 = vector.load %arg4[%get3A_30, %get3A_31] : memref<512x512xf32, #tpu.memory_space<vmem>>, vector<512x512xf32>
      %dot_general3A_33 = arith.constant dense<0.000000e+00> : vector<64x512xf32>
      %dot_general3A_34 = tpu.matmul %get3A_29, %get3A_32, %dot_general3A_33 {dimension_numbers = #tpu.dot_dimension_numbers<[1], [0], [0], [1], [0, 0, 1, 1], [], []>, transpose_lhs_hint = false} : vector<64x512xf32>, vector<512x512xf32>, vector<64x512xf32> -> vector<64x512xf32>
      %get3A_35 = arith.constant 0 : index
      %get3A_36 = vector.load %arg5[%get3A_35] : memref<512xf32, #tpu.memory_space<vmem>>, vector<512xf32>
      %broadcast_in_dim3A = vector.shape_cast %get3A_36 : vector<512xf32> to vector<1x512xf32>
      %add3A_37 = vector.broadcast %broadcast_in_dim3A : vector<1x512xf32> to vector<64x512xf32>
      %add3A_38 = arith.addf %dot_general3A_34, %add3A_37 : vector<64x512xf32>
      %max3A = arith.constant 0.000000e+00 : f32
      %max3A_39 = vector.broadcast %max3A : f32 to vector<64x512xf32>
      %max3A_40 = arith.maximumf %add3A_38, %max3A_39 : vector<64x512xf32>
      %get3A_41 = arith.constant 0 : index
      %get3A_42 = arith.constant 0 : index
      %get3A_43 = vector.load %arg6[%get3A_41, %get3A_42] : memref<512x256xf32, #tpu.memory_space<vmem>>, vector<512x256xf32>
      %dot_general3A_44 = arith.constant dense<0.000000e+00> : vector<64x256xf32>
      %dot_general3A_45 = tpu.matmul %max3A_40, %get3A_43, %dot_general3A_44 {dimension_numbers = #tpu.dot_dimension_numbers<[1], [0], [0], [1], [0, 0, 1, 1], [], []>, transpose_lhs_hint = false} : vector<64x512xf32>, vector<512x256xf32>, vector<64x256xf32> -> vector<64x256xf32>
      %get3A_46 = arith.constant 0 : index
      %get3A_47 = vector.load %arg7[%get3A_46] : memref<256xf32, #tpu.memory_space<vmem>>, vector<256xf32>
      %broadcast_in_dim3A_48 = vector.shape_cast %get3A_47 : vector<256xf32> to vector<1x256xf32>
      %add3A_49 = vector.broadcast %broadcast_in_dim3A_48 : vector<1x256xf32> to vector<64x256xf32>
      %add3A_50 = arith.addf %dot_general3A_45, %add3A_49 : vector<64x256xf32>
      %swap3A_51 = arith.constant 0 : index
      %swap3A_52 = arith.constant 0 : index
      %swap3A_53 = vector.load %arg8[%swap3A_51, %swap3A_52] : memref<64x256xf32, #tpu.memory_space<vmem>>, vector<64x256xf32>
      tpu.vector_store %arg8[%swap3A_51, %swap3A_52], %add3A_50 {strides = array<i32>} : memref<64x256xf32, #tpu.memory_space<vmem>>, vector<64x256xf32>,
    } else {
    }
    return
  }
  func.func @transform_0(%arg0: i32) -> (i32, i32) {
    %c0_i32 = arith.constant 0 : i32
    %c0_i32_0 = arith.constant 0 : i32
    return %arg0, %c0_i32 : i32, i32
  }
  func.func @transform_1(%arg0: i32) -> (i32, i32) {
    %c0_i32 = arith.constant 0 : i32
    %c0_i32_0 = arith.constant 0 : i32
    return %arg0, %c0_i32 : i32, i32
  }
  func.func @transform_2(%arg0: i32) -> (i32, i32) {
    %c0_i32 = arith.constant 0 : i32
    %c0_i32_0 = arith.constant 0 : i32
    return %arg0, %c0_i32 : i32, i32
  }
  func.func @transform_3(%arg0: i32) -> (i32, i32) {
    %c0_i32 = arith.constant 0 : i32
    %c0_i32_0 = arith.constant 0 : i32
    %c0_i32_1 = arith.constant 0 : i32
    return %c0_i32, %c0_i32_0 : i32, i32
  }
  func.func @transform_4(%arg0: i32) -> i32 {
    %c0_i32 = arith.constant 0 : i32
    %c0_i32_0 = arith.constant 0 : i32
    return %c0_i32 : i32
  }
  func.func @transform_5(%arg0: i32) -> (i32, i32) {
    %c0_i32 = arith.constant 0 : i32
    %c0_i32_0 = arith.constant 0 : i32
    %c0_i32_1 = arith.constant 0 : i32
    return %c0_i32, %c0_i32_0 : i32, i32
  }
  func.func @transform_6(%arg0: i32) -> i32 {
    %c0_i32 = arith.constant 0 : i32
    %c0_i32_0 = arith.constant 0 : i32
    return %c0_i32 : i32
  }
  func.func @transform_7(%arg0: i32) -> (i32, i32) {
    %c0_i32 = arith.constant 0 : i32
    %c0_i32_0 = arith.constant 0 : i32
    %c0_i32_1 = arith.constant 0 : i32
    return %c0_i32, %c0_i32_0 : i32, i32
  }
}

</mosaic_0001>

<sc_bundles>
// kernel: scatter_offload_async_start.1
scs
__scs_entry_jumppad:
0x0: {  	(pc) =	sbr.rel $0x88, $3  }
0x1: {  	(tag) =	ssettag $0x0;
	lr =	simm.s32 $0x1  }
0x2: {  	[smem:$0x3F8D] =	sst lr;
	_ =	strace $0xD0000000  }
0x3: {  	_ = 	snop  }
0x4: {  	_ = 	snop  }
0x5: {  	_ = 	snop  }
0x6: {  	_ = 	snop  }
0x7: {  	_ = 	snop  }
__scs_overlays_trampoline_lowered:
0x8: {  	[smem:$0x3F9C] =	sst s0  }
0x9: {  	[smem:$0x3F9D] =	sst s1  }
0xa: {  	[smem:$0x3F9E] =	sst s2  }
0xb: {  	[smem:$0x3F9F] =	sst s3  }
0xc: {  	[smem:$0x3FA0] =	sst s4  }
0xd: {  	[smem:$0x3FA1] =	sst s5  }
0xe: {  	[smem:$0x3FA2] =	sst s6  }
0xf: {  	[smem:$0x3FA3] =	sst s7  }
0x10: {  	[smem:$0x3FA4] =	sst s8  }
0x11: {  	[smem:$0x3FA5] =	sst s9;
	s0 =	simm.s32 @!p0 $0x0  }
0x12: {  	s1 =	sld [smem:$0x3F8B];
	s0 =	simm.s32 @p0 $0x1  }
0x13: {  	[smem:$0x3FA6] =	sst s0;
	s0 =	simm.s32 @!p1 $0x0  }
0x14: {  	s2 =	sld [smem:$0x3F8A];
	s0 =	simm.s32 @p1 $0x1  }
0x15: {  	[smem:$0x3FA7] =	sst s0;
	s0 =	simm.s32 @!p2 $0x0  }
0x16: {  	s3 =	sld [smem:$0x3FDB];
	s0 =	simm.s32 @p2 $0x1  }
0x17: {  	s4 =	simm.s32 $0x1BF5;
	[smem:$0x3FA9] =	sst s0  }
0x18: {  	s0 =	sld [smem:$0x3F8C];
	_ =	swait.ge [sflag:s4], $0x0  }
0x19: {  	s7 =	sld [smem:$0x3F8D]  }
0x1a: {  	s8 =	sadd.s32 $0xFFFFE003, lr  }
0x1b: {  	s9 =	sadd.s32 $0xFFFFFEF7, lr;
	s5 =	simm.s32 $0xFFFFFFFF;
	p2 =	slt.u32 s8, $0xFFFFF086  }
0x1c: {  	p1 =	slt.u32 s9, $0xF7A;
	s5 =	simm.s32 @!p2 $0x0  }
0x1d: {  	s5 =	simm.s32 @p1 $0x1;
	p0 =	seq.s32 s7, s2  }
0x1e: {  	s7 =	smul.u32 @!p0 $0xF7A, s2;
	p2 =	seq.s32 @!p0 s5, $0x0  }
0x1f: {  	s9 =	smul.u32 $0xF7A, s1;
	s8 =	simm.s32 @!p0 $0x1BF5;
	p2 =	por !p2, p0  }
0x20: {  	[sflag:s8] =	ssyncset.s32 @!p0 $0xFFFFF086;
	s6 =	sadd.s32 @!p0 s3, s7;
	s7 =	simm.s32 @!p0 $0x108  }
0x21: {  	s3 =	sadd.s32 s3, s9;
	s6 =	sadd.s32 @!p0 $0x88, s6;
	s7 =	simm.s32 @p2 $0x1082  }
0x22: {  	[simem:s7], [sflag:s8] =	dma.local @!p0 [hbm:s6], $0xF7A  }
0x23: {  	s9 =	sor.u32 $0xD0000000, s2;
	s6 =	simm.s32 $0x108;
	_ =	swait.ge @!p0 [sflag:s8], $0x0  }
0x24: {  	s3 =	sadd.s32 $0x88, s3;
	s6 =	simm.s32 @!p1 $0x1082;
	[sflag:s4] =	ssyncset.s32 $0xFFFFF086  }
0x25: {  	[simem:s6], [sflag:s4] =	dma.local [hbm:s3], $0xF7A  }
0x26: {  	[smem:$0x3F8D] =	sst s1;
	(tag) =	ssettag s2;
	_ =	strace s9  }
0x27: {  	s1 =	sld [smem:$0x3F9D]  }
0x28: {  	s2 =	sld [smem:$0x3F9E]  }
0x29: {  	s4 =	sld [smem:$0x3FA0]  }
0x2a: {  	p0 =	seq.s32 s5, $0x0;
	s5 =	sld [smem:$0x3FA1]  }
0x2b: {  	s6 =	sld [smem:$0x3FA2]  }
0x2c: {  	s7 =	sld [smem:$0x3FA3]  }
0x2d: {  	s3 =	simm.s32 $0x108;
	s8 =	sld [smem:$0x3FA4]  }
0x2e: {  	s3 =	simm.s32 @!p0 $0x1082;
	s9 =	sld [smem:$0x3FA5]  }
0x2f: {  	lr =	sadd.s32 s0, s3;
	s0 =	sld [smem:$0x3F9C]  }
0x30: {  	s3 =	sld [smem:$0x3F9F]  }
0x31: {  	[smem:$0x3FA8] =	sst s10  }
0x32: {  	s10 =	sld [smem:$0x3FA6];
	_ =	sdelay $0x3  }
0x33: {  	p0 =	seq.s32 s10, $0x1;
	s10 =	sld [smem:$0x3FA8];
	_ =	sdelay $0x3  }
0x34: {  	[smem:$0x3FA8] =	sst s10  }
0x35: {  	s10 =	sld [smem:$0x3FA7];
	_ =	sdelay $0x3  }
0x36: {  	p1 =	seq.s32 s10, $0x1;
	s10 =	sld [smem:$0x3FA8];
	_ =	sdelay $0x3  }
0x37: {  	[smem:$0x3FA8] =	sst s10  }
0x38: {  	s10 =	sld [smem:$0x3FA9]  }
0x39: {  	_ = 	snop;
	(pc) =	sbr.ind lr, $3  }
0x3a: {  	_ = 	snop  }
0x3b: {  	_ = 	snop  }
0x3c: {  	p2 =	seq.s32 s10, $0x1;
	s10 =	sld [smem:$0x3FA8]  }
0x3d: {  	_ =	shalt  }
0x3e: {  	_ =	shalt  }
0x3f: {  	_ =	shalt  }
0x40: {  	_ =	shalt  }
0x41: {  	_ =	shalt  }
0x42: {  	_ =	shalt  }
0x43: {  	_ =	shalt  }
0x44: {  	_ =	shalt  }
0x45: {  	_ =	shalt  }
0x46: {  	_ =	shalt  }
0x47: {  	_ =	shalt  }
0x48: {  	_ =	shalt  }
0x49: {  	_ =	shalt  }
0x4a: {  	_ =	shalt  }
0x4b: {  	_ =	shalt  }
0x4c: {  	_ =	shalt  }
0x4d: {  	_ =	shalt  }
0x4e: {  	_ =	shalt  }
0x4f: {  	_ =	shalt  }
0x50: {  	_ =	shalt  }
0x51: {  	_ =	shalt  }
0x52: {  	_ =	shalt  }
0x53: {  	_ =	shalt  }
0x54: {  	_ =	shalt  }
0x55: {  	_ =	shalt  }
0x56: {  	_ =	shalt  }
0x57: {  	_ =	shalt  }
0x58: {  	_ =	shalt  }
0x59: {  	_ =	shalt  }
0x5a: {  	_ =	shalt  }
0x5b: {  	_ =	shalt  }
0x5c: {  	_ =	shalt  }
0x5d: {  	_ =	shalt  }
0x5e: {  	_ =	shalt  }
0x5f: {  	_ =	shalt  }
0x60: {  	_ =	shalt  }
0x61: {  	_ =	shalt  }
0x62: {  	_ =	shalt  }
0x63: {  	_ =	shalt  }
0x64: {  	_ =	shalt  }
0x65: {  	_ =	shalt  }
0x66: {  	_ =	shalt  }
0x67: {  	_ =	shalt  }
0x68: {  	_ =	shalt  }
0x69: {  	_ =	shalt  }
0x6a: {  	_ =	shalt  }
0x6b: {  	_ =	shalt  }
0x6c: {  	_ =	shalt  }
0x6d: {  	_ =	shalt  }
0x6e: {  	_ =	shalt  }
0x6f: {  	_ =	shalt  }
0x70: {  	_ =	shalt  }
0x71: {  	_ =	shalt  }
0x72: {  	_ =	shalt  }
0x73: {  	_ =	shalt  }
0x74: {  	_ =	shalt  }
0x75: {  	_ =	shalt  }
0x76: {  	_ =	shalt  }
0x77: {  	_ =	shalt  }
0x78: {  	_ =	shalt  }
0x79: {  	_ =	shalt  }
0x7a: {  	_ =	shalt  }
0x7b: {  	_ =	shalt  }
0x7c: {  	_ =	shalt  }
0x7d: {  	_ =	shalt  }
0x7e: {  	_ =	shalt  }
0x7f: {  	_ =	shalt  }
0x80: {  	_ =	shalt  }
0x81: {  	_ =	shalt  }
0x82: {  	_ =	shalt  }
0x83: {  	_ =	shalt  }
0x84: {  	_ =	shalt  }
0x85: {  	_ =	shalt  }
0x86: {  	_ =	shalt  }
0x87: {  	_ =	shalt  }
.Lfunc_end0:
.L_simem_size_0:
called_computation.1_lowered:
.L_overlay_start_0:
0x88: {  	s0 =	sld [smem:$0x3FD9]  }
0x89: {  	s1 =	sld [smem:$0x3FFE];
	_ =	sdelay $0x3  }
0x8a: {  	s0 =	sadd.s32 s1, s0  }
0x8b: {  	[smem:$0x3FB4] =	sst s0  }
0x8c: {  	_ = 	snop  }
0x8d: {  	(tm) =	ssettm $0x1  }
0x8e: {  	s14 =	sld [smem:$0x3FFB];
	_ =	sdelay $0x3  }
0x8f: {  	_ =	strace s14  }
0x90: {  	s0 =	sld [smem:$0x3FFC];
	_ =	sdelay $0x3  }
0x91: {  	_ =	strace s0  }
0x92: {  	s0 =	sld [smem:$0x3FFD];
	_ =	sdelay $0x3  }
0x93: {  	_ =	strace s0  }
0x94: {  	_ =	strace $0x8FFFFFFF  }
0x95: {  	s15 =	sld [smem:$0x3FDB];
	_ =	sdelay $0x1  }
0x96: {  	s16 =	simm.s32 $_scs_section_size  }
0x97: {  	s2 =	simm.s32 $_size__tile_overlayer_lowered;
	s3 =	simm.s32 $_tile_overlayer_lowered  }
0x98: {  	s4 =	simm.s32 $0x1BFF;
	s17 =	sshll.u32 s3, $0x1;
	s1 =	sadd.s32 s16, s15  }
0x99: {  	s18 =	simm.s32 $0x0;
	s2 =	sshll.u32 s2, $0x1;
	s3 =	sadd.s32 s17, s1  }
0x9a: {  	[timem:s18], [sflag:s4] =	dma.local [hbm:s3], s2  }
0x9b: {  	_ =	swait.ge [sflag:s4], s2  }
0x9c: {  	s2 =	ssub.s32 $0x0, s2;
	[sflag:s4] =	ssyncset.done $0x0  }
0x9d: {  	[sflag:s4] =	ssyncadd.s32 s2;
	_ =	sdelay $0x1  }
0x9e: {  	s19 =	simm.s32 $0x1B8B  }
0x9f: {  	_ =	swait.ge [sflag:s19], $0x1  }
0xa0: {  	[sflag:s19] =	ssyncset.done $0x0  }
0xa1: {  	s21 =	simm.s32 $0x1B8E;
	s20 =	sld [smem:$0x3FFE];
	[sflag:s19] =	ssyncadd.s32 $0xFFFFFFFF  }
0xa2: {  	s22 =	simm.s32 $execute0_lowered;
	[smem:$0x3FD2] =	sst s21  }
0xa3: {  	s3 =	sshll.u32 s22, $0x1;
	_ =	strace $0x80000049;
	[dreg:$0x1] =	wrdreg $0xFFFFFFFF  }
0xa4: {  	s23 =	simm.s32 $_size_execute0_lowered;
	s3 =	sadd.s32 s1, s3;
	[dreg:$0x0] =	wrdreg $0x0  }
0xa5: {  	s4 =	sshll.u32 s23, $0x1;
	[dreg:$0x2] =	wrdreg s3  }
0xa6: {  	[dreg:$0x3] =	wrdreg s4  }
0xa7: {  	[dreg:$0x4] =	wrdreg $0xC0  }
0xa8: {  	s24 =	simm.s32 $execute1_lowered;
	_ =	task [dreg:s18], $0x5FFFF  }
0xa9: {  	s3 =	sshll.u32 s24, $0x1;
	[dreg:$0x1] =	wrdreg $0xFFFFFFFF  }
0xaa: {  	s1 =	sadd.s32 s1, s3;
	[dreg:$0x0] =	wrdreg $0x60  }
0xab: {  	[dreg:$0x2] =	wrdreg s1  }
0xac: {  	[dreg:$0x3] =	wrdreg s20  }
0xad: {  	[dreg:$0x4] =	wrdreg $0x9  }
0xae: {  	_ =	task.clear_ibuf [dreg:s18], $0x5FFFF;
	_ =	strace $0x90000049  }
0xaf: {  	s25 =	simm.s32 $0x9;
	_ =	strace $0x8000004B  }
0xb0: {  	_ =	swait.ge [sflag:s25], $0x1  }
0xb1: {  	[sflag:s25] =	ssyncadd.s32 $0xFFFFFFFF  }
0xb2: {  	_ =	strace $0x9000004B  }
0xb3: {  	_ =	strace $0x8000004C;
	[dreg:$0x1] =	wrdreg $0xFFFFFFFF  }
0xb4: {  	[dreg:$0x0] =	wrdreg $0x2030  }
0xb5: {  	[dreg:$0x2] =	wrdreg s20  }
0xb6: {  	[dreg:$0x3] =	wrdreg $0xA  }
0xb7: {  	_ =	task.clear_ibuf [dreg:s18], $0x4FFFF;
	_ =	strace $0x9000004C  }
0xb8: {  	s26 =	simm.s32 $0xA;
	_ =	strace $0x8000004E  }
0xb9: {  	_ =	swait.ge [sflag:s26], $0x1  }
0xba: {  	[sflag:s26] =	ssyncadd.s32 $0xFFFFFFFF  }
0xbb: {  	_ =	strace $0x9000004E  }
0xbc: {  	_ =	sfence  }
0xbd: {  	s28 =	sld [smem:$0x0];
	_ =	sdelay $0x1  }
0xbe: {  	s29 =	srdreg.scid  }
0xbf: {  	s30 =	sshll.u32 s29, $0xD;
	s31 =	sshrl.u32 s29, $0x2  }
0xc0: {  	s2 =	sand.u32 $0x1, s29;
	s3 =	sand.u32 $0x4000, s30;
	s1 =	sadd.s32 s31, s28  }
0xc1: {  	s2 =	sor.u32 s3, s2;
	s1 =	sshll.u32 s1, $0x11  }
0xc2: {  	s1 =	sor.u32 s1, s2  }
0xc3: {  	s1 =	sadd.s32 $0x8F2B, s1  }
0xc4: {  	[sflag:s1] =	ssyncadd.remote.s32 $0x1  }
0xc5: {  	_ =	sfence.sel $0xFFFF  }
0xc6: {  	[dreg:$0x0] =	wrdreg $0xFFFFFFFF;
	(pc) =	sbr.abs _section_cstart, $3  }
0xc7: {  	[dreg:$0x1] =	wrdreg $0xFFFFFFFF  }
0xc8: {  	_ =	task.clear_ibuf [dreg:s18], $0x2FFFF;
	_ =	strace $0x9FFFFFFF  }
0xc9: {  	(tm) =	ssettm $0x7FFFFFFF  }
tec
execute0_lowered:
.L_overlay_start_1:
0x0: {  	(tag) =	ssettag $0x1  }
0x1: {  	s2 =	rddreg [dreg:$0x0]  }
0x2: {  	s5 =	rddreg [dreg:$0x1]  }
0x3: {  	s0 =	rddreg [dreg:$0x2];
	s3 =	stileid.u32  }
0x4: {  	[bflag:$0x3] =	sbarrier.arrive $0xFFFF;
	s1 =	simm.s32 $_size_execute1_lowered;
	s31 =	simm.s32 $0x2  }
0x5: {  	s13 =	simm.s32 $0x0;
	s8 =	simm.s32 $0x40;
	s9 =	simm.s32 $0x80  }
0x6: {  	s11 =	simm.s32 $0x0;
	s12 =	simm.s32 $0x0;
	p0 =	sne.s32 s3, $0x0  }
0x7: {  	s1 =	sshll.u32 s1, $0x1;
	s3 =	sshll.u32 s3, $0x8;
	s4 =	simm.s32 @!p0 $0x1C3F  }
.Ltmp0:
0x8: {  	s6 =	simm.s32 @!p0 $0x4060;
	s7 =	ssub.s32 $0x2700, s3;
	(pc) =	sbr.rel .LBB2_1-.Ltmp0, $4  }
0x9: {  	[timem:s6], [sflag:s4] =	dma.local @!p0 [hbm:s2], s1  }
0xa: {  	s10 =	smov.u32 s3;
	s4 =	simm.s32 $0x1;
	_ =	strace $0x8000004A  }
0xb: {  	s2 =	sadd.s32 $0x47200, s5;
	s6 =	sshrl.u32 s7, $0xC;
	[sflag:s4] =	ssyncpa.u1 $0x0  }
0xc: {  	s5 =	sadd.s32 $0x577600, s5;
	s7 =	sadd.s32 $0x2, s6;
	[sflag:s31] =	ssyncpa.u1 $0x0  }
.LBB2_5:
0xd: {  	_ =	sdelay $0x3  }
0xe: {  	[tilespmem:v3+s18+$0x0 ss:$0x1] =	vst.idx.msk $0xffff, v1  }
0xf: {  	[tilespmem:v3+s17+$0x0 ss:$0x1] =	vst.idx.msk $0xffff, v2  }
0x10: {  	[tilespmem:v3+s16+$0x0 ss:$0x1] =	vst.idx.msk $0xffff, v4  }
0x11: {  	[tilespmem:v3+s19+$0x0 ss:$0x1] =	vst.idx.msk $0xffff, v5  }
.LBB2_6:
0x12: {  	s16 =	sand.u32 $0x1FFFFFF, s11  }
0x13: {  	s17 =	smulhi.u32 $0x1A36E2F, s16;
	_ =	sdelay $0x1  }
0x14: {  	s17 =	sshrl.u32 s17, $0x6  }
0x15: {  	s17 =	smul.u32 $0x2710, s17;
	_ =	sdelay $0x1  }
0x16: {  	s16 =	ssub.s32 s16, s17  }
0x17: {  	s16 =	sshll.u32 s16, $0x4  }
0x18: {  	s16 =	sadd.s32 s5, s16  }
0x19: {  	[hbm4b:s16+s8] =	stream.strided.scatter [tilespmem:s15], [sflag:$0x2], s14, s9, s8, $0x38;
	[tilespmem:$0x10000] =	vst v63  }
.LBB2_7:
0x1a: {  	p1 =	slt.u32 s12, $0x2  }
0x1b: {  	p2 =	sgt.s32 @!p1 s13, $0x2610  }
0x1c: {  	s14 =	smov.u32 s13;
	s15 =	sshra.s32 @!p1 s13, $0x1F;
	p2 =	por !p2, p1  }
0x1d: {  	s13 =	sand.u32 @!p1 s15, s13;
	s14 =	simm.s32 @p2 $0x2610  }
0x1e: {  	s13 =	ssub.s32 @!p1 s14, s13  }
0x1f: {  	s13 =	sadd.s32 @!p1 $0xFFFFD9F0, s13  }
0x20: {  	s14 =	sshll.u32 @!p1 s13, $0x8  }
0x21: {  	p2 =	sgt.s32 @!p1 s13, $0xFF;
	s13 =	ssub.s32 @!p1 $0x10000, s14  }
0x22: {  	s15 =	sadd.s32 $0x1000, s10;
	p2 =	por !p2, p1;
	s13 =	sshrl.u32 @!p1 s13, $0x2  }
0x23: {  	s13 =	simm.s32 @!p2 $0x0;
	p2 =	sgt.s32 s15, $0x270F  }
0x24: {  	s15 =	smov.u32 @p2 s3;
	p2 =	sne.s32 s12, s7  }
.Ltmp1:
0x25: {  	_ = 	snop;
	(pc) =	sbr.rel @!p2 .LBB2_8-.Ltmp1, $4  }
0x26: {  	s14 =	simm.s32 @!p1 $0x2  }
0x27: {  	_ =	swait.ge @!p1 [sflag:s14], s13;
	s16 =	ssub.s32 @!p1 $0x0, s13  }
0x28: {  	s13 =	smov.u32 s11;
	s12 =	sadd.s32 $0x1, s12;
	[sflag:s14] =	ssyncset.done @!p1 $0x0  }
0x29: {  	s11 =	smov.u32 s10;
	s10 =	smov.u32 s15;
	[sflag:s14] =	ssyncadd.s32 @!p1 s16  }
.LBB2_1:
0x2a: {  	p1 =	sgt.u32 s12, s6  }
0x2b: {  	s15 =	smov.u32 s10;
	p2 =	sgt.s32 @!p1 s10, $0x2610  }
0x2c: {  	s14 =	sand.u32 @!p1 $0x1FFFFFF, s10;
	s16 =	sshra.s32 @!p1 s10, $0x1F;
	p2 =	por !p2, p1  }
0x2d: {  	s17 =	smulhi.u32 @!p1 $0x1A36E2F, s14;
	s16 =	sand.u32 @!p1 s16, s10;
	s15 =	simm.s32 @p2 $0x2610  }
0x2e: {  	s15 =	ssub.s32 @!p1 s15, s16  }
0x2f: {  	s16 =	sshrl.u32 @!p1 s17, $0x6;
	s15 =	sadd.s32 @!p1 $0xFFFFD9F0, s15  }
0x30: {  	s17 =	sxor.u32 @!p1 $0xFFFFFFFF, s12;
	s16 =	smul.u32 @!p1 $0x2710, s16;
	s18 =	sshll.u32 @!p1 s15, $0x8  }
0x31: {  	s17 =	sshll.u32 @!p1 s17, $0xE;
	p2 =	sgt.s32 @!p1 s15, $0xFF;
	s15 =	ssub.s32 @!p1 $0x10000, s18  }
0x32: {  	s14 =	ssub.s32 @!p1 s14, s16;
	p2 =	por !p2, p1;
	s16 =	sand.u32 @!p1 $0x4000, s17  }
0x33: {  	s17 =	simm.s32 @!p1 $0x40;
	s15 =	sshrl.u32 @!p1 s15, $0x2;
	s14 =	sshll.u32 @!p1 s14, $0x4  }
0x34: {  	s18 =	simm.s32 @!p1 $0x80;
	s15 =	simm.s32 @!p2 $0x0;
	s14 =	sadd.s32 @!p1 s2, s14  }
0x35: {  	[tilespmem:s16], [sflag:$0x1] =	stream.strided.gather @!p1 [hbm4b:s14+s17], s15, s18, s17, $0x38;
	[tilespmem:$0x10000] =	vst v63  }
0x36: {  	p1 =	seq.s32 s12, $0x0  }
0x37: {  	p2 =	sge.u32 @!p1 s12, s7  }
0x38: {  	p1 =	por p1, p2  }
.Ltmp2:
0x39: {  	_ = 	snop;
	(pc) =	sbr.rel @p1 .LBB2_7-.Ltmp2, $1  }
0x3a: {  	_ =	sdelay $0x3  }
0x3b: {  	p1 =	sgt.s32 s11, $0x2610;
	s14 =	smov.u32 s11;
	s15 =	sshra.s32 s11, $0x1F  }
0x3c: {  	s14 =	simm.s32 @!p1 $0x2610;
	s15 =	sand.u32 s15, s11  }
0x3d: {  	s14 =	ssub.s32 s14, s15  }
0x3e: {  	s14 =	sadd.s32 $0xFFFFD9F0, s14  }
0x3f: {  	s31 =	sshll.u32 s14, $0x8  }
0x40: {  	s15 =	ssub.s32 $0x10000, s31  }
0x41: {  	p1 =	sgt.s32 s14, $0xFF;
	s14 =	sshrl.u32 s15, $0x2;
	s15 =	sadd.s32 $0x100, s11  }
0x42: {  	s14 =	simm.s32 @p1 $0x0;
	p1 =	slt.s32 s15, $0x2710  }
0x43: {  	s15 =	simm.s32 @!p1 $0x2710  }
0x44: {  	s20 =	ssub.s32 s15, s11  }
0x45: {  	p1 =	slt.s32 s20, $0x1  }
.Ltmp3:
0x46: {  	_ = 	snop;
	(pc) =	sbr.rel @p1 .LBB2_6-.Ltmp3, $4  }
0x47: {  	_ = 	snop  }
0x48: {  	s16 =	sshll.u32 s12, $0xE;
	_ =	swait.ge [sflag:s4], s14  }
0x49: {  	s16 =	sand.u32 $0x4000, s16;
	s17 =	ssub.s32 $0x0, s14;
	[sflag:s4] =	ssyncset.done $0x0  }
0x4a: {  	s15 =	sor.u32 $0x8000, s16;
	[sflag:s4] =	ssyncadd.s32 s17  }
0x4b: {  	v0 =	vmov s16;
	_ =	sdelay $0x2  }
0x4c: {  	s31 =	simm.s32 $0x0;
	p1 =	sne.s32 s20, $0x1  }
.Ltmp4:
0x4d: {  	s18 =	sand.u32 $0x3FC0, s31;
	(pc) =	sbr.rel @!p1 .LBB2_5-.Ltmp4, $4  }
0x4e: {  	s17 =	sor.u32 $0x30, s18;
	v1 =	vld.idx.msk [tilespmem:v0+s18+$0x0 ss:$0x1], $0xffff  }
0x4f: {  	v3 =	vmov s15;
	s16 =	sor.u32 $0x10, s18;
	v2 =	vld.idx.msk [tilespmem:v0+s17+$0x0 ss:$0x1], $0xffff  }
0x50: {  	s19 =	sor.u32 $0x20, s18;
	v4 =	vld.idx.msk [tilespmem:v0+s16+$0x0 ss:$0x1], $0xffff  }
0x51: {  	s20 =	sadd.s32 $0xFFFFFFFF, s20;
	s21 =	simm.s32 $0x40;
	v5 =	vld.idx.msk [tilespmem:v0+s19+$0x0 ss:$0x1], $0xffff  }
.LBB2_4:
0x52: {  	s22 =	sand.u32 $0x3FC0, s21  }
0x53: {  	p1 =	sne.s32 s20, $0x1;
	s20 =	sadd.s32 $0xFFFFFFFF, s20;
	s23 =	sor.u32 $0x10, s22  }
.Ltmp5:
0x54: {  	s24 =	sor.u32 $0x20, s22;
	s25 =	sor.u32 $0x30, s22;
	[tilespmem:v3+s18+$0x0 ss:$0x1] =	vst.idx.msk $0xffff, v1;
	v1 =	vld.idx.msk [tilespmem:v0+s22+$0x0 ss:$0x1], $0xffff;
	(pc) =	sbr.rel @p1 .LBB2_4-.Ltmp5, $4  }
0x55: {  	s18 =	smov.u32 s22;
	[tilespmem:v3+s17+$0x0 ss:$0x1] =	vst.idx.msk $0xffff, v2;
	v2 =	vld.idx.msk [tilespmem:v0+s25+$0x0 ss:$0x1], $0xffff;
	s17 =	smov.u32 s25  }
0x56: {  	[tilespmem:v3+s16+$0x0 ss:$0x1] =	vst.idx.msk $0xffff, v4;
	v4 =	vld.idx.msk [tilespmem:v0+s23+$0x0 ss:$0x1], $0xffff;
	s16 =	smov.u32 s23  }
0x57: {  	[tilespmem:v3+s19+$0x0 ss:$0x1] =	vst.idx.msk $0xffff, v5;
	v5 =	vld.idx.msk [tilespmem:v0+s24+$0x0 ss:$0x1], $0xffff;
	s19 =	smov.u32 s24  }
0x58: {  	s21 =	sadd.s32 $0x40, s21  }
.Ltmp6:
0x59: {  	_ = 	snop;
	(pc) =	sbr.rel .LBB2_5-.Ltmp6, $1  }
0x5a: {  	_ =	sdelay $0x3  }
.LBB2_8:
0x5b: {  	_ =	sfence.sel $0x180000  }
0x5c: {  	s2 =	simm.s32 $0x1;
	[bflag:$0x0] =	sbarrier.arrive $0xFFFF  }
0x5d: {  	s31 =	simm.s32 $0x2;
	[sflag:s2] =	ssyncpa.u1 $0x1  }
0x5e: {  	[sflag:s31] =	ssyncpa.u1 $0x1  }
0x5f: {  	_ =	strace $0x9000004A  }
0x60: {  	s0 =	sadd.s32 @!p0 $0x100000, s0;
	[bflag:$0x2] =	sbarrier.arrive $0xFFFF  }
0x61: {  	[sflag:s0] =	ssyncadd.tile.s32 @!p0 $0x1;
	s0 =	simm.s32 @!p0 $0x3F  }
0x62: {  	_ =	swait.ge @!p0 [sflag:s0], s1  }
0x63: {  	s1 =	ssub.s32 @!p0 $0x0, s1;
	[sflag:s0] =	ssyncset.done @!p0 $0x0  }
0x64: {  	[sflag:s0] =	ssyncadd.s32 @!p0 s1  }
0x65: {  	[bflag:$0x3] =	sbarrier.arrive $0xFFFF  }
0x66: {  	_ =	shalt  }
.Lfunc_end2:
execute1_lowered:
.L_overlay_start_2:
0x67: {  	(tag) =	ssettag $0x2  }
0x68: {  	s0 =	rddreg [dreg:$0x0];
	_ =	strace $0x8000004D;
	s1 =	simm.s32 $0x1  }
0x69: {  	s8 =	simm.s32 $0x88;
	v0 =	vimm.s32 $0x0;
	[sflag:s1] =	ssyncpa.u1 $0x0  }
0x6a: {  	[tilespmem:s8+$0x30] =	vst v0  }
0x6b: {  	s1 =	sadd.s32 $0x577600, s0;
	s3 =	sadd.s32 $0x1EA00, s0;
	[tilespmem:s8+$0x20] =	vst v0  }
0x6c: {  	s4 =	sadd.s32 $0x6E400, s0;
	s5 =	sadd.s32 $0x28C00, s0;
	s0 =	simm.s32 $0x40;
	[tilespmem:s8+$0x10] =	vst v0  }
.LBB3_1:
0x6d: {  	s0 =	sadd.s32 $0x40, s0  }
0x6e: {  	[tilespmem:s8+$0x0] =	vst v0;
	s8 =	sadd.s32 $0x40, s8;
	p0 =	slt.u32 s0, $0x5040  }
.Ltmp7:
0x6f: {  	(pc) =	sbr.rel @p0 .LBB3_1-.Ltmp7, $4  }
0x70: {  	_ = 	snop  }
0x71: {  	[tilespmem:s8+$0x30] =	vst v0  }
0x72: {  	[tilespmem:s8+$0x20] =	vst v0  }
0x73: {  	[tilespmem:s8+$0x10] =	vst v0  }
0x74: {  	s9 =	stileid.u32  }
0x75: {  	s0 =	smin.u32 s9, $0x8;
	s2 =	sshll.u32 s9, $0x6  }
0x76: {  	s0 =	sor.u32 s0, s2  }
0x77: {  	p0 =	slt.u32 s9, $0x8;
	s6 =	smul.u32 $0x140, s0;
	s0 =	simm.s32 $0x5140  }
0x78: {  	s0 =	simm.s32 @!p0 $0x5000  }
0x79: {  	s0 =	sadd.s32 s0, s6  }
0x7a: {  	s7 =	smin.u32 s0, $0x50910  }
0x7b: {  	s0 =	ssub.s32 s7, s6  }
0x7c: {  	p0 =	sgt.s32 s0, $0x0  }
0x7d: {  	s0 =	simm.s32 @!p0 $0x0  }
0x7e: {  	s29 =	simm.s32 $0x2;
	s10 =	simm.s32 $0x7;
	s28 =	smulhi.u32 $0x66666667, s0  }
0x7f: {  	s31 =	simm.s32 $0x8;
	s11 =	simm.s32 $0x1;
	s15 =	simm.s32 $0x0  }
0x80: {  	p1 =	por $0x0, $0x0;
	s16 =	simm.s32 $0xA;
	s2 =	sshrl.u32 s28, $0x7  }
0x81: {  	s20 =	simm.s32 $0x0;
	s17 =	simm.s32 $0x0;
	s30 =	smul.u32 $0x140, s2  }
.Ltmp8:
0x82: {  	[tilespmem:s8+$0x0] =	vst v0;
	v0 =	vimm.s32 $0xFFFFFFFF;
	s19 =	simm.s32 $0x0;
	[sflag:s29] =	ssyncpa.u1 $0x0;
	(pc) =	sbr.rel .LBB3_3-.Ltmp8, $4  }
0x83: {  	[tilespmem:$0xA108] =	vst v0;
	[sflag:s10] =	ssyncpa.u1 $0x0;
	p0 =	sne.s32 s0, s30;
	s0 =	simm.s32 $0x1  }
0x84: {  	s10 =	simm.s32 $0x9;
	[sflag:s31] =	ssyncpa.u1 $0x0;
	s0 =	simm.s32 @!p0 $0x0  }
0x85: {  	s13 =	sshll.u32 s9, $0x7;
	[sflag:s10] =	ssyncpa.u1 $0x0;
	s12 =	sadd.s32 s0, s2  }
0x86: {  	v0 =	vlaneseq.u32;
	s18 =	smov.u32 s6;
	p0 =	por $0x1, $0x1;
	s14 =	sadd.s32 $0x1, s12  }
.LBB3_24:
0x87: {  	s0 =	sshrl.u32 s29, $0x2  }
.LBB3_26:
0x88: {  	_ =	swait.ge [sflag:s16], s0  }
0x89: {  	s31 =	ssub.s32 $0x0, s0;
	v1 =	vmov s22;
	vm0 =	veq.s32 v0, $0x0;
	[sflag:s16] =	ssyncset.done $0x0  }
0x8a: {  	vm15 =	veq.s32 v0, $0x2;
	v1 =	vsel vm0, s28, v1;
	[sflag:s16] =	ssyncadd.s32 s31  }
0x8b: {  	v1 =	vsel vm15, s20, v1;
	[sflag:s16] =	ssyncpa.u1 $0x1  }
0x8c: {  	[tilespmem:$0xA108] =	vst v1  }
.LBB3_27:
0x8d: {  	s0 =	sadd.s32 $0x140, s18  }
0x8e: {  	s2 =	smov.u32 s6;
	p2 =	slt.s32 s0, s7  }
0x8f: {  	s2 =	smov.u32 @p2 s0;
	p2 =	sne.s32 s19, s14  }
.Ltmp9:
0x90: {  	_ = 	snop;
	(pc) =	sbr.rel @!p2 .LBB3_28-.Ltmp9, $4  }
0x91: {  	_ = 	snop  }
0x92: {  	s20 =	smov.u32 s17  }
0x93: {  	s31 =	sadd.s32 $0x1, s19;
	s17 =	smov.u32 s18;
	p0 =	por !p0, !p0  }
0x94: {  	p1 =	por !p1, !p1;
	s19 =	smov.u32 s31;
	s18 =	smov.u32 s2  }
.LBB3_3:
0x95: {  	p2 =	sge.u32 s19, s12  }
0x96: {  	s0 =	smulhi.u32 @!p2 $0xAAAAAAAB, s19  }
0x97: {  	s2 =	smov.u32 s18;
	p3 =	sgt.s32 @!p2 s18, $0x507D0  }
0x98: {  	s8 =	sshra.s32 @!p2 s18, $0x1F;
	p3 =	por !p3, p2;
	s0 =	sshrl.u32 @!p2 s0, $0x1  }
0x99: {  	s8 =	sand.u32 @!p2 s8, s18;
	s2 =	simm.s32 @p3 $0x507D0;
	s0 =	smul.u32 @!p2 $0x3, s0  }
0x9a: {  	s2 =	ssub.s32 @!p2 s2, s8  }
0x9b: {  	s22 =	sadd.s32 $0xFFFFFFFF, s19;
	s2 =	sadd.s32 @!p2 $0xFFFAF830, s2;
	s0 =	ssub.s32 @!p2 s19, s0  }
0x9c: {  	s8 =	sshll.u32 @!p2 s2, $0x2;
	p3 =	sgt.s32 @!p2 s2, $0x13F;
	s0 =	smul.u32 @!p2 $0x500, s0  }
0x9d: {  	s21 =	sand.u32 @!p2 $0x7, s18;
	s2 =	ssub.s32 @!p2 $0x500, s8;
	p3 =	por !p3, p2  }
0x9e: {  	s8 =	sshrl.u32 @!p2 s18, $0x3;
	s2 =	sshrl.u32 @!p2 s2, $0x2;
	s0 =	sshrl.u32 @!p2 s0, $0x2  }
0x9f: {  	s8 =	sadd.s32 @!p2 s5, s8;
	s2 =	simm.s32 @!p3 $0x0;
	s0 =	sadd.s32 @!p2 $0xA938, s0  }
0xa0: {  	[tilespmem:s0], [sflag:$0x8] =	stream.linear.gather @!p2 [hbm4b:s8+s21], s2, $0x38;
	[tilespmem:$0x1EF78] =	vst v63  }
0xa1: {  	p2 =	sge.u32 s22, s12  }
0xa2: {  	p3 =	sgt.s32 @!p2 s17, $0x507D0  }
0xa3: {  	s0 =	smov.u32 s17;
	s2 =	sshra.s32 @!p2 s17, $0x1F;
	p3 =	por !p3, p2  }
0xa4: {  	s2 =	sand.u32 @!p2 s2, s17;
	s0 =	simm.s32 @p3 $0x507D0  }
0xa5: {  	s0 =	ssub.s32 @!p2 s0, s2  }
0xa6: {  	s0 =	sadd.s32 @!p2 $0xFFFAF830, s0  }
0xa7: {  	s2 =	sshll.u32 @!p2 s0, $0x2  }
0xa8: {  	p3 =	sgt.s32 @!p2 s0, $0x13F;
	s0 =	ssub.s32 @!p2 $0x500, s2  }
0xa9: {  	p3 =	por !p3, p2;
	s0 =	sshrl.u32 @!p2 s0, $0x2  }
0xaa: {  	s8 =	simm.s32 @!p2 $0x8;
	s2 =	sand.u32 @!p2 $0x1, s22;
	s0 =	simm.s32 @!p3 $0x0  }
0xab: {  	s2 =	smul.u32 @!p2 $0x500, s2;
	_ =	swait.ge @!p2 [sflag:s8], s0  }
0xac: {  	s21 =	ssub.s32 @!p2 $0x0, s0;
	[sflag:s8] =	ssyncset.done @!p2 $0x0  }
0xad: {  	s2 =	sshrl.u32 @!p2 s2, $0x2;
	[sflag:s8] =	ssyncadd.s32 @!p2 s21;
	s8 =	sshrl.u32 @!p2 s17, $0x3  }
0xae: {  	s2 =	sadd.s32 @!p2 $0xACF8, s2;
	s21 =	sand.u32 @!p2 $0x7, s17;
	s8 =	sadd.s32 @!p2 s3, s8  }
0xaf: {  	[tilespmem:s2], [sflag:$0x9] =	stream.linear.gather @!p2 [hbm4b:s8+s21], s0, $0x38;
	[tilespmem:$0x1EF78] =	vst v63  }
0xb0: {  	s21 =	ssub.s32 @!p2 $0x50910, s17  }
0xb1: {  	p3 =	slt.s32 @!p2 s21, $0x1  }
0xb2: {  	p3 =	por p2, p3  }
.Ltmp10:
0xb3: {  	_ = 	snop;
	(pc) =	sbr.rel @p3 .LBB3_9-.Ltmp10, $1  }
0xb4: {  	_ =	sdelay $0x3  }
0xb5: {  	s0 =	smulhi.u32 $0xAAAAAAAB, s22;
	_ =	sdelay $0x1  }
0xb6: {  	s0 =	sshrl.u32 s0, $0x1  }
0xb7: {  	s0 =	smul.u32 $0x3, s0;
	_ =	sdelay $0x1  }
0xb8: {  	s0 =	ssub.s32 s22, s0  }
0xb9: {  	s2 =	simm.s32 $0x1;
	s0 =	smul.u32 $0x500, s0  }
.Ltmp11:
0xba: {  	s2 =	simm.s32 @!p0 $0x0;
	(pc) =	sbr.rel .LBB3_6-.Ltmp11, $4  }
0xbb: {  	s2 =	smul.u32 $0x28000, s2  }
0xbc: {  	p3 =	slt.s32 @!p2 s21, $0x140;
	s0 =	sshrl.u32 s0, $0x2  }
0xbd: {  	p2 =	por !p3, p2;
	s2 =	sshrl.u32 s2, $0x2;
	s0 =	sadd.s32 $0xA938, s0  }
0xbe: {  	s23 =	simm.s32 $0x0;
	s21 =	simm.s32 @p2 $0x140;
	s22 =	sadd.s32 $0xAF78, s2;
	v1 =	vmov s0  }
.LBB3_5:
0xbf: {  	p2 =	sge.s32 s23, s21  }
.Ltmp12:
0xc0: {  	_ = 	snop;
	(pc) =	sbr.rel @p2 .LBB3_9-.Ltmp12, $2  }
0xc1: {  	_ =	sdelay $0x2  }
0xc2: {  	s22 =	sadd.s32 $0x800, s22  }
.LBB3_6:
0xc3: {  	p2 =	sle.s32 s21, s23  }
.Ltmp13:
0xc4: {  	_ = 	snop;
	(pc) =	sbr.rel @p2 .LBB3_5-.Ltmp13, $2  }
0xc5: {  	_ =	sdelay $0x2  }
0xc6: {  	s24 =	smov.u32 s23;
	s23 =	sadd.s32 $0x10, s23  }
0xc7: {  	s0 =	ssub.s32 s21, s24  }
0xc8: {  	p2 =	slt.s32 s0, $0x10  }
0xc9: {  	s0 =	simm.s32 @!p2 $0x10  }
0xca: {  	v2 =	vmov s0  }
0xcb: {  	vm0 =	vgt.s32 v2, v0;
	_ =	sdelay $0x5  }
0xcc: {  	v2 =	vld.idx.msk [tilespmem:v1+s24+$0x0 ss:$0x1], vm0;
	_ =	sdelay $0x2  }
0xcd: {  	p2 =	slt.s32 s23, s21;
	s0 =	smov.u32 s21  }
0xce: {  	s2 =	smov.u32 s22;
	s25 =	simm.s32 $0x0;
	s0 =	smov.u32 @p2 s23  }
.LBB3_8:
0xcf: {  	(v2sf) =	vpush v2, s25;
	_ =	sdelay $0xc  }
0xd0: {  	s25 =	sadd.s32 $0x1, s25  }
0xd1: {  	s31 =	sadd.s32 s25, s24  }
0xd2: {  	p2 =	slt.s32 s31, s0;
	s8 =	spop (v2sf)  }
.Ltmp14:
0xd3: {  	s8 =	sshll.u32 s8, $0x4;
	(pc) =	sbr.rel @p2 .LBB3_8-.Ltmp14, $4  }
0xd4: {  	s8 =	sand.u32 $0x1FFFFFF0, s8  }
0xd5: {  	s8 =	sadd.s32 s4, s8  }
0xd6: {  	[tilespmem:s2], [sflag:$0x7] =	stream.linear.gather [hbm4b:s8+s15], $0x40, $0x38;
	[tilespmem:$0x1EF78] =	vst v63  }
0xd7: {  	s2 =	sadd.s32 $0x80, s2  }
.Ltmp15:
0xd8: {  	_ = 	snop;
	(pc) =	sbr.rel .LBB3_5-.Ltmp15, $1  }
0xd9: {  	_ =	sdelay $0x3  }
.LBB3_9:
0xda: {  	p2 =	slt.u32 s19, $0x2  }
.Ltmp16:
0xdb: {  	_ = 	snop;
	(pc) =	sbr.rel @p2 .LBB3_27-.Ltmp16, $1  }
0xdc: {  	_ =	sdelay $0x3  }
0xdd: {  	p2 =	sgt.s32 s20, $0x507D0;
	s0 =	smov.u32 s20  }
0xde: {  	s2 =	sshra.s32 s20, $0x1F;
	s8 =	ssub.s32 $0x50910, s20;
	s0 =	simm.s32 @!p2 $0x507D0  }
0xdf: {  	s2 =	sand.u32 s2, s20;
	p2 =	slt.s32 s8, $0x140;
	s21 =	smov.u32 s8  }
0xe0: {  	s0 =	ssub.s32 s0, s2;
	s21 =	simm.s32 @!p2 $0x140  }
0xe1: {  	s0 =	sadd.s32 $0xFFFAF830, s0;
	s26 =	sshll.u32 s21, $0x6  }
0xe2: {  	s9 =	simm.s32 $0x7;
	s29 =	sshll.u32 s0, $0x2;
	s2 =	sand.u32 $0x3FFFFFC0, s26  }
0xe3: {  	p2 =	sgt.s32 s0, $0x13F;
	s30 =	ssub.s32 $0x500, s29;
	_ =	swait.ge [sflag:s9], s2  }
0xe4: {  	s2 =	ssub.s32 $0x0, s2;
	[sflag:s9] =	ssyncset.done $0x0;
	s0 =	sshrl.u32 s30, $0x2  }
0xe5: {  	[sflag:s9] =	ssyncadd.s32 s2;
	s0 =	simm.s32 @p2 $0x0  }
0xe6: {  	_ =	swait.ge [sflag:s10], s0  }
0xe7: {  	s0 =	ssub.s32 $0x0, s0;
	[sflag:s10] =	ssyncset.done $0x0  }
0xe8: {  	[sflag:s10] =	ssyncadd.s32 s0  }
0xe9: {  	v1 =	vld [tilespmem:$0xA108];
	_ =	sdelay $0x4  }
0xea: {  	(v2sf) =	vpush v1, $0x0  }
0xeb: {  	(v2sf) =	vpush v1, $0x1  }
0xec: {  	(v2sf) =	vpush v1, $0x2;
	_ =	sdelay $0x3  }
0xed: {  	s0 =	sadd.s32 $0x140, s20  }
0xee: {  	p2 =	slt.s32 s7, s0  }
0xef: {  	s0 =	smov.u32 @p2 s7;
	p2 =	sgt.s32 s8, $0x0  }
0xf0: {  	s24 =	ssub.s32 s0, s20;
	s8 =	simm.s32 @!p2 $0x0  }
0xf1: {  	p2 =	slt.s32 s8, s24  }
0xf2: {  	s24 =	smov.u32 @p2 s8  }
0xf3: {  	s23 =	simm.s32 $0x1;
	p2 =	slt.s32 s24, $0x1  }
.Ltmp17:
0xf4: {  	s23 =	simm.s32 @!p1 $0x0;
	(pc) =	sbr.rel @p2 .LBB3_14-.Ltmp17, $4  }
0xf5: {  	s31 =	smul.u32 $0x500, s23  }
0xf6: {  	s25 =	spop (v2sf)  }
0xf7: {  	s0 =	sshrl.u32 s31, $0x2;
	s28 =	spop (v2sf)  }
0xf8: {  	s21 =	sadd.s32 $0xACF8, s0;
	s20 =	spop (v2sf)  }
0xf9: {  	s0 =	smin.u32 s24, $0x10  }
0xfa: {  	v1 =	vmov s0  }
0xfb: {  	p3 =	sgt.s32 s24, $0x10;
	vm1 =	vgt.u32 v1, v0  }
.Ltmp18:
0xfc: {  	_ = 	snop;
	(pc) =	sbr.rel @!p3 .LBB3_13-.Ltmp18, $2  }
0xfd: {  	_ =	sdelay $0x2  }
0xfe: {  	s26 =	simm.s32 $0x10;
	s29 =	sadd.s32 $0xFFFFFFF0, s24;
	s22 =	smov.u32 s21;
	vm0 =	vmmov vm1  }
.LBB3_12:
0xff: {  	s0 =	smin.u32 s29, $0x10;
	s26 =	sadd.s32 $0x10, s26;
	v1 =	vld.msk [tilespmem:s22+$0x0 ss:$0x1], vm1  }
0x100: {  	v2 =	vmov s0;
	p3 =	slt.s32 s26, s24  }
0x101: {  	vm1 =	vgt.u32 v2, v0  }
.Ltmp19:
0x102: {  	(pc) =	sbr.rel @p3 .LBB3_12-.Ltmp19, $3  }
0x103: {  	_ =	sdelay $0x1  }
0x104: {  	v1 =	vshll.u32 v1, $0x4  }
0x105: {  	s29 =	sadd.s32 $0xFFFFFFF0, s29;
	[tilespmem:s22+$0x0] =	vst.msk vm0, v1;
	s22 =	sadd.s32 $0x10, s22;
	vm0 =	vmmov vm1  }
.LBB3_13:
0x106: {  	_ =	sdelay $0x4  }
0x107: {  	v1 =	vld.msk [tilespmem:s22+$0x0 ss:$0x1], vm1;
	_ =	sdelay $0x4  }
0x108: {  	v1 =	vshll.u32 v1, $0x4  }
0x109: {  	[tilespmem:s22+$0x0] =	vst.msk vm0, v1  }
.LBB3_14:
0x10a: {  	s0 =	sand.u32 $0x1, s19  }
0x10b: {  	s0 =	smul.u32 $0x140, s0  }
0x10c: {  	p3 =	sne.s32 s28, $0xFFFFFFFF  }
0x10d: {  	v1 =	vld.msk @!p3 [tilespmem:s0+$0xACF8], $0x1;
	_ =	sdelay $0x4  }
0x10e: {  	(v2sf) =	vpush @!p3 v1, $0x0;
	_ =	sdelay $0xc  }
.Ltmp20:
0x10f: {  	_ = 	snop;
	(pc) =	sbr.rel @p2 .LBB3_25-.Ltmp20, $4  }
0x110: {  	_ = 	snop  }
0x111: {  	s26 =	spop @!p3 (v2sf)  }
0x112: {  	s20 =	simm.s32 @!p3 $0x0;
	s22 =	smov.u32 s26  }
0x113: {  	[sflag:s16] =	ssyncpa.u1 $0x0;
	s26 =	smov.u32 @p3 s25;
	s22 =	smov.u32 @p3 s28  }
0x114: {  	v1 =	vld.msk [tilespmem:s21+$0x0], $0x1;
	_ =	sdelay $0x4  }
0x115: {  	(v2sf) =	vpush v1, $0x0;
	_ =	sdelay $0xe  }
0x116: {  	s0 =	smul.u32 $0x28000, s23;
	s30 =	spop (v2sf)  }
0x117: {  	s24 =	ssub.s32 $0x0, s24;
	p2 =	seq.s32 s26, s30  }
0x118: {  	s28 =	sadd.s32 $0x1, s24;
	s0 =	sshrl.u32 s0, $0x2;
	p3 =	sgt.s32 @!p2 s26, $0x0  }
0x119: {  	s23 =	sadd.s32 $0xAF98, s0;
	s0 =	smov.u32 s26;
	p3 =	por !p3, p2  }
0x11a: {  	s0 =	simm.s32 @p3 $0x0;
	p3 =	seq.s32 s28, $0x0  }
.Ltmp21:
0x11b: {  	_ = 	snop;
	(pc) =	sbr.rel @p3 .LBB3_17-.Ltmp21, $4  }
0x11c: {  	_ = 	snop  }
0x11d: {  	s25 =	simm.s32 $0x0;
	s31 =	simm.s32 @!p2 $0x1;
	s2 =	smin.u32 @!p2 s0, $0x270F8  }
0x11e: {  	s29 =	sadd.s32 $0x1, s21;
	s31 =	smov.u32 @p2 s25;
	s8 =	sand.u32 @!p2 $0x3FFF8, s2  }
0x11f: {  	s0 =	simm.s32 @!p2 $0x50C8;
	s2 =	sand.u32 @!p2 $0x7, s2;
	s8 =	sadd.s32 @!p2 s1, s8  }
.LBB3_16:
0x120: {  	s9 =	smov.u32 s31  }
0x121: {  	[tilespmem:s0], [sflag:$0x2] =	stream.linear.gather @!p2 [hbm4b:s8+s2], $0x40, $0x38;
	[tilespmem:$0x1EF78] =	vst v63  }
0x122: {  	s28 =	sadd.s32 $0x1, s28;
	s2 =	smov.u32 s30;
	v1 =	vld.msk [tilespmem:s29+$0x0], $0x1  }
0x123: {  	p3 =	seq.s32 s28, $0x0;
	_ =	sdelay $0x3  }
0x124: {  	(v2sf) =	vpush v1, $0x0;
	_ =	sdelay $0xe  }
0x125: {  	s30 =	spop (v2sf)  }
0x126: {  	p2 =	seq.s32 s2, s30  }
0x127: {  	p4 =	sgt.s32 @!p2 s2, $0x0;
	s0 =	sshll.u32 @!p2 s31, $0x8;
	s31 =	sadd.s32 @!p2 $0x1, s31  }
.Ltmp22:
0x128: {  	p4 =	por !p4, p2;
	s0 =	sshra.s32 @!p2 s0, $0x2;
	(pc) =	sbr.rel @!p3 .LBB3_16-.Ltmp22, $4  }
0x129: {  	s31 =	smov.u32 @p2 s9;
	s2 =	simm.s32 @p4 $0x0;
	s0 =	sadd.s32 @!p2 $0x50C8, s0  }
0x12a: {  	s2 =	smin.u32 @!p2 s2, $0x270F8  }
0x12b: {  	s8 =	sand.u32 @!p2 $0x3FFF8, s2;
	s2 =	sand.u32 @!p2 $0x7, s2  }
0x12c: {  	s29 =	sadd.s32 $0x1, s29;
	s8 =	sadd.s32 @!p2 s1, s8  }
.LBB3_17:
0x12d: {  	[tilespmem:s0], [sflag:$0x2] =	stream.linear.gather @!p2 [hbm4b:s8+s2], $0x40, $0x38;
	[tilespmem:$0x1EF78] =	vst v63  }
.Ltmp23:
0x12e: {  	s30 =	sshll.u32 s31, $0x6;
	(pc) =	sbr.rel .LBB3_18-.Ltmp23, $4  }
0x12f: {  	s31 =	simm.s32 $0x2;
	s0 =	sand.u32 $0x3FFFFFC0, s30  }
0x130: {  	_ =	swait.ge [sflag:s31], s0  }
0x131: {  	s0 =	ssub.s32 $0x0, s0;
	[sflag:s31] =	ssyncset.done $0x0  }
0x132: {  	s29 =	simm.s32 $0x0;
	[sflag:s31] =	ssyncadd.s32 s0  }
.LBB3_19:
0x133: {  	v1 =	vld [tilespmem:s23+$0xFFFFFFE0];
	_ =	sdelay $0x4  }
0x134: {  	[tilespmem:s30+$0x88] =	vst.add.f32.msk $0xffff, v1  }
0x135: {  	v1 =	vld [tilespmem:s23+$0xFFFFFFF0];
	_ =	sdelay $0x4  }
0x136: {  	[tilespmem:s30+$0x98] =	vst.add.f32.msk $0xffff, v1  }
0x137: {  	v1 =	vld [tilespmem:s23+$0x0];
	_ =	sdelay $0x4  }
0x138: {  	[tilespmem:s30+$0xA8] =	vst.add.f32.msk $0xffff, v1  }
0x139: {  	v1 =	vld [tilespmem:s23+$0x10];
	_ =	sdelay $0x4  }
0x13a: {  	[tilespmem:s30+$0xB8] =	vst.add.f32.msk $0xffff, v1  }
.LBB3_23:
0x13b: {  	s24 =	sadd.s32 $0x1, s24  }
0x13c: {  	p2 =	seq.s32 s24, $0x0  }
.Ltmp24:
0x13d: {  	_ = 	snop;
	(pc) =	sbr.rel @p2 .LBB3_24-.Ltmp24, $2  }
0x13e: {  	_ =	sdelay $0x2  }
0x13f: {  	s23 =	sadd.s32 $0x80, s23;
	s21 =	sadd.s32 $0x1, s21;
	s26 =	smov.u32 s28  }
.LBB3_18:
0x140: {  	v1 =	vld.msk [tilespmem:s21+$0x0], $0x1;
	_ =	sdelay $0x4  }
0x141: {  	(v2sf) =	vpush v1, $0x0;
	_ =	sdelay $0xe  }
0x142: {  	s28 =	spop (v2sf)  }
0x143: {  	p2 =	sne.s32 s26, s28  }
.Ltmp25:
0x144: {  	_ = 	snop;
	(pc) =	sbr.rel @!p2 .LBB3_19-.Ltmp25, $3  }
0x145: {  	_ =	sdelay $0x1  }
0x146: {  	s0 =	sshll.u32 s20, $0x8  }
0x147: {  	s30 =	sshra.s32 s0, $0x2  }
0x148: {  	p2 =	seq.s32 s26, s22  }
.Ltmp26:
0x149: {  	_ = 	snop;
	(pc) =	sbr.rel @!p2 .LBB3_21-.Ltmp26, $1  }
0x14a: {  	_ =	sdelay $0x3  }
.Ltmp27:
0x14b: {  	s0 =	sadd.s32 $0x88, s30;
	(pc) =	sbr.rel .LBB3_22-.Ltmp27, $4  }
0x14c: {  	[spmem:s13] =	stream.linear.scatter [tilespmem:s0], [sflag:$0x1], $0x40, $0x38;
	[tilespmem:$0x1EF78] =	vst v63  }
0x14d: {  	_ =	swait.ge [sflag:s11], $0x40  }
0x14e: {  	[sflag:s11] =	ssyncset.done $0x0  }
0x14f: {  	[sflag:s11] =	ssyncadd.s32 $0xFFFFFFC0  }
.LBB3_21:
0x150: {  	s0 =	sshll.u32 s25, $0x8  }
0x151: {  	s0 =	sshra.s32 s0, $0x2  }
0x152: {  	v1 =	vld [tilespmem:s0+$0x50C8];
	_ =	sdelay $0x4  }
0x153: {  	[tilespmem:s30+$0x88] =	vst.add.f32.msk $0xffff, v1  }
0x154: {  	v1 =	vld [tilespmem:s0+$0x50D8];
	_ =	sdelay $0x4  }
0x155: {  	[tilespmem:s30+$0x98] =	vst.add.f32.msk $0xffff, v1  }
0x156: {  	v1 =	vld [tilespmem:s0+$0x50E8];
	_ =	sdelay $0x4  }
0x157: {  	[tilespmem:s30+$0xA8] =	vst.add.f32.msk $0xffff, v1  }
0x158: {  	v1 =	vld [tilespmem:s0+$0x50F8];
	_ =	sdelay $0x2  }
0x159: {  	p2 =	sgt.u32 s26, $0x270F8  }
0x15a: {  	s0 =	sand.u32 @!p2 $0x3FFF8, s26  }
0x15b: {  	s2 =	sadd.s32 $0x88, s30;
	s8 =	sand.u32 @!p2 $0x7, s26;
	s0 =	sadd.s32 @!p2 s1, s0;
	[tilespmem:s30+$0xB8] =	vst.add.f32.msk $0xffff, v1  }
0x15c: {  	[hbm4b:s0+s8] =	stream.linear.scatter @!p2 [tilespmem:s2], [sflag:$0xA], $0x40, $0x38;
	[tilespmem:$0x1EF78] =	vst v63  }
0x15d: {  	s0 =	simm.s32 $0x0  }
0x15e: {  	s0 =	simm.s32 @!p2 $0x100  }
0x15f: {  	s29 =	sadd.s32 s0, s29  }
.LBB3_22:
0x160: {  	s0 =	sadd.s32 $0x1, s20  }
0x161: {  	s2 =	smulhi.u32 $0xCCCCCCCD, s0;
	_ =	sdelay $0x1  }
0x162: {  	v1 =	vld [tilespmem:s23+$0xFFFFFFE0];
	s2 =	sshrl.u32 s2, $0x8  }
0x163: {  	s2 =	smul.u32 $0x140, s2;
	_ =	sdelay $0x1  }
0x164: {  	s20 =	ssub.s32 s0, s2  }
0x165: {  	s0 =	sshll.u32 s20, $0x6  }
0x166: {  	[tilespmem:s0+$0x88] =	vst v1  }
0x167: {  	v1 =	vld [tilespmem:s23+$0xFFFFFFF0];
	_ =	sdelay $0x4  }
0x168: {  	[tilespmem:s0+$0x98] =	vst v1  }
0x169: {  	v1 =	vld [tilespmem:s23+$0x0];
	_ =	sdelay $0x4  }
0x16a: {  	[tilespmem:s0+$0xA8] =	vst v1  }
0x16b: {  	v1 =	vld [tilespmem:s23+$0x10]  }
.Ltmp28:
0x16c: {  	_ = 	snop;
	(pc) =	sbr.rel .LBB3_23-.Ltmp28, $2  }
0x16d: {  	_ =	sdelay $0x2  }
0x16e: {  	s25 =	sadd.s32 $0x1, s25;
	[tilespmem:s0+$0xB8] =	vst v1  }
.LBB3_25:
.Ltmp29:
0x16f: {  	(pc) =	sbr.rel .LBB3_26-.Ltmp29, $4  }
0x170: {  	_ = 	snop  }
0x171: {  	s0 =	simm.s32 $0x2  }
0x172: {  	_ =	swait.ge [sflag:s0], $0x0  }
0x173: {  	s28 =	smov.u32 s26;
	[sflag:s0] =	ssyncset.done $0x0;
	s0 =	simm.s32 $0x0  }
.LBB3_28:
0x174: {  	_ =	sfence.sel $0x180000  }
0x175: {  	s0 =	simm.s32 $0x7;
	[bflag:$0x0] =	sbarrier.arrive $0xFFFF  }
0x176: {  	s25 =	simm.s32 $0x8;
	[sflag:s0] =	ssyncpa.u1 $0x1  }
0x177: {  	s26 =	simm.s32 $0x9;
	[sflag:s25] =	ssyncpa.u1 $0x1  }
0x178: {  	s28 =	simm.s32 $0x2;
	[sflag:s26] =	ssyncpa.u1 $0x1  }
0x179: {  	[sflag:s28] =	ssyncpa.u1 $0x1  }
0x17a: {  	v0 =	vld [tilespmem:$0xA108];
	_ =	sdelay $0x4  }
0x17b: {  	(v2sf) =	vpush v0, $0x0  }
0x17c: {  	(v2sf) =	vpush v0, $0x1;
	_ =	sdelay $0x1  }
0x17d: {  	(v2sf) =	vpush v0, $0x2;
	_ =	sdelay $0xb  }
0x17e: {  	s0 =	spop (v2sf)  }
0x17f: {  	s2 =	spop (v2sf)  }
0x180: {  	s3 =	smov.u32 s0;
	p0 =	sne.s32 s0, s2  }
0x181: {  	s4 =	spop (v2sf);
	s3 =	simm.s32 @!p0 $0xFFFFFFFF  }
0x182: {  	v2 =	vimm.s32 $0x1;
	v3 =	vlaneseq.u32;
	p0 =	seq.s32 s4, $0xFFFFFFFF;
	v1 =	vmov s3  }
0x183: {  	s7 =	stileid.u32;
	v0 =	vperm.xlane v0, v2;
	p1 =	sne.s32 @!p0 s0, s2;
	v1 =	vperm.xlane v1, v3  }
0x184: {  	vm0 =	vcmask $0x3F04;
	s6 =	simm.s32 $0xA108;
	s0 =	simm.s32 @!p0 $0x1;
	p1 =	por !p1, p0  }
0x185: {  	s3 =	sshll.u32 s7, $0x1;
	s2 =	sshll.u32 @!p0 s4, $0x8;
	s0 =	simm.s32 @p1 $0x0;
	v0 =	vsel vm0, v1, v0  }
0x186: {  	s5 =	sor.u32 $0x800, s3;
	s2 =	sshra.s32 @!p0 s2, $0x2;
	s0 =	sor.u32 @!p0 s0, s3;
	[tilespmem:$0xA108] =	vst v0  }
0x187: {  	[spmem:s5] =	stream.linear.scatter [tilespmem:s6], [sflag:$0x1], $0x2, $0x38;
	[tilespmem:$0x1EF78] =	vst v63  }
0x188: {  	s2 =	sadd.s32 @!p0 $0x88, s2;
	s0 =	sshll.u32 @!p0 s0, $0x6  }
0x189: {  	[spmem:s0] =	stream.linear.scatter @!p0 [tilespmem:s2], [sflag:$0x1], $0x40, $0x38;
	[tilespmem:$0x1EF78] =	vst v63  }
0x18a: {  	s2 =	simm.s32 @!p0 $0x42  }
0x18b: {  	s0 =	simm.s32 $0x1;
	s2 =	simm.s32 @p0 $0x2  }
0x18c: {  	_ =	swait.ge [sflag:s0], s2  }
0x18d: {  	s2 =	ssub.s32 $0x0, s2;
	[sflag:s0] =	ssyncset.done $0x0  }
0x18e: {  	[sflag:s0] =	ssyncadd.s32 s2  }
0x18f: {  	_ =	sfence.stream.spmem  }
0x190: {  	s29 =	simm.s32 $0x3;
	[bflag:$0x0] =	sbarrier.arrive $0xFFFF  }
0x191: {  	s30 =	simm.s32 $0x4;
	[sflag:s29] =	ssyncpa.u1 $0x1  }
0x192: {  	s31 =	simm.s32 $0x3C;
	[sflag:s30] =	ssyncpa.u1 $0x1  }
0x193: {  	p0 =	sne.s32 s7, $0x0;
	[sflag:s31] =	ssyncpa.u1 $0x1  }
0x194: {  	_ =	sfence @p0  }
0x195: {  	[sflag:s0] =	ssyncpa.u1 @p0 $0x1  }
0x196: {  	_ =	strace @p0 $0x9000004D  }
0x197: {  	[bflag:$0x2] =	sbarrier.arrive @p0 $0xFFFF  }
0x198: {  	_ =	shalt @p0  }
.LBB3_29:
0x199: {  	_ =	sfence.stream.spmem;
	s0 =	simm.s32 $0x5  }
0x19a: {  	s2 =	simm.s32 $0x800;
	s3 =	simm.s32 $0xA118;
	[sflag:s0] =	ssyncpa.u1 $0x0  }
0x19b: {  	[tilespmem:s3], [sflag:$0x5] =	stream.linear.gather [spmem:s2], $0x20, $0x38;
	[tilespmem:$0x1EF78] =	vst v63  }
0x19c: {  	s30 =	simm.s32 $0xA138;
	s2 =	simm.s32 $0x0  }
0x19d: {  	[tilespmem:s30], [sflag:$0x5] =	stream.linear.gather [spmem:s2], $0x800, $0x38;
	[tilespmem:$0x1EF78] =	vst v63  }
.Ltmp30:
0x19e: {  	_ = 	snop;
	(pc) =	sbr.rel .LBB3_30-.Ltmp30, $4  }
0x19f: {  	_ =	swait.ge [sflag:s0], $0x820  }
0x1a0: {  	[sflag:s0] =	ssyncset.done $0x0  }
0x1a1: {  	s31 =	simm.s32 $0x6;
	[sflag:s0] =	ssyncadd.s32 $0xFFFFF7E0  }
0x1a2: {  	s3 =	simm.s32 $0x0;
	[sflag:s31] =	ssyncpa.u1 $0x0  }
.LBB3_36:
0x1a3: {  	p0 =	slt.u32 s4, $0x270F9  }
0x1a4: {  	s0 =	sand.u32 @p0 $0x3FFF8, s4  }
0x1a5: {  	s4 =	sand.u32 @p0 $0x7, s4;
	s5 =	simm.s32 @p0 $0xA0C8;
	s0 =	sadd.s32 @p0 s1, s0  }
0x1a6: {  	[tilespmem:s5], [sflag:$0x6] =	stream.linear.gather @p0 [hbm4b:s0+s4], $0x40, $0x38;
	[tilespmem:$0x1EF78] =	vst v63  }
0x1a7: {  	s0 =	simm.s32 @p0 $0x6  }
0x1a8: {  	_ =	swait.ge @p0 [sflag:s0], $0x40  }
0x1a9: {  	[sflag:s0] =	ssyncset.done @p0 $0x0  }
0x1aa: {  	[sflag:s0] =	ssyncadd.s32 @p0 $0xFFFFFFC0  }
0x1ab: {  	v1 =	vld @p0 [tilespmem:$0xA0C8];
	_ =	sdelay $0x2  }
0x1ac: {  	s0 =	sshll.u32 @p0 s3, $0x8  }
0x1ad: {  	s4 =	sshrl.u32 @p0 s0, $0x2  }
0x1ae: {  	[tilespmem:s4+$0xA138] =	vst.add.f32.msk @p0 $0xffff, v1  }
0x1af: {  	v1 =	vld @p0 [tilespmem:$0xA0D8];
	_ =	sdelay $0x4  }
0x1b0: {  	[tilespmem:s4+$0xA148] =	vst.add.f32.msk @p0 $0xffff, v1  }
0x1b1: {  	v1 =	vld @p0 [tilespmem:$0xA0E8];
	_ =	sdelay $0x4  }
0x1b2: {  	[tilespmem:s4+$0xA158] =	vst.add.f32.msk @p0 $0xffff, v1  }
0x1b3: {  	v1 =	vld @p0 [tilespmem:$0xA0F8];
	_ =	sdelay $0x3  }
0x1b4: {  	s5 =	sshll.u32 @!p0 s3, $0x8  }
0x1b5: {  	s5 =	smov.u32 @p0 s0;
	[tilespmem:s4+$0xA168] =	vst.add.f32.msk @p0 $0xffff, v1  }
0x1b6: {  	s0 =	sshrl.u32 s5, $0x2;
	[tilespmem:s2+$0xA118] =	vst.msk $0x1, v0  }
0x1b7: {  	v0 =	vld [tilespmem:s0+$0xA138];
	_ =	sdelay $0x2  }
0x1b8: {  	s31 =	sshll.u32 s2, $0x8  }
0x1b9: {  	s4 =	sshra.s32 s31, $0x2  }
0x1ba: {  	[tilespmem:s4+$0xA138] =	vst v0  }
0x1bb: {  	v0 =	vld [tilespmem:s0+$0xA148];
	_ =	sdelay $0x4  }
0x1bc: {  	[tilespmem:s4+$0xA148] =	vst v0  }
0x1bd: {  	v0 =	vld [tilespmem:s0+$0xA158];
	_ =	sdelay $0x4  }
0x1be: {  	[tilespmem:s4+$0xA158] =	vst v0  }
0x1bf: {  	v0 =	vld [tilespmem:s0+$0xA168];
	_ =	sdelay $0x4  }
0x1c0: {  	s2 =	sadd.s32 $0x1, s2;
	[tilespmem:s4+$0xA168] =	vst v0  }
.LBB3_37:
0x1c1: {  	s3 =	sadd.s32 $0x1, s3  }
0x1c2: {  	p0 =	sne.s32 s3, $0x20  }
.Ltmp31:
0x1c3: {  	_ = 	snop;
	(pc) =	sbr.rel @!p0 .LBB3_38-.Ltmp31, $1  }
0x1c4: {  	_ =	sdelay $0x3  }
.LBB3_30:
0x1c5: {  	v0 =	vld.msk [tilespmem:s3+$0xA118], $0x1;
	_ =	sdelay $0x4  }
0x1c6: {  	(v2sf) =	vpush v0, $0x0;
	_ =	sdelay $0xe  }
0x1c7: {  	s4 =	spop (v2sf)  }
0x1c8: {  	p0 =	seq.s32 s4, $0xFFFFFFFF  }
.Ltmp32:
0x1c9: {  	_ = 	snop;
	(pc) =	sbr.rel @p0 .LBB3_37-.Ltmp32, $1  }
0x1ca: {  	_ =	sdelay $0x3  }
0x1cb: {  	p0 =	slt.s32 s2, $0x1  }
.Ltmp33:
0x1cc: {  	_ = 	snop;
	(pc) =	sbr.rel @p0 .LBB3_36-.Ltmp33, $1  }
0x1cd: {  	_ =	sdelay $0x3  }
0x1ce: {  	s5 =	simm.s32 $0xA118;
	p0 =	por $0x0, $0x0  }
0x1cf: {  	v1 =	vld.msk @!p0 [tilespmem:s5+$0x0], $0x1;
	_ =	sdelay $0x4  }
0x1d0: {  	(v2sf) =	vpush @!p0 v1, $0x0;
	_ =	sdelay $0xd  }
0x1d1: {  	p2 =	sne.s32 s2, $0x1  }
.Ltmp34:
0x1d2: {  	s0 =	spop @!p0 (v2sf);
	(pc) =	sbr.rel @!p2 .LBB3_34-.Ltmp34, $4  }
0x1d3: {  	p1 =	seq.s32 @!p0 s4, s0  }
0x1d4: {  	s6 =	simm.s32 $0x0;
	p1 =	por !p1, p0  }
0x1d5: {  	s0 =	simm.s32 $0xFFFFFFFF;
	s6 =	simm.s32 @p1 $0xFFFFFFFF  }
0x1d6: {  	s7 =	simm.s32 $0x1;
	s6 =	smov.u32 @p0 s0  }
.LBB3_33:
0x1d7: {  	s0 =	smov.u32 s6;
	p0 =	sne.s32 s6, $0xFFFFFFFF  }
0x1d8: {  	s5 =	sadd.s32 $0x1, s5;
	s6 =	smov.u32 s7;
	s7 =	sadd.s32 $0x1, s7  }
0x1d9: {  	p1 =	sne.s32 s2, s7;
	v1 =	vld.msk @!p0 [tilespmem:s5+$0x0], $0x1;
	_ =	sdelay $0x4  }
0x1da: {  	(v2sf) =	vpush @!p0 v1, $0x0;
	_ =	sdelay $0xe  }
.Ltmp35:
0x1db: {  	s8 =	spop @!p0 (v2sf);
	(pc) =	sbr.rel @p1 .LBB3_33-.Ltmp35, $4  }
0x1dc: {  	p2 =	seq.s32 @!p0 s4, s8  }
0x1dd: {  	p2 =	por !p2, p0  }
0x1de: {  	s6 =	simm.s32 @p2 $0xFFFFFFFF  }
0x1df: {  	s6 =	smov.u32 @p0 s0  }
.LBB3_34:
0x1e0: {  	p0 =	seq.s32 s6, $0xFFFFFFFF  }
.Ltmp36:
0x1e1: {  	_ = 	snop;
	(pc) =	sbr.rel @p0 .LBB3_36-.Ltmp36, $1  }
0x1e2: {  	_ =	sdelay $0x3  }
0x1e3: {  	s0 =	sshll.u32 s3, $0x6  }
0x1e4: {  	s0 =	sand.u32 $0x3FFFFFC0, s0  }
0x1e5: {  	v0 =	vld [tilespmem:s0+$0xA138];
	_ =	sdelay $0x2  }
0x1e6: {  	s4 =	sshll.u32 s6, $0x8  }
0x1e7: {  	s4 =	sshra.s32 s4, $0x2  }
0x1e8: {  	[tilespmem:s4+$0xA138] =	vst.add.f32.msk $0xffff, v0  }
0x1e9: {  	v0 =	vld [tilespmem:s0+$0xA148];
	_ =	sdelay $0x4  }
0x1ea: {  	[tilespmem:s4+$0xA148] =	vst.add.f32.msk $0xffff, v0  }
0x1eb: {  	v0 =	vld [tilespmem:s0+$0xA158];
	_ =	sdelay $0x4  }
0x1ec: {  	[tilespmem:s4+$0xA158] =	vst.add.f32.msk $0xffff, v0  }
0x1ed: {  	v0 =	vld [tilespmem:s0+$0xA168]  }
.Ltmp37:
0x1ee: {  	_ = 	snop;
	(pc) =	sbr.rel .LBB3_37-.Ltmp37, $2  }
0x1ef: {  	_ =	sdelay $0x2  }
0x1f0: {  	[tilespmem:s4+$0xA168] =	vst.add.f32.msk $0xffff, v0  }
.LBB3_38:
0x1f1: {  	p0 =	slt.s32 s2, $0x1  }
.Ltmp38:
0x1f2: {  	_ = 	snop;
	(pc) =	sbr.rel @p0 .LBB3_42-.Ltmp38, $3  }
0x1f3: {  	_ =	sdelay $0x1  }
0x1f4: {  	s0 =	simm.s32 $0x6  }
0x1f5: {  	s3 =	simm.s32 $0x0;
	[sflag:s0] =	ssyncpa.u1 $0x1  }
0x1f6: {  	s0 =	simm.s32 $0xA118  }
0x1f7: {  	v0 =	vld.msk [tilespmem:s0+$0x0], $0x1;
	_ =	sdelay $0x4  }
0x1f8: {  	(v2sf) =	vpush v0, $0x0;
	_ =	sdelay $0xe  }
0x1f9: {  	s2 =	sadd.s32 $0xFFFFFFFF, s2;
	s0 =	spop (v2sf)  }
0x1fa: {  	p1 =	sne.s32 s2, $0x0;
	p0 =	sgt.u32 s0, $0x270F8  }
.Ltmp39:
0x1fb: {  	s5 =	sand.u32 @!p0 $0x3FFF8, s0;
	(pc) =	sbr.rel @!p1 .LBB3_41-.Ltmp39, $4  }
0x1fc: {  	s4 =	simm.s32 $0xA138;
	s0 =	sand.u32 @!p0 $0x7, s0;
	s5 =	sadd.s32 @!p0 s1, s5  }
0x1fd: {  	[hbm4b:s5+s0] =	stream.linear.scatter @!p0 [tilespmem:s4], [sflag:$0x5], $0x40, $0x38;
	[tilespmem:$0x1EF78] =	vst v63  }
0x1fe: {  	s0 =	simm.s32 $0x0  }
0x1ff: {  	s5 =	simm.s32 $0xA119;
	s0 =	simm.s32 @!p0 $0x100  }
.LBB3_40:
0x200: {  	v0 =	vld.msk [tilespmem:s5+$0x0], $0x1;
	s2 =	sadd.s32 $0xFFFFFFFF, s2;
	s3 =	sadd.s32 s3, s0  }
0x201: {  	p0 =	sne.s32 s2, $0x0;
	_ =	sdelay $0x3  }
0x202: {  	(v2sf) =	vpush v0, $0x0;
	_ =	sdelay $0xe  }
.Ltmp40:
0x203: {  	s6 =	spop (v2sf);
	(pc) =	sbr.rel @p0 .LBB3_40-.Ltmp40, $4  }
0x204: {  	s0 =	simm.s32 $0x0;
	p1 =	sgt.u32 s6, $0x270F8  }
0x205: {  	s4 =	sadd.s32 $0x40, s4;
	s0 =	simm.s32 @!p1 $0x100;
	s7 =	sand.u32 @!p1 $0x3FFF8, s6  }
0x206: {  	s5 =	sadd.s32 $0x1, s5;
	s6 =	sand.u32 @!p1 $0x7, s6;
	s7 =	sadd.s32 @!p1 s1, s7  }
0x207: {  	[hbm4b:s7+s6] =	stream.linear.scatter @!p1 [tilespmem:s4], [sflag:$0x5], $0x40, $0x38;
	[tilespmem:$0x1EF78] =	vst v63  }
.LBB3_41:
0x208: {  	s0 =	sadd.s32 s3, s0  }
0x209: {  	s3 =	sshrl.u32 s0, $0x2  }
.LBB3_42:
0x20a: {  	s0 =	simm.s32 $0x5  }
0x20b: {  	_ =	swait.ge [sflag:s0], s3  }
0x20c: {  	s1 =	ssub.s32 $0x0, s3;
	[sflag:s0] =	ssyncset.done $0x0  }
0x20d: {  	[sflag:s0] =	ssyncadd.s32 s1  }
0x20e: {  	[sflag:s0] =	ssyncpa.u1 $0x1  }
0x20f: {  	s30 =	simm.s32 $0x1;
	_ =	sfence  }
0x210: {  	[sflag:s30] =	ssyncpa.u1 $0x1  }
0x211: {  	_ =	strace $0x9000004D  }
0x212: {  	[bflag:$0x2] =	sbarrier.arrive $0xFFFF  }
0x213: {  	s31 =	rddreg [dreg:$0x1]  }
0x214: {  	s0 =	sadd.s32 $0x100000, s31  }
0x215: {  	[sflag:s0] =	ssyncadd.tile.s32 $0x1;
	_ =	shalt  }
.Lfunc_end3:
_tile_overlayer_lowered:
.L_overlay_start_3:
0x216: {  	(tag) =	ssettag $0x3  }
0x217: {  	s0 =	rddreg [dreg:$0x0];
	s2 =	stileid.u32  }
0x218: {  	s1 =	rddreg [dreg:$0x1];
	p0 =	sne.s32 s2, $0x0  }
0x219: {  	s3 =	rddreg [dreg:$0x2];
	[bflag:$0x3] =	sbarrier.arrive $0xFFFF;
	s2 =	simm.s32 @!p0 $0x1C01  }
0x21a: {  	[timem:s3], [sflag:s2] =	dma.local @!p0 [hbm:s0], s1  }
0x21b: {  	s0 =	simm.s32 @!p0 $0x1  }
0x21c: {  	_ =	swait.ge @!p0 [sflag:s0], s1  }
0x21d: {  	s1 =	ssub.s32 @!p0 $0x0, s1;
	[sflag:s0] =	ssyncset.done @!p0 $0x0  }
0x21e: {  	[sflag:s0] =	ssyncadd.s32 @!p0 s1  }
0x21f: {  	[bflag:$0x3] =	sbarrier.arrive $0xFFFF  }
0x220: {  	_ =	shalt  }

// kernel: scatter_offload_async_start.2
scs
__scs_entry_jumppad:
0x0: {  	(pc) =	sbr.rel $0x88, $3  }
0x1: {  	(tag) =	ssettag $0x0;
	lr =	simm.s32 $0x1  }
0x2: {  	[smem:$0x3F8D] =	sst lr;
	_ =	strace $0xD0000000  }
0x3: {  	_ = 	snop  }
0x4: {  	_ = 	snop  }
0x5: {  	_ = 	snop  }
0x6: {  	_ = 	snop  }
0x7: {  	_ = 	snop  }
__scs_overlays_trampoline_lowered:
0x8: {  	[smem:$0x3F9C] =	sst s0  }
0x9: {  	[smem:$0x3F9D] =	sst s1  }
0xa: {  	[smem:$0x3F9E] =	sst s2  }
0xb: {  	[smem:$0x3F9F] =	sst s3  }
0xc: {  	[smem:$0x3FA0] =	sst s4  }
0xd: {  	[smem:$0x3FA1] =	sst s5  }
0xe: {  	[smem:$0x3FA2] =	sst s6  }
0xf: {  	[smem:$0x3FA3] =	sst s7  }
0x10: {  	[smem:$0x3FA4] =	sst s8  }
0x11: {  	[smem:$0x3FA5] =	sst s9;
	s0 =	simm.s32 @!p0 $0x0  }
0x12: {  	s1 =	sld [smem:$0x3F8B];
	s0 =	simm.s32 @p0 $0x1  }
0x13: {  	[smem:$0x3FA6] =	sst s0;
	s0 =	simm.s32 @!p1 $0x0  }
0x14: {  	s2 =	sld [smem:$0x3F8A];
	s0 =	simm.s32 @p1 $0x1  }
0x15: {  	[smem:$0x3FA7] =	sst s0;
	s0 =	simm.s32 @!p2 $0x0  }
0x16: {  	s3 =	sld [smem:$0x3FDB];
	s0 =	simm.s32 @p2 $0x1  }
0x17: {  	s4 =	simm.s32 $0x1BF5;
	[smem:$0x3FA9] =	sst s0  }
0x18: {  	s0 =	sld [smem:$0x3F8C];
	_ =	swait.ge [sflag:s4], $0x0  }
0x19: {  	s7 =	sld [smem:$0x3F8D]  }
0x1a: {  	s8 =	sadd.s32 $0xFFFFE003, lr  }
0x1b: {  	s9 =	sadd.s32 $0xFFFFFEF7, lr;
	s5 =	simm.s32 $0xFFFFFFFF;
	p2 =	slt.u32 s8, $0xFFFFF086  }
0x1c: {  	p1 =	slt.u32 s9, $0xF7A;
	s5 =	simm.s32 @!p2 $0x0  }
0x1d: {  	s5 =	simm.s32 @p1 $0x1;
	p0 =	seq.s32 s7, s2  }
0x1e: {  	s7 =	smul.u32 @!p0 $0xF7A, s2;
	p2 =	seq.s32 @!p0 s5, $0x0  }
0x1f: {  	s9 =	smul.u32 $0xF7A, s1;
	s8 =	simm.s32 @!p0 $0x1BF5;
	p2 =	por !p2, p0  }
0x20: {  	[sflag:s8] =	ssyncset.s32 @!p0 $0xFFFFF086;
	s6 =	sadd.s32 @!p0 s3, s7;
	s7 =	simm.s32 @!p0 $0x108  }
0x21: {  	s3 =	sadd.s32 s3, s9;
	s6 =	sadd.s32 @!p0 $0x88, s6;
	s7 =	simm.s32 @p2 $0x1082  }
0x22: {  	[simem:s7], [sflag:s8] =	dma.local @!p0 [hbm:s6], $0xF7A  }
0x23: {  	s9 =	sor.u32 $0xD0000000, s2;
	s6 =	simm.s32 $0x108;
	_ =	swait.ge @!p0 [sflag:s8], $0x0  }
0x24: {  	s3 =	sadd.s32 $0x88, s3;
	s6 =	simm.s32 @!p1 $0x1082;
	[sflag:s4] =	ssyncset.s32 $0xFFFFF086  }
0x25: {  	[simem:s6], [sflag:s4] =	dma.local [hbm:s3], $0xF7A  }
0x26: {  	[smem:$0x3F8D] =	sst s1;
	(tag) =	ssettag s2;
	_ =	strace s9  }
0x27: {  	s1 =	sld [smem:$0x3F9D]  }
0x28: {  	s2 =	sld [smem:$0x3F9E]  }
0x29: {  	s4 =	sld [smem:$0x3FA0]  }
0x2a: {  	p0 =	seq.s32 s5, $0x0;
	s5 =	sld [smem:$0x3FA1]  }
0x2b: {  	s6 =	sld [smem:$0x3FA2]  }
0x2c: {  	s7 =	sld [smem:$0x3FA3]  }
0x2d: {  	s3 =	simm.s32 $0x108;
	s8 =	sld [smem:$0x3FA4]  }
0x2e: {  	s3 =	simm.s32 @!p0 $0x1082;
	s9 =	sld [smem:$0x3FA5]  }
0x2f: {  	lr =	sadd.s32 s0, s3;
	s0 =	sld [smem:$0x3F9C]  }
0x30: {  	s3 =	sld [smem:$0x3F9F]  }
0x31: {  	[smem:$0x3FA8] =	sst s10  }
0x32: {  	s10 =	sld [smem:$0x3FA6];
	_ =	sdelay $0x3  }
0x33: {  	p0 =	seq.s32 s10, $0x1;
	s10 =	sld [smem:$0x3FA8];
	_ =	sdelay $0x3  }
0x34: {  	[smem:$0x3FA8] =	sst s10  }
0x35: {  	s10 =	sld [smem:$0x3FA7];
	_ =	sdelay $0x3  }
0x36: {  	p1 =	seq.s32 s10, $0x1;
	s10 =	sld [smem:$0x3FA8];
	_ =	sdelay $0x3  }
0x37: {  	[smem:$0x3FA8] =	sst s10  }
0x38: {  	s10 =	sld [smem:$0x3FA9]  }
0x39: {  	_ = 	snop;
	(pc) =	sbr.ind lr, $3  }
0x3a: {  	_ = 	snop  }
0x3b: {  	_ = 	snop  }
0x3c: {  	p2 =	seq.s32 s10, $0x1;
	s10 =	sld [smem:$0x3FA8]  }
0x3d: {  	_ =	shalt  }
0x3e: {  	_ =	shalt  }
0x3f: {  	_ =	shalt  }
0x40: {  	_ =	shalt  }
0x41: {  	_ =	shalt  }
0x42: {  	_ =	shalt  }
0x43: {  	_ =	shalt  }
0x44: {  	_ =	shalt  }
0x45: {  	_ =	shalt  }
0x46: {  	_ =	shalt  }
0x47: {  	_ =	shalt  }
0x48: {  	_ =	shalt  }
0x49: {  	_ =	shalt  }
0x4a: {  	_ =	shalt  }
0x4b: {  	_ =	shalt  }
0x4c: {  	_ =	shalt  }
0x4d: {  	_ =	shalt  }
0x4e: {  	_ =	shalt  }
0x4f: {  	_ =	shalt  }
0x50: {  	_ =	shalt  }
0x51: {  	_ =	shalt  }
0x52: {  	_ =	shalt  }
0x53: {  	_ =	shalt  }
0x54: {  	_ =	shalt  }
0x55: {  	_ =	shalt  }
0x56: {  	_ =	shalt  }
0x57: {  	_ =	shalt  }
0x58: {  	_ =	shalt  }
0x59: {  	_ =	shalt  }
0x5a: {  	_ =	shalt  }
0x5b: {  	_ =	shalt  }
0x5c: {  	_ =	shalt  }
0x5d: {  	_ =	shalt  }
0x5e: {  	_ =	shalt  }
0x5f: {  	_ =	shalt  }
0x60: {  	_ =	shalt  }
0x61: {  	_ =	shalt  }
0x62: {  	_ =	shalt  }
0x63: {  	_ =	shalt  }
0x64: {  	_ =	shalt  }
0x65: {  	_ =	shalt  }
0x66: {  	_ =	shalt  }
0x67: {  	_ =	shalt  }
0x68: {  	_ =	shalt  }
0x69: {  	_ =	shalt  }
0x6a: {  	_ =	shalt  }
0x6b: {  	_ =	shalt  }
0x6c: {  	_ =	shalt  }
0x6d: {  	_ =	shalt  }
0x6e: {  	_ =	shalt  }
0x6f: {  	_ =	shalt  }
0x70: {  	_ =	shalt  }
0x71: {  	_ =	shalt  }
0x72: {  	_ =	shalt  }
0x73: {  	_ =	shalt  }
0x74: {  	_ =	shalt  }
0x75: {  	_ =	shalt  }
0x76: {  	_ =	shalt  }
0x77: {  	_ =	shalt  }
0x78: {  	_ =	shalt  }
0x79: {  	_ =	shalt  }
0x7a: {  	_ =	shalt  }
0x7b: {  	_ =	shalt  }
0x7c: {  	_ =	shalt  }
0x7d: {  	_ =	shalt  }
0x7e: {  	_ =	shalt  }
0x7f: {  	_ =	shalt  }
0x80: {  	_ =	shalt  }
0x81: {  	_ =	shalt  }
0x82: {  	_ =	shalt  }
0x83: {  	_ =	shalt  }
0x84: {  	_ =	shalt  }
0x85: {  	_ =	shalt  }
0x86: {  	_ =	shalt  }
0x87: {  	_ =	shalt  }
.Lfunc_end0:
.L_simem_size_0:
called_computation.2_lowered:
.L_overlay_start_0:
0x88: {  	s0 =	sld [smem:$0x3FD9]  }
0x89: {  	s1 =	sld [smem:$0x3FFE];
	_ =	sdelay $0x3  }
0x8a: {  	s0 =	sadd.s32 s1, s0  }
0x8b: {  	[smem:$0x3FB4] =	sst s0  }
0x8c: {  	_ = 	snop  }
0x8d: {  	(tm) =	ssettm $0x1  }
0x8e: {  	s14 =	sld [smem:$0x3FFB];
	_ =	sdelay $0x3  }
0x8f: {  	_ =	strace s14  }
0x90: {  	s0 =	sld [smem:$0x3FFC];
	_ =	sdelay $0x3  }
0x91: {  	_ =	strace s0  }
0x92: {  	s0 =	sld [smem:$0x3FFD];
	_ =	sdelay $0x3  }
0x93: {  	_ =	strace s0  }
0x94: {  	_ =	strace $0x8FFFFFFF  }
0x95: {  	s15 =	sld [smem:$0x3FDB];
	_ =	sdelay $0x1  }
0x96: {  	s16 =	simm.s32 $_scs_section_size  }
0x97: {  	s2 =	simm.s32 $_size__tile_overlayer_lowered;
	s3 =	simm.s32 $_tile_overlayer_lowered  }
0x98: {  	s4 =	simm.s32 $0x1BFF;
	s17 =	sshll.u32 s3, $0x1;
	s1 =	sadd.s32 s16, s15  }
0x99: {  	s18 =	simm.s32 $0x0;
	s2 =	sshll.u32 s2, $0x1;
	s3 =	sadd.s32 s17, s1  }
0x9a: {  	[timem:s18], [sflag:s4] =	dma.local [hbm:s3], s2  }
0x9b: {  	_ =	swait.ge [sflag:s4], s2  }
0x9c: {  	s2 =	ssub.s32 $0x0, s2;
	[sflag:s4] =	ssyncset.done $0x0  }
0x9d: {  	[sflag:s4] =	ssyncadd.s32 s2;
	_ =	sdelay $0x1  }
0x9e: {  	s19 =	simm.s32 $0x1B8B  }
0x9f: {  	_ =	swait.ge [sflag:s19], $0x1  }
0xa0: {  	[sflag:s19] =	ssyncset.done $0x0  }
0xa1: {  	s21 =	simm.s32 $0x1B8E;
	s20 =	sld [smem:$0x3FFE];
	[sflag:s19] =	ssyncadd.s32 $0xFFFFFFFF  }
0xa2: {  	s22 =	simm.s32 $execute0_lowered;
	[smem:$0x3FD2] =	sst s21  }
0xa3: {  	s3 =	sshll.u32 s22, $0x1;
	_ =	strace $0x8000004F;
	[dreg:$0x1] =	wrdreg $0xFFFFFFFF  }
0xa4: {  	s23 =	simm.s32 $_size_execute0_lowered;
	s3 =	sadd.s32 s1, s3;
	[dreg:$0x0] =	wrdreg $0x0  }
0xa5: {  	s4 =	sshll.u32 s23, $0x1;
	[dreg:$0x2] =	wrdreg s3  }
0xa6: {  	[dreg:$0x3] =	wrdreg s4  }
0xa7: {  	[dreg:$0x4] =	wrdreg $0xC0  }
0xa8: {  	s24 =	simm.s32 $execute1_lowered;
	_ =	task [dreg:s18], $0x5FFFF  }
0xa9: {  	s3 =	sshll.u32 s24, $0x1;
	[dreg:$0x1] =	wrdreg $0xFFFFFFFF  }
0xaa: {  	s1 =	sadd.s32 s1, s3;
	[dreg:$0x0] =	wrdreg $0x60  }
0xab: {  	[dreg:$0x2] =	wrdreg s1  }
0xac: {  	[dreg:$0x3] =	wrdreg s20  }
0xad: {  	[dreg:$0x4] =	wrdreg $0x9  }
0xae: {  	_ =	task.clear_ibuf [dreg:s18], $0x5FFFF;
	_ =	strace $0x9000004F  }
0xaf: {  	s25 =	simm.s32 $0x9;
	_ =	strace $0x80000051  }
0xb0: {  	_ =	swait.ge [sflag:s25], $0x1  }
0xb1: {  	[sflag:s25] =	ssyncadd.s32 $0xFFFFFFFF  }
0xb2: {  	_ =	strace $0x90000051  }
0xb3: {  	_ =	strace $0x80000052;
	[dreg:$0x1] =	wrdreg $0xFFFFFFFF  }
0xb4: {  	[dreg:$0x0] =	wrdreg $0x2030  }
0xb5: {  	[dreg:$0x2] =	wrdreg s20  }
0xb6: {  	[dreg:$0x3] =	wrdreg $0xA  }
0xb7: {  	_ =	task.clear_ibuf [dreg:s18], $0x4FFFF;
	_ =	strace $0x90000052  }
0xb8: {  	s26 =	simm.s32 $0xA;
	_ =	strace $0x80000054  }
0xb9: {  	_ =	swait.ge [sflag:s26], $0x1  }
0xba: {  	[sflag:s26] =	ssyncadd.s32 $0xFFFFFFFF  }
0xbb: {  	_ =	strace $0x90000054  }
0xbc: {  	_ =	sfence  }
0xbd: {  	s28 =	sld [smem:$0x0];
	_ =	sdelay $0x1  }
0xbe: {  	s29 =	srdreg.scid  }
0xbf: {  	s30 =	sshll.u32 s29, $0xD;
	s31 =	sshrl.u32 s29, $0x2  }
0xc0: {  	s2 =	sand.u32 $0x1, s29;
	s3 =	sand.u32 $0x4000, s30;
	s1 =	sadd.s32 s31, s28  }
0xc1: {  	s2 =	sor.u32 s3, s2;
	s1 =	sshll.u32 s1, $0x11  }
0xc2: {  	s1 =	sor.u32 s1, s2  }
0xc3: {  	s1 =	sadd.s32 $0x8F2B, s1  }
0xc4: {  	[sflag:s1] =	ssyncadd.remote.s32 $0x1  }
0xc5: {  	_ =	sfence.sel $0xFFFF  }
0xc6: {  	[dreg:$0x0] =	wrdreg $0xFFFFFFFF;
	(pc) =	sbr.abs _section_cstart, $3  }
0xc7: {  	[dreg:$0x1] =	wrdreg $0xFFFFFFFF  }
0xc8: {  	_ =	task.clear_ibuf [dreg:s18], $0x2FFFF;
	_ =	strace $0x9FFFFFFF  }
0xc9: {  	(tm) =	ssettm $0x7FFFFFFF  }
tec
execute0_lowered:
.L_overlay_start_1:
0x0: {  	(tag) =	ssettag $0x1  }
0x1: {  	s2 =	rddreg [dreg:$0x0]  }
0x2: {  	s5 =	rddreg [dreg:$0x1]  }
0x3: {  	s0 =	rddreg [dreg:$0x2];
	s3 =	stileid.u32  }
0x4: {  	[bflag:$0x3] =	sbarrier.arrive $0xFFFF;
	s1 =	simm.s32 $_size_execute1_lowered;
	s31 =	simm.s32 $0x2  }
0x5: {  	s13 =	simm.s32 $0x0;
	s8 =	simm.s32 $0x40;
	s9 =	simm.s32 $0x80  }
0x6: {  	s11 =	simm.s32 $0x0;
	s12 =	simm.s32 $0x0;
	p0 =	sne.s32 s3, $0x0  }
0x7: {  	s1 =	sshll.u32 s1, $0x1;
	s3 =	sshll.u32 s3, $0x8;
	s4 =	simm.s32 @!p0 $0x1C3F  }
.Ltmp0:
0x8: {  	s6 =	simm.s32 @!p0 $0x4060;
	s7 =	ssub.s32 $0x2700, s3;
	(pc) =	sbr.rel .LBB2_1-.Ltmp0, $4  }
0x9: {  	[timem:s6], [sflag:s4] =	dma.local @!p0 [hbm:s2], s1  }
0xa: {  	s10 =	smov.u32 s3;
	s4 =	simm.s32 $0x1;
	_ =	strace $0x80000050  }
0xb: {  	s2 =	sadd.s32 $0x47200, s5;
	s6 =	sshrl.u32 s7, $0xC;
	[sflag:s4] =	ssyncpa.u1 $0x0  }
0xc: {  	s5 =	sadd.s32 $0x577600, s5;
	s7 =	sadd.s32 $0x2, s6;
	[sflag:s31] =	ssyncpa.u1 $0x0  }
.LBB2_5:
0xd: {  	_ =	sdelay $0x3  }
0xe: {  	[tilespmem:v3+s18+$0x0 ss:$0x1] =	vst.idx.msk $0xffff, v1  }
0xf: {  	[tilespmem:v3+s17+$0x0 ss:$0x1] =	vst.idx.msk $0xffff, v2  }
0x10: {  	[tilespmem:v3+s16+$0x0 ss:$0x1] =	vst.idx.msk $0xffff, v4  }
0x11: {  	[tilespmem:v3+s19+$0x0 ss:$0x1] =	vst.idx.msk $0xffff, v5  }
.LBB2_6:
0x12: {  	s16 =	sand.u32 $0x1FFFFFF, s11  }
0x13: {  	s17 =	smulhi.u32 $0x1A36E2F, s16;
	_ =	sdelay $0x1  }
0x14: {  	s17 =	sshrl.u32 s17, $0x6  }
0x15: {  	s17 =	smul.u32 $0x2710, s17;
	_ =	sdelay $0x1  }
0x16: {  	s16 =	ssub.s32 s16, s17  }
0x17: {  	s16 =	sshll.u32 s16, $0x4  }
0x18: {  	s16 =	sadd.s32 s5, s16  }
0x19: {  	[hbm4b:s16+s8] =	stream.strided.scatter [tilespmem:s15], [sflag:$0x2], s14, s9, s8, $0x38;
	[tilespmem:$0x10000] =	vst v63  }
.LBB2_7:
0x1a: {  	p1 =	slt.u32 s12, $0x2  }
0x1b: {  	p2 =	sgt.s32 @!p1 s13, $0x2610  }
0x1c: {  	s14 =	smov.u32 s13;
	s15 =	sshra.s32 @!p1 s13, $0x1F;
	p2 =	por !p2, p1  }
0x1d: {  	s13 =	sand.u32 @!p1 s15, s13;
	s14 =	simm.s32 @p2 $0x2610  }
0x1e: {  	s13 =	ssub.s32 @!p1 s14, s13  }
0x1f: {  	s13 =	sadd.s32 @!p1 $0xFFFFD9F0, s13  }
0x20: {  	s14 =	sshll.u32 @!p1 s13, $0x8  }
0x21: {  	p2 =	sgt.s32 @!p1 s13, $0xFF;
	s13 =	ssub.s32 @!p1 $0x10000, s14  }
0x22: {  	s15 =	sadd.s32 $0x1000, s10;
	p2 =	por !p2, p1;
	s13 =	sshrl.u32 @!p1 s13, $0x2  }
0x23: {  	s13 =	simm.s32 @!p2 $0x0;
	p2 =	sgt.s32 s15, $0x270F  }
0x24: {  	s15 =	smov.u32 @p2 s3;
	p2 =	sne.s32 s12, s7  }
.Ltmp1:
0x25: {  	_ = 	snop;
	(pc) =	sbr.rel @!p2 .LBB2_8-.Ltmp1, $4  }
0x26: {  	s14 =	simm.s32 @!p1 $0x2  }
0x27: {  	_ =	swait.ge @!p1 [sflag:s14], s13;
	s16 =	ssub.s32 @!p1 $0x0, s13  }
0x28: {  	s13 =	smov.u32 s11;
	s12 =	sadd.s32 $0x1, s12;
	[sflag:s14] =	ssyncset.done @!p1 $0x0  }
0x29: {  	s11 =	smov.u32 s10;
	s10 =	smov.u32 s15;
	[sflag:s14] =	ssyncadd.s32 @!p1 s16  }
.LBB2_1:
0x2a: {  	p1 =	sgt.u32 s12, s6  }
0x2b: {  	s15 =	smov.u32 s10;
	p2 =	sgt.s32 @!p1 s10, $0x2610  }
0x2c: {  	s14 =	sand.u32 @!p1 $0x1FFFFFF, s10;
	s16 =	sshra.s32 @!p1 s10, $0x1F;
	p2 =	por !p2, p1  }
0x2d: {  	s17 =	smulhi.u32 @!p1 $0x1A36E2F, s14;
	s16 =	sand.u32 @!p1 s16, s10;
	s15 =	simm.s32 @p2 $0x2610  }
0x2e: {  	s15 =	ssub.s32 @!p1 s15, s16  }
0x2f: {  	s16 =	sshrl.u32 @!p1 s17, $0x6;
	s15 =	sadd.s32 @!p1 $0xFFFFD9F0, s15  }
0x30: {  	s17 =	sxor.u32 @!p1 $0xFFFFFFFF, s12;
	s16 =	smul.u32 @!p1 $0x2710, s16;
	s18 =	sshll.u32 @!p1 s15, $0x8  }
0x31: {  	s17 =	sshll.u32 @!p1 s17, $0xE;
	p2 =	sgt.s32 @!p1 s15, $0xFF;
	s15 =	ssub.s32 @!p1 $0x10000, s18  }
0x32: {  	s14 =	ssub.s32 @!p1 s14, s16;
	p2 =	por !p2, p1;
	s16 =	sand.u32 @!p1 $0x4000, s17  }
0x33: {  	s17 =	simm.s32 @!p1 $0x40;
	s15 =	sshrl.u32 @!p1 s15, $0x2;
	s14 =	sshll.u32 @!p1 s14, $0x4  }
0x34: {  	s18 =	simm.s32 @!p1 $0x80;
	s15 =	simm.s32 @!p2 $0x0;
	s14 =	sadd.s32 @!p1 s2, s14  }
0x35: {  	[tilespmem:s16], [sflag:$0x1] =	stream.strided.gather @!p1 [hbm4b:s14+s17], s15, s18, s17, $0x38;
	[tilespmem:$0x10000] =	vst v63  }
0x36: {  	p1 =	seq.s32 s12, $0x0  }
0x37: {  	p2 =	sge.u32 @!p1 s12, s7  }
0x38: {  	p1 =	por p1, p2  }
.Ltmp2:
0x39: {  	_ = 	snop;
	(pc) =	sbr.rel @p1 .LBB2_7-.Ltmp2, $1  }
0x3a: {  	_ =	sdelay $0x3  }
0x3b: {  	p1 =	sgt.s32 s11, $0x2610;
	s14 =	smov.u32 s11;
	s15 =	sshra.s32 s11, $0x1F  }
0x3c: {  	s14 =	simm.s32 @!p1 $0x2610;
	s15 =	sand.u32 s15, s11  }
0x3d: {  	s14 =	ssub.s32 s14, s15  }
0x3e: {  	s14 =	sadd.s32 $0xFFFFD9F0, s14  }
0x3f: {  	s31 =	sshll.u32 s14, $0x8  }
0x40: {  	s15 =	ssub.s32 $0x10000, s31  }
0x41: {  	p1 =	sgt.s32 s14, $0xFF;
	s14 =	sshrl.u32 s15, $0x2;
	s15 =	sadd.s32 $0x100, s11  }
0x42: {  	s14 =	simm.s32 @p1 $0x0;
	p1 =	slt.s32 s15, $0x2710  }
0x43: {  	s15 =	simm.s32 @!p1 $0x2710  }
0x44: {  	s20 =	ssub.s32 s15, s11  }
0x45: {  	p1 =	slt.s32 s20, $0x1  }
.Ltmp3:
0x46: {  	_ = 	snop;
	(pc) =	sbr.rel @p1 .LBB2_6-.Ltmp3, $4  }
0x47: {  	_ = 	snop  }
0x48: {  	s16 =	sshll.u32 s12, $0xE;
	_ =	swait.ge [sflag:s4], s14  }
0x49: {  	s16 =	sand.u32 $0x4000, s16;
	s17 =	ssub.s32 $0x0, s14;
	[sflag:s4] =	ssyncset.done $0x0  }
0x4a: {  	s15 =	sor.u32 $0x8000, s16;
	[sflag:s4] =	ssyncadd.s32 s17  }
0x4b: {  	v0 =	vmov s16;
	_ =	sdelay $0x2  }
0x4c: {  	s31 =	simm.s32 $0x0;
	p1 =	sne.s32 s20, $0x1  }
.Ltmp4:
0x4d: {  	s18 =	sand.u32 $0x3FC0, s31;
	(pc) =	sbr.rel @!p1 .LBB2_5-.Ltmp4, $4  }
0x4e: {  	s17 =	sor.u32 $0x30, s18;
	v1 =	vld.idx.msk [tilespmem:v0+s18+$0x0 ss:$0x1], $0xffff  }
0x4f: {  	v3 =	vmov s15;
	s16 =	sor.u32 $0x10, s18;
	v2 =	vld.idx.msk [tilespmem:v0+s17+$0x0 ss:$0x1], $0xffff  }
0x50: {  	s19 =	sor.u32 $0x20, s18;
	v4 =	vld.idx.msk [tilespmem:v0+s16+$0x0 ss:$0x1], $0xffff  }
0x51: {  	s20 =	sadd.s32 $0xFFFFFFFF, s20;
	s21 =	simm.s32 $0x40;
	v5 =	vld.idx.msk [tilespmem:v0+s19+$0x0 ss:$0x1], $0xffff  }
.LBB2_4:
0x52: {  	s22 =	sand.u32 $0x3FC0, s21  }
0x53: {  	p1 =	sne.s32 s20, $0x1;
	s20 =	sadd.s32 $0xFFFFFFFF, s20;
	s23 =	sor.u32 $0x10, s22  }
.Ltmp5:
0x54: {  	s24 =	sor.u32 $0x20, s22;
	s25 =	sor.u32 $0x30, s22;
	[tilespmem:v3+s18+$0x0 ss:$0x1] =	vst.idx.msk $0xffff, v1;
	v1 =	vld.idx.msk [tilespmem:v0+s22+$0x0 ss:$0x1], $0xffff;
	(pc) =	sbr.rel @p1 .LBB2_4-.Ltmp5, $4  }
0x55: {  	s18 =	smov.u32 s22;
	[tilespmem:v3+s17+$0x0 ss:$0x1] =	vst.idx.msk $0xffff, v2;
	v2 =	vld.idx.msk [tilespmem:v0+s25+$0x0 ss:$0x1], $0xffff;
	s17 =	smov.u32 s25  }
0x56: {  	[tilespmem:v3+s16+$0x0 ss:$0x1] =	vst.idx.msk $0xffff, v4;
	v4 =	vld.idx.msk [tilespmem:v0+s23+$0x0 ss:$0x1], $0xffff;
	s16 =	smov.u32 s23  }
0x57: {  	[tilespmem:v3+s19+$0x0 ss:$0x1] =	vst.idx.msk $0xffff, v5;
	v5 =	vld.idx.msk [tilespmem:v0+s24+$0x0 ss:$0x1], $0xffff;
	s19 =	smov.u32 s24  }
0x58: {  	s21 =	sadd.s32 $0x40, s21  }
.Ltmp6:
0x59: {  	_ = 	snop;
	(pc) =	sbr.rel .LBB2_5-.Ltmp6, $1  }
0x5a: {  	_ =	sdelay $0x3  }
.LBB2_8:
0x5b: {  	_ =	sfence.sel $0x180000  }
0x5c: {  	s2 =	simm.s32 $0x1;
	[bflag:$0x0] =	sbarrier.arrive $0xFFFF  }
0x5d: {  	s31 =	simm.s32 $0x2;
	[sflag:s2] =	ssyncpa.u1 $0x1  }
0x5e: {  	[sflag:s31] =	ssyncpa.u1 $0x1  }
0x5f: {  	_ =	strace $0x90000050  }
0x60: {  	s0 =	sadd.s32 @!p0 $0x100000, s0;
	[bflag:$0x2] =	sbarrier.arrive $0xFFFF  }
0x61: {  	[sflag:s0] =	ssyncadd.tile.s32 @!p0 $0x1;
	s0 =	simm.s32 @!p0 $0x3F  }
0x62: {  	_ =	swait.ge @!p0 [sflag:s0], s1  }
0x63: {  	s1 =	ssub.s32 @!p0 $0x0, s1;
	[sflag:s0] =	ssyncset.done @!p0 $0x0  }
0x64: {  	[sflag:s0] =	ssyncadd.s32 @!p0 s1  }
0x65: {  	[bflag:$0x3] =	sbarrier.arrive $0xFFFF  }
0x66: {  	_ =	shalt  }
.Lfunc_end2:
execute1_lowered:
.L_overlay_start_2:
0x67: {  	(tag) =	ssettag $0x2  }
0x68: {  	s0 =	rddreg [dreg:$0x0];
	_ =	strace $0x80000053;
	s1 =	simm.s32 $0x1  }
0x69: {  	s8 =	simm.s32 $0x88;
	v0 =	vimm.s32 $0x0;
	[sflag:s1] =	ssyncpa.u1 $0x0  }
0x6a: {  	[tilespmem:s8+$0x30] =	vst v0  }
0x6b: {  	s1 =	sadd.s32 $0x577600, s0;
	s3 =	sadd.s32 $0x1EA00, s0;
	[tilespmem:s8+$0x20] =	vst v0  }
0x6c: {  	s4 =	sadd.s32 $0x6E400, s0;
	s5 =	sadd.s32 $0x28C00, s0;
	s0 =	simm.s32 $0x40;
	[tilespmem:s8+$0x10] =	vst v0  }
.LBB3_1:
0x6d: {  	s0 =	sadd.s32 $0x40, s0  }
0x6e: {  	[tilespmem:s8+$0x0] =	vst v0;
	s8 =	sadd.s32 $0x40, s8;
	p0 =	slt.u32 s0, $0x5040  }
.Ltmp7:
0x6f: {  	(pc) =	sbr.rel @p0 .LBB3_1-.Ltmp7, $4  }
0x70: {  	_ = 	snop  }
0x71: {  	[tilespmem:s8+$0x30] =	vst v0  }
0x72: {  	[tilespmem:s8+$0x20] =	vst v0  }
0x73: {  	[tilespmem:s8+$0x10] =	vst v0  }
0x74: {  	s9 =	stileid.u32  }
0x75: {  	s0 =	smin.u32 s9, $0x8;
	s2 =	sshll.u32 s9, $0x6  }
0x76: {  	s0 =	sor.u32 s0, s2  }
0x77: {  	p0 =	slt.u32 s9, $0x8;
	s6 =	smul.u32 $0x140, s0;
	s0 =	simm.s32 $0x5140  }
0x78: {  	s0 =	simm.s32 @!p0 $0x5000  }
0x79: {  	s0 =	sadd.s32 s0, s6  }
0x7a: {  	s7 =	smin.u32 s0, $0x50910  }
0x7b: {  	s0 =	ssub.s32 s7, s6  }
0x7c: {  	p0 =	sgt.s32 s0, $0x0  }
0x7d: {  	s0 =	simm.s32 @!p0 $0x0  }
0x7e: {  	s29 =	simm.s32 $0x2;
	s10 =	simm.s32 $0x7;
	s28 =	smulhi.u32 $0x66666667, s0  }
0x7f: {  	s31 =	simm.s32 $0x8;
	s11 =	simm.s32 $0x1;
	s15 =	simm.s32 $0x0  }
0x80: {  	p1 =	por $0x0, $0x0;
	s16 =	simm.s32 $0xA;
	s2 =	sshrl.u32 s28, $0x7  }
0x81: {  	s20 =	simm.s32 $0x0;
	s17 =	simm.s32 $0x0;
	s30 =	smul.u32 $0x140, s2  }
.Ltmp8:
0x82: {  	[tilespmem:s8+$0x0] =	vst v0;
	v0 =	vimm.s32 $0xFFFFFFFF;
	s19 =	simm.s32 $0x0;
	[sflag:s29] =	ssyncpa.u1 $0x0;
	(pc) =	sbr.rel .LBB3_3-.Ltmp8, $4  }
0x83: {  	[tilespmem:$0xA108] =	vst v0;
	[sflag:s10] =	ssyncpa.u1 $0x0;
	p0 =	sne.s32 s0, s30;
	s0 =	simm.s32 $0x1  }
0x84: {  	s10 =	simm.s32 $0x9;
	[sflag:s31] =	ssyncpa.u1 $0x0;
	s0 =	simm.s32 @!p0 $0x0  }
0x85: {  	s13 =	sshll.u32 s9, $0x7;
	[sflag:s10] =	ssyncpa.u1 $0x0;
	s12 =	sadd.s32 s0, s2  }
0x86: {  	v0 =	vlaneseq.u32;
	s18 =	smov.u32 s6;
	p0 =	por $0x1, $0x1;
	s14 =	sadd.s32 $0x1, s12  }
.LBB3_24:
0x87: {  	s0 =	sshrl.u32 s29, $0x2  }
.LBB3_26:
0x88: {  	_ =	swait.ge [sflag:s16], s0  }
0x89: {  	s31 =	ssub.s32 $0x0, s0;
	v1 =	vmov s22;
	vm0 =	veq.s32 v0, $0x0;
	[sflag:s16] =	ssyncset.done $0x0  }
0x8a: {  	vm15 =	veq.s32 v0, $0x2;
	v1 =	vsel vm0, s28, v1;
	[sflag:s16] =	ssyncadd.s32 s31  }
0x8b: {  	v1 =	vsel vm15, s20, v1;
	[sflag:s16] =	ssyncpa.u1 $0x1  }
0x8c: {  	[tilespmem:$0xA108] =	vst v1  }
.LBB3_27:
0x8d: {  	s0 =	sadd.s32 $0x140, s18  }
0x8e: {  	s2 =	smov.u32 s6;
	p2 =	slt.s32 s0, s7  }
0x8f: {  	s2 =	smov.u32 @p2 s0;
	p2 =	sne.s32 s19, s14  }
.Ltmp9:
0x90: {  	_ = 	snop;
	(pc) =	sbr.rel @!p2 .LBB3_28-.Ltmp9, $4  }
0x91: {  	_ = 	snop  }
0x92: {  	s20 =	smov.u32 s17  }
0x93: {  	s31 =	sadd.s32 $0x1, s19;
	s17 =	smov.u32 s18;
	p0 =	por !p0, !p0  }
0x94: {  	p1 =	por !p1, !p1;
	s19 =	smov.u32 s31;
	s18 =	smov.u32 s2  }
.LBB3_3:
0x95: {  	p2 =	sge.u32 s19, s12  }
0x96: {  	s0 =	smulhi.u32 @!p2 $0xAAAAAAAB, s19  }
0x97: {  	s2 =	smov.u32 s18;
	p3 =	sgt.s32 @!p2 s18, $0x507D0  }
0x98: {  	s8 =	sshra.s32 @!p2 s18, $0x1F;
	p3 =	por !p3, p2;
	s0 =	sshrl.u32 @!p2 s0, $0x1  }
0x99: {  	s8 =	sand.u32 @!p2 s8, s18;
	s2 =	simm.s32 @p3 $0x507D0;
	s0 =	smul.u32 @!p2 $0x3, s0  }
0x9a: {  	s2 =	ssub.s32 @!p2 s2, s8  }
0x9b: {  	s22 =	sadd.s32 $0xFFFFFFFF, s19;
	s2 =	sadd.s32 @!p2 $0xFFFAF830, s2;
	s0 =	ssub.s32 @!p2 s19, s0  }
0x9c: {  	s8 =	sshll.u32 @!p2 s2, $0x2;
	p3 =	sgt.s32 @!p2 s2, $0x13F;
	s0 =	smul.u32 @!p2 $0x500, s0  }
0x9d: {  	s21 =	sand.u32 @!p2 $0x7, s18;
	s2 =	ssub.s32 @!p2 $0x500, s8;
	p3 =	por !p3, p2  }
0x9e: {  	s8 =	sshrl.u32 @!p2 s18, $0x3;
	s2 =	sshrl.u32 @!p2 s2, $0x2;
	s0 =	sshrl.u32 @!p2 s0, $0x2  }
0x9f: {  	s8 =	sadd.s32 @!p2 s5, s8;
	s2 =	simm.s32 @!p3 $0x0;
	s0 =	sadd.s32 @!p2 $0xA938, s0  }
0xa0: {  	[tilespmem:s0], [sflag:$0x8] =	stream.linear.gather @!p2 [hbm4b:s8+s21], s2, $0x38;
	[tilespmem:$0x1EF78] =	vst v63  }
0xa1: {  	p2 =	sge.u32 s22, s12  }
0xa2: {  	p3 =	sgt.s32 @!p2 s17, $0x507D0  }
0xa3: {  	s0 =	smov.u32 s17;
	s2 =	sshra.s32 @!p2 s17, $0x1F;
	p3 =	por !p3, p2  }
0xa4: {  	s2 =	sand.u32 @!p2 s2, s17;
	s0 =	simm.s32 @p3 $0x507D0  }
0xa5: {  	s0 =	ssub.s32 @!p2 s0, s2  }
0xa6: {  	s0 =	sadd.s32 @!p2 $0xFFFAF830, s0  }
0xa7: {  	s2 =	sshll.u32 @!p2 s0, $0x2  }
0xa8: {  	p3 =	sgt.s32 @!p2 s0, $0x13F;
	s0 =	ssub.s32 @!p2 $0x500, s2  }
0xa9: {  	p3 =	por !p3, p2;
	s0 =	sshrl.u32 @!p2 s0, $0x2  }
0xaa: {  	s8 =	simm.s32 @!p2 $0x8;
	s2 =	sand.u32 @!p2 $0x1, s22;
	s0 =	simm.s32 @!p3 $0x0  }
0xab: {  	s2 =	smul.u32 @!p2 $0x500, s2;
	_ =	swait.ge @!p2 [sflag:s8], s0  }
0xac: {  	s21 =	ssub.s32 @!p2 $0x0, s0;
	[sflag:s8] =	ssyncset.done @!p2 $0x0  }
0xad: {  	s2 =	sshrl.u32 @!p2 s2, $0x2;
	[sflag:s8] =	ssyncadd.s32 @!p2 s21;
	s8 =	sshrl.u32 @!p2 s17, $0x3  }
0xae: {  	s2 =	sadd.s32 @!p2 $0xACF8, s2;
	s21 =	sand.u32 @!p2 $0x7, s17;
	s8 =	sadd.s32 @!p2 s3, s8  }
0xaf: {  	[tilespmem:s2], [sflag:$0x9] =	stream.linear.gather @!p2 [hbm4b:s8+s21], s0, $0x38;
	[tilespmem:$0x1EF78] =	vst v63  }
0xb0: {  	s21 =	ssub.s32 @!p2 $0x50910, s17  }
0xb1: {  	p3 =	slt.s32 @!p2 s21, $0x1  }
0xb2: {  	p3 =	por p2, p3  }
.Ltmp10:
0xb3: {  	_ = 	snop;
	(pc) =	sbr.rel @p3 .LBB3_9-.Ltmp10, $1  }
0xb4: {  	_ =	sdelay $0x3  }
0xb5: {  	s0 =	smulhi.u32 $0xAAAAAAAB, s22;
	_ =	sdelay $0x1  }
0xb6: {  	s0 =	sshrl.u32 s0, $0x1  }
0xb7: {  	s0 =	smul.u32 $0x3, s0;
	_ =	sdelay $0x1  }
0xb8: {  	s0 =	ssub.s32 s22, s0  }
0xb9: {  	s2 =	simm.s32 $0x1;
	s0 =	smul.u32 $0x500, s0  }
.Ltmp11:
0xba: {  	s2 =	simm.s32 @!p0 $0x0;
	(pc) =	sbr.rel .LBB3_6-.Ltmp11, $4  }
0xbb: {  	s2 =	smul.u32 $0x28000, s2  }
0xbc: {  	p3 =	slt.s32 @!p2 s21, $0x140;
	s0 =	sshrl.u32 s0, $0x2  }
0xbd: {  	p2 =	por !p3, p2;
	s2 =	sshrl.u32 s2, $0x2;
	s0 =	sadd.s32 $0xA938, s0  }
0xbe: {  	s23 =	simm.s32 $0x0;
	s21 =	simm.s32 @p2 $0x140;
	s22 =	sadd.s32 $0xAF78, s2;
	v1 =	vmov s0  }
.LBB3_5:
0xbf: {  	p2 =	sge.s32 s23, s21  }
.Ltmp12:
0xc0: {  	_ = 	snop;
	(pc) =	sbr.rel @p2 .LBB3_9-.Ltmp12, $2  }
0xc1: {  	_ =	sdelay $0x2  }
0xc2: {  	s22 =	sadd.s32 $0x800, s22  }
.LBB3_6:
0xc3: {  	p2 =	sle.s32 s21, s23  }
.Ltmp13:
0xc4: {  	_ = 	snop;
	(pc) =	sbr.rel @p2 .LBB3_5-.Ltmp13, $2  }
0xc5: {  	_ =	sdelay $0x2  }
0xc6: {  	s24 =	smov.u32 s23;
	s23 =	sadd.s32 $0x10, s23  }
0xc7: {  	s0 =	ssub.s32 s21, s24  }
0xc8: {  	p2 =	slt.s32 s0, $0x10  }
0xc9: {  	s0 =	simm.s32 @!p2 $0x10  }
0xca: {  	v2 =	vmov s0  }
0xcb: {  	vm0 =	vgt.s32 v2, v0;
	_ =	sdelay $0x5  }
0xcc: {  	v2 =	vld.idx.msk [tilespmem:v1+s24+$0x0 ss:$0x1], vm0;
	_ =	sdelay $0x2  }
0xcd: {  	p2 =	slt.s32 s23, s21;
	s0 =	smov.u32 s21  }
0xce: {  	s2 =	smov.u32 s22;
	s25 =	simm.s32 $0x0;
	s0 =	smov.u32 @p2 s23  }
.LBB3_8:
0xcf: {  	(v2sf) =	vpush v2, s25;
	_ =	sdelay $0xc  }
0xd0: {  	s25 =	sadd.s32 $0x1, s25  }
0xd1: {  	s31 =	sadd.s32 s25, s24  }
0xd2: {  	p2 =	slt.s32 s31, s0;
	s8 =	spop (v2sf)  }
.Ltmp14:
0xd3: {  	s8 =	sshll.u32 s8, $0x4;
	(pc) =	sbr.rel @p2 .LBB3_8-.Ltmp14, $4  }
0xd4: {  	s8 =	sand.u32 $0x1FFFFFF0, s8  }
0xd5: {  	s8 =	sadd.s32 s4, s8  }
0xd6: {  	[tilespmem:s2], [sflag:$0x7] =	stream.linear.gather [hbm4b:s8+s15], $0x40, $0x38;
	[tilespmem:$0x1EF78] =	vst v63  }
0xd7: {  	s2 =	sadd.s32 $0x80, s2  }
.Ltmp15:
0xd8: {  	_ = 	snop;
	(pc) =	sbr.rel .LBB3_5-.Ltmp15, $1  }
0xd9: {  	_ =	sdelay $0x3  }
.LBB3_9:
0xda: {  	p2 =	slt.u32 s19, $0x2  }
.Ltmp16:
0xdb: {  	_ = 	snop;
	(pc) =	sbr.rel @p2 .LBB3_27-.Ltmp16, $1  }
0xdc: {  	_ =	sdelay $0x3  }
0xdd: {  	p2 =	sgt.s32 s20, $0x507D0;
	s0 =	smov.u32 s20  }
0xde: {  	s2 =	sshra.s32 s20, $0x1F;
	s8 =	ssub.s32 $0x50910, s20;
	s0 =	simm.s32 @!p2 $0x507D0  }
0xdf: {  	s2 =	sand.u32 s2, s20;
	p2 =	slt.s32 s8, $0x140;
	s21 =	smov.u32 s8  }
0xe0: {  	s0 =	ssub.s32 s0, s2;
	s21 =	simm.s32 @!p2 $0x140  }
0xe1: {  	s0 =	sadd.s32 $0xFFFAF830, s0;
	s26 =	sshll.u32 s21, $0x6  }
0xe2: {  	s9 =	simm.s32 $0x7;
	s29 =	sshll.u32 s0, $0x2;
	s2 =	sand.u32 $0x3FFFFFC0, s26  }
0xe3: {  	p2 =	sgt.s32 s0, $0x13F;
	s30 =	ssub.s32 $0x500, s29;
	_ =	swait.ge [sflag:s9], s2  }
0xe4: {  	s2 =	ssub.s32 $0x0, s2;
	[sflag:s9] =	ssyncset.done $0x0;
	s0 =	sshrl.u32 s30, $0x2  }
0xe5: {  	[sflag:s9] =	ssyncadd.s32 s2;
	s0 =	simm.s32 @p2 $0x0  }
0xe6: {  	_ =	swait.ge [sflag:s10], s0  }
0xe7: {  	s0 =	ssub.s32 $0x0, s0;
	[sflag:s10] =	ssyncset.done $0x0  }
0xe8: {  	[sflag:s10] =	ssyncadd.s32 s0  }
0xe9: {  	v1 =	vld [tilespmem:$0xA108];
	_ =	sdelay $0x4  }
0xea: {  	(v2sf) =	vpush v1, $0x0  }
0xeb: {  	(v2sf) =	vpush v1, $0x1  }
0xec: {  	(v2sf) =	vpush v1, $0x2;
	_ =	sdelay $0x3  }
0xed: {  	s0 =	sadd.s32 $0x140, s20  }
0xee: {  	p2 =	slt.s32 s7, s0  }
0xef: {  	s0 =	smov.u32 @p2 s7;
	p2 =	sgt.s32 s8, $0x0  }
0xf0: {  	s24 =	ssub.s32 s0, s20;
	s8 =	simm.s32 @!p2 $0x0  }
0xf1: {  	p2 =	slt.s32 s8, s24  }
0xf2: {  	s24 =	smov.u32 @p2 s8  }
0xf3: {  	s23 =	simm.s32 $0x1;
	p2 =	slt.s32 s24, $0x1  }
.Ltmp17:
0xf4: {  	s23 =	simm.s32 @!p1 $0x0;
	(pc) =	sbr.rel @p2 .LBB3_14-.Ltmp17, $4  }
0xf5: {  	s31 =	smul.u32 $0x500, s23  }
0xf6: {  	s25 =	spop (v2sf)  }
0xf7: {  	s0 =	sshrl.u32 s31, $0x2;
	s28 =	spop (v2sf)  }
0xf8: {  	s21 =	sadd.s32 $0xACF8, s0;
	s20 =	spop (v2sf)  }
0xf9: {  	s0 =	smin.u32 s24, $0x10  }
0xfa: {  	v1 =	vmov s0  }
0xfb: {  	p3 =	sgt.s32 s24, $0x10;
	vm1 =	vgt.u32 v1, v0  }
.Ltmp18:
0xfc: {  	_ = 	snop;
	(pc) =	sbr.rel @!p3 .LBB3_13-.Ltmp18, $2  }
0xfd: {  	_ =	sdelay $0x2  }
0xfe: {  	s26 =	simm.s32 $0x10;
	s29 =	sadd.s32 $0xFFFFFFF0, s24;
	s22 =	smov.u32 s21;
	vm0 =	vmmov vm1  }
.LBB3_12:
0xff: {  	s0 =	smin.u32 s29, $0x10;
	s26 =	sadd.s32 $0x10, s26;
	v1 =	vld.msk [tilespmem:s22+$0x0 ss:$0x1], vm1  }
0x100: {  	v2 =	vmov s0;
	p3 =	slt.s32 s26, s24  }
0x101: {  	vm1 =	vgt.u32 v2, v0  }
.Ltmp19:
0x102: {  	(pc) =	sbr.rel @p3 .LBB3_12-.Ltmp19, $3  }
0x103: {  	_ =	sdelay $0x1  }
0x104: {  	v1 =	vshll.u32 v1, $0x4  }
0x105: {  	s29 =	sadd.s32 $0xFFFFFFF0, s29;
	[tilespmem:s22+$0x0] =	vst.msk vm0, v1;
	s22 =	sadd.s32 $0x10, s22;
	vm0 =	vmmov vm1  }
.LBB3_13:
0x106: {  	_ =	sdelay $0x4  }
0x107: {  	v1 =	vld.msk [tilespmem:s22+$0x0 ss:$0x1], vm1;
	_ =	sdelay $0x4  }
0x108: {  	v1 =	vshll.u32 v1, $0x4  }
0x109: {  	[tilespmem:s22+$0x0] =	vst.msk vm0, v1  }
.LBB3_14:
0x10a: {  	s0 =	sand.u32 $0x1, s19  }
0x10b: {  	s0 =	smul.u32 $0x140, s0  }
0x10c: {  	p3 =	sne.s32 s28, $0xFFFFFFFF  }
0x10d: {  	v1 =	vld.msk @!p3 [tilespmem:s0+$0xACF8], $0x1;
	_ =	sdelay $0x4  }
0x10e: {  	(v2sf) =	vpush @!p3 v1, $0x0;
	_ =	sdelay $0xc  }
.Ltmp20:
0x10f: {  	_ = 	snop;
	(pc) =	sbr.rel @p2 .LBB3_25-.Ltmp20, $4  }
0x110: {  	_ = 	snop  }
0x111: {  	s26 =	spop @!p3 (v2sf)  }
0x112: {  	s20 =	simm.s32 @!p3 $0x0;
	s22 =	smov.u32 s26  }
0x113: {  	[sflag:s16] =	ssyncpa.u1 $0x0;
	s26 =	smov.u32 @p3 s25;
	s22 =	smov.u32 @p3 s28  }
0x114: {  	v1 =	vld.msk [tilespmem:s21+$0x0], $0x1;
	_ =	sdelay $0x4  }
0x115: {  	(v2sf) =	vpush v1, $0x0;
	_ =	sdelay $0xe  }
0x116: {  	s0 =	smul.u32 $0x28000, s23;
	s30 =	spop (v2sf)  }
0x117: {  	s24 =	ssub.s32 $0x0, s24;
	p2 =	seq.s32 s26, s30  }
0x118: {  	s28 =	sadd.s32 $0x1, s24;
	s0 =	sshrl.u32 s0, $0x2;
	p3 =	sgt.s32 @!p2 s26, $0x0  }
0x119: {  	s23 =	sadd.s32 $0xAF98, s0;
	s0 =	smov.u32 s26;
	p3 =	por !p3, p2  }
0x11a: {  	s0 =	simm.s32 @p3 $0x0;
	p3 =	seq.s32 s28, $0x0  }
.Ltmp21:
0x11b: {  	_ = 	snop;
	(pc) =	sbr.rel @p3 .LBB3_17-.Ltmp21, $4  }
0x11c: {  	_ = 	snop  }
0x11d: {  	s25 =	simm.s32 $0x0;
	s31 =	simm.s32 @!p2 $0x1;
	s2 =	smin.u32 @!p2 s0, $0x270F8  }
0x11e: {  	s29 =	sadd.s32 $0x1, s21;
	s31 =	smov.u32 @p2 s25;
	s8 =	sand.u32 @!p2 $0x3FFF8, s2  }
0x11f: {  	s0 =	simm.s32 @!p2 $0x50C8;
	s2 =	sand.u32 @!p2 $0x7, s2;
	s8 =	sadd.s32 @!p2 s1, s8  }
.LBB3_16:
0x120: {  	s9 =	smov.u32 s31  }
0x121: {  	[tilespmem:s0], [sflag:$0x2] =	stream.linear.gather @!p2 [hbm4b:s8+s2], $0x40, $0x38;
	[tilespmem:$0x1EF78] =	vst v63  }
0x122: {  	s28 =	sadd.s32 $0x1, s28;
	s2 =	smov.u32 s30;
	v1 =	vld.msk [tilespmem:s29+$0x0], $0x1  }
0x123: {  	p3 =	seq.s32 s28, $0x0;
	_ =	sdelay $0x3  }
0x124: {  	(v2sf) =	vpush v1, $0x0;
	_ =	sdelay $0xe  }
0x125: {  	s30 =	spop (v2sf)  }
0x126: {  	p2 =	seq.s32 s2, s30  }
0x127: {  	p4 =	sgt.s32 @!p2 s2, $0x0;
	s0 =	sshll.u32 @!p2 s31, $0x8;
	s31 =	sadd.s32 @!p2 $0x1, s31  }
.Ltmp22:
0x128: {  	p4 =	por !p4, p2;
	s0 =	sshra.s32 @!p2 s0, $0x2;
	(pc) =	sbr.rel @!p3 .LBB3_16-.Ltmp22, $4  }
0x129: {  	s31 =	smov.u32 @p2 s9;
	s2 =	simm.s32 @p4 $0x0;
	s0 =	sadd.s32 @!p2 $0x50C8, s0  }
0x12a: {  	s2 =	smin.u32 @!p2 s2, $0x270F8  }
0x12b: {  	s8 =	sand.u32 @!p2 $0x3FFF8, s2;
	s2 =	sand.u32 @!p2 $0x7, s2  }
0x12c: {  	s29 =	sadd.s32 $0x1, s29;
	s8 =	sadd.s32 @!p2 s1, s8  }
.LBB3_17:
0x12d: {  	[tilespmem:s0], [sflag:$0x2] =	stream.linear.gather @!p2 [hbm4b:s8+s2], $0x40, $0x38;
	[tilespmem:$0x1EF78] =	vst v63  }
.Ltmp23:
0x12e: {  	s30 =	sshll.u32 s31, $0x6;
	(pc) =	sbr.rel .LBB3_18-.Ltmp23, $4  }
0x12f: {  	s31 =	simm.s32 $0x2;
	s0 =	sand.u32 $0x3FFFFFC0, s30  }
0x130: {  	_ =	swait.ge [sflag:s31], s0  }
0x131: {  	s0 =	ssub.s32 $0x0, s0;
	[sflag:s31] =	ssyncset.done $0x0  }
0x132: {  	s29 =	simm.s32 $0x0;
	[sflag:s31] =	ssyncadd.s32 s0  }
.LBB3_19:
0x133: {  	v1 =	vld [tilespmem:s23+$0xFFFFFFE0];
	_ =	sdelay $0x4  }
0x134: {  	[tilespmem:s30+$0x88] =	vst.add.f32.msk $0xffff, v1  }
0x135: {  	v1 =	vld [tilespmem:s23+$0xFFFFFFF0];
	_ =	sdelay $0x4  }
0x136: {  	[tilespmem:s30+$0x98] =	vst.add.f32.msk $0xffff, v1  }
0x137: {  	v1 =	vld [tilespmem:s23+$0x0];
	_ =	sdelay $0x4  }
0x138: {  	[tilespmem:s30+$0xA8] =	vst.add.f32.msk $0xffff, v1  }
0x139: {  	v1 =	vld [tilespmem:s23+$0x10];
	_ =	sdelay $0x4  }
0x13a: {  	[tilespmem:s30+$0xB8] =	vst.add.f32.msk $0xffff, v1  }
.LBB3_23:
0x13b: {  	s24 =	sadd.s32 $0x1, s24  }
0x13c: {  	p2 =	seq.s32 s24, $0x0  }
.Ltmp24:
0x13d: {  	_ = 	snop;
	(pc) =	sbr.rel @p2 .LBB3_24-.Ltmp24, $2  }
0x13e: {  	_ =	sdelay $0x2  }
0x13f: {  	s23 =	sadd.s32 $0x80, s23;
	s21 =	sadd.s32 $0x1, s21;
	s26 =	smov.u32 s28  }
.LBB3_18:
0x140: {  	v1 =	vld.msk [tilespmem:s21+$0x0], $0x1;
	_ =	sdelay $0x4  }
0x141: {  	(v2sf) =	vpush v1, $0x0;
	_ =	sdelay $0xe  }
0x142: {  	s28 =	spop (v2sf)  }
0x143: {  	p2 =	sne.s32 s26, s28  }
.Ltmp25:
0x144: {  	_ = 	snop;
	(pc) =	sbr.rel @!p2 .LBB3_19-.Ltmp25, $3  }
0x145: {  	_ =	sdelay $0x1  }
0x146: {  	s0 =	sshll.u32 s20, $0x8  }
0x147: {  	s30 =	sshra.s32 s0, $0x2  }
0x148: {  	p2 =	seq.s32 s26, s22  }
.Ltmp26:
0x149: {  	_ = 	snop;
	(pc) =	sbr.rel @!p2 .LBB3_21-.Ltmp26, $1  }
0x14a: {  	_ =	sdelay $0x3  }
.Ltmp27:
0x14b: {  	s0 =	sadd.s32 $0x88, s30;
	(pc) =	sbr.rel .LBB3_22-.Ltmp27, $4  }
0x14c: {  	[spmem:s13] =	stream.linear.scatter [tilespmem:s0], [sflag:$0x1], $0x40, $0x38;
	[tilespmem:$0x1EF78] =	vst v63  }
0x14d: {  	_ =	swait.ge [sflag:s11], $0x40  }
0x14e: {  	[sflag:s11] =	ssyncset.done $0x0  }
0x14f: {  	[sflag:s11] =	ssyncadd.s32 $0xFFFFFFC0  }
.LBB3_21:
0x150: {  	s0 =	sshll.u32 s25, $0x8  }
0x151: {  	s0 =	sshra.s32 s0, $0x2  }
0x152: {  	v1 =	vld [tilespmem:s0+$0x50C8];
	_ =	sdelay $0x4  }
0x153: {  	[tilespmem:s30+$0x88] =	vst.add.f32.msk $0xffff, v1  }
0x154: {  	v1 =	vld [tilespmem:s0+$0x50D8];
	_ =	sdelay $0x4  }
0x155: {  	[tilespmem:s30+$0x98] =	vst.add.f32.msk $0xffff, v1  }
0x156: {  	v1 =	vld [tilespmem:s0+$0x50E8];
	_ =	sdelay $0x4  }
0x157: {  	[tilespmem:s30+$0xA8] =	vst.add.f32.msk $0xffff, v1  }
0x158: {  	v1 =	vld [tilespmem:s0+$0x50F8];
	_ =	sdelay $0x2  }
0x159: {  	p2 =	sgt.u32 s26, $0x270F8  }
0x15a: {  	s0 =	sand.u32 @!p2 $0x3FFF8, s26  }
0x15b: {  	s2 =	sadd.s32 $0x88, s30;
	s8 =	sand.u32 @!p2 $0x7, s26;
	s0 =	sadd.s32 @!p2 s1, s0;
	[tilespmem:s30+$0xB8] =	vst.add.f32.msk $0xffff, v1  }
0x15c: {  	[hbm4b:s0+s8] =	stream.linear.scatter @!p2 [tilespmem:s2], [sflag:$0xA], $0x40, $0x38;
	[tilespmem:$0x1EF78] =	vst v63  }
0x15d: {  	s0 =	simm.s32 $0x0  }
0x15e: {  	s0 =	simm.s32 @!p2 $0x100  }
0x15f: {  	s29 =	sadd.s32 s0, s29  }
.LBB3_22:
0x160: {  	s0 =	sadd.s32 $0x1, s20  }
0x161: {  	s2 =	smulhi.u32 $0xCCCCCCCD, s0;
	_ =	sdelay $0x1  }
0x162: {  	v1 =	vld [tilespmem:s23+$0xFFFFFFE0];
	s2 =	sshrl.u32 s2, $0x8  }
0x163: {  	s2 =	smul.u32 $0x140, s2;
	_ =	sdelay $0x1  }
0x164: {  	s20 =	ssub.s32 s0, s2  }
0x165: {  	s0 =	sshll.u32 s20, $0x6  }
0x166: {  	[tilespmem:s0+$0x88] =	vst v1  }
0x167: {  	v1 =	vld [tilespmem:s23+$0xFFFFFFF0];
	_ =	sdelay $0x4  }
0x168: {  	[tilespmem:s0+$0x98] =	vst v1  }
0x169: {  	v1 =	vld [tilespmem:s23+$0x0];
	_ =	sdelay $0x4  }
0x16a: {  	[tilespmem:s0+$0xA8] =	vst v1  }
0x16b: {  	v1 =	vld [tilespmem:s23+$0x10]  }
.Ltmp28:
0x16c: {  	_ = 	snop;
	(pc) =	sbr.rel .LBB3_23-.Ltmp28, $2  }
0x16d: {  	_ =	sdelay $0x2  }
0x16e: {  	s25 =	sadd.s32 $0x1, s25;
	[tilespmem:s0+$0xB8] =	vst v1  }
.LBB3_25:
.Ltmp29:
0x16f: {  	(pc) =	sbr.rel .LBB3_26-.Ltmp29, $4  }
0x170: {  	_ = 	snop  }
0x171: {  	s0 =	simm.s32 $0x2  }
0x172: {  	_ =	swait.ge [sflag:s0], $0x0  }
0x173: {  	s28 =	smov.u32 s26;
	[sflag:s0] =	ssyncset.done $0x0;
	s0 =	simm.s32 $0x0  }
.LBB3_28:
0x174: {  	_ =	sfence.sel $0x180000  }
0x175: {  	s0 =	simm.s32 $0x7;
	[bflag:$0x0] =	sbarrier.arrive $0xFFFF  }
0x176: {  	s25 =	simm.s32 $0x8;
	[sflag:s0] =	ssyncpa.u1 $0x1  }
0x177: {  	s26 =	simm.s32 $0x9;
	[sflag:s25] =	ssyncpa.u1 $0x1  }
0x178: {  	s28 =	simm.s32 $0x2;
	[sflag:s26] =	ssyncpa.u1 $0x1  }
0x179: {  	[sflag:s28] =	ssyncpa.u1 $0x1  }
0x17a: {  	v0 =	vld [tilespmem:$0xA108];
	_ =	sdelay $0x4  }
0x17b: {  	(v2sf) =	vpush v0, $0x0  }
0x17c: {  	(v2sf) =	vpush v0, $0x1;
	_ =	sdelay $0x1  }
0x17d: {  	(v2sf) =	vpush v0, $0x2;
	_ =	sdelay $0xb  }
0x17e: {  	s0 =	spop (v2sf)  }
0x17f: {  	s2 =	spop (v2sf)  }
0x180: {  	s3 =	smov.u32 s0;
	p0 =	sne.s32 s0, s2  }
0x181: {  	s4 =	spop (v2sf);
	s3 =	simm.s32 @!p0 $0xFFFFFFFF  }
0x182: {  	v2 =	vimm.s32 $0x1;
	v3 =	vlaneseq.u32;
	p0 =	seq.s32 s4, $0xFFFFFFFF;
	v1 =	vmov s3  }
0x183: {  	s7 =	stileid.u32;
	v0 =	vperm.xlane v0, v2;
	p1 =	sne.s32 @!p0 s0, s2;
	v1 =	vperm.xlane v1, v3  }
0x184: {  	vm0 =	vcmask $0x3F04;
	s6 =	simm.s32 $0xA108;
	s0 =	simm.s32 @!p0 $0x1;
	p1 =	por !p1, p0  }
0x185: {  	s3 =	sshll.u32 s7, $0x1;
	s2 =	sshll.u32 @!p0 s4, $0x8;
	s0 =	simm.s32 @p1 $0x0;
	v0 =	vsel vm0, v1, v0  }
0x186: {  	s5 =	sor.u32 $0x800, s3;
	s2 =	sshra.s32 @!p0 s2, $0x2;
	s0 =	sor.u32 @!p0 s0, s3;
	[tilespmem:$0xA108] =	vst v0  }
0x187: {  	[spmem:s5] =	stream.linear.scatter [tilespmem:s6], [sflag:$0x1], $0x2, $0x38;
	[tilespmem:$0x1EF78] =	vst v63  }
0x188: {  	s2 =	sadd.s32 @!p0 $0x88, s2;
	s0 =	sshll.u32 @!p0 s0, $0x6  }
0x189: {  	[spmem:s0] =	stream.linear.scatter @!p0 [tilespmem:s2], [sflag:$0x1], $0x40, $0x38;
	[tilespmem:$0x1EF78] =	vst v63  }
0x18a: {  	s2 =	simm.s32 @!p0 $0x42  }
0x18b: {  	s0 =	simm.s32 $0x1;
	s2 =	simm.s32 @p0 $0x2  }
0x18c: {  	_ =	swait.ge [sflag:s0], s2  }
0x18d: {  	s2 =	ssub.s32 $0x0, s2;
	[sflag:s0] =	ssyncset.done $0x0  }
0x18e: {  	[sflag:s0] =	ssyncadd.s32 s2  }
0x18f: {  	_ =	sfence.stream.spmem  }
0x190: {  	s29 =	simm.s32 $0x3;
	[bflag:$0x0] =	sbarrier.arrive $0xFFFF  }
0x191: {  	s30 =	simm.s32 $0x4;
	[sflag:s29] =	ssyncpa.u1 $0x1  }
0x192: {  	s31 =	simm.s32 $0x3C;
	[sflag:s30] =	ssyncpa.u1 $0x1  }
0x193: {  	p0 =	sne.s32 s7, $0x0;
	[sflag:s31] =	ssyncpa.u1 $0x1  }
0x194: {  	_ =	sfence @p0  }
0x195: {  	[sflag:s0] =	ssyncpa.u1 @p0 $0x1  }
0x196: {  	_ =	strace @p0 $0x90000053  }
0x197: {  	[bflag:$0x2] =	sbarrier.arrive @p0 $0xFFFF  }
0x198: {  	_ =	shalt @p0  }
.LBB3_29:
0x199: {  	_ =	sfence.stream.spmem;
	s0 =	simm.s32 $0x5  }
0x19a: {  	s2 =	simm.s32 $0x800;
	s3 =	simm.s32 $0xA118;
	[sflag:s0] =	ssyncpa.u1 $0x0  }
0x19b: {  	[tilespmem:s3], [sflag:$0x5] =	stream.linear.gather [spmem:s2], $0x20, $0x38;
	[tilespmem:$0x1EF78] =	vst v63  }
0x19c: {  	s30 =	simm.s32 $0xA138;
	s2 =	simm.s32 $0x0  }
0x19d: {  	[tilespmem:s30], [sflag:$0x5] =	stream.linear.gather [spmem:s2], $0x800, $0x38;
	[tilespmem:$0x1EF78] =	vst v63  }
.Ltmp30:
0x19e: {  	_ = 	snop;
	(pc) =	sbr.rel .LBB3_30-.Ltmp30, $4  }
0x19f: {  	_ =	swait.ge [sflag:s0], $0x820  }
0x1a0: {  	[sflag:s0] =	ssyncset.done $0x0  }
0x1a1: {  	s31 =	simm.s32 $0x6;
	[sflag:s0] =	ssyncadd.s32 $0xFFFFF7E0  }
0x1a2: {  	s3 =	simm.s32 $0x0;
	[sflag:s31] =	ssyncpa.u1 $0x0  }
.LBB3_36:
0x1a3: {  	p0 =	slt.u32 s4, $0x270F9  }
0x1a4: {  	s0 =	sand.u32 @p0 $0x3FFF8, s4  }
0x1a5: {  	s4 =	sand.u32 @p0 $0x7, s4;
	s5 =	simm.s32 @p0 $0xA0C8;
	s0 =	sadd.s32 @p0 s1, s0  }
0x1a6: {  	[tilespmem:s5], [sflag:$0x6] =	stream.linear.gather @p0 [hbm4b:s0+s4], $0x40, $0x38;
	[tilespmem:$0x1EF78] =	vst v63  }
0x1a7: {  	s0 =	simm.s32 @p0 $0x6  }
0x1a8: {  	_ =	swait.ge @p0 [sflag:s0], $0x40  }
0x1a9: {  	[sflag:s0] =	ssyncset.done @p0 $0x0  }
0x1aa: {  	[sflag:s0] =	ssyncadd.s32 @p0 $0xFFFFFFC0  }
0x1ab: {  	v1 =	vld @p0 [tilespmem:$0xA0C8];
	_ =	sdelay $0x2  }
0x1ac: {  	s0 =	sshll.u32 @p0 s3, $0x8  }
0x1ad: {  	s4 =	sshrl.u32 @p0 s0, $0x2  }
0x1ae: {  	[tilespmem:s4+$0xA138] =	vst.add.f32.msk @p0 $0xffff, v1  }
0x1af: {  	v1 =	vld @p0 [tilespmem:$0xA0D8];
	_ =	sdelay $0x4  }
0x1b0: {  	[tilespmem:s4+$0xA148] =	vst.add.f32.msk @p0 $0xffff, v1  }
0x1b1: {  	v1 =	vld @p0 [tilespmem:$0xA0E8];
	_ =	sdelay $0x4  }
0x1b2: {  	[tilespmem:s4+$0xA158] =	vst.add.f32.msk @p0 $0xffff, v1  }
0x1b3: {  	v1 =	vld @p0 [tilespmem:$0xA0F8];
	_ =	sdelay $0x3  }
0x1b4: {  	s5 =	sshll.u32 @!p0 s3, $0x8  }
0x1b5: {  	s5 =	smov.u32 @p0 s0;
	[tilespmem:s4+$0xA168] =	vst.add.f32.msk @p0 $0xffff, v1  }
0x1b6: {  	s0 =	sshrl.u32 s5, $0x2;
	[tilespmem:s2+$0xA118] =	vst.msk $0x1, v0  }
0x1b7: {  	v0 =	vld [tilespmem:s0+$0xA138];
	_ =	sdelay $0x2  }
0x1b8: {  	s31 =	sshll.u32 s2, $0x8  }
0x1b9: {  	s4 =	sshra.s32 s31, $0x2  }
0x1ba: {  	[tilespmem:s4+$0xA138] =	vst v0  }
0x1bb: {  	v0 =	vld [tilespmem:s0+$0xA148];
	_ =	sdelay $0x4  }
0x1bc: {  	[tilespmem:s4+$0xA148] =	vst v0  }
0x1bd: {  	v0 =	vld [tilespmem:s0+$0xA158];
	_ =	sdelay $0x4  }
0x1be: {  	[tilespmem:s4+$0xA158] =	vst v0  }
0x1bf: {  	v0 =	vld [tilespmem:s0+$0xA168];
	_ =	sdelay $0x4  }
0x1c0: {  	s2 =	sadd.s32 $0x1, s2;
	[tilespmem:s4+$0xA168] =	vst v0  }
.LBB3_37:
0x1c1: {  	s3 =	sadd.s32 $0x1, s3  }
0x1c2: {  	p0 =	sne.s32 s3, $0x20  }
.Ltmp31:
0x1c3: {  	_ = 	snop;
	(pc) =	sbr.rel @!p0 .LBB3_38-.Ltmp31, $1  }
0x1c4: {  	_ =	sdelay $0x3  }
.LBB3_30:
0x1c5: {  	v0 =	vld.msk [tilespmem:s3+$0xA118], $0x1;
	_ =	sdelay $0x4  }
0x1c6: {  	(v2sf) =	vpush v0, $0x0;
	_ =	sdelay $0xe  }
0x1c7: {  	s4 =	spop (v2sf)  }
0x1c8: {  	p0 =	seq.s32 s4, $0xFFFFFFFF  }
.Ltmp32:
0x1c9: {  	_ = 	snop;
	(pc) =	sbr.rel @p0 .LBB3_37-.Ltmp32, $1  }
0x1ca: {  	_ =	sdelay $0x3  }
0x1cb: {  	p0 =	slt.s32 s2, $0x1  }
.Ltmp33:
0x1cc: {  	_ = 	snop;
	(pc) =	sbr.rel @p0 .LBB3_36-.Ltmp33, $1  }
0x1cd: {  	_ =	sdelay $0x3  }
0x1ce: {  	s5 =	simm.s32 $0xA118;
	p0 =	por $0x0, $0x0  }
0x1cf: {  	v1 =	vld.msk @!p0 [tilespmem:s5+$0x0], $0x1;
	_ =	sdelay $0x4  }
0x1d0: {  	(v2sf) =	vpush @!p0 v1, $0x0;
	_ =	sdelay $0xd  }
0x1d1: {  	p2 =	sne.s32 s2, $0x1  }
.Ltmp34:
0x1d2: {  	s0 =	spop @!p0 (v2sf);
	(pc) =	sbr.rel @!p2 .LBB3_34-.Ltmp34, $4  }
0x1d3: {  	p1 =	seq.s32 @!p0 s4, s0  }
0x1d4: {  	s6 =	simm.s32 $0x0;
	p1 =	por !p1, p0  }
0x1d5: {  	s0 =	simm.s32 $0xFFFFFFFF;
	s6 =	simm.s32 @p1 $0xFFFFFFFF  }
0x1d6: {  	s7 =	simm.s32 $0x1;
	s6 =	smov.u32 @p0 s0  }
.LBB3_33:
0x1d7: {  	s0 =	smov.u32 s6;
	p0 =	sne.s32 s6, $0xFFFFFFFF  }
0x1d8: {  	s5 =	sadd.s32 $0x1, s5;
	s6 =	smov.u32 s7;
	s7 =	sadd.s32 $0x1, s7  }
0x1d9: {  	p1 =	sne.s32 s2, s7;
	v1 =	vld.msk @!p0 [tilespmem:s5+$0x0], $0x1;
	_ =	sdelay $0x4  }
0x1da: {  	(v2sf) =	vpush @!p0 v1, $0x0;
	_ =	sdelay $0xe  }
.Ltmp35:
0x1db: {  	s8 =	spop @!p0 (v2sf);
	(pc) =	sbr.rel @p1 .LBB3_33-.Ltmp35, $4  }
0x1dc: {  	p2 =	seq.s32 @!p0 s4, s8  }
0x1dd: {  	p2 =	por !p2, p0  }
0x1de: {  	s6 =	simm.s32 @p2 $0xFFFFFFFF  }
0x1df: {  	s6 =	smov.u32 @p0 s0  }
.LBB3_34:
0x1e0: {  	p0 =	seq.s32 s6, $0xFFFFFFFF  }
.Ltmp36:
0x1e1: {  	_ = 	snop;
	(pc) =	sbr.rel @p0 .LBB3_36-.Ltmp36, $1  }
0x1e2: {  	_ =	sdelay $0x3  }
0x1e3: {  	s0 =	sshll.u32 s3, $0x6  }
0x1e4: {  	s0 =	sand.u32 $0x3FFFFFC0, s0  }
0x1e5: {  	v0 =	vld [tilespmem:s0+$0xA138];
	_ =	sdelay $0x2  }
0x1e6: {  	s4 =	sshll.u32 s6, $0x8  }
0x1e7: {  	s4 =	sshra.s32 s4, $0x2  }
0x1e8: {  	[tilespmem:s4+$0xA138] =	vst.add.f32.msk $0xffff, v0  }
0x1e9: {  	v0 =	vld [tilespmem:s0+$0xA148];
	_ =	sdelay $0x4  }
0x1ea: {  	[tilespmem:s4+$0xA148] =	vst.add.f32.msk $0xffff, v0  }
0x1eb: {  	v0 =	vld [tilespmem:s0+$0xA158];
	_ =	sdelay $0x4  }
0x1ec: {  	[tilespmem:s4+$0xA158] =	vst.add.f32.msk $0xffff, v0  }
0x1ed: {  	v0 =	vld [tilespmem:s0+$0xA168]  }
.Ltmp37:
0x1ee: {  	_ = 	snop;
	(pc) =	sbr.rel .LBB3_37-.Ltmp37, $2  }
0x1ef: {  	_ =	sdelay $0x2  }
0x1f0: {  	[tilespmem:s4+$0xA168] =	vst.add.f32.msk $0xffff, v0  }
.LBB3_38:
0x1f1: {  	p0 =	slt.s32 s2, $0x1  }
.Ltmp38:
0x1f2: {  	_ = 	snop;
	(pc) =	sbr.rel @p0 .LBB3_42-.Ltmp38, $3  }
0x1f3: {  	_ =	sdelay $0x1  }
0x1f4: {  	s0 =	simm.s32 $0x6  }
0x1f5: {  	s3 =	simm.s32 $0x0;
	[sflag:s0] =	ssyncpa.u1 $0x1  }
0x1f6: {  	s0 =	simm.s32 $0xA118  }
0x1f7: {  	v0 =	vld.msk [tilespmem:s0+$0x0], $0x1;
	_ =	sdelay $0x4  }
0x1f8: {  	(v2sf) =	vpush v0, $0x0;
	_ =	sdelay $0xe  }
0x1f9: {  	s2 =	sadd.s32 $0xFFFFFFFF, s2;
	s0 =	spop (v2sf)  }
0x1fa: {  	p1 =	sne.s32 s2, $0x0;
	p0 =	sgt.u32 s0, $0x270F8  }
.Ltmp39:
0x1fb: {  	s5 =	sand.u32 @!p0 $0x3FFF8, s0;
	(pc) =	sbr.rel @!p1 .LBB3_41-.Ltmp39, $4  }
0x1fc: {  	s4 =	simm.s32 $0xA138;
	s0 =	sand.u32 @!p0 $0x7, s0;
	s5 =	sadd.s32 @!p0 s1, s5  }
0x1fd: {  	[hbm4b:s5+s0] =	stream.linear.scatter @!p0 [tilespmem:s4], [sflag:$0x5], $0x40, $0x38;
	[tilespmem:$0x1EF78] =	vst v63  }
0x1fe: {  	s0 =	simm.s32 $0x0  }
0x1ff: {  	s5 =	simm.s32 $0xA119;
	s0 =	simm.s32 @!p0 $0x100  }
.LBB3_40:
0x200: {  	v0 =	vld.msk [tilespmem:s5+$0x0], $0x1;
	s2 =	sadd.s32 $0xFFFFFFFF, s2;
	s3 =	sadd.s32 s3, s0  }
0x201: {  	p0 =	sne.s32 s2, $0x0;
	_ =	sdelay $0x3  }
0x202: {  	(v2sf) =	vpush v0, $0x0;
	_ =	sdelay $0xe  }
.Ltmp40:
0x203: {  	s6 =	spop (v2sf);
	(pc) =	sbr.rel @p0 .LBB3_40-.Ltmp40, $4  }
0x204: {  	s0 =	simm.s32 $0x0;
	p1 =	sgt.u32 s6, $0x270F8  }
0x205: {  	s4 =	sadd.s32 $0x40, s4;
	s0 =	simm.s32 @!p1 $0x100;
	s7 =	sand.u32 @!p1 $0x3FFF8, s6  }
0x206: {  	s5 =	sadd.s32 $0x1, s5;
	s6 =	sand.u32 @!p1 $0x7, s6;
	s7 =	sadd.s32 @!p1 s1, s7  }
0x207: {  	[hbm4b:s7+s6] =	stream.linear.scatter @!p1 [tilespmem:s4], [sflag:$0x5], $0x40, $0x38;
	[tilespmem:$0x1EF78] =	vst v63  }
.LBB3_41:
0x208: {  	s0 =	sadd.s32 s3, s0  }
0x209: {  	s3 =	sshrl.u32 s0, $0x2  }
.LBB3_42:
0x20a: {  	s0 =	simm.s32 $0x5  }
0x20b: {  	_ =	swait.ge [sflag:s0], s3  }
0x20c: {  	s1 =	ssub.s32 $0x0, s3;
	[sflag:s0] =	ssyncset.done $0x0  }
0x20d: {  	[sflag:s0] =	ssyncadd.s32 s1  }
0x20e: {  	[sflag:s0] =	ssyncpa.u1 $0x1  }
0x20f: {  	s30 =	simm.s32 $0x1;
	_ =	sfence  }
0x210: {  	[sflag:s30] =	ssyncpa.u1 $0x1  }
0x211: {  	_ =	strace $0x90000053  }
0x212: {  	[bflag:$0x2] =	sbarrier.arrive $0xFFFF  }
0x213: {  	s31 =	rddreg [dreg:$0x1]  }
0x214: {  	s0 =	sadd.s32 $0x100000, s31  }
0x215: {  	[sflag:s0] =	ssyncadd.tile.s32 $0x1;
	_ =	shalt  }
.Lfunc_end3:
_tile_overlayer_lowered:
.L_overlay_start_3:
0x216: {  	(tag) =	ssettag $0x3  }
0x217: {  	s0 =	rddreg [dreg:$0x0];
	s2 =	stileid.u32  }
0x218: {  	s1 =	rddreg [dreg:$0x1];
	p0 =	sne.s32 s2, $0x0  }
0x219: {  	s3 =	rddreg [dreg:$0x2];
	[bflag:$0x3] =	sbarrier.arrive $0xFFFF;
	s2 =	simm.s32 @!p0 $0x1C01  }
0x21a: {  	[timem:s3], [sflag:s2] =	dma.local @!p0 [hbm:s0], s1  }
0x21b: {  	s0 =	simm.s32 @!p0 $0x1  }
0x21c: {  	_ =	swait.ge @!p0 [sflag:s0], s1  }
0x21d: {  	s1 =	ssub.s32 @!p0 $0x0, s1;
	[sflag:s0] =	ssyncset.done @!p0 $0x0  }
0x21e: {  	[sflag:s0] =	ssyncadd.s32 @!p0 s1  }
0x21f: {  	[bflag:$0x3] =	sbarrier.arrive $0xFFFF  }
0x220: {  	_ =	shalt  }

// kernel: scatter_offload_async_start.3
scs
__scs_entry_jumppad:
0x0: {  	(pc) =	sbr.rel $0x88, $3  }
0x1: {  	(tag) =	ssettag $0x0;
	lr =	simm.s32 $0x1  }
0x2: {  	[smem:$0x3F8D] =	sst lr;
	_ =	strace $0xD0000000  }
0x3: {  	_ = 	snop  }
0x4: {  	_ = 	snop  }
0x5: {  	_ = 	snop  }
0x6: {  	_ = 	snop  }
0x7: {  	_ = 	snop  }
__scs_overlays_trampoline_lowered:
0x8: {  	[smem:$0x3F9C] =	sst s0  }
0x9: {  	[smem:$0x3F9D] =	sst s1  }
0xa: {  	[smem:$0x3F9E] =	sst s2  }
0xb: {  	[smem:$0x3F9F] =	sst s3  }
0xc: {  	[smem:$0x3FA0] =	sst s4  }
0xd: {  	[smem:$0x3FA1] =	sst s5  }
0xe: {  	[smem:$0x3FA2] =	sst s6  }
0xf: {  	[smem:$0x3FA3] =	sst s7  }
0x10: {  	[smem:$0x3FA4] =	sst s8  }
0x11: {  	[smem:$0x3FA5] =	sst s9;
	s0 =	simm.s32 @!p0 $0x0  }
0x12: {  	s1 =	sld [smem:$0x3F8B];
	s0 =	simm.s32 @p0 $0x1  }
0x13: {  	[smem:$0x3FA6] =	sst s0;
	s0 =	simm.s32 @!p1 $0x0  }
0x14: {  	s2 =	sld [smem:$0x3F8A];
	s0 =	simm.s32 @p1 $0x1  }
0x15: {  	[smem:$0x3FA7] =	sst s0;
	s0 =	simm.s32 @!p2 $0x0  }
0x16: {  	s3 =	sld [smem:$0x3FDB];
	s0 =	simm.s32 @p2 $0x1  }
0x17: {  	s4 =	simm.s32 $0x1BF5;
	[smem:$0x3FA9] =	sst s0  }
0x18: {  	s0 =	sld [smem:$0x3F8C];
	_ =	swait.ge [sflag:s4], $0x0  }
0x19: {  	s7 =	sld [smem:$0x3F8D]  }
0x1a: {  	s8 =	sadd.s32 $0xFFFFE003, lr  }
0x1b: {  	s9 =	sadd.s32 $0xFFFFFEF7, lr;
	s5 =	simm.s32 $0xFFFFFFFF;
	p2 =	slt.u32 s8, $0xFFFFF086  }
0x1c: {  	p1 =	slt.u32 s9, $0xF7A;
	s5 =	simm.s32 @!p2 $0x0  }
0x1d: {  	s5 =	simm.s32 @p1 $0x1;
	p0 =	seq.s32 s7, s2  }
0x1e: {  	s7 =	smul.u32 @!p0 $0xF7A, s2;
	p2 =	seq.s32 @!p0 s5, $0x0  }
0x1f: {  	s9 =	smul.u32 $0xF7A, s1;
	s8 =	simm.s32 @!p0 $0x1BF5;
	p2 =	por !p2, p0  }
0x20: {  	[sflag:s8] =	ssyncset.s32 @!p0 $0xFFFFF086;
	s6 =	sadd.s32 @!p0 s3, s7;
	s7 =	simm.s32 @!p0 $0x108  }
0x21: {  	s3 =	sadd.s32 s3, s9;
	s6 =	sadd.s32 @!p0 $0x88, s6;
	s7 =	simm.s32 @p2 $0x1082  }
0x22: {  	[simem:s7], [sflag:s8] =	dma.local @!p0 [hbm:s6], $0xF7A  }
0x23: {  	s9 =	sor.u32 $0xD0000000, s2;
	s6 =	simm.s32 $0x108;
	_ =	swait.ge @!p0 [sflag:s8], $0x0  }
0x24: {  	s3 =	sadd.s32 $0x88, s3;
	s6 =	simm.s32 @!p1 $0x1082;
	[sflag:s4] =	ssyncset.s32 $0xFFFFF086  }
0x25: {  	[simem:s6], [sflag:s4] =	dma.local [hbm:s3], $0xF7A  }
0x26: {  	[smem:$0x3F8D] =	sst s1;
	(tag) =	ssettag s2;
	_ =	strace s9  }
0x27: {  	s1 =	sld [smem:$0x3F9D]  }
0x28: {  	s2 =	sld [smem:$0x3F9E]  }
0x29: {  	s4 =	sld [smem:$0x3FA0]  }
0x2a: {  	p0 =	seq.s32 s5, $0x0;
	s5 =	sld [smem:$0x3FA1]  }
0x2b: {  	s6 =	sld [smem:$0x3FA2]  }
0x2c: {  	s7 =	sld [smem:$0x3FA3]  }
0x2d: {  	s3 =	simm.s32 $0x108;
	s8 =	sld [smem:$0x3FA4]  }
0x2e: {  	s3 =	simm.s32 @!p0 $0x1082;
	s9 =	sld [smem:$0x3FA5]  }
0x2f: {  	lr =	sadd.s32 s0, s3;
	s0 =	sld [smem:$0x3F9C]  }
0x30: {  	s3 =	sld [smem:$0x3F9F]  }
0x31: {  	[smem:$0x3FA8] =	sst s10  }
0x32: {  	s10 =	sld [smem:$0x3FA6];
	_ =	sdelay $0x3  }
0x33: {  	p0 =	seq.s32 s10, $0x1;
	s10 =	sld [smem:$0x3FA8];
	_ =	sdelay $0x3  }
0x34: {  	[smem:$0x3FA8] =	sst s10  }
0x35: {  	s10 =	sld [smem:$0x3FA7];
	_ =	sdelay $0x3  }
0x36: {  	p1 =	seq.s32 s10, $0x1;
	s10 =	sld [smem:$0x3FA8];
	_ =	sdelay $0x3  }
0x37: {  	[smem:$0x3FA8] =	sst s10  }
0x38: {  	s10 =	sld [smem:$0x3FA9]  }
0x39: {  	_ = 	snop;
	(pc) =	sbr.ind lr, $3  }
0x3a: {  	_ = 	snop  }
0x3b: {  	_ = 	snop  }
0x3c: {  	p2 =	seq.s32 s10, $0x1;
	s10 =	sld [smem:$0x3FA8]  }
0x3d: {  	_ =	shalt  }
0x3e: {  	_ =	shalt  }
0x3f: {  	_ =	shalt  }
0x40: {  	_ =	shalt  }
0x41: {  	_ =	shalt  }
0x42: {  	_ =	shalt  }
0x43: {  	_ =	shalt  }
0x44: {  	_ =	shalt  }
0x45: {  	_ =	shalt  }
0x46: {  	_ =	shalt  }
0x47: {  	_ =	shalt  }
0x48: {  	_ =	shalt  }
0x49: {  	_ =	shalt  }
0x4a: {  	_ =	shalt  }
0x4b: {  	_ =	shalt  }
0x4c: {  	_ =	shalt  }
0x4d: {  	_ =	shalt  }
0x4e: {  	_ =	shalt  }
0x4f: {  	_ =	shalt  }
0x50: {  	_ =	shalt  }
0x51: {  	_ =	shalt  }
0x52: {  	_ =	shalt  }
0x53: {  	_ =	shalt  }
0x54: {  	_ =	shalt  }
0x55: {  	_ =	shalt  }
0x56: {  	_ =	shalt  }
0x57: {  	_ =	shalt  }
0x58: {  	_ =	shalt  }
0x59: {  	_ =	shalt  }
0x5a: {  	_ =	shalt  }
0x5b: {  	_ =	shalt  }
0x5c: {  	_ =	shalt  }
0x5d: {  	_ =	shalt  }
0x5e: {  	_ =	shalt  }
0x5f: {  	_ =	shalt  }
0x60: {  	_ =	shalt  }
0x61: {  	_ =	shalt  }
0x62: {  	_ =	shalt  }
0x63: {  	_ =	shalt  }
0x64: {  	_ =	shalt  }
0x65: {  	_ =	shalt  }
0x66: {  	_ =	shalt  }
0x67: {  	_ =	shalt  }
0x68: {  	_ =	shalt  }
0x69: {  	_ =	shalt  }
0x6a: {  	_ =	shalt  }
0x6b: {  	_ =	shalt  }
0x6c: {  	_ =	shalt  }
0x6d: {  	_ =	shalt  }
0x6e: {  	_ =	shalt  }
0x6f: {  	_ =	shalt  }
0x70: {  	_ =	shalt  }
0x71: {  	_ =	shalt  }
0x72: {  	_ =	shalt  }
0x73: {  	_ =	shalt  }
0x74: {  	_ =	shalt  }
0x75: {  	_ =	shalt  }
0x76: {  	_ =	shalt  }
0x77: {  	_ =	shalt  }
0x78: {  	_ =	shalt  }
0x79: {  	_ =	shalt  }
0x7a: {  	_ =	shalt  }
0x7b: {  	_ =	shalt  }
0x7c: {  	_ =	shalt  }
0x7d: {  	_ =	shalt  }
0x7e: {  	_ =	shalt  }
0x7f: {  	_ =	shalt  }
0x80: {  	_ =	shalt  }
0x81: {  	_ =	shalt  }
0x82: {  	_ =	shalt  }
0x83: {  	_ =	shalt  }
0x84: {  	_ =	shalt  }
0x85: {  	_ =	shalt  }
0x86: {  	_ =	shalt  }
0x87: {  	_ =	shalt  }
.Lfunc_end0:
.L_simem_size_0:
called_computation.3_lowered:
.L_overlay_start_0:
0x88: {  	s0 =	sld [smem:$0x3FD9]  }
0x89: {  	s1 =	sld [smem:$0x3FFE];
	_ =	sdelay $0x3  }
0x8a: {  	s0 =	sadd.s32 s1, s0  }
0x8b: {  	[smem:$0x3FB4] =	sst s0  }
0x8c: {  	_ = 	snop  }
0x8d: {  	(tm) =	ssettm $0x1  }
0x8e: {  	s15 =	sld [smem:$0x3FFB];
	_ =	sdelay $0x3  }
0x8f: {  	_ =	strace s15  }
0x90: {  	s0 =	sld [smem:$0x3FFC];
	_ =	sdelay $0x3  }
0x91: {  	_ =	strace s0  }
0x92: {  	s0 =	sld [smem:$0x3FFD];
	_ =	sdelay $0x3  }
0x93: {  	_ =	strace s0  }
0x94: {  	_ =	strace $0x8FFFFFFF  }
0x95: {  	s16 =	sld [smem:$0x3FDB];
	_ =	sdelay $0x1  }
0x96: {  	s17 =	simm.s32 $_scs_section_size  }
0x97: {  	s2 =	simm.s32 $_size__tile_overlayer_lowered;
	s3 =	simm.s32 $_tile_overlayer_lowered  }
0x98: {  	s20 =	simm.s32 $0x1BFF;
	s19 =	sshll.u32 s3, $0x1;
	s0 =	sadd.s32 s17, s16  }
0x99: {  	s4 =	simm.s32 $0x0;
	s18 =	sshll.u32 s2, $0x1;
	s2 =	sadd.s32 s19, s0  }
0x9a: {  	[timem:s4], [sflag:s20] =	dma.local [hbm:s2], s18  }
0x9b: {  	_ =	swait.ge [sflag:s20], s18  }
0x9c: {  	s1 =	ssub.s32 $0x0, s18;
	[sflag:s20] =	ssyncset.done $0x0  }
0x9d: {  	[sflag:s20] =	ssyncadd.s32 s1;
	_ =	sdelay $0x1  }
0x9e: {  	s21 =	simm.s32 $0x1B8B  }
0x9f: {  	_ =	swait.ge [sflag:s21], $0x1  }
0xa0: {  	[sflag:s21] =	ssyncset.done $0x0  }
0xa1: {  	s23 =	simm.s32 $0x1B8E;
	s22 =	sld [smem:$0x3FFE];
	[sflag:s21] =	ssyncadd.s32 $0xFFFFFFFF  }
0xa2: {  	s24 =	simm.s32 $execute0_lowered;
	[smem:$0x3FD2] =	sst s23  }
0xa3: {  	s2 =	sshll.u32 s24, $0x1;
	_ =	strace $0x80000055;
	[dreg:$0x1] =	wrdreg $0xFFFFFFFF  }
0xa4: {  	s25 =	simm.s32 $_size_execute0_lowered;
	s0 =	sadd.s32 s0, s2;
	[dreg:$0x0] =	wrdreg $0x0  }
0xa5: {  	s2 =	sshll.u32 s25, $0x1;
	[dreg:$0x2] =	wrdreg s0  }
0xa6: {  	[dreg:$0x3] =	wrdreg s2  }
0xa7: {  	[dreg:$0x4] =	wrdreg $0xC0  }
0xa8: {  	_ =	task [dreg:s4], $0x5FFFF  }
0xa9: {  	[dreg:$0x1] =	wrdreg $0xFFFFFFFF  }
0xaa: {  	[dreg:$0x0] =	wrdreg $0x60  }
0xab: {  	[dreg:$0x2] =	wrdreg s22  }
0xac: {  	[dreg:$0x3] =	wrdreg $0x9  }
0xad: {  	_ =	task.clear_ibuf [dreg:s4], $0x4FFFF;
	_ =	strace $0x90000055  }
0xae: {  	s26 =	simm.s32 $0x9;
	_ =	strace $0x80000057  }
0xaf: {  	_ =	swait.ge [sflag:s26], $0x1  }
0xb0: {  	[sflag:s26] =	ssyncadd.s32 $0xFFFFFFFF  }
0xb1: {  	_ =	strace $0x90000057  }
0xb2: {  	_ =	sfence  }
0xb3: {  	s28 =	sld [smem:$0x0];
	_ =	sdelay $0x1  }
0xb4: {  	s29 =	srdreg.scid  }
0xb5: {  	s30 =	sshll.u32 s29, $0xD;
	s31 =	sshrl.u32 s29, $0x2  }
0xb6: {  	s1 =	sand.u32 $0x1, s29;
	s2 =	sand.u32 $0x4000, s30;
	s0 =	sadd.s32 s31, s28  }
0xb7: {  	s1 =	sor.u32 s2, s1;
	s0 =	sshll.u32 s0, $0x11  }
0xb8: {  	s0 =	sor.u32 s0, s1  }
0xb9: {  	s0 =	sadd.s32 $0x8F2B, s0  }
0xba: {  	[sflag:s0] =	ssyncadd.remote.s32 $0x1  }
0xbb: {  	_ =	sfence.sel $0xFFFF  }
0xbc: {  	[dreg:$0x0] =	wrdreg $0xFFFFFFFF;
	(pc) =	sbr.abs _section_cstart, $3  }
0xbd: {  	[dreg:$0x1] =	wrdreg $0xFFFFFFFF  }
0xbe: {  	_ =	task.clear_ibuf [dreg:s4], $0x2FFFF;
	_ =	strace $0x9FFFFFFF  }
0xbf: {  	(tm) =	ssettm $0x7FFFFFFF  }
tec
execute0_lowered:
.L_overlay_start_1:
0x0: {  	(tag) =	ssettag $0x1  }
0x1: {  	s0 =	rddreg [dreg:$0x0];
	_ =	strace $0x80000056;
	s1 =	simm.s32 $0x1  }
0x2: {  	s8 =	simm.s32 $0x88;
	v0 =	vimm.s32 $0x0;
	[sflag:s1] =	ssyncpa.u1 $0x0  }
0x3: {  	[tilespmem:s8+$0x30] =	vst v0  }
0x4: {  	s1 =	sadd.s32 $0x47200, s0;
	s3 =	sadd.s32 $0x1EA00, s0;
	[tilespmem:s8+$0x20] =	vst v0  }
0x5: {  	s4 =	sadd.s32 $0x6E400, s0;
	s5 =	sadd.s32 $0x28C00, s0;
	s0 =	simm.s32 $0x40;
	[tilespmem:s8+$0x10] =	vst v0  }
.LBB2_1:
0x6: {  	s0 =	sadd.s32 $0x40, s0  }
0x7: {  	[tilespmem:s8+$0x0] =	vst v0;
	s8 =	sadd.s32 $0x40, s8;
	p0 =	slt.u32 s0, $0x5040  }
.Ltmp0:
0x8: {  	(pc) =	sbr.rel @p0 .LBB2_1-.Ltmp0, $4  }
0x9: {  	_ = 	snop  }
0xa: {  	[tilespmem:s8+$0x30] =	vst v0  }
0xb: {  	[tilespmem:s8+$0x20] =	vst v0  }
0xc: {  	[tilespmem:s8+$0x10] =	vst v0  }
0xd: {  	s9 =	stileid.u32  }
0xe: {  	s0 =	smin.u32 s9, $0x8;
	s2 =	sshll.u32 s9, $0x6  }
0xf: {  	s0 =	sor.u32 s0, s2  }
0x10: {  	p0 =	slt.u32 s9, $0x8;
	s6 =	smul.u32 $0x140, s0;
	s0 =	simm.s32 $0x5140  }
0x11: {  	s0 =	simm.s32 @!p0 $0x5000  }
0x12: {  	s0 =	sadd.s32 s0, s6  }
0x13: {  	s7 =	smin.u32 s0, $0x50910  }
0x14: {  	s0 =	ssub.s32 s7, s6  }
0x15: {  	p0 =	sgt.s32 s0, $0x0  }
0x16: {  	s0 =	simm.s32 @!p0 $0x0  }
0x17: {  	s29 =	simm.s32 $0x2;
	s10 =	simm.s32 $0x7;
	s28 =	smulhi.u32 $0x66666667, s0  }
0x18: {  	s31 =	simm.s32 $0x8;
	s11 =	simm.s32 $0x1;
	s15 =	simm.s32 $0x0  }
0x19: {  	p1 =	por $0x0, $0x0;
	s16 =	simm.s32 $0xA;
	s2 =	sshrl.u32 s28, $0x7  }
0x1a: {  	s20 =	simm.s32 $0x0;
	s17 =	simm.s32 $0x0;
	s30 =	smul.u32 $0x140, s2  }
.Ltmp1:
0x1b: {  	[tilespmem:s8+$0x0] =	vst v0;
	v0 =	vimm.s32 $0xFFFFFFFF;
	s19 =	simm.s32 $0x0;
	[sflag:s29] =	ssyncpa.u1 $0x0;
	(pc) =	sbr.rel .LBB2_3-.Ltmp1, $4  }
0x1c: {  	[tilespmem:$0xA108] =	vst v0;
	[sflag:s10] =	ssyncpa.u1 $0x0;
	p0 =	sne.s32 s0, s30;
	s0 =	simm.s32 $0x1  }
0x1d: {  	s10 =	simm.s32 $0x9;
	[sflag:s31] =	ssyncpa.u1 $0x0;
	s0 =	simm.s32 @!p0 $0x0  }
0x1e: {  	s13 =	sshll.u32 s9, $0x7;
	[sflag:s10] =	ssyncpa.u1 $0x0;
	s12 =	sadd.s32 s0, s2  }
0x1f: {  	v0 =	vlaneseq.u32;
	s18 =	smov.u32 s6;
	p0 =	por $0x1, $0x1;
	s14 =	sadd.s32 $0x1, s12  }
.LBB2_24:
0x20: {  	s0 =	sshrl.u32 s29, $0x2  }
.LBB2_26:
0x21: {  	_ =	swait.ge [sflag:s16], s0  }
0x22: {  	s31 =	ssub.s32 $0x0, s0;
	v1 =	vmov s22;
	vm0 =	veq.s32 v0, $0x0;
	[sflag:s16] =	ssyncset.done $0x0  }
0x23: {  	vm15 =	veq.s32 v0, $0x2;
	v1 =	vsel vm0, s28, v1;
	[sflag:s16] =	ssyncadd.s32 s31  }
0x24: {  	v1 =	vsel vm15, s20, v1;
	[sflag:s16] =	ssyncpa.u1 $0x1  }
0x25: {  	[tilespmem:$0xA108] =	vst v1  }
.LBB2_27:
0x26: {  	s0 =	sadd.s32 $0x140, s18  }
0x27: {  	s2 =	smov.u32 s6;
	p2 =	slt.s32 s0, s7  }
0x28: {  	s2 =	smov.u32 @p2 s0;
	p2 =	sne.s32 s19, s14  }
.Ltmp2:
0x29: {  	_ = 	snop;
	(pc) =	sbr.rel @!p2 .LBB2_28-.Ltmp2, $4  }
0x2a: {  	_ = 	snop  }
0x2b: {  	s20 =	smov.u32 s17  }
0x2c: {  	s31 =	sadd.s32 $0x1, s19;
	s17 =	smov.u32 s18;
	p0 =	por !p0, !p0  }
0x2d: {  	p1 =	por !p1, !p1;
	s19 =	smov.u32 s31;
	s18 =	smov.u32 s2  }
.LBB2_3:
0x2e: {  	p2 =	sge.u32 s19, s12  }
0x2f: {  	s0 =	smulhi.u32 @!p2 $0xAAAAAAAB, s19  }
0x30: {  	s2 =	smov.u32 s18;
	p3 =	sgt.s32 @!p2 s18, $0x507D0  }
0x31: {  	s8 =	sshra.s32 @!p2 s18, $0x1F;
	p3 =	por !p3, p2;
	s0 =	sshrl.u32 @!p2 s0, $0x1  }
0x32: {  	s8 =	sand.u32 @!p2 s8, s18;
	s2 =	simm.s32 @p3 $0x507D0;
	s0 =	smul.u32 @!p2 $0x3, s0  }
0x33: {  	s2 =	ssub.s32 @!p2 s2, s8  }
0x34: {  	s22 =	sadd.s32 $0xFFFFFFFF, s19;
	s2 =	sadd.s32 @!p2 $0xFFFAF830, s2;
	s0 =	ssub.s32 @!p2 s19, s0  }
0x35: {  	s8 =	sshll.u32 @!p2 s2, $0x2;
	p3 =	sgt.s32 @!p2 s2, $0x13F;
	s0 =	smul.u32 @!p2 $0x500, s0  }
0x36: {  	s21 =	sand.u32 @!p2 $0x7, s18;
	s2 =	ssub.s32 @!p2 $0x500, s8;
	p3 =	por !p3, p2  }
0x37: {  	s8 =	sshrl.u32 @!p2 s18, $0x3;
	s2 =	sshrl.u32 @!p2 s2, $0x2;
	s0 =	sshrl.u32 @!p2 s0, $0x2  }
0x38: {  	s8 =	sadd.s32 @!p2 s5, s8;
	s2 =	simm.s32 @!p3 $0x0;
	s0 =	sadd.s32 @!p2 $0xA938, s0  }
0x39: {  	[tilespmem:s0], [sflag:$0x8] =	stream.linear.gather @!p2 [hbm4b:s8+s21], s2, $0x38;
	[tilespmem:$0x1EF78] =	vst v63  }
0x3a: {  	p2 =	sge.u32 s22, s12  }
0x3b: {  	p3 =	sgt.s32 @!p2 s17, $0x507D0  }
0x3c: {  	s0 =	smov.u32 s17;
	s2 =	sshra.s32 @!p2 s17, $0x1F;
	p3 =	por !p3, p2  }
0x3d: {  	s2 =	sand.u32 @!p2 s2, s17;
	s0 =	simm.s32 @p3 $0x507D0  }
0x3e: {  	s0 =	ssub.s32 @!p2 s0, s2  }
0x3f: {  	s0 =	sadd.s32 @!p2 $0xFFFAF830, s0  }
0x40: {  	s2 =	sshll.u32 @!p2 s0, $0x2  }
0x41: {  	p3 =	sgt.s32 @!p2 s0, $0x13F;
	s0 =	ssub.s32 @!p2 $0x500, s2  }
0x42: {  	p3 =	por !p3, p2;
	s0 =	sshrl.u32 @!p2 s0, $0x2  }
0x43: {  	s8 =	simm.s32 @!p2 $0x8;
	s2 =	sand.u32 @!p2 $0x1, s22;
	s0 =	simm.s32 @!p3 $0x0  }
0x44: {  	s2 =	smul.u32 @!p2 $0x500, s2;
	_ =	swait.ge @!p2 [sflag:s8], s0  }
0x45: {  	s21 =	ssub.s32 @!p2 $0x0, s0;
	[sflag:s8] =	ssyncset.done @!p2 $0x0  }
0x46: {  	s2 =	sshrl.u32 @!p2 s2, $0x2;
	[sflag:s8] =	ssyncadd.s32 @!p2 s21;
	s8 =	sshrl.u32 @!p2 s17, $0x3  }
0x47: {  	s2 =	sadd.s32 @!p2 $0xACF8, s2;
	s21 =	sand.u32 @!p2 $0x7, s17;
	s8 =	sadd.s32 @!p2 s3, s8  }
0x48: {  	[tilespmem:s2], [sflag:$0x9] =	stream.linear.gather @!p2 [hbm4b:s8+s21], s0, $0x38;
	[tilespmem:$0x1EF78] =	vst v63  }
0x49: {  	s21 =	ssub.s32 @!p2 $0x50910, s17  }
0x4a: {  	p3 =	slt.s32 @!p2 s21, $0x1  }
0x4b: {  	p3 =	por p2, p3  }
.Ltmp3:
0x4c: {  	_ = 	snop;
	(pc) =	sbr.rel @p3 .LBB2_9-.Ltmp3, $1  }
0x4d: {  	_ =	sdelay $0x3  }
0x4e: {  	s0 =	smulhi.u32 $0xAAAAAAAB, s22;
	_ =	sdelay $0x1  }
0x4f: {  	s0 =	sshrl.u32 s0, $0x1  }
0x50: {  	s0 =	smul.u32 $0x3, s0;
	_ =	sdelay $0x1  }
0x51: {  	s0 =	ssub.s32 s22, s0  }
0x52: {  	s2 =	simm.s32 $0x1;
	s0 =	smul.u32 $0x500, s0  }
.Ltmp4:
0x53: {  	s2 =	simm.s32 @!p0 $0x0;
	(pc) =	sbr.rel .LBB2_6-.Ltmp4, $4  }
0x54: {  	s2 =	smul.u32 $0x28000, s2  }
0x55: {  	p3 =	slt.s32 @!p2 s21, $0x140;
	s0 =	sshrl.u32 s0, $0x2  }
0x56: {  	p2 =	por !p3, p2;
	s2 =	sshrl.u32 s2, $0x2;
	s0 =	sadd.s32 $0xA938, s0  }
0x57: {  	s23 =	simm.s32 $0x0;
	s21 =	simm.s32 @p2 $0x140;
	s22 =	sadd.s32 $0xAF78, s2;
	v1 =	vmov s0  }
.LBB2_5:
0x58: {  	p2 =	sge.s32 s23, s21  }
.Ltmp5:
0x59: {  	_ = 	snop;
	(pc) =	sbr.rel @p2 .LBB2_9-.Ltmp5, $2  }
0x5a: {  	_ =	sdelay $0x2  }
0x5b: {  	s22 =	sadd.s32 $0x800, s22  }
.LBB2_6:
0x5c: {  	p2 =	sle.s32 s21, s23  }
.Ltmp6:
0x5d: {  	_ = 	snop;
	(pc) =	sbr.rel @p2 .LBB2_5-.Ltmp6, $2  }
0x5e: {  	_ =	sdelay $0x2  }
0x5f: {  	s24 =	smov.u32 s23;
	s23 =	sadd.s32 $0x10, s23  }
0x60: {  	s0 =	ssub.s32 s21, s24  }
0x61: {  	p2 =	slt.s32 s0, $0x10  }
0x62: {  	s0 =	simm.s32 @!p2 $0x10  }
0x63: {  	v2 =	vmov s0  }
0x64: {  	vm0 =	vgt.s32 v2, v0;
	_ =	sdelay $0x5  }
0x65: {  	v2 =	vld.idx.msk [tilespmem:v1+s24+$0x0 ss:$0x1], vm0;
	_ =	sdelay $0x2  }
0x66: {  	p2 =	slt.s32 s23, s21;
	s0 =	smov.u32 s21  }
0x67: {  	s2 =	smov.u32 s22;
	s25 =	simm.s32 $0x0;
	s0 =	smov.u32 @p2 s23  }
.LBB2_8:
0x68: {  	(v2sf) =	vpush v2, s25;
	_ =	sdelay $0xc  }
0x69: {  	s25 =	sadd.s32 $0x1, s25  }
0x6a: {  	s31 =	sadd.s32 s25, s24  }
0x6b: {  	p2 =	slt.s32 s31, s0;
	s8 =	spop (v2sf)  }
.Ltmp7:
0x6c: {  	s8 =	sshll.u32 s8, $0x4;
	(pc) =	sbr.rel @p2 .LBB2_8-.Ltmp7, $4  }
0x6d: {  	s8 =	sand.u32 $0x1FFFFFF0, s8  }
0x6e: {  	s8 =	sadd.s32 s4, s8  }
0x6f: {  	[tilespmem:s2], [sflag:$0x7] =	stream.linear.gather [hbm4b:s8+s15], $0x40, $0x38;
	[tilespmem:$0x1EF78] =	vst v63  }
0x70: {  	s2 =	sadd.s32 $0x80, s2  }
.Ltmp8:
0x71: {  	_ = 	snop;
	(pc) =	sbr.rel .LBB2_5-.Ltmp8, $1  }
0x72: {  	_ =	sdelay $0x3  }
.LBB2_9:
0x73: {  	p2 =	slt.u32 s19, $0x2  }
.Ltmp9:
0x74: {  	_ = 	snop;
	(pc) =	sbr.rel @p2 .LBB2_27-.Ltmp9, $1  }
0x75: {  	_ =	sdelay $0x3  }
0x76: {  	p2 =	sgt.s32 s20, $0x507D0;
	s0 =	smov.u32 s20  }
0x77: {  	s2 =	sshra.s32 s20, $0x1F;
	s8 =	ssub.s32 $0x50910, s20;
	s0 =	simm.s32 @!p2 $0x507D0  }
0x78: {  	s2 =	sand.u32 s2, s20;
	p2 =	slt.s32 s8, $0x140;
	s21 =	smov.u32 s8  }
0x79: {  	s0 =	ssub.s32 s0, s2;
	s21 =	simm.s32 @!p2 $0x140  }
0x7a: {  	s0 =	sadd.s32 $0xFFFAF830, s0;
	s26 =	sshll.u32 s21, $0x6  }
0x7b: {  	s9 =	simm.s32 $0x7;
	s29 =	sshll.u32 s0, $0x2;
	s2 =	sand.u32 $0x3FFFFFC0, s26  }
0x7c: {  	p2 =	sgt.s32 s0, $0x13F;
	s30 =	ssub.s32 $0x500, s29;
	_ =	swait.ge [sflag:s9], s2  }
0x7d: {  	s2 =	ssub.s32 $0x0, s2;
	[sflag:s9] =	ssyncset.done $0x0;
	s0 =	sshrl.u32 s30, $0x2  }
0x7e: {  	[sflag:s9] =	ssyncadd.s32 s2;
	s0 =	simm.s32 @p2 $0x0  }
0x7f: {  	_ =	swait.ge [sflag:s10], s0  }
0x80: {  	s0 =	ssub.s32 $0x0, s0;
	[sflag:s10] =	ssyncset.done $0x0  }
0x81: {  	[sflag:s10] =	ssyncadd.s32 s0  }
0x82: {  	v1 =	vld [tilespmem:$0xA108];
	_ =	sdelay $0x4  }
0x83: {  	(v2sf) =	vpush v1, $0x0  }
0x84: {  	(v2sf) =	vpush v1, $0x1  }
0x85: {  	(v2sf) =	vpush v1, $0x2;
	_ =	sdelay $0x3  }
0x86: {  	s0 =	sadd.s32 $0x140, s20  }
0x87: {  	p2 =	slt.s32 s7, s0  }
0x88: {  	s0 =	smov.u32 @p2 s7;
	p2 =	sgt.s32 s8, $0x0  }
0x89: {  	s24 =	ssub.s32 s0, s20;
	s8 =	simm.s32 @!p2 $0x0  }
0x8a: {  	p2 =	slt.s32 s8, s24  }
0x8b: {  	s24 =	smov.u32 @p2 s8  }
0x8c: {  	s23 =	simm.s32 $0x1;
	p2 =	slt.s32 s24, $0x1  }
.Ltmp10:
0x8d: {  	s23 =	simm.s32 @!p1 $0x0;
	(pc) =	sbr.rel @p2 .LBB2_14-.Ltmp10, $4  }
0x8e: {  	s31 =	smul.u32 $0x500, s23  }
0x8f: {  	s25 =	spop (v2sf)  }
0x90: {  	s0 =	sshrl.u32 s31, $0x2;
	s28 =	spop (v2sf)  }
0x91: {  	s21 =	sadd.s32 $0xACF8, s0;
	s20 =	spop (v2sf)  }
0x92: {  	s0 =	smin.u32 s24, $0x10  }
0x93: {  	v1 =	vmov s0  }
0x94: {  	p3 =	sgt.s32 s24, $0x10;
	vm1 =	vgt.u32 v1, v0  }
.Ltmp11:
0x95: {  	_ = 	snop;
	(pc) =	sbr.rel @!p3 .LBB2_13-.Ltmp11, $2  }
0x96: {  	_ =	sdelay $0x2  }
0x97: {  	s26 =	simm.s32 $0x10;
	s29 =	sadd.s32 $0xFFFFFFF0, s24;
	s22 =	smov.u32 s21;
	vm0 =	vmmov vm1  }
.LBB2_12:
0x98: {  	s0 =	smin.u32 s29, $0x10;
	s26 =	sadd.s32 $0x10, s26;
	v1 =	vld.msk [tilespmem:s22+$0x0 ss:$0x1], vm1  }
0x99: {  	v2 =	vmov s0;
	p3 =	slt.s32 s26, s24  }
0x9a: {  	vm1 =	vgt.u32 v2, v0  }
.Ltmp12:
0x9b: {  	(pc) =	sbr.rel @p3 .LBB2_12-.Ltmp12, $3  }
0x9c: {  	_ =	sdelay $0x1  }
0x9d: {  	v1 =	vshll.u32 v1, $0x4  }
0x9e: {  	s29 =	sadd.s32 $0xFFFFFFF0, s29;
	[tilespmem:s22+$0x0] =	vst.msk vm0, v1;
	s22 =	sadd.s32 $0x10, s22;
	vm0 =	vmmov vm1  }
.LBB2_13:
0x9f: {  	_ =	sdelay $0x4  }
0xa0: {  	v1 =	vld.msk [tilespmem:s22+$0x0 ss:$0x1], vm1;
	_ =	sdelay $0x4  }
0xa1: {  	v1 =	vshll.u32 v1, $0x4  }
0xa2: {  	[tilespmem:s22+$0x0] =	vst.msk vm0, v1  }
.LBB2_14:
0xa3: {  	s0 =	sand.u32 $0x1, s19  }
0xa4: {  	s0 =	smul.u32 $0x140, s0  }
0xa5: {  	p3 =	sne.s32 s28, $0xFFFFFFFF  }
0xa6: {  	v1 =	vld.msk @!p3 [tilespmem:s0+$0xACF8], $0x1;
	_ =	sdelay $0x4  }
0xa7: {  	(v2sf) =	vpush @!p3 v1, $0x0;
	_ =	sdelay $0xc  }
.Ltmp13:
0xa8: {  	_ = 	snop;
	(pc) =	sbr.rel @p2 .LBB2_25-.Ltmp13, $4  }
0xa9: {  	_ = 	snop  }
0xaa: {  	s26 =	spop @!p3 (v2sf)  }
0xab: {  	s20 =	simm.s32 @!p3 $0x0;
	s22 =	smov.u32 s26  }
0xac: {  	[sflag:s16] =	ssyncpa.u1 $0x0;
	s26 =	smov.u32 @p3 s25;
	s22 =	smov.u32 @p3 s28  }
0xad: {  	v1 =	vld.msk [tilespmem:s21+$0x0], $0x1;
	_ =	sdelay $0x4  }
0xae: {  	(v2sf) =	vpush v1, $0x0;
	_ =	sdelay $0xe  }
0xaf: {  	s0 =	smul.u32 $0x28000, s23;
	s30 =	spop (v2sf)  }
0xb0: {  	s24 =	ssub.s32 $0x0, s24;
	p2 =	seq.s32 s26, s30  }
0xb1: {  	s28 =	sadd.s32 $0x1, s24;
	s0 =	sshrl.u32 s0, $0x2;
	p3 =	sgt.s32 @!p2 s26, $0x0  }
0xb2: {  	s23 =	sadd.s32 $0xAF98, s0;
	s0 =	smov.u32 s26;
	p3 =	por !p3, p2  }
0xb3: {  	s0 =	simm.s32 @p3 $0x0;
	p3 =	seq.s32 s28, $0x0  }
.Ltmp14:
0xb4: {  	_ = 	snop;
	(pc) =	sbr.rel @p3 .LBB2_17-.Ltmp14, $4  }
0xb5: {  	_ = 	snop  }
0xb6: {  	s25 =	simm.s32 $0x0;
	s31 =	simm.s32 @!p2 $0x1;
	s2 =	smin.u32 @!p2 s0, $0x270F8  }
0xb7: {  	s29 =	sadd.s32 $0x1, s21;
	s31 =	smov.u32 @p2 s25;
	s8 =	sand.u32 @!p2 $0x3FFF8, s2  }
0xb8: {  	s0 =	simm.s32 @!p2 $0x50C8;
	s2 =	sand.u32 @!p2 $0x7, s2;
	s8 =	sadd.s32 @!p2 s1, s8  }
.LBB2_16:
0xb9: {  	s9 =	smov.u32 s31  }
0xba: {  	[tilespmem:s0], [sflag:$0x2] =	stream.linear.gather @!p2 [hbm4b:s8+s2], $0x40, $0x38;
	[tilespmem:$0x1EF78] =	vst v63  }
0xbb: {  	s28 =	sadd.s32 $0x1, s28;
	s2 =	smov.u32 s30;
	v1 =	vld.msk [tilespmem:s29+$0x0], $0x1  }
0xbc: {  	p3 =	seq.s32 s28, $0x0;
	_ =	sdelay $0x3  }
0xbd: {  	(v2sf) =	vpush v1, $0x0;
	_ =	sdelay $0xe  }
0xbe: {  	s30 =	spop (v2sf)  }
0xbf: {  	p2 =	seq.s32 s2, s30  }
0xc0: {  	p4 =	sgt.s32 @!p2 s2, $0x0;
	s0 =	sshll.u32 @!p2 s31, $0x8;
	s31 =	sadd.s32 @!p2 $0x1, s31  }
.Ltmp15:
0xc1: {  	p4 =	por !p4, p2;
	s0 =	sshra.s32 @!p2 s0, $0x2;
	(pc) =	sbr.rel @!p3 .LBB2_16-.Ltmp15, $4  }
0xc2: {  	s31 =	smov.u32 @p2 s9;
	s2 =	simm.s32 @p4 $0x0;
	s0 =	sadd.s32 @!p2 $0x50C8, s0  }
0xc3: {  	s2 =	smin.u32 @!p2 s2, $0x270F8  }
0xc4: {  	s8 =	sand.u32 @!p2 $0x3FFF8, s2;
	s2 =	sand.u32 @!p2 $0x7, s2  }
0xc5: {  	s29 =	sadd.s32 $0x1, s29;
	s8 =	sadd.s32 @!p2 s1, s8  }
.LBB2_17:
0xc6: {  	[tilespmem:s0], [sflag:$0x2] =	stream.linear.gather @!p2 [hbm4b:s8+s2], $0x40, $0x38;
	[tilespmem:$0x1EF78] =	vst v63  }
.Ltmp16:
0xc7: {  	s30 =	sshll.u32 s31, $0x6;
	(pc) =	sbr.rel .LBB2_18-.Ltmp16, $4  }
0xc8: {  	s31 =	simm.s32 $0x2;
	s0 =	sand.u32 $0x3FFFFFC0, s30  }
0xc9: {  	_ =	swait.ge [sflag:s31], s0  }
0xca: {  	s0 =	ssub.s32 $0x0, s0;
	[sflag:s31] =	ssyncset.done $0x0  }
0xcb: {  	s29 =	simm.s32 $0x0;
	[sflag:s31] =	ssyncadd.s32 s0  }
.LBB2_19:
0xcc: {  	v1 =	vld [tilespmem:s23+$0xFFFFFFE0];
	_ =	sdelay $0x4  }
0xcd: {  	[tilespmem:s30+$0x88] =	vst.add.f32.msk $0xffff, v1  }
0xce: {  	v1 =	vld [tilespmem:s23+$0xFFFFFFF0];
	_ =	sdelay $0x4  }
0xcf: {  	[tilespmem:s30+$0x98] =	vst.add.f32.msk $0xffff, v1  }
0xd0: {  	v1 =	vld [tilespmem:s23+$0x0];
	_ =	sdelay $0x4  }
0xd1: {  	[tilespmem:s30+$0xA8] =	vst.add.f32.msk $0xffff, v1  }
0xd2: {  	v1 =	vld [tilespmem:s23+$0x10];
	_ =	sdelay $0x4  }
0xd3: {  	[tilespmem:s30+$0xB8] =	vst.add.f32.msk $0xffff, v1  }
.LBB2_23:
0xd4: {  	s24 =	sadd.s32 $0x1, s24  }
0xd5: {  	p2 =	seq.s32 s24, $0x0  }
.Ltmp17:
0xd6: {  	_ = 	snop;
	(pc) =	sbr.rel @p2 .LBB2_24-.Ltmp17, $2  }
0xd7: {  	_ =	sdelay $0x2  }
0xd8: {  	s23 =	sadd.s32 $0x80, s23;
	s21 =	sadd.s32 $0x1, s21;
	s26 =	smov.u32 s28  }
.LBB2_18:
0xd9: {  	v1 =	vld.msk [tilespmem:s21+$0x0], $0x1;
	_ =	sdelay $0x4  }
0xda: {  	(v2sf) =	vpush v1, $0x0;
	_ =	sdelay $0xe  }
0xdb: {  	s28 =	spop (v2sf)  }
0xdc: {  	p2 =	sne.s32 s26, s28  }
.Ltmp18:
0xdd: {  	_ = 	snop;
	(pc) =	sbr.rel @!p2 .LBB2_19-.Ltmp18, $3  }
0xde: {  	_ =	sdelay $0x1  }
0xdf: {  	s0 =	sshll.u32 s20, $0x8  }
0xe0: {  	s30 =	sshra.s32 s0, $0x2  }
0xe1: {  	p2 =	seq.s32 s26, s22  }
.Ltmp19:
0xe2: {  	_ = 	snop;
	(pc) =	sbr.rel @!p2 .LBB2_21-.Ltmp19, $1  }
0xe3: {  	_ =	sdelay $0x3  }
.Ltmp20:
0xe4: {  	s0 =	sadd.s32 $0x88, s30;
	(pc) =	sbr.rel .LBB2_22-.Ltmp20, $4  }
0xe5: {  	[spmem:s13] =	stream.linear.scatter [tilespmem:s0], [sflag:$0x1], $0x40, $0x38;
	[tilespmem:$0x1EF78] =	vst v63  }
0xe6: {  	_ =	swait.ge [sflag:s11], $0x40  }
0xe7: {  	[sflag:s11] =	ssyncset.done $0x0  }
0xe8: {  	[sflag:s11] =	ssyncadd.s32 $0xFFFFFFC0  }
.LBB2_21:
0xe9: {  	s0 =	sshll.u32 s25, $0x8  }
0xea: {  	s0 =	sshra.s32 s0, $0x2  }
0xeb: {  	v1 =	vld [tilespmem:s0+$0x50C8];
	_ =	sdelay $0x4  }
0xec: {  	[tilespmem:s30+$0x88] =	vst.add.f32.msk $0xffff, v1  }
0xed: {  	v1 =	vld [tilespmem:s0+$0x50D8];
	_ =	sdelay $0x4  }
0xee: {  	[tilespmem:s30+$0x98] =	vst.add.f32.msk $0xffff, v1  }
0xef: {  	v1 =	vld [tilespmem:s0+$0x50E8];
	_ =	sdelay $0x4  }
0xf0: {  	[tilespmem:s30+$0xA8] =	vst.add.f32.msk $0xffff, v1  }
0xf1: {  	v1 =	vld [tilespmem:s0+$0x50F8];
	_ =	sdelay $0x2  }
0xf2: {  	p2 =	sgt.u32 s26, $0x270F8  }
0xf3: {  	s0 =	sand.u32 @!p2 $0x3FFF8, s26  }
0xf4: {  	s2 =	sadd.s32 $0x88, s30;
	s8 =	sand.u32 @!p2 $0x7, s26;
	s0 =	sadd.s32 @!p2 s1, s0;
	[tilespmem:s30+$0xB8] =	vst.add.f32.msk $0xffff, v1  }
0xf5: {  	[hbm4b:s0+s8] =	stream.linear.scatter @!p2 [tilespmem:s2], [sflag:$0xA], $0x40, $0x38;
	[tilespmem:$0x1EF78] =	vst v63  }
0xf6: {  	s0 =	simm.s32 $0x0  }
0xf7: {  	s0 =	simm.s32 @!p2 $0x100  }
0xf8: {  	s29 =	sadd.s32 s0, s29  }
.LBB2_22:
0xf9: {  	s0 =	sadd.s32 $0x1, s20  }
0xfa: {  	s2 =	smulhi.u32 $0xCCCCCCCD, s0;
	_ =	sdelay $0x1  }
0xfb: {  	v1 =	vld [tilespmem:s23+$0xFFFFFFE0];
	s2 =	sshrl.u32 s2, $0x8  }
0xfc: {  	s2 =	smul.u32 $0x140, s2;
	_ =	sdelay $0x1  }
0xfd: {  	s20 =	ssub.s32 s0, s2  }
0xfe: {  	s0 =	sshll.u32 s20, $0x6  }
0xff: {  	[tilespmem:s0+$0x88] =	vst v1  }
0x100: {  	v1 =	vld [tilespmem:s23+$0xFFFFFFF0];
	_ =	sdelay $0x4  }
0x101: {  	[tilespmem:s0+$0x98] =	vst v1  }
0x102: {  	v1 =	vld [tilespmem:s23+$0x0];
	_ =	sdelay $0x4  }
0x103: {  	[tilespmem:s0+$0xA8] =	vst v1  }
0x104: {  	v1 =	vld [tilespmem:s23+$0x10]  }
.Ltmp21:
0x105: {  	_ = 	snop;
	(pc) =	sbr.rel .LBB2_23-.Ltmp21, $2  }
0x106: {  	_ =	sdelay $0x2  }
0x107: {  	s25 =	sadd.s32 $0x1, s25;
	[tilespmem:s0+$0xB8] =	vst v1  }
.LBB2_25:
.Ltmp22:
0x108: {  	(pc) =	sbr.rel .LBB2_26-.Ltmp22, $4  }
0x109: {  	_ = 	snop  }
0x10a: {  	s0 =	simm.s32 $0x2  }
0x10b: {  	_ =	swait.ge [sflag:s0], $0x0  }
0x10c: {  	s28 =	smov.u32 s26;
	[sflag:s0] =	ssyncset.done $0x0;
	s0 =	simm.s32 $0x0  }
.LBB2_28:
0x10d: {  	_ =	sfence.sel $0x180000  }
0x10e: {  	s0 =	simm.s32 $0x7;
	[bflag:$0x0] =	sbarrier.arrive $0xFFFF  }
0x10f: {  	s25 =	simm.s32 $0x8;
	[sflag:s0] =	ssyncpa.u1 $0x1  }
0x110: {  	s26 =	simm.s32 $0x9;
	[sflag:s25] =	ssyncpa.u1 $0x1  }
0x111: {  	s28 =	simm.s32 $0x2;
	[sflag:s26] =	ssyncpa.u1 $0x1  }
0x112: {  	[sflag:s28] =	ssyncpa.u1 $0x1  }
0x113: {  	v0 =	vld [tilespmem:$0xA108];
	_ =	sdelay $0x4  }
0x114: {  	(v2sf) =	vpush v0, $0x0  }
0x115: {  	(v2sf) =	vpush v0, $0x1;
	_ =	sdelay $0x1  }
0x116: {  	(v2sf) =	vpush v0, $0x2;
	_ =	sdelay $0xb  }
0x117: {  	s0 =	spop (v2sf)  }
0x118: {  	s2 =	spop (v2sf)  }
0x119: {  	s3 =	smov.u32 s0;
	p0 =	sne.s32 s0, s2  }
0x11a: {  	s4 =	spop (v2sf);
	s3 =	simm.s32 @!p0 $0xFFFFFFFF  }
0x11b: {  	v2 =	vimm.s32 $0x1;
	v3 =	vlaneseq.u32;
	p0 =	seq.s32 s4, $0xFFFFFFFF;
	v1 =	vmov s3  }
0x11c: {  	s7 =	stileid.u32;
	v0 =	vperm.xlane v0, v2;
	p1 =	sne.s32 @!p0 s0, s2;
	v1 =	vperm.xlane v1, v3  }
0x11d: {  	vm0 =	vcmask $0x3F04;
	s6 =	simm.s32 $0xA108;
	s0 =	simm.s32 @!p0 $0x1;
	p1 =	por !p1, p0  }
0x11e: {  	s3 =	sshll.u32 s7, $0x1;
	s2 =	sshll.u32 @!p0 s4, $0x8;
	s0 =	simm.s32 @p1 $0x0;
	v0 =	vsel vm0, v1, v0  }
0x11f: {  	s5 =	sor.u32 $0x800, s3;
	s2 =	sshra.s32 @!p0 s2, $0x2;
	s0 =	sor.u32 @!p0 s0, s3;
	[tilespmem:$0xA108] =	vst v0  }
0x120: {  	[spmem:s5] =	stream.linear.scatter [tilespmem:s6], [sflag:$0x1], $0x2, $0x38;
	[tilespmem:$0x1EF78] =	vst v63  }
0x121: {  	s2 =	sadd.s32 @!p0 $0x88, s2;
	s0 =	sshll.u32 @!p0 s0, $0x6  }
0x122: {  	[spmem:s0] =	stream.linear.scatter @!p0 [tilespmem:s2], [sflag:$0x1], $0x40, $0x38;
	[tilespmem:$0x1EF78] =	vst v63  }
0x123: {  	s2 =	simm.s32 @!p0 $0x42  }
0x124: {  	s0 =	simm.s32 $0x1;
	s2 =	simm.s32 @p0 $0x2  }
0x125: {  	_ =	swait.ge [sflag:s0], s2  }
0x126: {  	s2 =	ssub.s32 $0x0, s2;
	[sflag:s0] =	ssyncset.done $0x0  }
0x127: {  	[sflag:s0] =	ssyncadd.s32 s2  }
0x128: {  	_ =	sfence.stream.spmem  }
0x129: {  	s29 =	simm.s32 $0x3;
	[bflag:$0x0] =	sbarrier.arrive $0xFFFF  }
0x12a: {  	s30 =	simm.s32 $0x4;
	[sflag:s29] =	ssyncpa.u1 $0x1  }
0x12b: {  	s31 =	simm.s32 $0x3C;
	[sflag:s30] =	ssyncpa.u1 $0x1  }
0x12c: {  	p0 =	sne.s32 s7, $0x0;
	[sflag:s31] =	ssyncpa.u1 $0x1  }
0x12d: {  	_ =	sfence @p0  }
0x12e: {  	[sflag:s0] =	ssyncpa.u1 @p0 $0x1  }
0x12f: {  	_ =	strace @p0 $0x90000056  }
0x130: {  	[bflag:$0x2] =	sbarrier.arrive @p0 $0xFFFF  }
0x131: {  	_ =	shalt @p0  }
.LBB2_29:
0x132: {  	_ =	sfence.stream.spmem;
	s0 =	simm.s32 $0x5  }
0x133: {  	s2 =	simm.s32 $0x800;
	s3 =	simm.s32 $0xA118;
	[sflag:s0] =	ssyncpa.u1 $0x0  }
0x134: {  	[tilespmem:s3], [sflag:$0x5] =	stream.linear.gather [spmem:s2], $0x20, $0x38;
	[tilespmem:$0x1EF78] =	vst v63  }
0x135: {  	s30 =	simm.s32 $0xA138;
	s2 =	simm.s32 $0x0  }
0x136: {  	[tilespmem:s30], [sflag:$0x5] =	stream.linear.gather [spmem:s2], $0x800, $0x38;
	[tilespmem:$0x1EF78] =	vst v63  }
.Ltmp23:
0x137: {  	_ = 	snop;
	(pc) =	sbr.rel .LBB2_30-.Ltmp23, $4  }
0x138: {  	_ =	swait.ge [sflag:s0], $0x820  }
0x139: {  	[sflag:s0] =	ssyncset.done $0x0  }
0x13a: {  	s31 =	simm.s32 $0x6;
	[sflag:s0] =	ssyncadd.s32 $0xFFFFF7E0  }
0x13b: {  	s3 =	simm.s32 $0x0;
	[sflag:s31] =	ssyncpa.u1 $0x0  }
.LBB2_36:
0x13c: {  	p0 =	slt.u32 s4, $0x270F9  }
0x13d: {  	s0 =	sand.u32 @p0 $0x3FFF8, s4  }
0x13e: {  	s4 =	sand.u32 @p0 $0x7, s4;
	s5 =	simm.s32 @p0 $0xA0C8;
	s0 =	sadd.s32 @p0 s1, s0  }
0x13f: {  	[tilespmem:s5], [sflag:$0x6] =	stream.linear.gather @p0 [hbm4b:s0+s4], $0x40, $0x38;
	[tilespmem:$0x1EF78] =	vst v63  }
0x140: {  	s0 =	simm.s32 @p0 $0x6  }
0x141: {  	_ =	swait.ge @p0 [sflag:s0], $0x40  }
0x142: {  	[sflag:s0] =	ssyncset.done @p0 $0x0  }
0x143: {  	[sflag:s0] =	ssyncadd.s32 @p0 $0xFFFFFFC0  }
0x144: {  	v1 =	vld @p0 [tilespmem:$0xA0C8];
	_ =	sdelay $0x2  }
0x145: {  	s0 =	sshll.u32 @p0 s3, $0x8  }
0x146: {  	s4 =	sshrl.u32 @p0 s0, $0x2  }
0x147: {  	[tilespmem:s4+$0xA138] =	vst.add.f32.msk @p0 $0xffff, v1  }
0x148: {  	v1 =	vld @p0 [tilespmem:$0xA0D8];
	_ =	sdelay $0x4  }
0x149: {  	[tilespmem:s4+$0xA148] =	vst.add.f32.msk @p0 $0xffff, v1  }
0x14a: {  	v1 =	vld @p0 [tilespmem:$0xA0E8];
	_ =	sdelay $0x4  }
0x14b: {  	[tilespmem:s4+$0xA158] =	vst.add.f32.msk @p0 $0xffff, v1  }
0x14c: {  	v1 =	vld @p0 [tilespmem:$0xA0F8];
	_ =	sdelay $0x3  }
0x14d: {  	s5 =	sshll.u32 @!p0 s3, $0x8  }
0x14e: {  	s5 =	smov.u32 @p0 s0;
	[tilespmem:s4+$0xA168] =	vst.add.f32.msk @p0 $0xffff, v1  }
0x14f: {  	s0 =	sshrl.u32 s5, $0x2;
	[tilespmem:s2+$0xA118] =	vst.msk $0x1, v0  }
0x150: {  	v0 =	vld [tilespmem:s0+$0xA138];
	_ =	sdelay $0x2  }
0x151: {  	s31 =	sshll.u32 s2, $0x8  }
0x152: {  	s4 =	sshra.s32 s31, $0x2  }
0x153: {  	[tilespmem:s4+$0xA138] =	vst v0  }
0x154: {  	v0 =	vld [tilespmem:s0+$0xA148];
	_ =	sdelay $0x4  }
0x155: {  	[tilespmem:s4+$0xA148] =	vst v0  }
0x156: {  	v0 =	vld [tilespmem:s0+$0xA158];
	_ =	sdelay $0x4  }
0x157: {  	[tilespmem:s4+$0xA158] =	vst v0  }
0x158: {  	v0 =	vld [tilespmem:s0+$0xA168];
	_ =	sdelay $0x4  }
0x159: {  	s2 =	sadd.s32 $0x1, s2;
	[tilespmem:s4+$0xA168] =	vst v0  }
.LBB2_37:
0x15a: {  	s3 =	sadd.s32 $0x1, s3  }
0x15b: {  	p0 =	sne.s32 s3, $0x20  }
.Ltmp24:
0x15c: {  	_ = 	snop;
	(pc) =	sbr.rel @!p0 .LBB2_38-.Ltmp24, $1  }
0x15d: {  	_ =	sdelay $0x3  }
.LBB2_30:
0x15e: {  	v0 =	vld.msk [tilespmem:s3+$0xA118], $0x1;
	_ =	sdelay $0x4  }
0x15f: {  	(v2sf) =	vpush v0, $0x0;
	_ =	sdelay $0xe  }
0x160: {  	s4 =	spop (v2sf)  }
0x161: {  	p0 =	seq.s32 s4, $0xFFFFFFFF  }
.Ltmp25:
0x162: {  	_ = 	snop;
	(pc) =	sbr.rel @p0 .LBB2_37-.Ltmp25, $1  }
0x163: {  	_ =	sdelay $0x3  }
0x164: {  	p0 =	slt.s32 s2, $0x1  }
.Ltmp26:
0x165: {  	_ = 	snop;
	(pc) =	sbr.rel @p0 .LBB2_36-.Ltmp26, $1  }
0x166: {  	_ =	sdelay $0x3  }
0x167: {  	s5 =	simm.s32 $0xA118;
	p0 =	por $0x0, $0x0  }
0x168: {  	v1 =	vld.msk @!p0 [tilespmem:s5+$0x0], $0x1;
	_ =	sdelay $0x4  }
0x169: {  	(v2sf) =	vpush @!p0 v1, $0x0;
	_ =	sdelay $0xd  }
0x16a: {  	p2 =	sne.s32 s2, $0x1  }
.Ltmp27:
0x16b: {  	s0 =	spop @!p0 (v2sf);
	(pc) =	sbr.rel @!p2 .LBB2_34-.Ltmp27, $4  }
0x16c: {  	p1 =	seq.s32 @!p0 s4, s0  }
0x16d: {  	s6 =	simm.s32 $0x0;
	p1 =	por !p1, p0  }
0x16e: {  	s0 =	simm.s32 $0xFFFFFFFF;
	s6 =	simm.s32 @p1 $0xFFFFFFFF  }
0x16f: {  	s7 =	simm.s32 $0x1;
	s6 =	smov.u32 @p0 s0  }
.LBB2_33:
0x170: {  	s0 =	smov.u32 s6;
	p0 =	sne.s32 s6, $0xFFFFFFFF  }
0x171: {  	s5 =	sadd.s32 $0x1, s5;
	s6 =	smov.u32 s7;
	s7 =	sadd.s32 $0x1, s7  }
0x172: {  	p1 =	sne.s32 s2, s7;
	v1 =	vld.msk @!p0 [tilespmem:s5+$0x0], $0x1;
	_ =	sdelay $0x4  }
0x173: {  	(v2sf) =	vpush @!p0 v1, $0x0;
	_ =	sdelay $0xe  }
.Ltmp28:
0x174: {  	s8 =	spop @!p0 (v2sf);
	(pc) =	sbr.rel @p1 .LBB2_33-.Ltmp28, $4  }
0x175: {  	p2 =	seq.s32 @!p0 s4, s8  }
0x176: {  	p2 =	por !p2, p0  }
0x177: {  	s6 =	simm.s32 @p2 $0xFFFFFFFF  }
0x178: {  	s6 =	smov.u32 @p0 s0  }
.LBB2_34:
0x179: {  	p0 =	seq.s32 s6, $0xFFFFFFFF  }
.Ltmp29:
0x17a: {  	_ = 	snop;
	(pc) =	sbr.rel @p0 .LBB2_36-.Ltmp29, $1  }
0x17b: {  	_ =	sdelay $0x3  }
0x17c: {  	s0 =	sshll.u32 s3, $0x6  }
0x17d: {  	s0 =	sand.u32 $0x3FFFFFC0, s0  }
0x17e: {  	v0 =	vld [tilespmem:s0+$0xA138];
	_ =	sdelay $0x2  }
0x17f: {  	s4 =	sshll.u32 s6, $0x8  }
0x180: {  	s4 =	sshra.s32 s4, $0x2  }
0x181: {  	[tilespmem:s4+$0xA138] =	vst.add.f32.msk $0xffff, v0  }
0x182: {  	v0 =	vld [tilespmem:s0+$0xA148];
	_ =	sdelay $0x4  }
0x183: {  	[tilespmem:s4+$0xA148] =	vst.add.f32.msk $0xffff, v0  }
0x184: {  	v0 =	vld [tilespmem:s0+$0xA158];
	_ =	sdelay $0x4  }
0x185: {  	[tilespmem:s4+$0xA158] =	vst.add.f32.msk $0xffff, v0  }
0x186: {  	v0 =	vld [tilespmem:s0+$0xA168]  }
.Ltmp30:
0x187: {  	_ = 	snop;
	(pc) =	sbr.rel .LBB2_37-.Ltmp30, $2  }
0x188: {  	_ =	sdelay $0x2  }
0x189: {  	[tilespmem:s4+$0xA168] =	vst.add.f32.msk $0xffff, v0  }
.LBB2_38:
0x18a: {  	p0 =	slt.s32 s2, $0x1  }
.Ltmp31:
0x18b: {  	_ = 	snop;
	(pc) =	sbr.rel @p0 .LBB2_42-.Ltmp31, $3  }
0x18c: {  	_ =	sdelay $0x1  }
0x18d: {  	s0 =	simm.s32 $0x6  }
0x18e: {  	s3 =	simm.s32 $0x0;
	[sflag:s0] =	ssyncpa.u1 $0x1  }
0x18f: {  	s0 =	simm.s32 $0xA118  }
0x190: {  	v0 =	vld.msk [tilespmem:s0+$0x0], $0x1;
	_ =	sdelay $0x4  }
0x191: {  	(v2sf) =	vpush v0, $0x0;
	_ =	sdelay $0xe  }
0x192: {  	s2 =	sadd.s32 $0xFFFFFFFF, s2;
	s0 =	spop (v2sf)  }
0x193: {  	p1 =	sne.s32 s2, $0x0;
	p0 =	sgt.u32 s0, $0x270F8  }
.Ltmp32:
0x194: {  	s5 =	sand.u32 @!p0 $0x3FFF8, s0;
	(pc) =	sbr.rel @!p1 .LBB2_41-.Ltmp32, $4  }
0x195: {  	s4 =	simm.s32 $0xA138;
	s0 =	sand.u32 @!p0 $0x7, s0;
	s5 =	sadd.s32 @!p0 s1, s5  }
0x196: {  	[hbm4b:s5+s0] =	stream.linear.scatter @!p0 [tilespmem:s4], [sflag:$0x5], $0x40, $0x38;
	[tilespmem:$0x1EF78] =	vst v63  }
0x197: {  	s0 =	simm.s32 $0x0  }
0x198: {  	s5 =	simm.s32 $0xA119;
	s0 =	simm.s32 @!p0 $0x100  }
.LBB2_40:
0x199: {  	v0 =	vld.msk [tilespmem:s5+$0x0], $0x1;
	s2 =	sadd.s32 $0xFFFFFFFF, s2;
	s3 =	sadd.s32 s3, s0  }
0x19a: {  	p0 =	sne.s32 s2, $0x0;
	_ =	sdelay $0x3  }
0x19b: {  	(v2sf) =	vpush v0, $0x0;
	_ =	sdelay $0xe  }
.Ltmp33:
0x19c: {  	s6 =	spop (v2sf);
	(pc) =	sbr.rel @p0 .LBB2_40-.Ltmp33, $4  }
0x19d: {  	s0 =	simm.s32 $0x0;
	p1 =	sgt.u32 s6, $0x270F8  }
0x19e: {  	s4 =	sadd.s32 $0x40, s4;
	s0 =	simm.s32 @!p1 $0x100;
	s7 =	sand.u32 @!p1 $0x3FFF8, s6  }
0x19f: {  	s5 =	sadd.s32 $0x1, s5;
	s6 =	sand.u32 @!p1 $0x7, s6;
	s7 =	sadd.s32 @!p1 s1, s7  }
0x1a0: {  	[hbm4b:s7+s6] =	stream.linear.scatter @!p1 [tilespmem:s4], [sflag:$0x5], $0x40, $0x38;
	[tilespmem:$0x1EF78] =	vst v63  }
.LBB2_41:
0x1a1: {  	s0 =	sadd.s32 s3, s0  }
0x1a2: {  	s3 =	sshrl.u32 s0, $0x2  }
.LBB2_42:
0x1a3: {  	s0 =	simm.s32 $0x5  }
0x1a4: {  	_ =	swait.ge [sflag:s0], s3  }
0x1a5: {  	s1 =	ssub.s32 $0x0, s3;
	[sflag:s0] =	ssyncset.done $0x0  }
0x1a6: {  	[sflag:s0] =	ssyncadd.s32 s1  }
0x1a7: {  	[sflag:s0] =	ssyncpa.u1 $0x1  }
0x1a8: {  	s30 =	simm.s32 $0x1;
	_ =	sfence  }
0x1a9: {  	[sflag:s30] =	ssyncpa.u1 $0x1  }
0x1aa: {  	_ =	strace $0x90000056  }
0x1ab: {  	[bflag:$0x2] =	sbarrier.arrive $0xFFFF  }
0x1ac: {  	s31 =	rddreg [dreg:$0x1]  }
0x1ad: {  	s0 =	sadd.s32 $0x100000, s31  }
0x1ae: {  	[sflag:s0] =	ssyncadd.tile.s32 $0x1;
	_ =	shalt  }
.Lfunc_end2:
_tile_overlayer_lowered:
.L_overlay_start_2:
0x1af: {  	(tag) =	ssettag $0x2  }
0x1b0: {  	s0 =	rddreg [dreg:$0x0];
	s2 =	stileid.u32  }
0x1b1: {  	s1 =	rddreg [dreg:$0x1];
	p0 =	sne.s32 s2, $0x0  }
0x1b2: {  	s3 =	rddreg [dreg:$0x2];
	[bflag:$0x3] =	sbarrier.arrive $0xFFFF;
	s2 =	simm.s32 @!p0 $0x1C01  }
0x1b3: {  	[timem:s3], [sflag:s2] =	dma.local @!p0 [hbm:s0], s1  }
0x1b4: {  	s0 =	simm.s32 @!p0 $0x1  }
0x1b5: {  	_ =	swait.ge @!p0 [sflag:s0], s1  }
0x1b6: {  	s1 =	ssub.s32 @!p0 $0x0, s1;
	[sflag:s0] =	ssyncset.done @!p0 $0x0  }
0x1b7: {  	[sflag:s0] =	ssyncadd.s32 @!p0 s1  }
0x1b8: {  	[bflag:$0x3] =	sbarrier.arrive $0xFFFF  }
0x1b9: {  	_ =	shalt  }

// kernel: scatter_offload_async_start.4
scs
__scs_entry_jumppad:
0x0: {  	(pc) =	sbr.rel $0x88, $3  }
0x1: {  	(tag) =	ssettag $0x0;
	lr =	simm.s32 $0x1  }
0x2: {  	[smem:$0x3F8D] =	sst lr;
	_ =	strace $0xD0000000  }
0x3: {  	_ = 	snop  }
0x4: {  	_ = 	snop  }
0x5: {  	_ = 	snop  }
0x6: {  	_ = 	snop  }
0x7: {  	_ = 	snop  }
__scs_overlays_trampoline_lowered:
0x8: {  	[smem:$0x3F9C] =	sst s0  }
0x9: {  	[smem:$0x3F9D] =	sst s1  }
0xa: {  	[smem:$0x3F9E] =	sst s2  }
0xb: {  	[smem:$0x3F9F] =	sst s3  }
0xc: {  	[smem:$0x3FA0] =	sst s4  }
0xd: {  	[smem:$0x3FA1] =	sst s5  }
0xe: {  	[smem:$0x3FA2] =	sst s6  }
0xf: {  	[smem:$0x3FA3] =	sst s7  }
0x10: {  	[smem:$0x3FA4] =	sst s8  }
0x11: {  	[smem:$0x3FA5] =	sst s9;
	s0 =	simm.s32 @!p0 $0x0  }
0x12: {  	s1 =	sld [smem:$0x3F8B];
	s0 =	simm.s32 @p0 $0x1  }
0x13: {  	[smem:$0x3FA6] =	sst s0;
	s0 =	simm.s32 @!p1 $0x0  }
0x14: {  	s2 =	sld [smem:$0x3F8A];
	s0 =	simm.s32 @p1 $0x1  }
0x15: {  	[smem:$0x3FA7] =	sst s0;
	s0 =	simm.s32 @!p2 $0x0  }
0x16: {  	s3 =	sld [smem:$0x3FDB];
	s0 =	simm.s32 @p2 $0x1  }
0x17: {  	s4 =	simm.s32 $0x1BF5;
	[smem:$0x3FA9] =	sst s0  }
0x18: {  	s0 =	sld [smem:$0x3F8C];
	_ =	swait.ge [sflag:s4], $0x0  }
0x19: {  	s7 =	sld [smem:$0x3F8D]  }
0x1a: {  	s8 =	sadd.s32 $0xFFFFE003, lr  }
0x1b: {  	s9 =	sadd.s32 $0xFFFFFEF7, lr;
	s5 =	simm.s32 $0xFFFFFFFF;
	p2 =	slt.u32 s8, $0xFFFFF086  }
0x1c: {  	p1 =	slt.u32 s9, $0xF7A;
	s5 =	simm.s32 @!p2 $0x0  }
0x1d: {  	s5 =	simm.s32 @p1 $0x1;
	p0 =	seq.s32 s7, s2  }
0x1e: {  	s7 =	smul.u32 @!p0 $0xF7A, s2;
	p2 =	seq.s32 @!p0 s5, $0x0  }
0x1f: {  	s9 =	smul.u32 $0xF7A, s1;
	s8 =	simm.s32 @!p0 $0x1BF5;
	p2 =	por !p2, p0  }
0x20: {  	[sflag:s8] =	ssyncset.s32 @!p0 $0xFFFFF086;
	s6 =	sadd.s32 @!p0 s3, s7;
	s7 =	simm.s32 @!p0 $0x108  }
0x21: {  	s3 =	sadd.s32 s3, s9;
	s6 =	sadd.s32 @!p0 $0x88, s6;
	s7 =	simm.s32 @p2 $0x1082  }
0x22: {  	[simem:s7], [sflag:s8] =	dma.local @!p0 [hbm:s6], $0xF7A  }
0x23: {  	s9 =	sor.u32 $0xD0000000, s2;
	s6 =	simm.s32 $0x108;
	_ =	swait.ge @!p0 [sflag:s8], $0x0  }
0x24: {  	s3 =	sadd.s32 $0x88, s3;
	s6 =	simm.s32 @!p1 $0x1082;
	[sflag:s4] =	ssyncset.s32 $0xFFFFF086  }
0x25: {  	[simem:s6], [sflag:s4] =	dma.local [hbm:s3], $0xF7A  }
0x26: {  	[smem:$0x3F8D] =	sst s1;
	(tag) =	ssettag s2;
	_ =	strace s9  }
0x27: {  	s1 =	sld [smem:$0x3F9D]  }
0x28: {  	s2 =	sld [smem:$0x3F9E]  }
0x29: {  	s4 =	sld [smem:$0x3FA0]  }
0x2a: {  	p0 =	seq.s32 s5, $0x0;
	s5 =	sld [smem:$0x3FA1]  }
0x2b: {  	s6 =	sld [smem:$0x3FA2]  }
0x2c: {  	s7 =	sld [smem:$0x3FA3]  }
0x2d: {  	s3 =	simm.s32 $0x108;
	s8 =	sld [smem:$0x3FA4]  }
0x2e: {  	s3 =	simm.s32 @!p0 $0x1082;
	s9 =	sld [smem:$0x3FA5]  }
0x2f: {  	lr =	sadd.s32 s0, s3;
	s0 =	sld [smem:$0x3F9C]  }
0x30: {  	s3 =	sld [smem:$0x3F9F]  }
0x31: {  	[smem:$0x3FA8] =	sst s10  }
0x32: {  	s10 =	sld [smem:$0x3FA6];
	_ =	sdelay $0x3  }
0x33: {  	p0 =	seq.s32 s10, $0x1;
	s10 =	sld [smem:$0x3FA8];
	_ =	sdelay $0x3  }
0x34: {  	[smem:$0x3FA8] =	sst s10  }
0x35: {  	s10 =	sld [smem:$0x3FA7];
	_ =	sdelay $0x3  }
0x36: {  	p1 =	seq.s32 s10, $0x1;
	s10 =	sld [smem:$0x3FA8];
	_ =	sdelay $0x3  }
0x37: {  	[smem:$0x3FA8] =	sst s10  }
0x38: {  	s10 =	sld [smem:$0x3FA9]  }
0x39: {  	_ = 	snop;
	(pc) =	sbr.ind lr, $3  }
0x3a: {  	_ = 	snop  }
0x3b: {  	_ = 	snop  }
0x3c: {  	p2 =	seq.s32 s10, $0x1;
	s10 =	sld [smem:$0x3FA8]  }
0x3d: {  	_ =	shalt  }
0x3e: {  	_ =	shalt  }
0x3f: {  	_ =	shalt  }
0x40: {  	_ =	shalt  }
0x41: {  	_ =	shalt  }
0x42: {  	_ =	shalt  }
0x43: {  	_ =	shalt  }
0x44: {  	_ =	shalt  }
0x45: {  	_ =	shalt  }
0x46: {  	_ =	shalt  }
0x47: {  	_ =	shalt  }
0x48: {  	_ =	shalt  }
0x49: {  	_ =	shalt  }
0x4a: {  	_ =	shalt  }
0x4b: {  	_ =	shalt  }
0x4c: {  	_ =	shalt  }
0x4d: {  	_ =	shalt  }
0x4e: {  	_ =	shalt  }
0x4f: {  	_ =	shalt  }
0x50: {  	_ =	shalt  }
0x51: {  	_ =	shalt  }
0x52: {  	_ =	shalt  }
0x53: {  	_ =	shalt  }
0x54: {  	_ =	shalt  }
0x55: {  	_ =	shalt  }
0x56: {  	_ =	shalt  }
0x57: {  	_ =	shalt  }
0x58: {  	_ =	shalt  }
0x59: {  	_ =	shalt  }
0x5a: {  	_ =	shalt  }
0x5b: {  	_ =	shalt  }
0x5c: {  	_ =	shalt  }
0x5d: {  	_ =	shalt  }
0x5e: {  	_ =	shalt  }
0x5f: {  	_ =	shalt  }
0x60: {  	_ =	shalt  }
0x61: {  	_ =	shalt  }
0x62: {  	_ =	shalt  }
0x63: {  	_ =	shalt  }
0x64: {  	_ =	shalt  }
0x65: {  	_ =	shalt  }
0x66: {  	_ =	shalt  }
0x67: {  	_ =	shalt  }
0x68: {  	_ =	shalt  }
0x69: {  	_ =	shalt  }
0x6a: {  	_ =	shalt  }
0x6b: {  	_ =	shalt  }
0x6c: {  	_ =	shalt  }
0x6d: {  	_ =	shalt  }
0x6e: {  	_ =	shalt  }
0x6f: {  	_ =	shalt  }
0x70: {  	_ =	shalt  }
0x71: {  	_ =	shalt  }
0x72: {  	_ =	shalt  }
0x73: {  	_ =	shalt  }
0x74: {  	_ =	shalt  }
0x75: {  	_ =	shalt  }
0x76: {  	_ =	shalt  }
0x77: {  	_ =	shalt  }
0x78: {  	_ =	shalt  }
0x79: {  	_ =	shalt  }
0x7a: {  	_ =	shalt  }
0x7b: {  	_ =	shalt  }
0x7c: {  	_ =	shalt  }
0x7d: {  	_ =	shalt  }
0x7e: {  	_ =	shalt  }
0x7f: {  	_ =	shalt  }
0x80: {  	_ =	shalt  }
0x81: {  	_ =	shalt  }
0x82: {  	_ =	shalt  }
0x83: {  	_ =	shalt  }
0x84: {  	_ =	shalt  }
0x85: {  	_ =	shalt  }
0x86: {  	_ =	shalt  }
0x87: {  	_ =	shalt  }
.Lfunc_end0:
.L_simem_size_0:
called_computation.4_lowered:
.L_overlay_start_0:
0x88: {  	s2 =	sld [smem:$0x3FD9]  }
0x89: {  	s3 =	sld [smem:$0x3FFE];
	_ =	sdelay $0x1  }
0x8a: {  	s1 =	srdreg.scid  }
0x8b: {  	s0 =	sand.u32 $0x1, s1  }
0x8c: {  	s15 =	sshll.u32 s0, $0xA;
	s2 =	sadd.s32 s3, s2  }
0x8d: {  	s2 =	sadd.s32 s2, s15  }
0x8e: {  	[smem:$0x3FB4] =	sst s2  }
0x8f: {  	_ = 	snop  }
0x90: {  	(tm) =	ssettm $0x1  }
0x91: {  	s16 =	sld [smem:$0x3FFB];
	_ =	sdelay $0x3  }
0x92: {  	_ =	strace s16  }
0x93: {  	s2 =	sld [smem:$0x3FFC];
	_ =	sdelay $0x3  }
0x94: {  	_ =	strace s2  }
0x95: {  	s2 =	sld [smem:$0x3FFD];
	_ =	sdelay $0x3  }
0x96: {  	_ =	strace s2  }
0x97: {  	_ =	strace $0x8FFFFFFF  }
0x98: {  	s17 =	sld [smem:$0x3FDB];
	_ =	sdelay $0x1  }
0x99: {  	s18 =	simm.s32 $_scs_section_size  }
0x9a: {  	s4 =	simm.s32 $_size__tile_overlayer_lowered;
	s5 =	simm.s32 $_tile_overlayer_lowered  }
0x9b: {  	s21 =	simm.s32 $0x1BFF;
	s20 =	sshll.u32 s5, $0x1;
	s2 =	sadd.s32 s18, s17  }
0x9c: {  	s6 =	simm.s32 $0x0;
	s19 =	sshll.u32 s4, $0x1;
	s4 =	sadd.s32 s20, s2  }
0x9d: {  	[timem:s6], [sflag:s21] =	dma.local [hbm:s4], s19  }
0x9e: {  	_ =	swait.ge [sflag:s21], s19  }
0x9f: {  	s3 =	ssub.s32 $0x0, s19;
	[sflag:s21] =	ssyncset.done $0x0  }
0xa0: {  	[sflag:s21] =	ssyncadd.s32 s3;
	_ =	sdelay $0x1  }
0xa1: {  	s22 =	simm.s32 $0x1B8B  }
0xa2: {  	_ =	swait.ge [sflag:s22], $0x1  }
0xa3: {  	[sflag:s22] =	ssyncset.done $0x0  }
0xa4: {  	s23 =	sld [smem:$0x3FFE];
	[sflag:s22] =	ssyncadd.s32 $0xFFFFFFFF  }
0xa5: {  	s25 =	simm.s32 $0x1B8E;
	s24 =	sld [smem:$0x0]  }
0xa6: {  	s26 =	simm.s32 $execute0_lowered;
	[smem:$0x3FD2] =	sst s25  }
0xa7: {  	s5 =	sshll.u32 s26, $0x1;
	_ =	strace $0x80000058;
	[dreg:$0x1] =	wrdreg $0xFFFFFFFF  }
0xa8: {  	s28 =	simm.s32 $_size_execute0_lowered;
	s2 =	sadd.s32 s2, s5;
	[dreg:$0x0] =	wrdreg $0x0  }
0xa9: {  	s5 =	sshll.u32 s28, $0x1;
	[dreg:$0x2] =	wrdreg s2  }
0xaa: {  	[dreg:$0x3] =	wrdreg s5  }
0xab: {  	[dreg:$0x4] =	wrdreg $0xC0  }
0xac: {  	_ =	task [dreg:s6], $0x5FFFF  }
0xad: {  	[dreg:$0x1] =	wrdreg $0xFFFFFFFF  }
0xae: {  	[dreg:$0x0] =	wrdreg $0x60  }
0xaf: {  	[dreg:$0x2] =	wrdreg s23  }
0xb0: {  	[dreg:$0x3] =	wrdreg s1  }
0xb1: {  	[dreg:$0x4] =	wrdreg s24  }
0xb2: {  	[dreg:$0x5] =	wrdreg $0x9  }
0xb3: {  	_ =	task.clear_ibuf [dreg:s6], $0x6FFFF;
	_ =	strace $0x90000058  }
0xb4: {  	s29 =	simm.s32 $0x9;
	_ =	strace $0x8000005A  }
0xb5: {  	_ =	swait.ge [sflag:s29], $0x1  }
0xb6: {  	[sflag:s29] =	ssyncadd.s32 $0xFFFFFFFF  }
0xb7: {  	_ =	strace $0x9000005A  }
0xb8: {  	_ =	sfence  }
0xb9: {  	s30 =	sld [smem:$0x0];
	_ =	sdelay $0x2  }
0xba: {  	s31 =	sshll.u32 s1, $0xD;
	s1 =	sshrl.u32 s1, $0x2  }
0xbb: {  	s3 =	sand.u32 $0x4000, s31;
	s1 =	sadd.s32 s1, s30  }
0xbc: {  	s0 =	sor.u32 s3, s0;
	s1 =	sshll.u32 s1, $0x11  }
0xbd: {  	s0 =	sor.u32 s1, s0  }
0xbe: {  	s0 =	sadd.s32 $0x8F2B, s0  }
0xbf: {  	[sflag:s0] =	ssyncadd.remote.s32 $0x1  }
0xc0: {  	_ =	sfence.sel $0xFFFF  }
0xc1: {  	[dreg:$0x0] =	wrdreg $0xFFFFFFFF;
	(pc) =	sbr.abs _section_cstart, $3  }
0xc2: {  	[dreg:$0x1] =	wrdreg $0xFFFFFFFF  }
0xc3: {  	_ =	task.clear_ibuf [dreg:s6], $0x2FFFF;
	_ =	strace $0x9FFFFFFF  }
0xc4: {  	(tm) =	ssettm $0x7FFFFFFF  }
0xc5: {  	_ =	shalt  }
tec
execute0_lowered:
.L_overlay_start_1:
0x0: {  	(tag) =	ssettag $0x1  }
0x1: {  	s2 =	rddreg [dreg:$0x0]  }
0x2: {  	s3 =	rddreg [dreg:$0x1];
	_ =	strace $0x80000059;
	s0 =	simm.s32 $0x1  }
0x3: {  	s4 =	simm.s32 $0x408;
	v0 =	vimm.s32 $0x0;
	[sflag:s0] =	ssyncpa.u1 $0x0  }
0x4: {  	[tilespmem:s4+$0x70] =	vst v0  }
0x5: {  	[tilespmem:s4+$0x60] =	vst v0  }
0x6: {  	[tilespmem:s4+$0x50] =	vst v0  }
0x7: {  	[tilespmem:s4+$0x40] =	vst v0  }
0x8: {  	[tilespmem:s4+$0x30] =	vst v0  }
0x9: {  	s1 =	sadd.s32 $0x1442600, s2;
	s0 =	sadd.s32 $0xA600, s2;
	s6 =	sadd.s32 $0xBA600, s2;
	[tilespmem:s4+$0x20] =	vst v0  }
0xa: {  	s2 =	sadd.s32 $0x14400, s2;
	s7 =	sand.u32 $0x1, s3;
	s3 =	simm.s32 $0x40;
	[tilespmem:s4+$0x10] =	vst v0  }
.LBB2_1:
0xb: {  	s3 =	sadd.s32 $0x40, s3;
	[tilespmem:s4+$0x0] =	vst v0;
	s4 =	sadd.s32 $0x80, s4  }
0xc: {  	p0 =	slt.u32 s3, $0x3100;
	[tilespmem:s4+$0x70] =	vst v0  }
0xd: {  	[tilespmem:s4+$0x60] =	vst v0  }
.Ltmp0:
0xe: {  	[tilespmem:s4+$0x50] =	vst v0;
	(pc) =	sbr.rel @p0 .LBB2_1-.Ltmp0, $4  }
0xf: {  	[tilespmem:s4+$0x40] =	vst v0  }
0x10: {  	[tilespmem:s4+$0x30] =	vst v0  }
0x11: {  	[tilespmem:s4+$0x20] =	vst v0  }
0x12: {  	[tilespmem:s4+$0x10] =	vst v0  }
0x13: {  	s10 =	stileid.u32  }
0x14: {  	s3 =	smul.u32 $0xD0, s10  }
0x15: {  	s5 =	smin.u32 s10, $0x6  }
0x16: {  	s3 =	sor.u32 s5, s3  }
0x17: {  	p0 =	slt.u32 s10, $0x6;
	s11 =	smul.u32 $0x30, s3;
	s3 =	simm.s32 $0x2730  }
0x18: {  	s3 =	simm.s32 @!p0 $0x2700  }
0x19: {  	s3 =	sadd.s32 s3, s11  }
0x1a: {  	s8 =	smin.u32 s3, $0x27100  }
0x1b: {  	s26 =	simm.s32 $0x2;
	s9 =	simm.s32 $0x9;
	s3 =	ssub.s32 s8, s11  }
0x1c: {  	s29 =	simm.s32 $0xA;
	s30 =	simm.s32 $0xB;
	p0 =	sgt.s32 s3, $0x0  }
0x1d: {  	[dreg:$0x4] =	wrdreg s7;
	s31 =	smul.u32 $0x4E20, s7;
	s3 =	simm.s32 @!p0 $0x0  }
0x1e: {  	s12 =	simm.s32 $0x1;
	s24 =	simm.s32 $0x0;
	s25 =	smulhi.u32 $0x2AAAAAAB, s3  }
0x1f: {  	p1 =	por $0x0, $0x0;
	s18 =	simm.s32 $0x80;
	s19 =	simm.s32 $0x400  }
0x20: {  	s20 =	simm.s32 $0xC;
	s21 =	simm.s32 $0x0;
	s28 =	sshrl.u32 s25, $0x3  }
0x21: {  	[tilespmem:s4+$0x0] =	vst v0;
	v0 =	vimm.s32 $0xFFFFFFFF;
	s23 =	simm.s32 $0x0;
	[sflag:s26] =	ssyncpa.u1 $0x0;
	s5 =	smul.u32 $0x30, s28  }
0x22: {  	s16 =	sshll.u32 s10, $0xA;
	[tilespmem:$0xC808] =	vst v0;
	[sflag:s9] =	ssyncpa.u1 $0x0;
	s14 =	sadd.s32 s31, s2  }
.Ltmp1:
0x23: {  	p0 =	sne.s32 s3, s5;
	s3 =	simm.s32 $0x1;
	(pc) =	sbr.rel .LBB2_3-.Ltmp1, $4  }
0x24: {  	s15 =	sadd.s32 s31, s0;
	[dreg:$0x6] =	wrdreg s14;
	s3 =	simm.s32 @!p0 $0x0  }
0x25: {  	[sflag:s29] =	ssyncpa.u1 $0x0;
	[dreg:$0x7] =	wrdreg s15;
	s13 =	sadd.s32 s3, s28  }
0x26: {  	[sflag:s30] =	ssyncpa.u1 $0x0;
	s17 =	sadd.s32 $0x1, s13;
	[dreg:$0x5] =	wrdreg s13  }
0x27: {  	v0 =	vlaneseq.u32;
	s22 =	smov.u32 s11;
	p0 =	por $0x1, $0x1;
	[dreg:$0x8] =	wrdreg s17  }
.LBB2_30:
0x28: {  	s0 =	sshrl.u32 s0, $0x2  }
.LBB2_32:
0x29: {  	_ =	swait.ge [sflag:s20], s0  }
0x2a: {  	s30 =	ssub.s32 $0x0, s0;
	v1 =	vmov s26;
	vm0 =	veq.s32 v0, $0x0;
	[sflag:s20] =	ssyncset.done $0x0  }
0x2b: {  	vm15 =	veq.s32 v0, $0x2;
	v1 =	vsel vm0, s31, v1;
	[sflag:s20] =	ssyncadd.s32 s30  }
0x2c: {  	v1 =	vsel vm15, s24, v1;
	[sflag:s20] =	ssyncpa.u1 $0x1  }
0x2d: {  	[tilespmem:$0xC808] =	vst v1  }
.LBB2_33:
0x2e: {  	s0 =	sadd.s32 $0x30, s22  }
0x2f: {  	s2 =	smov.u32 s11;
	p2 =	slt.s32 s0, s8  }
0x30: {  	s2 =	smov.u32 @p2 s0;
	p2 =	sne.s32 s23, s17  }
.Ltmp2:
0x31: {  	_ = 	snop;
	(pc) =	sbr.rel @!p2 .LBB2_34-.Ltmp2, $4  }
0x32: {  	_ = 	snop  }
0x33: {  	s24 =	smov.u32 s21  }
0x34: {  	s31 =	sadd.s32 $0x1, s23;
	s21 =	smov.u32 s22;
	p0 =	por !p0, !p0  }
0x35: {  	p1 =	por !p1, !p1;
	s23 =	smov.u32 s31;
	s22 =	smov.u32 s2  }
.LBB2_3:
0x36: {  	p2 =	sge.u32 s23, s13  }
0x37: {  	s0 =	smulhi.u32 @!p2 $0xAAAAAAAB, s23  }
0x38: {  	s2 =	smov.u32 s22;
	p3 =	sgt.s32 @!p2 s22, $0x270D0  }
0x39: {  	s3 =	sshra.s32 @!p2 s22, $0x1F;
	p3 =	por !p3, p2;
	s0 =	sshrl.u32 @!p2 s0, $0x1  }
0x3a: {  	s3 =	sand.u32 @!p2 s3, s22;
	s2 =	simm.s32 @p3 $0x270D0;
	s0 =	smul.u32 @!p2 $0x3, s0  }
0x3b: {  	s2 =	ssub.s32 @!p2 s2, s3  }
0x3c: {  	s2 =	sadd.s32 @!p2 $0xFFFD8F30, s2;
	s0 =	ssub.s32 @!p2 s23, s0  }
0x3d: {  	s3 =	sshll.u32 @!p2 s2, $0x2;
	p3 =	sgt.s32 @!p2 s2, $0x2F;
	s0 =	smul.u32 @!p2 $0xC0, s0  }
0x3e: {  	s4 =	sand.u32 @!p2 $0x7, s22;
	s2 =	ssub.s32 @!p2 $0xC0, s3;
	p3 =	por !p3, p2  }
0x3f: {  	s3 =	sshrl.u32 @!p2 s22, $0x3;
	s2 =	sshrl.u32 @!p2 s2, $0x2;
	s0 =	sshrl.u32 @!p2 s0, $0x2  }
0x40: {  	s3 =	sadd.s32 @!p2 s3, s14;
	s2 =	simm.s32 @!p3 $0x0;
	s0 =	sadd.s32 @!p2 $0x10848, s0  }
0x41: {  	[tilespmem:s0], [sflag:$0xA] =	stream.linear.gather @!p2 [hbm4b:s3+s4], s2, $0x38;
	[tilespmem:$0x1C938] =	vst v63  }
0x42: {  	s2 =	sadd.s32 $0xFFFFFFFF, s23  }
0x43: {  	p2 =	sge.u32 s2, s13  }
0x44: {  	p3 =	sgt.s32 @!p2 s21, $0x270D0  }
0x45: {  	s0 =	smov.u32 s21;
	s3 =	sshra.s32 @!p2 s21, $0x1F;
	p3 =	por !p3, p2  }
0x46: {  	s3 =	sand.u32 @!p2 s3, s21;
	s0 =	simm.s32 @p3 $0x270D0  }
0x47: {  	s0 =	ssub.s32 @!p2 s0, s3  }
0x48: {  	s0 =	sadd.s32 @!p2 $0xFFFD8F30, s0  }
0x49: {  	s3 =	sshll.u32 @!p2 s0, $0x2  }
0x4a: {  	p3 =	sgt.s32 @!p2 s0, $0x2F;
	s0 =	ssub.s32 @!p2 $0xC0, s3  }
0x4b: {  	p3 =	por !p3, p2;
	s0 =	sshrl.u32 @!p2 s0, $0x2  }
0x4c: {  	s4 =	simm.s32 @!p2 $0xA;
	s3 =	sand.u32 @!p2 $0x1, s2;
	s0 =	simm.s32 @!p3 $0x0  }
0x4d: {  	s3 =	smul.u32 @!p2 $0xC0, s3;
	_ =	swait.ge @!p2 [sflag:s4], s0  }
0x4e: {  	s5 =	ssub.s32 @!p2 $0x0, s0;
	[sflag:s4] =	ssyncset.done @!p2 $0x0  }
0x4f: {  	s3 =	sshrl.u32 @!p2 s3, $0x2;
	[sflag:s4] =	ssyncadd.s32 @!p2 s5;
	s4 =	sshrl.u32 @!p2 s21, $0x3  }
0x50: {  	s3 =	sadd.s32 @!p2 $0x108D8, s3;
	s5 =	sand.u32 @!p2 $0x7, s21;
	s4 =	sadd.s32 @!p2 s4, s15  }
0x51: {  	[tilespmem:s3], [sflag:$0xB] =	stream.linear.gather @!p2 [hbm4b:s4+s5], s0, $0x38;
	[tilespmem:$0x1C938] =	vst v63  }
0x52: {  	s0 =	ssub.s32 @!p2 $0x27100, s21  }
0x53: {  	p3 =	slt.s32 @!p2 s0, $0x1  }
0x54: {  	p3 =	por p2, p3  }
.Ltmp3:
0x55: {  	_ = 	snop;
	(pc) =	sbr.rel @p3 .LBB2_9-.Ltmp3, $1  }
0x56: {  	_ =	sdelay $0x3  }
0x57: {  	s3 =	smulhi.u32 $0xAAAAAAAB, s2;
	_ =	sdelay $0x1  }
0x58: {  	s3 =	sshrl.u32 s3, $0x1  }
0x59: {  	s3 =	smul.u32 $0x3, s3;
	_ =	sdelay $0x1  }
0x5a: {  	s29 =	ssub.s32 s2, s3  }
0x5b: {  	s4 =	simm.s32 $0x1;
	s2 =	smul.u32 $0xC0, s29  }
.Ltmp4:
0x5c: {  	s4 =	simm.s32 @!p0 $0x0;
	(pc) =	sbr.rel .LBB2_6-.Ltmp4, $4  }
0x5d: {  	s30 =	smul.u32 $0x18000, s4  }
0x5e: {  	p3 =	slt.s32 @!p2 s0, $0x30;
	s2 =	sshrl.u32 s2, $0x2  }
0x5f: {  	p2 =	por !p3, p2;
	s3 =	sshrl.u32 s30, $0x2;
	s31 =	sadd.s32 $0x10848, s2  }
0x60: {  	s0 =	simm.s32 @p2 $0x30;
	s2 =	sor.u32 $0x10938, s3;
	s3 =	simm.s32 $0x0;
	v1 =	vmov s31  }
.LBB2_5:
0x61: {  	p2 =	sge.s32 s3, s0  }
.Ltmp5:
0x62: {  	_ = 	snop;
	(pc) =	sbr.rel @p2 .LBB2_9-.Ltmp5, $2  }
0x63: {  	_ =	sdelay $0x2  }
0x64: {  	s2 =	sadd.s32 $0x2000, s2  }
.LBB2_6:
0x65: {  	p2 =	sle.s32 s0, s3  }
.Ltmp6:
0x66: {  	_ = 	snop;
	(pc) =	sbr.rel @p2 .LBB2_5-.Ltmp6, $2  }
0x67: {  	_ =	sdelay $0x2  }
0x68: {  	s4 =	smov.u32 s3;
	s3 =	sadd.s32 $0x10, s3  }
0x69: {  	s5 =	ssub.s32 s0, s4  }
0x6a: {  	p2 =	slt.s32 s5, $0x10  }
0x6b: {  	s5 =	simm.s32 @!p2 $0x10  }
0x6c: {  	v2 =	vmov s5  }
0x6d: {  	vm0 =	vgt.s32 v2, v0;
	_ =	sdelay $0x5  }
0x6e: {  	v2 =	vld.idx.msk [tilespmem:v1+s4+$0x0 ss:$0x1], vm0;
	_ =	sdelay $0x2  }
0x6f: {  	p2 =	slt.s32 s3, s0;
	s5 =	smov.u32 s0  }
0x70: {  	s9 =	smov.u32 s2;
	s25 =	simm.s32 $0x0;
	s5 =	smov.u32 @p2 s3  }
.LBB2_8:
0x71: {  	(v2sf) =	vpush v2, s25;
	_ =	sdelay $0xe  }
0x72: {  	s25 =	sadd.s32 $0x1, s25;
	s10 =	spop (v2sf)  }
0x73: {  	s31 =	sadd.s32 s25, s4;
	s26 =	sshll.u32 s10, $0x9;
	s10 =	sshll.u32 s10, $0x7  }
0x74: {  	p2 =	slt.s32 s31, s5;
	s26 =	sand.u32 $0xFFFFF000, s26;
	s10 =	sand.u32 $0x380, s10  }
.Ltmp7:
0x75: {  	s10 =	sor.u32 s10, s26;
	(pc) =	sbr.rel @p2 .LBB2_8-.Ltmp7, $4  }
0x76: {  	s10 =	sshrl.u32 s10, $0x3  }
0x77: {  	s10 =	sadd.s32 s6, s10  }
0x78: {  	[tilespmem:s9], [sflag:$0x9] =	stream.strided.gather [hbm4b:s10+s18], $0x200, s19, s18, $0x38;
	[tilespmem:$0x1C938] =	vst v63  }
0x79: {  	s9 =	sadd.s32 $0x200, s9  }
.Ltmp8:
0x7a: {  	_ = 	snop;
	(pc) =	sbr.rel .LBB2_5-.Ltmp8, $1  }
0x7b: {  	_ =	sdelay $0x3  }
.LBB2_9:
0x7c: {  	p2 =	slt.u32 s23, $0x2  }
.Ltmp9:
0x7d: {  	_ = 	snop;
	(pc) =	sbr.rel @p2 .LBB2_33-.Ltmp9, $1  }
0x7e: {  	_ =	sdelay $0x3  }
0x7f: {  	p2 =	sgt.s32 s24, $0x270D0  }
0x80: {  	s0 =	smov.u32 s24;
	s2 =	sshra.s32 s24, $0x1F;
	s3 =	ssub.s32 $0x27100, s24  }
0x81: {  	s0 =	simm.s32 @!p2 $0x270D0;
	s2 =	sand.u32 s2, s24;
	p2 =	slt.s32 s3, $0x30  }
0x82: {  	s0 =	ssub.s32 s0, s2;
	s3 =	simm.s32 @!p2 $0x30  }
0x83: {  	s0 =	sadd.s32 $0xFFFD8F30, s0;
	s25 =	sshll.u32 s3, $0x9  }
0x84: {  	s29 =	simm.s32 $0x9;
	s26 =	sshll.u32 s0, $0x2;
	s2 =	sand.u32 $0x3FFFFE00, s25  }
0x85: {  	p2 =	sgt.s32 s0, $0x2F;
	s28 =	ssub.s32 $0xC0, s26;
	_ =	swait.ge [sflag:s29], s2  }
0x86: {  	s2 =	ssub.s32 $0x0, s2;
	[sflag:s29] =	ssyncset.done $0x0;
	s0 =	sshrl.u32 s28, $0x2  }
0x87: {  	s30 =	simm.s32 $0xB;
	[sflag:s29] =	ssyncadd.s32 s2;
	s0 =	simm.s32 @p2 $0x0  }
0x88: {  	_ =	swait.ge [sflag:s30], s0  }
0x89: {  	s0 =	ssub.s32 $0x0, s0;
	[sflag:s30] =	ssyncset.done $0x0  }
0x8a: {  	[sflag:s30] =	ssyncadd.s32 s0  }
0x8b: {  	v1 =	vld [tilespmem:$0xC808];
	_ =	sdelay $0x4  }
0x8c: {  	(v2sf) =	vpush v1, $0x0  }
0x8d: {  	(v2sf) =	vpush v1, $0x1  }
0x8e: {  	(v2sf) =	vpush v1, $0x2;
	_ =	sdelay $0x3  }
0x8f: {  	s2 =	sadd.s32 $0x30, s24  }
0x90: {  	s3 =	ssub.s32 $0x4E200, s24;
	p2 =	slt.s32 s8, s2  }
0x91: {  	s2 =	smov.u32 @p2 s8;
	p2 =	sgt.s32 s3, $0x0  }
0x92: {  	s25 =	ssub.s32 s2, s24;
	s3 =	simm.s32 @!p2 $0x0  }
0x93: {  	p2 =	slt.s32 s3, s25  }
0x94: {  	s25 =	smov.u32 @p2 s3  }
0x95: {  	s0 =	simm.s32 $0x1;
	p2 =	slt.s32 s25, $0x1  }
.Ltmp10:
0x96: {  	s0 =	simm.s32 @!p1 $0x0;
	(pc) =	sbr.rel @p2 .LBB2_14-.Ltmp10, $4  }
0x97: {  	s4 =	smul.u32 $0xC0, s0  }
0x98: {  	s2 =	spop (v2sf)  }
0x99: {  	s31 =	sshrl.u32 s4, $0x2;
	s5 =	spop (v2sf)  }
0x9a: {  	s4 =	sadd.s32 $0x108D8, s31;
	s24 =	spop (v2sf)  }
0x9b: {  	s3 =	smin.u32 s25, $0x10  }
0x9c: {  	v1 =	vmov s3  }
0x9d: {  	vm1 =	vgt.u32 v1, v0  }
0x9e: {  	p3 =	sgt.s32 s25, $0x10  }
.Ltmp11:
0x9f: {  	_ = 	snop;
	(pc) =	sbr.rel @!p3 .LBB2_13-.Ltmp11, $2  }
0xa0: {  	_ =	sdelay $0x2  }
0xa1: {  	s9 =	simm.s32 $0x10;
	s26 =	sadd.s32 $0xFFFFFFF0, s25;
	s3 =	smov.u32 s4;
	vm0 =	vmmov vm1;
	v1 =	vld.msk [tilespmem:s4+$0x0 ss:$0x1], vm1  }
.LBB2_12:
0xa2: {  	s10 =	smin.u32 s26, $0x10;
	s9 =	sadd.s32 $0x10, s9  }
0xa3: {  	v2 =	vmov s10;
	p3 =	slt.s32 s9, s25  }
0xa4: {  	vm1 =	vgt.u32 v2, v0;
	_ =	sdelay $0x1  }
0xa5: {  	v2 =	vshll.u32 v1, $0x6;
	v1 =	vshll.u32 v1, $0x4  }
.Ltmp12:
0xa6: {  	v2 =	vand.u32 $0xFFFFFE00, v2;
	v1 =	vand.u32 $0x70, v1;
	(pc) =	sbr.rel @p3 .LBB2_12-.Ltmp12, $4  }
0xa7: {  	v1 =	vor.u32 v1, v2  }
0xa8: {  	[tilespmem:s3+$0x0] =	vst.msk vm0, v1;
	s3 =	sadd.s32 $0x10, s3;
	vm0 =	vmmov vm1  }
0xa9: {  	v1 =	vld.msk [tilespmem:s3+$0x0 ss:$0x1], vm1  }
0xaa: {  	s26 =	sadd.s32 $0xFFFFFFF0, s26  }
.LBB2_13:
0xab: {  	_ =	sdelay $0x3  }
0xac: {  	v2 =	vshll.u32 v1, $0x6;
	v1 =	vshll.u32 v1, $0x4  }
0xad: {  	v2 =	vand.u32 $0xFFFFFE00, v2;
	v1 =	vand.u32 $0x70, v1  }
0xae: {  	v1 =	vor.u32 v1, v2  }
0xaf: {  	[tilespmem:s3+$0x0] =	vst.msk vm0, v1  }
.LBB2_14:
0xb0: {  	s3 =	sand.u32 $0x1, s23  }
0xb1: {  	s3 =	smul.u32 $0x30, s3  }
0xb2: {  	p3 =	sne.s32 s5, $0xFFFFFFFF  }
0xb3: {  	v1 =	vld.msk @!p3 [tilespmem:s3+$0x108D8], $0x1;
	_ =	sdelay $0x4  }
0xb4: {  	(v2sf) =	vpush @!p3 v1, $0x0;
	_ =	sdelay $0xc  }
.Ltmp13:
0xb5: {  	_ = 	snop;
	(pc) =	sbr.rel @p2 .LBB2_31-.Ltmp13, $4  }
0xb6: {  	_ = 	snop  }
0xb7: {  	s30 =	spop @!p3 (v2sf)  }
0xb8: {  	s24 =	simm.s32 @!p3 $0x0;
	s26 =	smov.u32 s30  }
0xb9: {  	[sflag:s20] =	ssyncpa.u1 $0x0;
	s30 =	smov.u32 @p3 s2;
	s26 =	smov.u32 @p3 s5  }
0xba: {  	v1 =	vld.msk [tilespmem:s4+$0x0], $0x1;
	_ =	sdelay $0x4  }
0xbb: {  	(v2sf) =	vpush v1, $0x0;
	_ =	sdelay $0xd  }
0xbc: {  	s0 =	smul.u32 $0x18000, s0  }
0xbd: {  	s13 =	smov.u32 s8;
	s8 =	smov.u32 s11;
	s5 =	spop (v2sf)  }
0xbe: {  	s2 =	ssub.s32 $0x0, s25;
	s0 =	sshrl.u32 s0, $0x2;
	p2 =	seq.s32 s30, s5  }
0xbf: {  	s29 =	simm.s32 $0x0;
	s28 =	sor.u32 $0x10938, s0;
	p3 =	sgt.s32 @!p2 s30, $0x0  }
0xc0: {  	s0 =	sadd.s32 $0x108D8, s3;
	s3 =	smov.u32 s30;
	p3 =	por !p3, p2  }
0xc1: {  	s4 =	sadd.s32 $0x1, s4;
	s31 =	sadd.s32 $0x1, s2;
	s3 =	simm.s32 @p3 $0x0  }
0xc2: {  	s2 =	simm.s32 @!p2 $0x1;
	s9 =	simm.s32 @!p2 $0x6608;
	s10 =	smin.u32 @!p2 s3, $0x9C270  }
0xc3: {  	p3 =	seq.s32 s31, $0x0;
	s3 =	sand.u32 @!p2 $0xFFFF8, s10;
	s11 =	sadd.s32 @!p2 $0x80, s10  }
0xc4: {  	s14 =	sadd.s32 @!p2 $0x100, s10;
	s15 =	sadd.s32 @!p2 s1, s3;
	s3 =	sand.u32 @!p2 $0x7, s10  }
0xc5: {  	s11 =	sand.u32 @!p2 $0x1FFFF8, s11;
	s14 =	sand.u32 @!p2 $0x1FFFF8, s14;
	s10 =	sadd.s32 @!p2 $0x180, s10  }
0xc6: {  	[tilespmem:s9], [sflag:$0x2] =	stream.linear.gather @!p2 [hbm4b:s15+s3], $0x80, $0x38;
	[tilespmem:$0x1C938] =	vst v63  }
.Ltmp14:
0xc7: {  	s9 =	simm.s32 @!p2 $0x6688;
	s11 =	sadd.s32 @!p2 s1, s11;
	(pc) =	sbr.rel @p3 .LBB2_17-.Ltmp14, $4  }
0xc8: {  	[tilespmem:s9], [sflag:$0x2] =	stream.linear.gather @!p2 [hbm4b:s11+s3], $0x80, $0x38;
	[tilespmem:$0x1C938] =	vst v63  }
0xc9: {  	s10 =	sand.u32 @!p2 $0x1FFFF8, s10;
	s9 =	simm.s32 @!p2 $0x6708;
	s11 =	sadd.s32 @!p2 s1, s14  }
0xca: {  	[tilespmem:s9], [sflag:$0x2] =	stream.linear.gather @!p2 [hbm4b:s11+s3], $0x80, $0x38;
	[tilespmem:$0x1C938] =	vst v63  }
0xcb: {  	s2 =	smov.u32 @p2 s29;
	s10 =	sadd.s32 @!p2 s1, s10;
	s9 =	simm.s32 @!p2 $0x6788  }
.LBB2_16:
0xcc: {  	s11 =	smov.u32 s2  }
0xcd: {  	[tilespmem:s9], [sflag:$0x2] =	stream.linear.gather @!p2 [hbm4b:s10+s3], $0x80, $0x38;
	[tilespmem:$0x1C938] =	vst v63  }
0xce: {  	s31 =	sadd.s32 $0x1, s31;
	s3 =	smov.u32 s5  }
0xcf: {  	p3 =	seq.s32 s31, $0x0;
	v1 =	vld.msk [tilespmem:s4+$0x0], $0x1;
	_ =	sdelay $0x4  }
0xd0: {  	(v2sf) =	vpush v1, $0x0;
	_ =	sdelay $0xe  }
0xd1: {  	s5 =	spop (v2sf)  }
0xd2: {  	p2 =	seq.s32 s3, s5  }
0xd3: {  	p4 =	sgt.s32 @!p2 s3, $0x0  }
0xd4: {  	s9 =	sshll.u32 @!p2 s2, $0xB;
	s2 =	sadd.s32 @!p2 $0x1, s2;
	p4 =	por !p4, p2  }
0xd5: {  	s9 =	sshra.s32 @!p2 s9, $0x2;
	s2 =	smov.u32 @p2 s11;
	s3 =	simm.s32 @p4 $0x0  }
0xd6: {  	s10 =	sadd.s32 @!p2 $0x6608, s9;
	s11 =	sadd.s32 @!p2 $0x6688, s9;
	s14 =	smin.u32 @!p2 s3, $0x9C270  }
0xd7: {  	s15 =	sadd.s32 @!p2 $0x6708, s9;
	s9 =	sadd.s32 @!p2 $0x6788, s9;
	s3 =	sand.u32 @!p2 $0xFFFF8, s14  }
0xd8: {  	s17 =	sadd.s32 @!p2 $0x80, s14;
	s7 =	sadd.s32 @!p2 $0x100, s14;
	s20 =	sadd.s32 @!p2 s1, s3  }
0xd9: {  	s3 =	sand.u32 @!p2 $0x7, s14;
	s17 =	sand.u32 @!p2 $0x1FFFF8, s17;
	s7 =	sand.u32 @!p2 $0x1FFFF8, s7  }
0xda: {  	[tilespmem:s10], [sflag:$0x2] =	stream.linear.gather @!p2 [hbm4b:s20+s3], $0x80, $0x38;
	[tilespmem:$0x1C938] =	vst v63  }
.Ltmp15:
0xdb: {  	s14 =	sadd.s32 @!p2 $0x180, s14;
	s10 =	sadd.s32 @!p2 s1, s17;
	(pc) =	sbr.rel @!p3 .LBB2_16-.Ltmp15, $4  }
0xdc: {  	[tilespmem:s11], [sflag:$0x2] =	stream.linear.gather @!p2 [hbm4b:s10+s3], $0x80, $0x38;
	[tilespmem:$0x1C938] =	vst v63  }
0xdd: {  	s7 =	sadd.s32 @!p2 s1, s7;
	s10 =	sand.u32 @!p2 $0x1FFFF8, s14  }
0xde: {  	[tilespmem:s15], [sflag:$0x2] =	stream.linear.gather @!p2 [hbm4b:s7+s3], $0x80, $0x38;
	[tilespmem:$0x1C938] =	vst v63  }
0xdf: {  	s4 =	sadd.s32 $0x1, s4;
	s10 =	sadd.s32 @!p2 s1, s10  }
.LBB2_17:
0xe0: {  	[tilespmem:s9], [sflag:$0x2] =	stream.linear.gather @!p2 [hbm4b:s10+s3], $0x80, $0x38;
	[tilespmem:$0x1C938] =	vst v63  }
0xe1: {  	s2 =	sshll.u32 s2, $0x9  }
0xe2: {  	s31 =	simm.s32 $0x2;
	s2 =	sand.u32 $0x3FFFFE00, s2  }
.Ltmp16:
0xe3: {  	_ =	swait.ge [sflag:s31], s2;
	(pc) =	sbr.rel .LBB2_18-.Ltmp16, $4  }
0xe4: {  	s11 =	smov.u32 s8;
	s8 =	smov.u32 s13;
	s13 =	rddreg [dreg:$0x5]  }
0xe5: {  	v1 =	vmov s0;
	s0 =	simm.s32 $0x0;
	s4 =	simm.s32 $0x0;
	s14 =	rddreg [dreg:$0x6]  }
0xe6: {  	s2 =	ssub.s32 $0x0, s2;
	[sflag:s31] =	ssyncset.done $0x0;
	s15 =	rddreg [dreg:$0x7]  }
0xe7: {  	s20 =	simm.s32 $0xC;
	s17 =	rddreg [dreg:$0x8];
	[sflag:s31] =	ssyncadd.s32 s2  }
.LBB2_28:
0xe8: {  	[tilespmem:s2+$0x0] =	vst v2;
	s29 =	sadd.s32 $0x1, s29  }
.LBB2_29:
0xe9: {  	s4 =	sadd.s32 $0x1, s4  }
0xea: {  	p2 =	sne.s32 s4, s25  }
.Ltmp17:
0xeb: {  	_ = 	snop;
	(pc) =	sbr.rel @!p2 .LBB2_30-.Ltmp17, $2  }
0xec: {  	_ =	sdelay $0x2  }
0xed: {  	s28 =	sadd.s32 $0x200, s28;
	s30 =	smov.u32 s31  }
.LBB2_18:
0xee: {  	_ =	sdelay $0x3  }
0xef: {  	v2 =	vld.idx.msk [tilespmem:v1+s4+$0x0 ss:$0x1], $0x1;
	_ =	sdelay $0x4  }
0xf0: {  	(v2sf) =	vpush v2, $0x0;
	_ =	sdelay $0xe  }
0xf1: {  	s31 =	spop (v2sf)  }
0xf2: {  	p2 =	sne.s32 s30, s31  }
.Ltmp18:
0xf3: {  	_ = 	snop;
	(pc) =	sbr.rel @p2 .LBB2_22-.Ltmp18, $3  }
0xf4: {  	_ =	sdelay $0x1  }
0xf5: {  	s2 =	sshll.u32 s24, $0xB  }
0xf6: {  	s2 =	sshra.s32 s2, $0x2  }
0xf7: {  	s2 =	sadd.s32 $0x408, s2;
	s3 =	simm.s32 $0x0;
	v2 =	vld [tilespmem:s28+$0x0];
	s5 =	smov.u32 s28  }
.LBB2_20:
0xf8: {  	s3 =	sadd.s32 $0x10, s3  }
0xf9: {  	p2 =	slt.u32 s3, $0x1F0  }
.Ltmp19:
0xfa: {  	_ = 	snop;
	(pc) =	sbr.rel @p2 .LBB2_20-.Ltmp19, $3  }
0xfb: {  	_ =	sdelay $0x1  }
0xfc: {  	s5 =	sadd.s32 $0x10, s5;
	[tilespmem:s2+$0x0] =	vst.add.f32.msk $0xffff, v2;
	s2 =	sadd.s32 $0x10, s2  }
0xfd: {  	v2 =	vld [tilespmem:s5+$0x0]  }
.Ltmp20:
0xfe: {  	_ = 	snop;
	(pc) =	sbr.rel .LBB2_29-.Ltmp20, $2  }
0xff: {  	_ =	sdelay $0x2  }
0x100: {  	[tilespmem:s2+$0x0] =	vst.add.f32.msk $0xffff, v2  }
.LBB2_22:
0x101: {  	p2 =	seq.s32 s30, s26  }
.Ltmp21:
0x102: {  	_ = 	snop;
	(pc) =	sbr.rel @!p2 .LBB2_23-.Ltmp21, $1  }
0x103: {  	_ =	sdelay $0x3  }
.Ltmp22:
0x104: {  	s2 =	sadd.s32 $0x408, s2;
	(pc) =	sbr.rel .LBB2_26-.Ltmp22, $4  }
0x105: {  	[spmem:s16] =	stream.linear.scatter [tilespmem:s2], [sflag:$0x1], $0x200, $0x38;
	[tilespmem:$0x1C938] =	vst v63  }
0x106: {  	_ =	swait.ge [sflag:s12], $0x200  }
0x107: {  	[sflag:s12] =	ssyncset.done $0x0  }
0x108: {  	[sflag:s12] =	ssyncadd.s32 $0xFFFFFE00  }
.LBB2_23:
0x109: {  	s3 =	sshll.u32 s29, $0xB  }
0x10a: {  	s3 =	sshra.s32 s3, $0x2  }
0x10b: {  	s5 =	sadd.s32 $0x6608, s3;
	s3 =	sadd.s32 $0x408, s2  }
0x10c: {  	s10 =	simm.s32 $0x0;
	v2 =	vld [tilespmem:s5+$0x0];
	s9 =	smov.u32 s3  }
.LBB2_24:
0x10d: {  	s10 =	sadd.s32 $0x10, s10  }
0x10e: {  	p2 =	slt.u32 s10, $0x1F0  }
.Ltmp23:
0x10f: {  	_ = 	snop;
	(pc) =	sbr.rel @p2 .LBB2_24-.Ltmp23, $3  }
0x110: {  	_ =	sdelay $0x1  }
0x111: {  	s5 =	sadd.s32 $0x10, s5;
	[tilespmem:s9+$0x0] =	vst.add.f32.msk $0xffff, v2;
	s9 =	sadd.s32 $0x10, s9  }
0x112: {  	v2 =	vld [tilespmem:s5+$0x0]  }
0x113: {  	_ =	sdelay $0x1  }
0x114: {  	p2 =	sgt.u32 s30, $0x9C270  }
0x115: {  	s5 =	sand.u32 @!p2 $0xFFFF8, s30  }
0x116: {  	s7 =	sand.u32 @!p2 $0x7, s30;
	s5 =	sadd.s32 @!p2 s1, s5;
	[tilespmem:s9+$0x0] =	vst.add.f32.msk $0xffff, v2  }
0x117: {  	[hbm4b:s5+s7] =	stream.linear.scatter @!p2 [tilespmem:s3], [sflag:$0xC], $0x80, $0x38;
	[tilespmem:$0x1C938] =	vst v63  }
0x118: {  	s3 =	sadd.s32 @!p2 $0x80, s30  }
0x119: {  	s3 =	sand.u32 @!p2 $0x1FFFF8, s3  }
0x11a: {  	s5 =	sadd.s32 @!p2 $0x488, s2;
	s3 =	sadd.s32 @!p2 s1, s3  }
0x11b: {  	[hbm4b:s3+s7] =	stream.linear.scatter @!p2 [tilespmem:s5], [sflag:$0xC], $0x80, $0x38;
	[tilespmem:$0x1C938] =	vst v63  }
0x11c: {  	s3 =	sadd.s32 @!p2 $0x100, s30  }
0x11d: {  	s3 =	sand.u32 @!p2 $0x1FFFF8, s3  }
0x11e: {  	s5 =	sadd.s32 @!p2 $0x508, s2;
	s3 =	sadd.s32 @!p2 s1, s3  }
0x11f: {  	[hbm4b:s3+s7] =	stream.linear.scatter @!p2 [tilespmem:s5], [sflag:$0xC], $0x80, $0x38;
	[tilespmem:$0x1C938] =	vst v63  }
0x120: {  	s3 =	sadd.s32 @!p2 $0x180, s30;
	s5 =	simm.s32 $0x0  }
0x121: {  	s3 =	sand.u32 @!p2 $0x1FFFF8, s3;
	s5 =	simm.s32 @!p2 $0x800  }
0x122: {  	s2 =	sadd.s32 @!p2 $0x588, s2;
	s3 =	sadd.s32 @!p2 s1, s3;
	s0 =	sadd.s32 s5, s0  }
0x123: {  	[hbm4b:s3+s7] =	stream.linear.scatter @!p2 [tilespmem:s2], [sflag:$0xC], $0x80, $0x38;
	[tilespmem:$0x1C938] =	vst v63  }
.LBB2_26:
0x124: {  	s2 =	sadd.s32 $0x1, s24  }
0x125: {  	s3 =	smulhi.u32 $0xAAAAAAAB, s2;
	_ =	sdelay $0x1  }
0x126: {  	s3 =	sshrl.u32 s3, $0x5  }
0x127: {  	s3 =	smul.u32 $0x30, s3;
	_ =	sdelay $0x1  }
0x128: {  	s24 =	ssub.s32 s2, s3  }
0x129: {  	s2 =	sshll.u32 s24, $0x9  }
0x12a: {  	v2 =	vld [tilespmem:s28+$0x0];
	s5 =	smov.u32 s28;
	s3 =	simm.s32 $0x0;
	s2 =	sadd.s32 $0x408, s2  }
.LBB2_27:
0x12b: {  	s3 =	sadd.s32 $0x10, s3  }
0x12c: {  	p2 =	slt.u32 s3, $0x1F0  }
.Ltmp24:
0x12d: {  	_ = 	snop;
	(pc) =	sbr.rel @p2 .LBB2_27-.Ltmp24, $3  }
0x12e: {  	_ =	sdelay $0x1  }
0x12f: {  	[tilespmem:s2+$0x0] =	vst v2;
	s2 =	sadd.s32 $0x10, s2;
	s5 =	sadd.s32 $0x10, s5  }
0x130: {  	v2 =	vld [tilespmem:s5+$0x0]  }
.Ltmp25:
0x131: {  	_ = 	snop;
	(pc) =	sbr.rel .LBB2_28-.Ltmp25, $1  }
0x132: {  	_ =	sdelay $0x3  }
.LBB2_31:
.Ltmp26:
0x133: {  	(pc) =	sbr.rel .LBB2_32-.Ltmp26, $4  }
0x134: {  	_ = 	snop  }
0x135: {  	s0 =	simm.s32 $0x2  }
0x136: {  	_ =	swait.ge [sflag:s0], $0x0  }
0x137: {  	s31 =	smov.u32 s30;
	[sflag:s0] =	ssyncset.done $0x0;
	s0 =	simm.s32 $0x0  }
.LBB2_34:
0x138: {  	_ =	sfence.sel $0x180000  }
0x139: {  	s0 =	simm.s32 $0x9;
	[bflag:$0x0] =	sbarrier.arrive $0xFFFF  }
0x13a: {  	s24 =	simm.s32 $0xA;
	[sflag:s0] =	ssyncpa.u1 $0x1  }
0x13b: {  	s25 =	simm.s32 $0xB;
	[sflag:s24] =	ssyncpa.u1 $0x1  }
0x13c: {  	s26 =	simm.s32 $0x2;
	[sflag:s25] =	ssyncpa.u1 $0x1  }
0x13d: {  	[sflag:s26] =	ssyncpa.u1 $0x1  }
0x13e: {  	v0 =	vld [tilespmem:$0xC808];
	_ =	sdelay $0x4  }
0x13f: {  	(v2sf) =	vpush v0, $0x0  }
0x140: {  	(v2sf) =	vpush v0, $0x1;
	_ =	sdelay $0x1  }
0x141: {  	(v2sf) =	vpush v0, $0x2;
	_ =	sdelay $0xb  }
0x142: {  	s0 =	spop (v2sf)  }
0x143: {  	s2 =	spop (v2sf)  }
0x144: {  	s3 =	smov.u32 s0;
	p0 =	sne.s32 s0, s2  }
0x145: {  	s4 =	spop (v2sf);
	s3 =	simm.s32 @!p0 $0xFFFFFFFF  }
0x146: {  	v2 =	vimm.s32 $0x1;
	v3 =	vlaneseq.u32;
	p0 =	seq.s32 s4, $0xFFFFFFFF;
	v1 =	vmov s3  }
0x147: {  	s17 =	stileid.u32;
	v0 =	vperm.xlane v0, v2;
	p1 =	sne.s32 @!p0 s0, s2;
	v1 =	vperm.xlane v1, v3  }
0x148: {  	vm0 =	vcmask $0x3F04;
	s6 =	simm.s32 $0xC808;
	s0 =	simm.s32 @!p0 $0x1;
	p1 =	por !p1, p0  }
0x149: {  	s3 =	sshll.u32 s17, $0x1;
	s2 =	sshll.u32 @!p0 s4, $0xB;
	s0 =	simm.s32 @p1 $0x0;
	v0 =	vsel vm0, v1, v0  }
0x14a: {  	s5 =	sor.u32 $0x4000, s3;
	s2 =	sshra.s32 @!p0 s2, $0x2;
	s0 =	sor.u32 @!p0 s0, s3;
	[tilespmem:$0xC808] =	vst v0  }
0x14b: {  	[spmem:s5] =	stream.linear.scatter [tilespmem:s6], [sflag:$0x1], $0x2, $0x38;
	[tilespmem:$0x1C938] =	vst v63  }
0x14c: {  	s2 =	sadd.s32 @!p0 $0x408, s2;
	s0 =	sshll.u32 @!p0 s0, $0x9  }
0x14d: {  	[spmem:s0] =	stream.linear.scatter @!p0 [tilespmem:s2], [sflag:$0x1], $0x200, $0x38;
	[tilespmem:$0x1C938] =	vst v63  }
0x14e: {  	s0 =	simm.s32 @!p0 $0x202  }
0x14f: {  	s28 =	simm.s32 $0x1;
	s0 =	simm.s32 @p0 $0x2  }
0x150: {  	_ =	swait.ge [sflag:s28], s0  }
0x151: {  	s0 =	ssub.s32 $0x0, s0;
	[sflag:s28] =	ssyncset.done $0x0  }
0x152: {  	p0 =	sne.s32 s17, $0x0;
	[sflag:s28] =	ssyncadd.s32 s0  }
.Ltmp27:
0x153: {  	_ =	sfence.stream.spmem;
	(pc) =	sbr.rel @p0 .LBB2_59-.Ltmp27, $4  }
0x154: {  	s29 =	simm.s32 $0x3;
	[bflag:$0x0] =	sbarrier.arrive $0xFFFF  }
0x155: {  	s30 =	simm.s32 $0x4;
	[sflag:s29] =	ssyncpa.u1 $0x1  }
0x156: {  	s31 =	simm.s32 $0x3C;
	[sflag:s30] =	ssyncpa.u1 $0x1  }
0x157: {  	s16 =	rddreg [dreg:$0x4];
	[sflag:s31] =	ssyncpa.u1 $0x1  }
0x158: {  	_ =	sfence.stream.spmem;
	s0 =	simm.s32 $0x5  }
0x159: {  	s2 =	simm.s32 $0x4000;
	s3 =	simm.s32 $0xC818;
	[sflag:s0] =	ssyncpa.u1 $0x0  }
0x15a: {  	[tilespmem:s3], [sflag:$0x5] =	stream.linear.gather [spmem:s2], $0x20, $0x38;
	[tilespmem:$0x1C938] =	vst v63  }
0x15b: {  	s26 =	simm.s32 $0x0;
	s28 =	simm.s32 $0xC838  }
0x15c: {  	[tilespmem:s28], [sflag:$0x5] =	stream.linear.gather [spmem:s26], $0x4000, $0x38;
	[tilespmem:$0x1C938] =	vst v63  }
0x15d: {  	_ =	swait.ge [sflag:s0], $0x4020  }
0x15e: {  	[sflag:s0] =	ssyncset.done $0x0  }
0x15f: {  	s29 =	simm.s32 $0x0;
	[sflag:s0] =	ssyncadd.s32 $0xFFFFBFE0  }
0x160: {  	v0 =	vld.msk [tilespmem:s29+$0xC818], $0x1;
	_ =	sdelay $0x1  }
0x161: {  	s30 =	simm.s32 $0x1  }
0x162: {  	v1 =	vld.msk [tilespmem:s30+$0xC818], $0x1;
	_ =	sdelay $0x1  }
0x163: {  	(v2sf) =	vpush v0, $0x0;
	_ =	sdelay $0x2  }
0x164: {  	(v2sf) =	vpush v1, $0x0;
	_ =	sdelay $0x2  }
0x165: {  	s31 =	simm.s32 $0x2  }
0x166: {  	v0 =	vld.msk [tilespmem:s31+$0xC818], $0x1;
	_ =	sdelay $0x2  }
0x167: {  	s2 =	simm.s32 $0xFFFFFFFF;
	s3 =	simm.s32 $0xFFFFFFFF;
	s0 =	simm.s32 $0xC  }
.LBB2_36:
0x168: {  	s4 =	smov.u32 s3;
	s5 =	smov.u32 s2  }
0x169: {  	s2 =	sshra.s32 s0, $0x2;
	p1 =	sne.s32 s0, $0x7C;
	s0 =	sadd.s32 $0x4, s0;
	(v2sf) =	vpush v0, $0x0  }
0x16a: {  	v0 =	vld.msk [tilespmem:s2+$0xC818], $0x1  }
.Ltmp28:
0x16b: {  	(pc) =	sbr.rel @p1 .LBB2_36-.Ltmp28, $4  }
0x16c: {  	s3 =	spop (v2sf)  }
0x16d: {  	p2 =	sne.s32 s5, $0xFFFFFFFF;
	s2 =	smov.u32 s3  }
0x16e: {  	p3 =	seq.s32 s3, $0xFFFFFFFF;
	s2 =	smov.u32 @p2 s5  }
0x16f: {  	s3 =	smov.u32 @p3 s4;
	s2 =	smov.u32 @p3 s5  }
0x170: {  	(v2sf) =	vpush v0, $0x0;
	_ =	sdelay $0x8  }
0x171: {  	s0 =	spop (v2sf);
	p1 =	sne.s32 s2, $0xFFFFFFFF;
	s9 =	simm.s32 $0x6  }
0x172: {  	s6 =	simm.s32 $0x0;
	s10 =	simm.s32 $0xC838;
	s4 =	smov.u32 s0  }
0x173: {  	s11 =	simm.s32 $0xC688;
	p2 =	seq.s32 s0, $0xFFFFFFFF;
	s4 =	smov.u32 @p1 s2  }
0x174: {  	s12 =	simm.s32 $0xC708;
	s4 =	smov.u32 @p2 s2;
	s2 =	spop (v2sf)  }
0x175: {  	s0 =	smov.u32 @p2 s3;
	p1 =	sne.s32 s4, $0xFFFFFFFF;
	s5 =	smov.u32 s2  }
.Ltmp29:
0x176: {  	p2 =	seq.s32 s2, $0xFFFFFFFF;
	s5 =	smov.u32 @p1 s4;
	(pc) =	sbr.rel .LBB2_38-.Ltmp29, $4  }
0x177: {  	s13 =	simm.s32 $0xC788;
	s5 =	smov.u32 @p2 s4;
	s7 =	spop (v2sf)  }
0x178: {  	s14 =	simm.s32 $0x0;
	p1 =	sne.s32 s5, $0xFFFFFFFF;
	s8 =	smov.u32 s7  }
0x179: {  	s2 =	smov.u32 @p2 s0;
	p2 =	seq.s32 s7, $0xFFFFFFFF;
	s8 =	smov.u32 @p1 s5  }
0x17a: {  	[sflag:s9] =	ssyncpa.u1 $0x0;
	s7 =	smov.u32 @p2 s2;
	s8 =	smov.u32 @p2 s5  }
.LBB2_53:
0x17b: {  	s14 =	sadd.s32 $0x1, s14  }
0x17c: {  	p1 =	sne.s32 s14, $0x20  }
.Ltmp30:
0x17d: {  	_ = 	snop;
	(pc) =	sbr.rel @!p1 .LBB2_54-.Ltmp30, $2  }
0x17e: {  	_ =	sdelay $0x2  }
0x17f: {  	s10 =	sadd.s32 $0x200, s10  }
.LBB2_38:
0x180: {  	v0 =	vld.msk [tilespmem:s14+$0xC818], $0x1;
	_ =	sdelay $0x4  }
0x181: {  	(v2sf) =	vpush v0, $0x0;
	_ =	sdelay $0xe  }
0x182: {  	s0 =	spop (v2sf)  }
0x183: {  	p1 =	seq.s32 s0, $0xFFFFFFFF  }
.Ltmp31:
0x184: {  	_ = 	snop;
	(pc) =	sbr.rel @p1 .LBB2_53-.Ltmp31, $1  }
0x185: {  	_ =	sdelay $0x3  }
0x186: {  	p1 =	slt.s32 s6, $0x1  }
.Ltmp32:
0x187: {  	_ = 	snop;
	(pc) =	sbr.rel @p1 .LBB2_46-.Ltmp32, $1  }
0x188: {  	_ =	sdelay $0x3  }
0x189: {  	s2 =	simm.s32 $0xC818;
	p1 =	por $0x0, $0x0  }
0x18a: {  	v1 =	vld.msk @!p1 [tilespmem:s2+$0x0], $0x1;
	_ =	sdelay $0x4  }
0x18b: {  	(v2sf) =	vpush @!p1 v1, $0x0;
	_ =	sdelay $0xd  }
0x18c: {  	p3 =	sne.s32 s6, $0x1  }
.Ltmp33:
0x18d: {  	s3 =	spop @!p1 (v2sf);
	(pc) =	sbr.rel @!p3 .LBB2_42-.Ltmp33, $4  }
0x18e: {  	p2 =	seq.s32 @!p1 s0, s3  }
0x18f: {  	s4 =	simm.s32 $0x0;
	p2 =	por !p2, p1  }
0x190: {  	s3 =	simm.s32 $0xFFFFFFFF;
	s4 =	simm.s32 @p2 $0xFFFFFFFF  }
0x191: {  	s5 =	simm.s32 $0x1;
	s4 =	smov.u32 @p1 s3  }
.LBB2_41:
0x192: {  	s3 =	smov.u32 s4;
	p1 =	sne.s32 s4, $0xFFFFFFFF  }
0x193: {  	s2 =	sadd.s32 $0x1, s2;
	s4 =	smov.u32 s5;
	s5 =	sadd.s32 $0x1, s5  }
0x194: {  	p2 =	sne.s32 s6, s5;
	v1 =	vld.msk @!p1 [tilespmem:s2+$0x0], $0x1;
	_ =	sdelay $0x4  }
0x195: {  	(v2sf) =	vpush @!p1 v1, $0x0;
	_ =	sdelay $0xe  }
.Ltmp34:
0x196: {  	s15 =	spop @!p1 (v2sf);
	(pc) =	sbr.rel @p2 .LBB2_41-.Ltmp34, $4  }
0x197: {  	p3 =	seq.s32 @!p1 s0, s15  }
0x198: {  	p3 =	por !p3, p1  }
0x199: {  	s4 =	simm.s32 @p3 $0xFFFFFFFF  }
0x19a: {  	s4 =	smov.u32 @p1 s3  }
.LBB2_42:
0x19b: {  	p1 =	seq.s32 s4, $0xFFFFFFFF  }
.Ltmp35:
0x19c: {  	_ = 	snop;
	(pc) =	sbr.rel @p1 .LBB2_46-.Ltmp35, $1  }
0x19d: {  	_ =	sdelay $0x3  }
0x19e: {  	s0 =	sshll.u32 s4, $0xB  }
0x19f: {  	s0 =	sshra.s32 s0, $0x2  }
0x1a0: {  	s2 =	simm.s32 $0x0;
	v0 =	vld [tilespmem:s10+$0x0];
	s3 =	smov.u32 s10;
	s0 =	sadd.s32 $0xC838, s0  }
.LBB2_44:
0x1a1: {  	s2 =	sadd.s32 $0x10, s2  }
0x1a2: {  	p1 =	slt.u32 s2, $0x1F0  }
.Ltmp36:
0x1a3: {  	_ = 	snop;
	(pc) =	sbr.rel @p1 .LBB2_44-.Ltmp36, $3  }
0x1a4: {  	_ =	sdelay $0x1  }
0x1a5: {  	s3 =	sadd.s32 $0x10, s3;
	[tilespmem:s0+$0x0] =	vst.add.f32.msk $0xffff, v0;
	s0 =	sadd.s32 $0x10, s0  }
0x1a6: {  	v0 =	vld [tilespmem:s3+$0x0]  }
.Ltmp37:
0x1a7: {  	_ = 	snop;
	(pc) =	sbr.rel .LBB2_53-.Ltmp37, $2  }
0x1a8: {  	_ =	sdelay $0x2  }
0x1a9: {  	[tilespmem:s0+$0x0] =	vst.add.f32.msk $0xffff, v0  }
.LBB2_46:
0x1aa: {  	p1 =	sgt.u32 s0, $0x9C270  }
0x1ab: {  	p2 =	seq.s32 @!p1 s0, s8  }
0x1ac: {  	p1 =	por p1, p2  }
0x1ad: {  	p2 =	seq.s32 @!p1 s0, s7  }
0x1ae: {  	p1 =	por p1, p2  }
.Ltmp38:
0x1af: {  	_ = 	snop;
	(pc) =	sbr.rel @p1 .LBB2_50-.Ltmp38, $1  }
0x1b0: {  	_ =	sdelay $0x3  }
0x1b1: {  	s2 =	sand.u32 $0xFFFF8, s0;
	s4 =	sand.u32 $0x7, s0  }
0x1b2: {  	s29 =	sadd.s32 $0x80, s0;
	s3 =	sadd.s32 s1, s2;
	s2 =	simm.s32 $0xC608  }
0x1b3: {  	[tilespmem:s2], [sflag:$0x6] =	stream.linear.gather [hbm4b:s3+s4], $0x80, $0x38;
	[tilespmem:$0x1C938] =	vst v63  }
0x1b4: {  	s3 =	sand.u32 $0x1FFFF8, s29  }
0x1b5: {  	s30 =	sadd.s32 $0x100, s0;
	s3 =	sadd.s32 s1, s3  }
0x1b6: {  	[tilespmem:s11], [sflag:$0x6] =	stream.linear.gather [hbm4b:s3+s4], $0x80, $0x38;
	[tilespmem:$0x1C938] =	vst v63  }
0x1b7: {  	s31 =	sadd.s32 $0x180, s0;
	s3 =	sand.u32 $0x1FFFF8, s30  }
0x1b8: {  	s0 =	sand.u32 $0x1FFFF8, s31;
	s3 =	sadd.s32 s1, s3  }
0x1b9: {  	[tilespmem:s12], [sflag:$0x6] =	stream.linear.gather [hbm4b:s3+s4], $0x80, $0x38;
	[tilespmem:$0x1C938] =	vst v63  }
0x1ba: {  	s0 =	sadd.s32 s1, s0  }
0x1bb: {  	[tilespmem:s13], [sflag:$0x6] =	stream.linear.gather [hbm4b:s0+s4], $0x80, $0x38;
	[tilespmem:$0x1C938] =	vst v63  }
0x1bc: {  	_ =	swait.ge [sflag:s9], $0x200  }
0x1bd: {  	[sflag:s9] =	ssyncset.done $0x0  }
0x1be: {  	[sflag:s9] =	ssyncadd.s32 $0xFFFFFE00  }
0x1bf: {  	s3 =	smov.u32 s10;
	s0 =	simm.s32 $0x0;
	v1 =	vld [tilespmem:s2+$0x0]  }
.LBB2_48:
0x1c0: {  	s0 =	sadd.s32 $0x10, s0  }
0x1c1: {  	p1 =	slt.u32 s0, $0x1F0  }
.Ltmp39:
0x1c2: {  	_ = 	snop;
	(pc) =	sbr.rel @p1 .LBB2_48-.Ltmp39, $3  }
0x1c3: {  	_ =	sdelay $0x1  }
0x1c4: {  	s2 =	sadd.s32 $0x10, s2;
	[tilespmem:s3+$0x0] =	vst.add.f32.msk $0xffff, v1;
	s3 =	sadd.s32 $0x10, s3  }
0x1c5: {  	v1 =	vld [tilespmem:s2+$0x0]  }
0x1c6: {  	_ =	sdelay $0x3  }
0x1c7: {  	[tilespmem:s3+$0x0] =	vst.add.f32.msk $0xffff, v1  }
.LBB2_50:
0x1c8: {  	s0 =	sshll.u32 s6, $0xB  }
0x1c9: {  	[tilespmem:s6+$0xC818] =	vst.msk $0x1, v0;
	s0 =	sshra.s32 s0, $0x2  }
0x1ca: {  	s2 =	simm.s32 $0x0;
	s3 =	smov.u32 s10;
	v0 =	vld [tilespmem:s10+$0x0];
	s0 =	sadd.s32 $0xC838, s0  }
.LBB2_51:
0x1cb: {  	s2 =	sadd.s32 $0x10, s2  }
0x1cc: {  	p1 =	slt.u32 s2, $0x1F0  }
.Ltmp40:
0x1cd: {  	_ = 	snop;
	(pc) =	sbr.rel @p1 .LBB2_51-.Ltmp40, $3  }
0x1ce: {  	_ =	sdelay $0x1  }
0x1cf: {  	s3 =	sadd.s32 $0x10, s3;
	[tilespmem:s0+$0x0] =	vst v0;
	s0 =	sadd.s32 $0x10, s0  }
0x1d0: {  	v0 =	vld [tilespmem:s3+$0x0]  }
.Ltmp41:
0x1d1: {  	_ = 	snop;
	(pc) =	sbr.rel .LBB2_53-.Ltmp41, $2  }
0x1d2: {  	_ =	sdelay $0x2  }
0x1d3: {  	s6 =	sadd.s32 $0x1, s6;
	[tilespmem:s0+$0x0] =	vst v0  }
.LBB2_54:
0x1d4: {  	s0 =	simm.s32 $0x6;
	p1 =	seq.s32 s6, $0x0  }
0x1d5: {  	[sflag:s0] =	ssyncpa.u1 $0x1;
	v0 =	vimm.s32 @p1 $0xFFFFFFFF  }
0x1d6: {  	s0 =	sadd.s32 $0xFFFFFFFF, s6;
	[tilespmem:$0x10838] =	vst @p1 v0  }
0x1d7: {  	v0 =	vld.msk @!p1 [tilespmem:s0+$0xC818], $0x1;
	_ =	sdelay $0x1  }
0x1d8: {  	v1 =	vld.msk @!p1 [tilespmem:$0xC818], $0x1;
	_ =	sdelay $0x2  }
0x1d9: {  	p2 =	seq.s32 @!p1 s0, $0x0;
	v0 =	vbroadcast @!p1 v0, $0x0  }
0x1da: {  	vm0 =	vmmov @!p1 $0x1;
	p2 =	por !p2, p1  }
0x1db: {  	v1 =	vnsel @!p1 vm0, $0xFFFFFFFF, v1;
	vm0 =	vcmask @!p1 $0x308;
	v0 =	vpsel !p2, $0xFFFFFFFF, v0  }
0x1dc: {  	p2 =	sne.s32 @!p1 s8, s7;
	v0 =	vsel @!p1 vm0, v1, v0  }
0x1dd: {  	s2 =	simm.s32 @!p1 $0xC838;
	s3 =	simm.s32 @!p1 $0x0;
	p3 =	por !p2, p1;
	[tilespmem:$0x10838] =	vst @!p1 v0  }
0x1de: {  	[spmem:s3] =	stream.linear.scatter @!p1 [tilespmem:s2], [sflag:$0x1], $0x200, $0x38;
	[tilespmem:$0x1C938] =	vst v63  }
0x1df: {  	s2 =	sshll.u32 @!p3 s0, $0xB  }
0x1e0: {  	s2 =	sshra.s32 @!p3 s2, $0x2  }
0x1e1: {  	s3 =	simm.s32 @!p3 $0x200;
	s2 =	sadd.s32 @!p3 $0xC838, s2  }
0x1e2: {  	[spmem:s3] =	stream.linear.scatter @!p3 [tilespmem:s2], [sflag:$0x1], $0x200, $0x38;
	[tilespmem:$0x1C938] =	vst v63  }
0x1e3: {  	s2 =	simm.s32 @!p3 $0x1  }
0x1e4: {  	_ =	swait.ge @!p3 [sflag:s2], $0x400  }
0x1e5: {  	p1 =	por p2, p1;
	[sflag:s2] =	ssyncset.done @!p3 $0x0  }
0x1e6: {  	[sflag:s2] =	ssyncadd.s32 @!p3 $0xFFFFFC00;
	s2 =	simm.s32 @!p1 $0x1  }
0x1e7: {  	_ =	swait.ge @!p1 [sflag:s2], $0x200  }
0x1e8: {  	s29 =	simm.s32 $0x10838;
	[sflag:s2] =	ssyncset.done @!p1 $0x0  }
0x1e9: {  	s30 =	simm.s32 $0x4000;
	s31 =	simm.s32 $0x1;
	[sflag:s2] =	ssyncadd.s32 @!p1 $0xFFFFFE00  }
0x1ea: {  	[spmem:s30] =	stream.linear.scatter [tilespmem:s29], [sflag:$0x1], $0x10, $0x38;
	[tilespmem:$0x1C938] =	vst v63  }
0x1eb: {  	_ =	swait.ge [sflag:s31], $0x10  }
0x1ec: {  	[sflag:s31] =	ssyncset.done $0x0  }
0x1ed: {  	p1 =	seq.s32 s16, $0x0;
	s9 =	rddreg [dreg:$0x1];
	[sflag:s31] =	ssyncadd.s32 $0xFFFFFFF0  }
0x1ee: {  	s3 =	sshll.u32 @p1 s9, $0xE;
	s8 =	rddreg [dreg:$0x2]  }
0x1ef: {  	s2 =	sadd.s32 @p1 $0x15C3C, s3;
	s3 =	sshll.u32 @p1 s8, $0x11  }
0x1f0: {  	_ =	sfence.stream.spmem;
	s2 =	sor.u32 @p1 s3, s2  }
0x1f1: {  	[sflag:s2] =	ssyncadd.remote.s32 @p1 $0x1;
	s2 =	simm.s32 @p1 $0x4  }
0x1f2: {  	s4 =	simm.s32 @!p1 $0x3C;
	s3 =	sand.u32 $0xFFFFFFFE, s9;
	_ =	swait.ge @p1 [sflag:s2], $0x82  }
0x1f3: {  	s5 =	simm.s32 @!p1 $0x0;
	s3 =	sadd.s32 @!p1 $0x4, s3;
	[sflag:s2] =	ssyncset.done @p1 $0x0  }
0x1f4: {  	s7 =	simm.s32 @!p1 $0x400;
	[sflag:s2] =	ssyncadd.s32 @p1 $0xFFFFFF7E;
	s2 =	sshll.u32 @!p1 s3, $0x1A  }
0x1f5: {  	s3 =	sshll.u32 @!p1 s3, $0xD;
	s2 =	sor.u32 @!p1 s2, s8;
	_ =	swait.eq @!p1 [sflag:s4], $0x1  }
0x1f6: {  	s3 =	sor.u32 @!p1 $0x1C04, s3;
	s4 =	simm.s32 @!p1 $0x1C03;
	s2 =	sor.u32 @!p1 $0x80004000, s2  }
0x1f7: {  	[spmem:s7], [sflag:s3] =	dma.general @!p1 [spmem:s5], [sflag:s4], length:$0x80, [dreg:$0x0], stride_count:$0x0, ici_dest:s2, dma_misc:DstOpCode:WRITE  }
0x1f8: {  	p2 =	slt.s32 s0, $0x2;
	s5 =	simm.s32 @!p1 $0x800;
	s7 =	simm.s32 @!p1 $0x802  }
0x1f9: {  	[spmem:s7], [sflag:s3] =	dma.general @!p1 [spmem:s5], [sflag:s4], length:$0x2, [dreg:$0x0], stride_count:$0x0, ici_dest:s2, dma_misc:DstOpCode:WRITE  }
.Ltmp42:
0x1fa: {  	s2 =	simm.s32 @!p1 $0x3;
	(pc) =	sbr.rel @p2 .LBB2_58-.Ltmp42, $4  }
0x1fb: {  	s3 =	sshll.u32 @!p1 s9, $0xE;
	_ =	swait.ge @!p1 [sflag:s2], $0x82  }
0x1fc: {  	s4 =	sshll.u32 @!p1 s8, $0x11;
	s3 =	sadd.s32 @!p1 $0x11C3C, s3;
	[sflag:s2] =	ssyncset.done @!p1 $0x0  }
0x1fd: {  	[sflag:s2] =	ssyncadd.s32 @!p1 $0xFFFFFF7E;
	s2 =	sor.u32 @!p1 s4, s3  }
0x1fe: {  	s0 =	simm.s32 $0x0;
	[sflag:s2] =	ssyncadd.remote.s32 @!p1 $0xFFFFFFFF  }
0x1ff: {  	s0 =	simm.s32 $0xC819  }
0x200: {  	v0 =	vld.msk [tilespmem:s0+$0x0], $0x1;
	_ =	sdelay $0x4  }
0x201: {  	(v2sf) =	vpush v0, $0x0;
	_ =	sdelay $0xe  }
0x202: {  	s2 =	sadd.s32 $0xFFFFFFFE, s6;
	s3 =	spop (v2sf)  }
0x203: {  	s5 =	simm.s32 $0xCA38;
	s4 =	sadd.s32 $0xFFFFFFFF, s2;
	p1 =	sgt.u32 s3, $0x9C270  }
0x204: {  	s0 =	simm.s32 $0x0;
	p2 =	sne.s32 s4, $0x0;
	s2 =	sand.u32 @!p1 $0xFFFF8, s3  }
0x205: {  	s6 =	sadd.s32 @!p1 $0x80, s3;
	s7 =	sadd.s32 @!p1 $0x100, s3;
	s8 =	sadd.s32 @!p1 s1, s2  }
0x206: {  	s2 =	sand.u32 @!p1 $0x7, s3;
	s6 =	sand.u32 @!p1 $0x1FFFF8, s6;
	s7 =	sand.u32 @!p1 $0x1FFFF8, s7  }
0x207: {  	[hbm4b:s8+s2] =	stream.linear.scatter @!p1 [tilespmem:s5], [sflag:$0x5], $0x80, $0x38;
	[tilespmem:$0x1C938] =	vst v63  }
0x208: {  	s5 =	simm.s32 @!p1 $0xCAB8;
	s6 =	sadd.s32 @!p1 s1, s6;
	s7 =	sadd.s32 @!p1 s1, s7  }
.Ltmp43:
0x209: {  	s8 =	sadd.s32 @!p1 $0x180, s3;
	s3 =	simm.s32 $0x0;
	(pc) =	sbr.rel @!p2 .LBB2_57-.Ltmp43, $4  }
0x20a: {  	[hbm4b:s6+s2] =	stream.linear.scatter @!p1 [tilespmem:s5], [sflag:$0x5], $0x80, $0x38;
	[tilespmem:$0x1C938] =	vst v63  }
0x20b: {  	s3 =	simm.s32 @!p1 $0x800;
	s8 =	sand.u32 @!p1 $0x1FFFF8, s8;
	s6 =	simm.s32 @!p1 $0xCB38  }
0x20c: {  	[hbm4b:s7+s2] =	stream.linear.scatter @!p1 [tilespmem:s6], [sflag:$0x5], $0x80, $0x38;
	[tilespmem:$0x1C938] =	vst v63  }
0x20d: {  	s5 =	simm.s32 $0xC81A;
	s6 =	simm.s32 $0xCC38;
	s7 =	simm.s32 @!p1 $0xCBB8  }
.LBB2_56:
0x20e: {  	s4 =	sadd.s32 $0xFFFFFFFF, s4;
	s8 =	sadd.s32 @!p1 s1, s8;
	s0 =	sadd.s32 s0, s3  }
0x20f: {  	[hbm4b:s8+s2] =	stream.linear.scatter @!p1 [tilespmem:s7], [sflag:$0x5], $0x80, $0x38;
	[tilespmem:$0x1C938] =	vst v63  }
0x210: {  	p2 =	sne.s32 s4, $0x0;
	s7 =	smov.u32 s6;
	v0 =	vld.msk [tilespmem:s5+$0x0], $0x1;
	_ =	sdelay $0x4  }
0x211: {  	(v2sf) =	vpush v0, $0x0;
	_ =	sdelay $0xe  }
0x212: {  	s3 =	spop (v2sf)  }
0x213: {  	s6 =	sadd.s32 $0x200, s6;
	s5 =	sadd.s32 $0x1, s5;
	p1 =	sgt.u32 s3, $0x9C270  }
0x214: {  	s2 =	sand.u32 @!p1 $0xFFFF8, s3;
	s8 =	sadd.s32 @!p1 $0x80, s3;
	s9 =	sadd.s32 @!p1 $0x100, s3  }
0x215: {  	s10 =	sadd.s32 @!p1 s1, s2;
	s2 =	sand.u32 @!p1 $0x7, s3;
	s8 =	sand.u32 @!p1 $0x1FFFF8, s8  }
0x216: {  	[hbm4b:s10+s2] =	stream.linear.scatter @!p1 [tilespmem:s7], [sflag:$0x5], $0x80, $0x38;
	[tilespmem:$0x1C938] =	vst v63  }
0x217: {  	s9 =	sand.u32 @!p1 $0x1FFFF8, s9;
	s10 =	sadd.s32 @!p1 $0x80, s7  }
.Ltmp44:
0x218: {  	s8 =	sadd.s32 @!p1 s1, s8;
	s9 =	sadd.s32 @!p1 s1, s9;
	(pc) =	sbr.rel @p2 .LBB2_56-.Ltmp44, $4  }
0x219: {  	[hbm4b:s8+s2] =	stream.linear.scatter @!p1 [tilespmem:s10], [sflag:$0x5], $0x80, $0x38;
	[tilespmem:$0x1C938] =	vst v63  }
0x21a: {  	s8 =	sadd.s32 @!p1 $0x100, s7;
	s10 =	sadd.s32 @!p1 $0x180, s3;
	s3 =	simm.s32 $0x0  }
0x21b: {  	[hbm4b:s9+s2] =	stream.linear.scatter @!p1 [tilespmem:s8], [sflag:$0x5], $0x80, $0x38;
	[tilespmem:$0x1C938] =	vst v63  }
0x21c: {  	s7 =	sadd.s32 @!p1 $0x180, s7;
	s3 =	simm.s32 @!p1 $0x800;
	s8 =	sand.u32 @!p1 $0x1FFFF8, s10  }
.LBB2_57:
0x21d: {  	s4 =	sadd.s32 @!p1 s1, s8;
	s0 =	sadd.s32 s0, s3  }
0x21e: {  	[hbm4b:s4+s2] =	stream.linear.scatter @!p1 [tilespmem:s7], [sflag:$0x5], $0x80, $0x38;
	[tilespmem:$0x1C938] =	vst v63  }
0x21f: {  	s0 =	sshrl.u32 s0, $0x2  }
.LBB2_58:
0x220: {  	s2 =	simm.s32 $0x5  }
0x221: {  	_ =	swait.ge [sflag:s2], s0  }
0x222: {  	s31 =	ssub.s32 $0x0, s0;
	[sflag:s2] =	ssyncset.done $0x0  }
0x223: {  	[sflag:s2] =	ssyncadd.s32 s31  }
0x224: {  	[sflag:s2] =	ssyncpa.u1 $0x1  }
.LBB2_59:
0x225: {  	s0 =	sor.u32 s16, s17  }
0x226: {  	p1 =	sne.s32 s0, $0x0  }
.Ltmp45:
0x227: {  	_ = 	snop;
	(pc) =	sbr.rel @p1 .LBB2_82-.Ltmp45, $3  }
0x228: {  	_ =	sdelay $0x1  }
0x229: {  	[bflag:$0x0] =	sbarrier.arrive $0xFFFF  }
0x22a: {  	_ =	sfence  }
0x22b: {  	s0 =	simm.s32 $0x7  }
0x22c: {  	s2 =	simm.s32 $0x4000;
	s3 =	simm.s32 $0xC818;
	[sflag:s0] =	ssyncpa.u1 $0x0  }
0x22d: {  	[tilespmem:s3], [sflag:$0x7] =	stream.linear.gather [spmem:s2], $0x20, $0x38;
	[tilespmem:$0x1C938] =	vst v63  }
0x22e: {  	s2 =	simm.s32 $0x0;
	s3 =	simm.s32 $0xC838  }
0x22f: {  	[tilespmem:s3], [sflag:$0x7] =	stream.linear.gather [spmem:s2], $0x4000, $0x38;
	[tilespmem:$0x1C938] =	vst v63  }
.Ltmp46:
0x230: {  	_ = 	snop;
	(pc) =	sbr.rel .LBB2_61-.Ltmp46, $4  }
0x231: {  	_ =	swait.ge [sflag:s0], $0x4020  }
0x232: {  	s4 =	simm.s32 $0x8;
	[sflag:s0] =	ssyncset.done $0x0  }
0x233: {  	s5 =	simm.s32 $0xC688;
	s6 =	simm.s32 $0xC708;
	[sflag:s0] =	ssyncadd.s32 $0xFFFFBFE0  }
0x234: {  	s7 =	simm.s32 $0xC788;
	s8 =	simm.s32 $0x0;
	[sflag:s4] =	ssyncpa.u1 $0x0  }
.LBB2_76:
0x235: {  	s8 =	sadd.s32 $0x1, s8  }
0x236: {  	p1 =	sne.s32 s8, $0x20  }
.Ltmp47:
0x237: {  	_ = 	snop;
	(pc) =	sbr.rel @!p1 .LBB2_77-.Ltmp47, $2  }
0x238: {  	_ =	sdelay $0x2  }
0x239: {  	s3 =	sadd.s32 $0x200, s3  }
.LBB2_61:
0x23a: {  	v0 =	vld.msk [tilespmem:s8+$0xC818], $0x1;
	_ =	sdelay $0x4  }
0x23b: {  	(v2sf) =	vpush v0, $0x0;
	_ =	sdelay $0xe  }
0x23c: {  	s0 =	spop (v2sf)  }
0x23d: {  	p1 =	seq.s32 s0, $0xFFFFFFFF  }
.Ltmp48:
0x23e: {  	_ = 	snop;
	(pc) =	sbr.rel @p1 .LBB2_76-.Ltmp48, $1  }
0x23f: {  	_ =	sdelay $0x3  }
0x240: {  	p1 =	slt.s32 s2, $0x1  }
.Ltmp49:
0x241: {  	_ = 	snop;
	(pc) =	sbr.rel @p1 .LBB2_69-.Ltmp49, $1  }
0x242: {  	_ =	sdelay $0x3  }
0x243: {  	s9 =	simm.s32 $0xC818;
	p1 =	por $0x0, $0x0  }
0x244: {  	v1 =	vld.msk @!p1 [tilespmem:s9+$0x0], $0x1;
	_ =	sdelay $0x4  }
0x245: {  	(v2sf) =	vpush @!p1 v1, $0x0;
	_ =	sdelay $0xd  }
0x246: {  	p3 =	sne.s32 s2, $0x1  }
.Ltmp50:
0x247: {  	s10 =	spop @!p1 (v2sf);
	(pc) =	sbr.rel @!p3 .LBB2_65-.Ltmp50, $4  }
0x248: {  	p2 =	seq.s32 @!p1 s0, s10  }
0x249: {  	s10 =	simm.s32 $0x0;
	p2 =	por !p2, p1  }
0x24a: {  	s12 =	simm.s32 $0xFFFFFFFF;
	s10 =	simm.s32 @p2 $0xFFFFFFFF  }
0x24b: {  	s11 =	simm.s32 $0x1;
	s10 =	smov.u32 @p1 s12  }
.LBB2_64:
0x24c: {  	s12 =	smov.u32 s10;
	p1 =	sne.s32 s10, $0xFFFFFFFF  }
0x24d: {  	s9 =	sadd.s32 $0x1, s9;
	s10 =	smov.u32 s11;
	s11 =	sadd.s32 $0x1, s11  }
0x24e: {  	p2 =	sne.s32 s2, s11;
	v1 =	vld.msk @!p1 [tilespmem:s9+$0x0], $0x1;
	_ =	sdelay $0x4  }
0x24f: {  	(v2sf) =	vpush @!p1 v1, $0x0;
	_ =	sdelay $0xe  }
.Ltmp51:
0x250: {  	s13 =	spop @!p1 (v2sf);
	(pc) =	sbr.rel @p2 .LBB2_64-.Ltmp51, $4  }
0x251: {  	p3 =	seq.s32 @!p1 s0, s13  }
0x252: {  	p3 =	por !p3, p1  }
0x253: {  	s10 =	simm.s32 @p3 $0xFFFFFFFF  }
0x254: {  	s10 =	smov.u32 @p1 s12  }
.LBB2_65:
0x255: {  	p1 =	seq.s32 s10, $0xFFFFFFFF  }
.Ltmp52:
0x256: {  	_ = 	snop;
	(pc) =	sbr.rel @p1 .LBB2_69-.Ltmp52, $1  }
0x257: {  	_ =	sdelay $0x3  }
0x258: {  	s0 =	sshll.u32 s10, $0xB  }
0x259: {  	s0 =	sshra.s32 s0, $0x2  }
0x25a: {  	s9 =	simm.s32 $0x0;
	v0 =	vld [tilespmem:s3+$0x0];
	s10 =	smov.u32 s3;
	s0 =	sadd.s32 $0xC838, s0  }
.LBB2_67:
0x25b: {  	s9 =	sadd.s32 $0x10, s9  }
0x25c: {  	p1 =	slt.u32 s9, $0x1F0  }
.Ltmp53:
0x25d: {  	_ = 	snop;
	(pc) =	sbr.rel @p1 .LBB2_67-.Ltmp53, $3  }
0x25e: {  	_ =	sdelay $0x1  }
0x25f: {  	s10 =	sadd.s32 $0x10, s10;
	[tilespmem:s0+$0x0] =	vst.add.f32.msk $0xffff, v0;
	s0 =	sadd.s32 $0x10, s0  }
0x260: {  	v0 =	vld [tilespmem:s10+$0x0]  }
.Ltmp54:
0x261: {  	_ = 	snop;
	(pc) =	sbr.rel .LBB2_76-.Ltmp54, $2  }
0x262: {  	_ =	sdelay $0x2  }
0x263: {  	[tilespmem:s0+$0x0] =	vst.add.f32.msk $0xffff, v0  }
.LBB2_69:
0x264: {  	p1 =	sgt.u32 s0, $0x9C270  }
.Ltmp55:
0x265: {  	_ = 	snop;
	(pc) =	sbr.rel @p1 .LBB2_73-.Ltmp55, $1  }
0x266: {  	_ =	sdelay $0x3  }
0x267: {  	s9 =	sand.u32 $0xFFFF8, s0;
	s11 =	sand.u32 $0x7, s0  }
0x268: {  	s29 =	sadd.s32 $0x80, s0;
	s10 =	sadd.s32 s1, s9;
	s9 =	simm.s32 $0xC608  }
0x269: {  	[tilespmem:s9], [sflag:$0x8] =	stream.linear.gather [hbm4b:s10+s11], $0x80, $0x38;
	[tilespmem:$0x1C938] =	vst v63  }
0x26a: {  	s10 =	sand.u32 $0x1FFFF8, s29  }
0x26b: {  	s30 =	sadd.s32 $0x100, s0;
	s10 =	sadd.s32 s1, s10  }
0x26c: {  	[tilespmem:s5], [sflag:$0x8] =	stream.linear.gather [hbm4b:s10+s11], $0x80, $0x38;
	[tilespmem:$0x1C938] =	vst v63  }
0x26d: {  	s31 =	sadd.s32 $0x180, s0;
	s10 =	sand.u32 $0x1FFFF8, s30  }
0x26e: {  	s0 =	sand.u32 $0x1FFFF8, s31;
	s10 =	sadd.s32 s1, s10  }
0x26f: {  	[tilespmem:s6], [sflag:$0x8] =	stream.linear.gather [hbm4b:s10+s11], $0x80, $0x38;
	[tilespmem:$0x1C938] =	vst v63  }
0x270: {  	s0 =	sadd.s32 s1, s0  }
0x271: {  	[tilespmem:s7], [sflag:$0x8] =	stream.linear.gather [hbm4b:s0+s11], $0x80, $0x38;
	[tilespmem:$0x1C938] =	vst v63  }
0x272: {  	_ =	swait.ge [sflag:s4], $0x200  }
0x273: {  	[sflag:s4] =	ssyncset.done $0x0  }
0x274: {  	[sflag:s4] =	ssyncadd.s32 $0xFFFFFE00  }
0x275: {  	s10 =	smov.u32 s3;
	s0 =	simm.s32 $0x0;
	v1 =	vld [tilespmem:s9+$0x0]  }
.LBB2_71:
0x276: {  	s0 =	sadd.s32 $0x10, s0  }
0x277: {  	p1 =	slt.u32 s0, $0x1F0  }
.Ltmp56:
0x278: {  	_ = 	snop;
	(pc) =	sbr.rel @p1 .LBB2_71-.Ltmp56, $3  }
0x279: {  	_ =	sdelay $0x1  }
0x27a: {  	s9 =	sadd.s32 $0x10, s9;
	[tilespmem:s10+$0x0] =	vst.add.f32.msk $0xffff, v1;
	s10 =	sadd.s32 $0x10, s10  }
0x27b: {  	v1 =	vld [tilespmem:s9+$0x0]  }
0x27c: {  	_ =	sdelay $0x3  }
0x27d: {  	[tilespmem:s10+$0x0] =	vst.add.f32.msk $0xffff, v1  }
.LBB2_73:
0x27e: {  	s0 =	sshll.u32 s2, $0xB  }
0x27f: {  	[tilespmem:s2+$0xC818] =	vst.msk $0x1, v0;
	s0 =	sshra.s32 s0, $0x2  }
0x280: {  	s9 =	simm.s32 $0x0;
	s10 =	smov.u32 s3;
	v0 =	vld [tilespmem:s3+$0x0];
	s0 =	sadd.s32 $0xC838, s0  }
.LBB2_74:
0x281: {  	s9 =	sadd.s32 $0x10, s9  }
0x282: {  	p1 =	slt.u32 s9, $0x1F0  }
.Ltmp57:
0x283: {  	_ = 	snop;
	(pc) =	sbr.rel @p1 .LBB2_74-.Ltmp57, $3  }
0x284: {  	_ =	sdelay $0x1  }
0x285: {  	s10 =	sadd.s32 $0x10, s10;
	[tilespmem:s0+$0x0] =	vst v0;
	s0 =	sadd.s32 $0x10, s0  }
0x286: {  	v0 =	vld [tilespmem:s10+$0x0]  }
.Ltmp58:
0x287: {  	_ = 	snop;
	(pc) =	sbr.rel .LBB2_76-.Ltmp58, $2  }
0x288: {  	_ =	sdelay $0x2  }
0x289: {  	s2 =	sadd.s32 $0x1, s2;
	[tilespmem:s0+$0x0] =	vst v0  }
.LBB2_77:
0x28a: {  	p1 =	slt.s32 s2, $0x1  }
.Ltmp59:
0x28b: {  	_ = 	snop;
	(pc) =	sbr.rel @p1 .LBB2_81-.Ltmp59, $3  }
0x28c: {  	_ =	sdelay $0x1  }
0x28d: {  	s0 =	simm.s32 $0x8  }
0x28e: {  	[sflag:s0] =	ssyncpa.u1 $0x1;
	s0 =	simm.s32 $0x0  }
0x28f: {  	s3 =	simm.s32 $0xC818  }
0x290: {  	v0 =	vld.msk [tilespmem:s3+$0x0], $0x1;
	_ =	sdelay $0x4  }
0x291: {  	(v2sf) =	vpush v0, $0x0;
	_ =	sdelay $0xe  }
0x292: {  	s7 =	spop (v2sf)  }
0x293: {  	s2 =	sadd.s32 $0xFFFFFFFF, s2;
	p1 =	sgt.u32 s7, $0x9C270  }
0x294: {  	s3 =	simm.s32 $0xC838;
	s4 =	sand.u32 @!p1 $0xFFFF8, s7;
	s8 =	sadd.s32 @!p1 $0x80, s7  }
0x295: {  	s5 =	sand.u32 @!p1 $0x7, s7;
	s4 =	sadd.s32 @!p1 s1, s4;
	s8 =	sand.u32 @!p1 $0x1FFFF8, s8  }
0x296: {  	[hbm4b:s4+s5] =	stream.linear.scatter @!p1 [tilespmem:s3], [sflag:$0x7], $0x80, $0x38;
	[tilespmem:$0x1C938] =	vst v63  }
0x297: {  	p2 =	sne.s32 s2, $0x0;
	s3 =	simm.s32 @!p1 $0xC8B8;
	s4 =	sadd.s32 @!p1 s1, s8  }
0x298: {  	[hbm4b:s4+s5] =	stream.linear.scatter @!p1 [tilespmem:s3], [sflag:$0x7], $0x80, $0x38;
	[tilespmem:$0x1C938] =	vst v63  }
.Ltmp60:
0x299: {  	s6 =	simm.s32 $0x0;
	s9 =	sadd.s32 @!p1 $0x100, s7;
	(pc) =	sbr.rel @!p2 .LBB2_80-.Ltmp60, $4  }
0x29a: {  	s6 =	simm.s32 @!p1 $0x800;
	s8 =	sand.u32 @!p1 $0x1FFFF8, s9;
	s3 =	simm.s32 @!p1 $0xC938  }
0x29b: {  	s4 =	sadd.s32 @!p1 s1, s8;
	s8 =	sadd.s32 @!p1 $0x180, s7;
	s7 =	simm.s32 @!p1 $0xC9B8  }
0x29c: {  	[hbm4b:s4+s5] =	stream.linear.scatter @!p1 [tilespmem:s3], [sflag:$0x7], $0x80, $0x38;
	[tilespmem:$0x1C938] =	vst v63  }
0x29d: {  	s8 =	sand.u32 @!p1 $0x1FFFF8, s8;
	s3 =	simm.s32 $0xC819;
	s4 =	simm.s32 $0xCA38  }
.LBB2_79:
0x29e: {  	s2 =	sadd.s32 $0xFFFFFFFF, s2;
	s8 =	sadd.s32 @!p1 s1, s8;
	s0 =	sadd.s32 s0, s6  }
0x29f: {  	[hbm4b:s8+s5] =	stream.linear.scatter @!p1 [tilespmem:s7], [sflag:$0x7], $0x80, $0x38;
	[tilespmem:$0x1C938] =	vst v63  }
0x2a0: {  	p2 =	sne.s32 s2, $0x0;
	s7 =	smov.u32 s4;
	v0 =	vld.msk [tilespmem:s3+$0x0], $0x1;
	_ =	sdelay $0x4  }
0x2a1: {  	(v2sf) =	vpush v0, $0x0;
	_ =	sdelay $0xe  }
0x2a2: {  	s6 =	spop (v2sf)  }
0x2a3: {  	s4 =	sadd.s32 $0x200, s4;
	s3 =	sadd.s32 $0x1, s3;
	p1 =	sgt.u32 s6, $0x9C270  }
0x2a4: {  	s5 =	sand.u32 @!p1 $0xFFFF8, s6;
	s8 =	sadd.s32 @!p1 $0x80, s6;
	s9 =	sadd.s32 @!p1 $0x100, s6  }
0x2a5: {  	s10 =	sadd.s32 @!p1 s1, s5;
	s5 =	sand.u32 @!p1 $0x7, s6;
	s8 =	sand.u32 @!p1 $0x1FFFF8, s8  }
0x2a6: {  	[hbm4b:s10+s5] =	stream.linear.scatter @!p1 [tilespmem:s7], [sflag:$0x7], $0x80, $0x38;
	[tilespmem:$0x1C938] =	vst v63  }
0x2a7: {  	s9 =	sand.u32 @!p1 $0x1FFFF8, s9;
	s10 =	sadd.s32 @!p1 $0x80, s7  }
.Ltmp61:
0x2a8: {  	s8 =	sadd.s32 @!p1 s1, s8;
	s9 =	sadd.s32 @!p1 s1, s9;
	(pc) =	sbr.rel @p2 .LBB2_79-.Ltmp61, $4  }
0x2a9: {  	[hbm4b:s8+s5] =	stream.linear.scatter @!p1 [tilespmem:s10], [sflag:$0x7], $0x80, $0x38;
	[tilespmem:$0x1C938] =	vst v63  }
0x2aa: {  	s8 =	sadd.s32 @!p1 $0x100, s7;
	s10 =	sadd.s32 @!p1 $0x180, s6;
	s6 =	simm.s32 $0x0  }
0x2ab: {  	[hbm4b:s9+s5] =	stream.linear.scatter @!p1 [tilespmem:s8], [sflag:$0x7], $0x80, $0x38;
	[tilespmem:$0x1C938] =	vst v63  }
0x2ac: {  	s7 =	sadd.s32 @!p1 $0x180, s7;
	s6 =	simm.s32 @!p1 $0x800;
	s8 =	sand.u32 @!p1 $0x1FFFF8, s10  }
.LBB2_80:
0x2ad: {  	s1 =	sadd.s32 @!p1 s1, s8;
	s0 =	sadd.s32 s0, s6  }
0x2ae: {  	[hbm4b:s1+s5] =	stream.linear.scatter @!p1 [tilespmem:s7], [sflag:$0x7], $0x80, $0x38;
	[tilespmem:$0x1C938] =	vst v63  }
0x2af: {  	s0 =	sshrl.u32 s0, $0x2  }
.LBB2_81:
0x2b0: {  	s1 =	simm.s32 $0x7  }
0x2b1: {  	_ =	swait.ge [sflag:s1], s0  }
0x2b2: {  	s31 =	ssub.s32 $0x0, s0;
	[sflag:s1] =	ssyncset.done $0x0  }
0x2b3: {  	[sflag:s1] =	ssyncadd.s32 s31  }
0x2b4: {  	[sflag:s1] =	ssyncpa.u1 $0x1  }
.LBB2_82:
0x2b5: {  	_ =	sfence;
	s0 =	simm.s32 $0x1  }
0x2b6: {  	[sflag:s0] =	ssyncpa.u1 $0x1  }
0x2b7: {  	_ =	strace $0x90000059  }
0x2b8: {  	[bflag:$0x2] =	sbarrier.arrive $0xFFFF  }
0x2b9: {  	s0 =	rddreg [dreg:$0x3]  }
0x2ba: {  	s0 =	sadd.s32 @!p0 $0x100000, s0  }
0x2bb: {  	[sflag:s0] =	ssyncadd.tile.s32 @!p0 $0x1;
	_ =	shalt  }
.Lfunc_end2:
_tile_overlayer_lowered:
.L_overlay_start_2:
0x2bc: {  	(tag) =	ssettag $0x2  }
0x2bd: {  	s0 =	rddreg [dreg:$0x0];
	s2 =	stileid.u32  }
0x2be: {  	s1 =	rddreg [dreg:$0x1];
	p0 =	sne.s32 s2, $0x0  }
0x2bf: {  	s3 =	rddreg [dreg:$0x2];
	[bflag:$0x3] =	sbarrier.arrive $0xFFFF;
	s2 =	simm.s32 @!p0 $0x1C01  }
0x2c0: {  	[timem:s3], [sflag:s2] =	dma.local @!p0 [hbm:s0], s1  }
0x2c1: {  	s0 =	simm.s32 @!p0 $0x1  }
0x2c2: {  	_ =	swait.ge @!p0 [sflag:s0], s1  }
0x2c3: {  	s1 =	ssub.s32 @!p0 $0x0, s1;
	[sflag:s0] =	ssyncset.done @!p0 $0x0  }
0x2c4: {  	[sflag:s0] =	ssyncadd.s32 @!p0 s1  }
0x2c5: {  	[bflag:$0x3] =	sbarrier.arrive $0xFFFF  }
0x2c6: {  	_ =	shalt  }

// kernel: scatter_offload_async_start
scs
__scs_entry_jumppad:
0x0: {  	(pc) =	sbr.rel $0x88, $3  }
0x1: {  	(tag) =	ssettag $0x0;
	lr =	simm.s32 $0x1  }
0x2: {  	[smem:$0x3F8D] =	sst lr;
	_ =	strace $0xD0000000  }
0x3: {  	_ = 	snop  }
0x4: {  	_ = 	snop  }
0x5: {  	_ = 	snop  }
0x6: {  	_ = 	snop  }
0x7: {  	_ = 	snop  }
__scs_overlays_trampoline_lowered:
0x8: {  	[smem:$0x3F9C] =	sst s0  }
0x9: {  	[smem:$0x3F9D] =	sst s1  }
0xa: {  	[smem:$0x3F9E] =	sst s2  }
0xb: {  	[smem:$0x3F9F] =	sst s3  }
0xc: {  	[smem:$0x3FA0] =	sst s4  }
0xd: {  	[smem:$0x3FA1] =	sst s5  }
0xe: {  	[smem:$0x3FA2] =	sst s6  }
0xf: {  	[smem:$0x3FA3] =	sst s7  }
0x10: {  	[smem:$0x3FA4] =	sst s8  }
0x11: {  	[smem:$0x3FA5] =	sst s9;
	s0 =	simm.s32 @!p0 $0x0  }
0x12: {  	s1 =	sld [smem:$0x3F8B];
	s0 =	simm.s32 @p0 $0x1  }
0x13: {  	[smem:$0x3FA6] =	sst s0;
	s0 =	simm.s32 @!p1 $0x0  }
0x14: {  	s2 =	sld [smem:$0x3F8A];
	s0 =	simm.s32 @p1 $0x1  }
0x15: {  	[smem:$0x3FA7] =	sst s0;
	s0 =	simm.s32 @!p2 $0x0  }
0x16: {  	s3 =	sld [smem:$0x3FDB];
	s0 =	simm.s32 @p2 $0x1  }
0x17: {  	s4 =	simm.s32 $0x1BF5;
	[smem:$0x3FA9] =	sst s0  }
0x18: {  	s0 =	sld [smem:$0x3F8C];
	_ =	swait.ge [sflag:s4], $0x0  }
0x19: {  	s7 =	sld [smem:$0x3F8D]  }
0x1a: {  	s8 =	sadd.s32 $0xFFFFE003, lr  }
0x1b: {  	s9 =	sadd.s32 $0xFFFFFEF7, lr;
	s5 =	simm.s32 $0xFFFFFFFF;
	p2 =	slt.u32 s8, $0xFFFFF086  }
0x1c: {  	p1 =	slt.u32 s9, $0xF7A;
	s5 =	simm.s32 @!p2 $0x0  }
0x1d: {  	s5 =	simm.s32 @p1 $0x1;
	p0 =	seq.s32 s7, s2  }
0x1e: {  	s7 =	smul.u32 @!p0 $0xF7A, s2;
	p2 =	seq.s32 @!p0 s5, $0x0  }
0x1f: {  	s9 =	smul.u32 $0xF7A, s1;
	s8 =	simm.s32 @!p0 $0x1BF5;
	p2 =	por !p2, p0  }
0x20: {  	[sflag:s8] =	ssyncset.s32 @!p0 $0xFFFFF086;
	s6 =	sadd.s32 @!p0 s3, s7;
	s7 =	simm.s32 @!p0 $0x108  }
0x21: {  	s3 =	sadd.s32 s3, s9;
	s6 =	sadd.s32 @!p0 $0x88, s6;
	s7 =	simm.s32 @p2 $0x1082  }
0x22: {  	[simem:s7], [sflag:s8] =	dma.local @!p0 [hbm:s6], $0xF7A  }
0x23: {  	s9 =	sor.u32 $0xD0000000, s2;
	s6 =	simm.s32 $0x108;
	_ =	swait.ge @!p0 [sflag:s8], $0x0  }
0x24: {  	s3 =	sadd.s32 $0x88, s3;
	s6 =	simm.s32 @!p1 $0x1082;
	[sflag:s4] =	ssyncset.s32 $0xFFFFF086  }
0x25: {  	[simem:s6], [sflag:s4] =	dma.local [hbm:s3], $0xF7A  }
0x26: {  	[smem:$0x3F8D] =	sst s1;
	(tag) =	ssettag s2;
	_ =	strace s9  }
0x27: {  	s1 =	sld [smem:$0x3F9D]  }
0x28: {  	s2 =	sld [smem:$0x3F9E]  }
0x29: {  	s4 =	sld [smem:$0x3FA0]  }
0x2a: {  	p0 =	seq.s32 s5, $0x0;
	s5 =	sld [smem:$0x3FA1]  }
0x2b: {  	s6 =	sld [smem:$0x3FA2]  }
0x2c: {  	s7 =	sld [smem:$0x3FA3]  }
0x2d: {  	s3 =	simm.s32 $0x108;
	s8 =	sld [smem:$0x3FA4]  }
0x2e: {  	s3 =	simm.s32 @!p0 $0x1082;
	s9 =	sld [smem:$0x3FA5]  }
0x2f: {  	lr =	sadd.s32 s0, s3;
	s0 =	sld [smem:$0x3F9C]  }
0x30: {  	s3 =	sld [smem:$0x3F9F]  }
0x31: {  	[smem:$0x3FA8] =	sst s10  }
0x32: {  	s10 =	sld [smem:$0x3FA6];
	_ =	sdelay $0x3  }
0x33: {  	p0 =	seq.s32 s10, $0x1;
	s10 =	sld [smem:$0x3FA8];
	_ =	sdelay $0x3  }
0x34: {  	[smem:$0x3FA8] =	sst s10  }
0x35: {  	s10 =	sld [smem:$0x3FA7];
	_ =	sdelay $0x3  }
0x36: {  	p1 =	seq.s32 s10, $0x1;
	s10 =	sld [smem:$0x3FA8];
	_ =	sdelay $0x3  }
0x37: {  	[smem:$0x3FA8] =	sst s10  }
0x38: {  	s10 =	sld [smem:$0x3FA9]  }
0x39: {  	_ = 	snop;
	(pc) =	sbr.ind lr, $3  }
0x3a: {  	_ = 	snop  }
0x3b: {  	_ = 	snop  }
0x3c: {  	p2 =	seq.s32 s10, $0x1;
	s10 =	sld [smem:$0x3FA8]  }
0x3d: {  	_ =	shalt  }
0x3e: {  	_ =	shalt  }
0x3f: {  	_ =	shalt  }
0x40: {  	_ =	shalt  }
0x41: {  	_ =	shalt  }
0x42: {  	_ =	shalt  }
0x43: {  	_ =	shalt  }
0x44: {  	_ =	shalt  }
0x45: {  	_ =	shalt  }
0x46: {  	_ =	shalt  }
0x47: {  	_ =	shalt  }
0x48: {  	_ =	shalt  }
0x49: {  	_ =	shalt  }
0x4a: {  	_ =	shalt  }
0x4b: {  	_ =	shalt  }
0x4c: {  	_ =	shalt  }
0x4d: {  	_ =	shalt  }
0x4e: {  	_ =	shalt  }
0x4f: {  	_ =	shalt  }
0x50: {  	_ =	shalt  }
0x51: {  	_ =	shalt  }
0x52: {  	_ =	shalt  }
0x53: {  	_ =	shalt  }
0x54: {  	_ =	shalt  }
0x55: {  	_ =	shalt  }
0x56: {  	_ =	shalt  }
0x57: {  	_ =	shalt  }
0x58: {  	_ =	shalt  }
0x59: {  	_ =	shalt  }
0x5a: {  	_ =	shalt  }
0x5b: {  	_ =	shalt  }
0x5c: {  	_ =	shalt  }
0x5d: {  	_ =	shalt  }
0x5e: {  	_ =	shalt  }
0x5f: {  	_ =	shalt  }
0x60: {  	_ =	shalt  }
0x61: {  	_ =	shalt  }
0x62: {  	_ =	shalt  }
0x63: {  	_ =	shalt  }
0x64: {  	_ =	shalt  }
0x65: {  	_ =	shalt  }
0x66: {  	_ =	shalt  }
0x67: {  	_ =	shalt  }
0x68: {  	_ =	shalt  }
0x69: {  	_ =	shalt  }
0x6a: {  	_ =	shalt  }
0x6b: {  	_ =	shalt  }
0x6c: {  	_ =	shalt  }
0x6d: {  	_ =	shalt  }
0x6e: {  	_ =	shalt  }
0x6f: {  	_ =	shalt  }
0x70: {  	_ =	shalt  }
0x71: {  	_ =	shalt  }
0x72: {  	_ =	shalt  }
0x73: {  	_ =	shalt  }
0x74: {  	_ =	shalt  }
0x75: {  	_ =	shalt  }
0x76: {  	_ =	shalt  }
0x77: {  	_ =	shalt  }
0x78: {  	_ =	shalt  }
0x79: {  	_ =	shalt  }
0x7a: {  	_ =	shalt  }
0x7b: {  	_ =	shalt  }
0x7c: {  	_ =	shalt  }
0x7d: {  	_ =	shalt  }
0x7e: {  	_ =	shalt  }
0x7f: {  	_ =	shalt  }
0x80: {  	_ =	shalt  }
0x81: {  	_ =	shalt  }
0x82: {  	_ =	shalt  }
0x83: {  	_ =	shalt  }
0x84: {  	_ =	shalt  }
0x85: {  	_ =	shalt  }
0x86: {  	_ =	shalt  }
0x87: {  	_ =	shalt  }
.Lfunc_end0:
.L_simem_size_0:
called_computation_lowered:
.L_overlay_start_0:
0x88: {  	s0 =	sld [smem:$0x3FD9]  }
0x89: {  	s1 =	sld [smem:$0x3FFE];
	_ =	sdelay $0x3  }
0x8a: {  	s0 =	sadd.s32 s1, s0  }
0x8b: {  	[smem:$0x3FB4] =	sst s0  }
0x8c: {  	_ = 	snop  }
0x8d: {  	s0 =	sld [smem:$0x3FD0];
	(tm) =	ssettm $0x1  }
0x8e: {  	s16 =	sld [smem:$0x3FFB];
	_ =	sdelay $0x3  }
0x8f: {  	_ =	strace s16  }
0x90: {  	s1 =	sld [smem:$0x3FFC];
	_ =	sdelay $0x3  }
0x91: {  	_ =	strace s1  }
0x92: {  	s1 =	sld [smem:$0x3FFD];
	_ =	sdelay $0x3  }
0x93: {  	_ =	strace s1  }
0x94: {  	_ =	strace $0x8FFFFFFF  }
0x95: {  	s17 =	sld [smem:$0x3FDB];
	_ =	sdelay $0x1  }
0x96: {  	s2 =	simm.s32 $_scs_section_size  }
0x97: {  	s3 =	simm.s32 $_size__tile_overlayer_lowered;
	s4 =	simm.s32 $_tile_overlayer_lowered  }
0x98: {  	s20 =	simm.s32 $0x1BFF;
	s19 =	sshll.u32 s4, $0x1;
	s1 =	sadd.s32 s2, s17  }
0x99: {  	s5 =	simm.s32 $0x0;
	s18 =	sshll.u32 s3, $0x1;
	s3 =	sadd.s32 s19, s1  }
0x9a: {  	[timem:s5], [sflag:s20] =	dma.local [hbm:s3], s18  }
0x9b: {  	_ =	swait.ge [sflag:s20], s18  }
0x9c: {  	s2 =	ssub.s32 $0x0, s18;
	[sflag:s20] =	ssyncset.done $0x0  }
0x9d: {  	[sflag:s20] =	ssyncadd.s32 s2;
	_ =	sdelay $0x1  }
0x9e: {  	s21 =	simm.s32 $0x1B8B  }
0x9f: {  	_ =	swait.ge [sflag:s21], $0x1  }
0xa0: {  	[sflag:s21] =	ssyncset.done $0x0  }
0xa1: {  	s23 =	simm.s32 $0x1B8E;
	s22 =	sld [smem:$0x3FFE];
	[sflag:s21] =	ssyncadd.s32 $0xFFFFFFFF  }
0xa2: {  	s24 =	simm.s32 $execute0_lowered;
	[smem:$0x3FD2] =	sst s23  }
0xa3: {  	s3 =	sshll.u32 s24, $0x1;
	_ =	strace $0x80000046;
	[dreg:$0x1] =	wrdreg $0xFFFFFFFF  }
0xa4: {  	s25 =	simm.s32 $_size_execute0_lowered;
	s1 =	sadd.s32 s1, s3;
	[dreg:$0x0] =	wrdreg $0x0  }
0xa5: {  	s3 =	sshll.u32 s25, $0x1;
	[dreg:$0x2] =	wrdreg s1  }
0xa6: {  	[dreg:$0x3] =	wrdreg s3  }
0xa7: {  	[dreg:$0x4] =	wrdreg $0xC0  }
0xa8: {  	_ =	task [dreg:s5], $0x5FFFF  }
0xa9: {  	[dreg:$0x1] =	wrdreg $0xFFFFFFFF  }
0xaa: {  	[dreg:$0x0] =	wrdreg $0x60  }
0xab: {  	[dreg:$0x2] =	wrdreg s0  }
0xac: {  	[dreg:$0x3] =	wrdreg s22  }
0xad: {  	[dreg:$0x4] =	wrdreg $0x9  }
0xae: {  	_ =	task.clear_ibuf [dreg:s5], $0x5FFFF;
	_ =	strace $0x90000046  }
0xaf: {  	s26 =	simm.s32 $0x9;
	_ =	strace $0x80000048  }
0xb0: {  	_ =	swait.ge [sflag:s26], $0x1  }
0xb1: {  	[sflag:s26] =	ssyncadd.s32 $0xFFFFFFFF  }
0xb2: {  	_ =	strace $0x90000048  }
0xb3: {  	_ =	sfence  }
0xb4: {  	s28 =	sld [smem:$0x0];
	_ =	sdelay $0x1  }
0xb5: {  	s29 =	srdreg.scid  }
0xb6: {  	s30 =	sshll.u32 s29, $0xD;
	s31 =	sshrl.u32 s29, $0x2  }
0xb7: {  	s2 =	sand.u32 $0x4000, s30;
	s1 =	sand.u32 $0x1, s29;
	s0 =	sadd.s32 s31, s28  }
0xb8: {  	s1 =	sor.u32 s2, s1;
	s0 =	sshll.u32 s0, $0x11  }
0xb9: {  	s0 =	sor.u32 s0, s1  }
0xba: {  	s0 =	sadd.s32 $0x8F2B, s0  }
0xbb: {  	[sflag:s0] =	ssyncadd.remote.s32 $0x1  }
0xbc: {  	_ =	sfence.sel $0xFFFF  }
0xbd: {  	[dreg:$0x0] =	wrdreg $0xFFFFFFFF;
	(pc) =	sbr.abs _section_cstart, $3  }
0xbe: {  	[dreg:$0x1] =	wrdreg $0xFFFFFFFF  }
0xbf: {  	_ =	task.clear_ibuf [dreg:s5], $0x2FFFF;
	_ =	strace $0x9FFFFFFF  }
0xc0: {  	(tm) =	ssettm $0x7FFFFFFF  }
0xc1: {  	_ =	shalt  }
tec
execute0_lowered:
.L_overlay_start_1:
0x0: {  	(tag) =	ssettag $0x1  }
0x1: {  	s1 =	rddreg [dreg:$0x0]  }
0x2: {  	s0 =	rddreg [dreg:$0x1];
	s6 =	stileid.u32  }
0x3: {  	_ =	strace $0x80000047;
	s9 =	simm.s32 $0x1;
	s2 =	smul.u32 $0x3, s6  }
0x4: {  	v1 =	vimm.s32 $0xFFFFFFFF;
	s3 =	smin.u32 s6, $0x7;
	[sflag:s9] =	ssyncpa.u1 $0x0  }
0x5: {  	[tilespmem:$0x10] =	vst v1;
	s2 =	sadd.s32 s3, s2  }
0x6: {  	v0 =	vimm.f32 $0.0e+00;
	p0 =	slt.u32 s6, $0x7;
	[tilespmem:$0x20] =	vst v1;
	s3 =	smul.u32 $0x1770, s2;
	s2 =	simm.s32 $0x5DC0  }
0x7: {  	[tilespmem:$0x30] =	vst v0;
	s2 =	simm.s32 @!p0 $0x4650  }
0x8: {  	[tilespmem:$0x40] =	vst v0;
	s2 =	sadd.s32 s2, s3  }
0x9: {  	[tilespmem:$0x50] =	vst v0;
	s4 =	smin.u32 s2, $0x50910  }
0xa: {  	[tilespmem:$0x60] =	vst v1;
	s2 =	ssub.s32 s4, s3  }
0xb: {  	s7 =	simm.s32 $0x2;
	s8 =	simm.s32 $0x8;
	[tilespmem:$0x70] =	vst v1;
	p0 =	sgt.s32 s2, $0x0  }
0xc: {  	s31 =	simm.s32 $0x9;
	s16 =	simm.s32 $0x0;
	[tilespmem:$0x80] =	vst v1;
	s2 =	simm.s32 @!p0 $0x0  }
0xd: {  	s17 =	simm.s32 $0xF0;
	s18 =	simm.s32 $0xFFFFFFFF;
	v1 =	vimm.s32 $0x0;
	[tilespmem:$0xB0] =	vst v0;
	s5 =	smulhi.u32 $0x57619F1, s2  }
0xe: {  	s19 =	simm.s32 $0xFFFFD220;
	s20 =	simm.s32 $0xFFFFFFFE;
	s21 =	simm.s32 $0xF;
	[tilespmem:$0x90] =	vst v1  }
0xf: {  	[tilespmem:$0xA0] =	vst v1;
	[sflag:s7] =	ssyncpa.u1 $0x0;
	s7 =	simm.s32 $0x7;
	s10 =	sshrl.u32 s5, $0x7  }
0x10: {  	s25 =	simm.s32 $0x0;
	[sflag:s7] =	ssyncpa.u1 $0x0;
	s11 =	smul.u32 $0x1770, s10  }
0x11: {  	s24 =	simm.s32 $0x0;
	s14 =	sshllo.u32 s6, $0x1;
	[sflag:s8] =	ssyncpa.u1 $0x0  }
.Ltmp0:
0x12: {  	[sflag:s31] =	ssyncpa.u1 $0x0;
	p0 =	sne.s32 s2, s11;
	(pc) =	sbr.rel .LBB2_1-.Ltmp0, $4  }
0x13: {  	s5 =	sadd.s32 $0xA600, s0;
	s0 =	sadd.s32 $0x14800, s0;
	s9 =	simm.s32 @!p0 $0x0  }
0x14: {  	s23 =	smov.u32 s3;
	[dreg:$0x3] =	wrdreg s0;
	s9 =	sadd.s32 s9, s10  }
0x15: {  	vm0 =	vmmov $0xffff;
	v2 =	vlaneseq.u32;
	p0 =	por $0x0, $0x0;
	s10 =	sshll.u32 s6, $0x1;
	s11 =	sadd.s32 $0x1, s9  }
0x16: {  	vm1 =	vmxor vm1, vm1;
	vm2 =	vmmov $0x1;
	vm3 =	vcmask $0x3F3C;
	s12 =	sadd.s32 $0x2, s9;
	s13 =	sor.u32 $0x81, s10;
	s15 =	sor.u32 $0x80, s10  }
.LBB2_9:
0x17: {  	p1 =	slt.u32 s24, $0x3  }
0x18: {  	s0 =	simm.s32 @!p1 $0x2  }
0x19: {  	_ =	swait.ge @!p1 [sflag:s0], $0x1770  }
0x1a: {  	[sflag:s0] =	ssyncset.done @!p1 $0x0  }
0x1b: {  	[sflag:s0] =	ssyncadd.s32 @!p1 $0xFFFFE890;
	s0 =	simm.s32 @!p1 $0x9  }
0x1c: {  	_ =	swait.ge @!p1 [sflag:s0], $0x10  }
0x1d: {  	[sflag:s0] =	ssyncset.done @!p1 $0x0  }
0x1e: {  	[sflag:s0] =	ssyncadd.s32 @!p1 $0xFFFFFFF0;
	p1 =	sne.s32 s24, s12  }
.Ltmp1:
0x1f: {  	s2 =	sadd.s32 $0x1770, s23;
	(pc) =	sbr.rel @!p1 .LBB2_10-.Ltmp1, $4  }
0x20: {  	s6 =	smov.u32 s3;
	s31 =	sadd.s32 $0x1, s24;
	s17 =	sadd.s32 $0x1770, s17  }
0x21: {  	s18 =	sadd.s32 $0x1, s18;
	s25 =	smov.u32 s23;
	p2 =	slt.s32 s2, s4  }
0x22: {  	p0 =	por !p0, !p0;
	s19 =	sadd.s32 $0x1770, s19;
	s6 =	smov.u32 @p2 s2  }
0x23: {  	s20 =	sadd.s32 $0x1, s20;
	s23 =	smov.u32 s6;
	s24 =	smov.u32 s31  }
.LBB2_1:
0x24: {  	p1 =	sge.u32 s24, s9  }
0x25: {  	s0 =	smulhi.u32 @!p1 $0xAAAAAAAB, s24;
	_ =	sdelay $0x1  }
0x26: {  	s0 =	sshrl.u32 @!p1 s0, $0x1  }
0x27: {  	s0 =	smul.u32 @!p1 $0x3, s0;
	_ =	sdelay $0x1  }
0x28: {  	s0 =	ssub.s32 @!p1 s24, s0  }
0x29: {  	s0 =	smul.u32 @!p1 $0x5DC0, s0;
	_ =	sdelay $0x1  }
0x2a: {  	s2 =	sshrl.u32 @!p1 s23, $0x3;
	s0 =	sshrl.u32 @!p1 s0, $0x2  }
0x2b: {  	s22 =	sand.u32 @!p1 $0x7, s23;
	s2 =	sadd.s32 @!p1 s5, s2;
	s0 =	sadd.s32 @!p1 $0x100, s0  }
0x2c: {  	[tilespmem:s0], [sflag:$0x7] =	stream.linear.gather @!p1 [hbm4b:s2+s22], $0x1770, $0x38;
	[tilespmem:$0xD410] =	vst v63  }
0x2d: {  	s0 =	sadd.s32 $0xFFFFFFFF, s24  }
0x2e: {  	p1 =	sge.u32 s0, s9  }
.Ltmp2:
0x2f: {  	_ = 	snop;
	(pc) =	sbr.rel @p1 .LBB2_5-.Ltmp2, $1  }
0x30: {  	_ =	sdelay $0x3  }
0x31: {  	s2 =	smulhi.u32 $0xAAAAAAAB, s0;
	_ =	sdelay $0x1  }
0x32: {  	s2 =	sshrl.u32 s2, $0x1  }
0x33: {  	s2 =	smul.u32 $0x3, s2;
	_ =	sdelay $0x1  }
0x34: {  	s2 =	ssub.s32 s0, s2  }
0x35: {  	s2 =	smul.u32 $0x5DC0, s2  }
0x36: {  	_ =	swait.ge [sflag:s7], $0x1770  }
0x37: {  	[sflag:s7] =	ssyncset.done $0x0;
	s2 =	sshrl.u32 s2, $0x2  }
0x38: {  	[sflag:s7] =	ssyncadd.s32 $0xFFFFE890;
	(ifvalue) =	ssetifvalue $0xFFFFFFFF;
	v3 =	vld.msk [tilespmem:s2+$0x100 ss:$0x1], $0xffff;
	_ =	sdelay $0x2  }
0x39: {  	s30 =	smulhi.u32 $0xAAAAAAAB, s18;
	p1 =	sne.s32 s24, $0x1  }
0x3a: {  	v4 =	vimm.s32 @!p1 $0x0  }
0x3b: {  	s2 =	sshrl.u32 s30, $0x1;
	v4 =	vperm.xlane @!p1 v3, v4  }
0x3c: {  	s22 =	sshll.u32 s24, $0x4;
	s2 =	smul.u32 $0xFFFEE6C0, s2;
	vm4 =	vlt.u32 v3, $0x2800  }
0x3d: {  	s22 =	sand.u32 $0x10, s22;
	v3 =	vnsel vm4, $0xFFFFFFFE, v3;
	vm4 =	vlt.u32 @!p1 v4, $0x2800  }
0x3e: {  	s2 =	sshra.s32 s2, $0x2;
	[tilespmem:s22+$0x60] =	vst v3;
	v3 =	vnsel @!p1 vm4, $0xFFFFFFFE, v4  }
0x3f: {  	s28 =	sadd.s32 s2, s17;
	[tilespmem:$0x80] =	vst @!p1 v3  }
0x40: {  	v3 =	vld.msk [tilespmem:s28+$0x0 ss:$0x1], $0xffff;
	_ =	sdelay $0x4  }
0x41: {  	(xrf1) =	vunique.msk.u32 $0xffff, v3;
	_ =	sdelay $0xd  }
0x42: {  	v4 =	vimm.s32 $0xFFFFFFFF;
	v5, _, _ =	vpop (xrf1)  }
0x43: {  	vm5 =	vne.s32 v3, v4;
	vm4 =	veq.s32 v5, v2  }
0x44: {  	vm6 =	vlt.u32 v3, $0x2800;
	vm4 =	vmand vm5, vm4  }
0x45: {  	vm4 =	vmand vm6, vm4  }
0x46: {  	v4 =	vnsel vm4, $0xFFFFFFFF, v3  }
0x47: {  	s31 =	sand.u32 $0x1, s0  }
0x48: {  	s0 =	simm.s32 $0x1770;
	p1 =	seq.s32 s31, $0x1  }
0x49: {  	s0 =	simm.s32 @!p1 $0x0  }
0x4a: {  	s26 =	sadd.s32 $0x5EB0, s0;
	(ifvalue) =	ssetifvalue $0xFFFFFFFF  }
0x4b: {  	v3 =	vperm.xlane v3, v1;
	[tilespmem:s26], [sflag:$0x8] =	stream.indirect_vreg.gather [hbm4b:s1+s16], $0x1, v4, vm0, $0x4038;
	v4 =	vnsel vm6, $0xFFFFFFFE, v4;
	[tilespmem:$0xD410] =	vst v63  }
0x4c: {  	s2 =	simm.s32 $0x0;
	s22 =	sadd.s32 $0xFFFFFFF0, s28;
	[tilespmem:s28+$0x0] =	vst v4  }
.LBB2_3:
0x4d: {  	v4 =	vld.msk [tilespmem:s22+$0x0 ss:$0x1], $0xffff;
	s2 =	sadd.s32 $0x10, s2;
	v5 =	vmov v3;
	s28 =	smov.u32 s22  }
0x4e: {  	p1 =	slt.u32 s2, $0x1760;
	_ =	sdelay $0x4  }
0x4f: {  	v3 =	vperm.xlane v4, v1;
	(xrf1) =	vunique.msk.u32 $0xffff, v4;
	_ =	sdelay $0xd  }
0x50: {  	v6, _, _ =	vpop (xrf1)  }
0x51: {  	vm5 =	vne.s32 v4, v5;
	vm4 =	veq.s32 v6, v2  }
0x52: {  	vm6 =	vlt.u32 v4, $0x2800;
	vm4 =	vmand vm5, vm4  }
0x53: {  	vm4 =	vmand vm6, vm4  }
0x54: {  	v4 =	vnsel vm4, $0xFFFFFFFF, v4  }
.Ltmp3:
0x55: {  	v5 =	vnsel vm6, $0xFFFFFFFE, v4;
	(pc) =	sbr.rel @p1 .LBB2_3-.Ltmp3, $3  }
0x56: {  	_ =	sdelay $0x1  }
0x57: {  	s22 =	sadd.s32 $0xFFFFFFF0, s22;
	s26 =	sadd.s32 $0xFFFFFFF0, s26;
	(ifvalue) =	ssetifvalue $0xFFFFFFFF  }
0x58: {  	[tilespmem:s26], [sflag:$0x8] =	stream.indirect_vreg.gather [hbm4b:s1+s16], $0x1, v4, vm0, $0x4038;
	[tilespmem:s28+$0x0] =	vst v5  }
0x59: {  	s2 =	sshrl.u32 s25, $0x3;
	s6 =	rddreg [dreg:$0x3]  }
0x5a: {  	s0 =	sadd.s32 $0x7630, s0;
	s2 =	sadd.s32 s6, s2  }
0x5b: {  	[tilespmem:s0], [sflag:$0x8] =	stream.linear.gather [hbm:s2], $0x1770, $0x38;
	[tilespmem:$0xD410] =	vst v63  }
.LBB2_5:
0x5c: {  	p1 =	slt.u32 s24, $0x2  }
0x5d: {  	p2 =	sge.u32 @!p1 s24, s12  }
0x5e: {  	p1 =	por p1, p2  }
.Ltmp4:
0x5f: {  	_ = 	snop;
	(pc) =	sbr.rel @p1 .LBB2_9-.Ltmp4, $1  }
0x60: {  	_ =	sdelay $0x3  }
0x61: {  	s0 =	sadd.s32 $0xFFFFFFFE, s24  }
0x62: {  	s2 =	smulhi.u32 $0xAAAAAAAB, s0;
	_ =	sdelay $0x1  }
0x63: {  	s2 =	sshrl.u32 s2, $0x1  }
0x64: {  	s2 =	smul.u32 $0x3, s2;
	_ =	sdelay $0x1  }
0x65: {  	s0 =	ssub.s32 s0, s2  }
0x66: {  	_ =	swait.ge [sflag:s8], $0x2EE0;
	s0 =	smul.u32 $0x1770, s0  }
0x67: {  	p1 =	sne.s32 s24, s11;
	[sflag:s8] =	ssyncset.done $0x0  }
0x68: {  	[sflag:s8] =	ssyncadd.s32 $0xFFFFD120;
	s2 =	sadd.s32 @!p1 $0x186F, s0  }
0x69: {  	[spmem:s13] =	stream.linear.scatter @!p1 [tilespmem:s2], [sflag:$0x1], $0x1, $0x38;
	[tilespmem:$0xD410] =	vst v63  }
0x6a: {  	s2 =	simm.s32 @!p1 $0x1  }
0x6b: {  	_ =	swait.ge @!p1 [sflag:s2], $0x1  }
0x6c: {  	s22 =	sshll.u32 s24, $0x4;
	[sflag:s2] =	ssyncset.done @!p1 $0x0  }
0x6d: {  	s25 =	sand.u32 $0x10, s22;
	[sflag:s2] =	ssyncadd.s32 @!p1 $0xFFFFFFFF  }
0x6e: {  	s2 =	sxor.u32 $0x10, s25;
	v4 =	vld [tilespmem:s25+$0x10]  }
0x6f: {  	v5 =	vld [tilespmem:s2+$0x60]  }
0x70: {  	v3 =	vld [tilespmem:$0x80];
	_ =	sdelay $0x2  }
0x71: {  	(v2sf) =	vpush v4, $0x0  }
0x72: {  	(v2sf) =	vpush v5, $0x0  }
0x73: {  	(v2sf) =	vpush v3, $0x0;
	_ =	sdelay $0xc  }
0x74: {  	s6 =	spop (v2sf)  }
0x75: {  	s28 =	spop (v2sf)  }
0x76: {  	s26 =	spop (v2sf)  }
0x77: {  	p2 =	seq.s32 s6, s28;
	p3 =	seq.s32 s26, s6  }
0x78: {  	p3 =	por p2, p3  }
0x79: {  	s6 =	sand.u32 $0x1, s24;
	v4 =	vpsel p3, $0xFFFFFFFF, v4  }
0x7a: {  	s28 =	smul.u32 $0x1770, s6;
	[tilespmem:s25+$0x10] =	vst.msk $0x1, v4  }
0x7b: {  	v4 =	vld [tilespmem:$0x30]  }
0x7c: {  	v5 =	vld [tilespmem:s28+$0x7630]  }
0x7d: {  	v6 =	vld [tilespmem:s25+$0x40];
	_ =	sdelay $0x3  }
0x7e: {  	vm4 =	vmmov vm1;
	v5 =	vadd.f32 v5, v4  }
0x7f: {  	vm5 =	vmmov vm2;
	vm4 =	vmmov @p2 vm2;
	v4 =	vadd.f32 v6, v4  }
0x80: {  	s22 =	sshll.u32 s6, $0x4;
	vm5 =	vmmov @p3 vm1;
	[tilespmem:s28+$0x7630] =	vst.msk vm4, v5  }
0x81: {  	[tilespmem:s22+$0xD3F0] =	vst.msk vm5, v4  }
0x82: {  	v4 =	vld [tilespmem:s28+$0x5EB0];
	_ =	sdelay $0x3  }
0x83: {  	v5 =	vimm.f32 $0.0e+00  }
0x84: {  	v4 =	vshift.insert v4, v5, s21  }
0x85: {  	s29 =	sor.u32 $0x40, s2  }
0x86: {  	[tilespmem:s29+$0x0] =	vst.msk $0x1, v4  }
0x87: {  	[tilespmem:s28+$0x5EBF] =	vst.msk $0x1, v5  }
0x88: {  	v4 =	vld [tilespmem:s0+$0x1860];
	_ =	sdelay $0x1  }
0x89: {  	s29 =	smulhi.u32 $0xAAAAAAAB, s20;
	s0 =	simm.s32 $0x1  }
0x8a: {  	s0 =	simm.s32 @!p0 $0x0  }
0x8b: {  	s29 =	sshrl.u32 s29, $0x1;
	s0 =	smul.u32 $0x5DC0, s0  }
0x8c: {  	s29 =	smul.u32 $0xFFFEE6C0, s29;
	v4 =	vshift.insert v4, v1, s21  }
0x8d: {  	s0 =	sshrl.u32 s0, $0x2  }
0x8e: {  	s29 =	sshra.s32 s29, $0x2;
	s30 =	sadd.s32 $0x7630, s0;
	[tilespmem:s2+$0x10] =	vst.msk $0x1, v4  }
0x8f: {  	s6 =	sadd.s32 s29, s19;
	v6 =	vld [tilespmem:s30+$0x0]  }
0x90: {  	v7 =	vld [tilespmem:s6+$0x0];
	_ =	sdelay $0x3  }
0x91: {  	v5 =	vadd.f32 v6, v5  }
0x92: {  	vm4 =	vne.s32 v7, $0xFFFFFFFF  }
0x93: {  	(xrf2) =	vadd.seg.scan.f32 vm4, v5;
	_ =	sdelay $0x3  }
0x94: {  	s31 =	sadd.s32 $0x4750, s0;
	v5 =	vperm.xlane v4, v1  }
0x95: {  	v6 =	vld [tilespmem:s31+$0x0]  }
0x96: {  	vm5 =	veq.s32 v7, v3;
	vm6 =	veq.s32 v7, v5  }
0x97: {  	vm7 =	vgt.u32 v7, $0xFFFFFFFD;
	vm6 =	vmor vm6, vm5  }
0x98: {  	vm6 =	vmor vm6, vm7  }
0x99: {  	v9 =	vld [tilespmem:$0xA0];
	v7 =	vsel vm6, $0xFFFFFFFF, v7  }
0x9a: {  	v10 =	vld [tilespmem:$0x90];
	v6 =	vsel vm5, $0x0, v6;
	v8, _, _ =	vpop (xrf2)  }
0x9b: {  	v6 =	vadd.f32 v8, v6  }
0x9c: {  	s0 =	sadd.s32 $0xA510, s0  }
0x9d: {  	vm4 =	vmand vm4, vm3;
	[tilespmem:s0+$0x0] =	vst v6;
	(ifvalue) =	ssetifvalue $0xFFFFFFFF  }
0x9e: {  	vm6 =	veq.s32 v9, $0x1;
	[hbm4b:s1+s16] =	stream.indirect_vreg.scatter [tilespmem:s0], [sflag:$0x2], $0x1, v7, vm0, $0x4038;
	v7 =	vsel vm4, $0x0, v8;
	[tilespmem:$0xD410] =	vst v63  }
0x9f: {  	s29 =	sadd.s32 $0xD3F0, s22;
	s22 =	sadd.s32 $0x10, s6;
	s2 =	simm.s32 $0x0;
	vm4 =	vmor vm6, vm5;
	v6 =	vsel vm5, v8, v10;
	v7 =	vshift.insert v7, v0, s21  }
.LBB2_7:
0xa0: {  	v8 =	vld [tilespmem:s22+$0x0];
	s30 =	sadd.s32 $0x10, s30  }
0xa1: {  	s31 =	sadd.s32 $0x10, s31;
	v9 =	vld [tilespmem:s30+$0x0]  }
0xa2: {  	s2 =	sadd.s32 $0x10, s2;
	v10 =	vld [tilespmem:s31+$0x0]  }
0xa3: {  	p2 =	slt.u32 s2, $0x1760;
	_ =	sdelay $0x2  }
0xa4: {  	v7 =	vadd.f32 v9, v7  }
0xa5: {  	vm5 =	vne.s32 v8, $0xFFFFFFFF  }
0xa6: {  	vm6 =	vmand vm5, vm3;
	(xrf2) =	vadd.seg.scan.f32 vm5, v7;
	_ =	sdelay $0x5  }
0xa7: {  	vm7 =	veq.s32 v8, v5;
	vm5 =	veq.s32 v8, v3  }
0xa8: {  	vm8 =	vgt.u32 v8, $0xFFFFFFFD;
	vm4 =	vmor vm4, vm5;
	vm7 =	vmor vm7, vm5  }
0xa9: {  	vm7 =	vmor vm7, vm8  }
0xaa: {  	v8 =	vsel vm7, $0xFFFFFFFF, v8  }
.Ltmp5:
0xab: {  	v7 =	vsel vm5, $0x0, v10;
	v9, _, _ =	vpop (xrf2);
	(pc) =	sbr.rel @p2 .LBB2_7-.Ltmp5, $4  }
0xac: {  	v6 =	vsel vm5, v9, v6;
	v10 =	vadd.f32 v9, v7;
	v7 =	vsel vm6, $0x0, v9  }
0xad: {  	s0 =	sadd.s32 $0x10, s0;
	v7 =	vshift.insert v7, v0, s21  }
0xae: {  	s22 =	sadd.s32 $0x10, s22;
	[tilespmem:s0+$0x0] =	vst v10;
	(ifvalue) =	ssetifvalue $0xFFFFFFFF  }
0xaf: {  	[hbm4b:s1+s16] =	stream.indirect_vreg.scatter [tilespmem:s0], [sflag:$0x2], $0x1, v8, vm0, $0x4038;
	[tilespmem:$0xD410] =	vst v63  }
0xb0: {  	v3 =	vld [tilespmem:s28+$0xBC70];
	_ =	sdelay $0x4  }
0xb1: {  	v3 =	vshift.insert v3, v0, s21  }
0xb2: {  	s0 =	simm.s32 $0x30  }
0xb3: {  	[tilespmem:s0+$0x0] =	vst.msk $0x1, v3  }
0xb4: {  	v3 =	vsel vm4, $0x1, v1;
	[tilespmem:$0x90] =	vst v6  }
0xb5: {  	s0 =	sadd.s32 @!p1 $0xBC7F, s28;
	[tilespmem:$0xA0] =	vst v3  }
0xb6: {  	[spmem:s14] =	stream.linear.scatter @!p1 [tilespmem:s0], [sflag:$0x1], $0x1, $0x38;
	[tilespmem:$0xD410] =	vst v63  }
0xb7: {  	s0 =	simm.s32 @!p1 $0x1  }
0xb8: {  	v3 =	vmctz.xlane @!p1 vm4;
	_ =	swait.ge @!p1 [sflag:s0], $0x1  }
0xb9: {  	(v2sf) =	vpush @!p1 v4, $0x0  }
0xba: {  	(v2sf) =	vpush @!p1 v3, $0x0;
	_ =	sdelay $0xd  }
0xbb: {  	s2 =	spop @!p1 (v2sf)  }
0xbc: {  	s6 =	spop @!p1 (v2sf)  }
0xbd: {  	p2 =	sne.s32 @!p1 s26, s2;
	p3 =	slt.s32 @!p1 s6, $0xF  }
0xbe: {  	[sflag:s0] =	ssyncset.done @!p1 $0x0;
	p2 =	por p2, p1;
	p3 =	por !p3, p1  }
0xbf: {  	[sflag:s0] =	ssyncadd.s32 @!p1 $0xFFFFFFFF;
	v3 =	vimm.s32 @!p2 $0xFFFFFFFF;
	s6 =	simm.s32 @p3 $0xF  }
0xc0: {  	[tilespmem:$0x80] =	vst @!p2 v3;
	s2 =	sadd.s32 @!p1 $0x90, s6  }
0xc1: {  	[spmem:s10] =	stream.linear.scatter @!p1 [tilespmem:s2], [sflag:$0x1], $0x1, $0x38;
	[tilespmem:$0xD410] =	vst v63  }
0xc2: {  	_ =	swait.ge @!p1 [sflag:s0], $0x1  }
0xc3: {  	[sflag:s0] =	ssyncset.done @!p1 $0x0  }
0xc4: {  	s2 =	simm.s32 @!p1 $0x80;
	[sflag:s0] =	ssyncadd.s32 @!p1 $0xFFFFFFFF  }
0xc5: {  	[spmem:s15] =	stream.linear.scatter @!p1 [tilespmem:s2], [sflag:$0x1], $0x1, $0x38;
	[tilespmem:$0xD410] =	vst v63  }
0xc6: {  	_ =	swait.ge @!p1 [sflag:s0], $0x1  }
0xc7: {  	[sflag:s0] =	ssyncset.done @!p1 $0x0  }
0xc8: {  	[sflag:s0] =	ssyncadd.s32 @!p1 $0xFFFFFFFF;
	(ifvalue) =	ssetifvalue $0xFFFFFFFF;
	v3 =	vld [tilespmem:s25+$0x10];
	_ =	sdelay $0x3  }
.Ltmp6:
0xc9: {  	_ = 	snop;
	(pc) =	sbr.rel .LBB2_9-.Ltmp6, $3  }
0xca: {  	_ =	sdelay $0x1  }
0xcb: {  	(ifvalue) =	ssetifvalue $0xFFFFFFFF  }
0xcc: {  	[hbm4b:s1+s16] =	stream.indirect_vreg.scatter [tilespmem:s29], [sflag:$0x9], $0x1, v3, vm0, $0x4038;
	[tilespmem:$0xD410] =	vst v63  }
.LBB2_10:
0xcd: {  	_ =	sfence.sel $0x180000  }
0xce: {  	s0 =	simm.s32 $0x7;
	[bflag:$0x0] =	sbarrier.arrive $0xFFFF  }
0xcf: {  	s26 =	simm.s32 $0x8;
	[sflag:s0] =	ssyncpa.u1 $0x1  }
0xd0: {  	s28 =	simm.s32 $0x9;
	[sflag:s26] =	ssyncpa.u1 $0x1  }
0xd1: {  	[sflag:s28] =	ssyncpa.u1 $0x1  }
0xd2: {  	_ =	sfence.stream.spmem  }
0xd3: {  	s29 =	simm.s32 $0x3;
	[bflag:$0x0] =	sbarrier.arrive $0xFFFF  }
0xd4: {  	s30 =	simm.s32 $0x4;
	[sflag:s29] =	ssyncpa.u1 $0x1  }
0xd5: {  	s31 =	simm.s32 $0x3C;
	s2 =	stileid.u32;
	[sflag:s30] =	ssyncpa.u1 $0x1  }
0xd6: {  	p0 =	sne.s32 s2, $0x0;
	[sflag:s31] =	ssyncpa.u1 $0x1  }
0xd7: {  	s0 =	simm.s32 @p0 $0x1;
	_ =	sfence @p0  }
0xd8: {  	[sflag:s0] =	ssyncpa.u1 @p0 $0x1;
	s0 =	simm.s32 @p0 $0x2  }
0xd9: {  	[sflag:s0] =	ssyncpa.u1 @p0 $0x1  }
0xda: {  	_ =	strace @p0 $0x90000047  }
0xdb: {  	[bflag:$0x2] =	sbarrier.arrive @p0 $0xFFFF  }
0xdc: {  	_ =	shalt @p0  }
.LBB2_11:
0xdd: {  	_ =	sfence.stream.spmem;
	s0 =	simm.s32 $0x5  }
0xde: {  	s2 =	simm.s32 $0x80;
	s3 =	simm.s32 $0xC0;
	[sflag:s0] =	ssyncpa.u1 $0x0  }
0xdf: {  	[tilespmem:s3], [sflag:$0x5] =	stream.linear.gather [spmem:s2], $0x20, $0x38;
	[tilespmem:$0xD410] =	vst v63  }
0xe0: {  	s2 =	simm.s32 $0x0;
	s3 =	simm.s32 $0xE0  }
0xe1: {  	[tilespmem:s3], [sflag:$0x5] =	stream.linear.gather [spmem:s2], $0x20, $0x38;
	[tilespmem:$0xD410] =	vst v63  }
.Ltmp7:
0xe2: {  	_ = 	snop;
	(pc) =	sbr.rel .LBB2_12-.Ltmp7, $4  }
0xe3: {  	_ =	swait.ge [sflag:s0], $0x40  }
0xe4: {  	[sflag:s0] =	ssyncset.done $0x0  }
0xe5: {  	s31 =	simm.s32 $0x6;
	[sflag:s0] =	ssyncadd.s32 $0xFFFFFFC0  }
0xe6: {  	s4 =	simm.s32 $0x0;
	[sflag:s31] =	ssyncpa.u1 $0x0  }
.LBB2_17:
0xe7: {  	p0 =	sgt.u32 s5, $0x27FF  }
0xe8: {  	s0 =	sshrl.u32 @!p0 s5, $0x3  }
0xe9: {  	s5 =	sand.u32 @!p0 $0x7, s5;
	s6 =	simm.s32 @!p0 $0xB0;
	s0 =	sadd.s32 @!p0 s1, s0  }
0xea: {  	[tilespmem:s6], [sflag:$0x6] =	stream.linear.gather @!p0 [hbm4b:s0+s5], $0x1, $0x38;
	[tilespmem:$0xD410] =	vst v63  }
0xeb: {  	s0 =	simm.s32 @!p0 $0x6  }
0xec: {  	_ =	swait.ge @!p0 [sflag:s0], $0x1  }
0xed: {  	[sflag:s0] =	ssyncset.done @!p0 $0x0  }
0xee: {  	[sflag:s0] =	ssyncadd.s32 @!p0 $0xFFFFFFFF  }
0xef: {  	v2 =	vmov @!p0 s4;
	v1 =	vld.msk @!p0 [tilespmem:$0xB0], $0x1;
	_ =	sdelay $0x3  }
0xf0: {  	s0 =	simm.s32 @!p0 $0xE0  }
0xf1: {  	[tilespmem:v2+s0+$0x0], v1 =	vst.idx.ret.add.f32.msk @!p0 $0x1, v1  }
0xf2: {  	[tilespmem:s2+$0xC0] =	vst.msk $0x1, v0  }
0xf3: {  	v0 =	vld.msk [tilespmem:s4+$0xE0], $0x1;
	_ =	sdelay $0x4  }
0xf4: {  	[tilespmem:s2+$0xE0] =	vst.msk $0x1, v0;
	s2 =	sadd.s32 $0x1, s2  }
.LBB2_19:
0xf5: {  	s4 =	sadd.s32 $0x1, s4  }
0xf6: {  	p0 =	sne.s32 s4, $0x20  }
.Ltmp8:
0xf7: {  	_ = 	snop;
	(pc) =	sbr.rel @!p0 .LBB2_20-.Ltmp8, $1  }
0xf8: {  	_ =	sdelay $0x3  }
.LBB2_12:
0xf9: {  	v0 =	vld.msk [tilespmem:s4+$0xC0], $0x1;
	_ =	sdelay $0x4  }
0xfa: {  	(v2sf) =	vpush v0, $0x0;
	_ =	sdelay $0xe  }
0xfb: {  	s5 =	spop (v2sf)  }
0xfc: {  	p0 =	seq.s32 s5, $0xFFFFFFFF  }
.Ltmp9:
0xfd: {  	_ = 	snop;
	(pc) =	sbr.rel @p0 .LBB2_19-.Ltmp9, $1  }
0xfe: {  	_ =	sdelay $0x3  }
0xff: {  	p0 =	slt.s32 s2, $0x1  }
.Ltmp10:
0x100: {  	_ = 	snop;
	(pc) =	sbr.rel @p0 .LBB2_17-.Ltmp10, $1  }
0x101: {  	_ =	sdelay $0x3  }
0x102: {  	s0 =	simm.s32 $0xC0;
	p0 =	por $0x0, $0x0  }
0x103: {  	v1 =	vld.msk @!p0 [tilespmem:s0+$0x0], $0x1;
	_ =	sdelay $0x4  }
0x104: {  	(v2sf) =	vpush @!p0 v1, $0x0;
	_ =	sdelay $0xd  }
0x105: {  	p2 =	sne.s32 s2, $0x1  }
.Ltmp11:
0x106: {  	s6 =	spop @!p0 (v2sf);
	(pc) =	sbr.rel @!p2 .LBB2_16-.Ltmp11, $4  }
0x107: {  	p1 =	seq.s32 @!p0 s5, s6  }
0x108: {  	s6 =	simm.s32 $0x0;
	p1 =	por !p1, p0  }
0x109: {  	s8 =	simm.s32 $0xFFFFFFFF;
	s6 =	simm.s32 @p1 $0xFFFFFFFF  }
0x10a: {  	s7 =	simm.s32 $0x1;
	s6 =	smov.u32 @p0 s8  }
.LBB2_15:
0x10b: {  	s8 =	smov.u32 s6;
	p0 =	sne.s32 s6, $0xFFFFFFFF  }
0x10c: {  	s0 =	sadd.s32 $0x1, s0;
	s6 =	smov.u32 s7;
	s7 =	sadd.s32 $0x1, s7  }
0x10d: {  	p1 =	sne.s32 s2, s7;
	v1 =	vld.msk @!p0 [tilespmem:s0+$0x0], $0x1;
	_ =	sdelay $0x4  }
0x10e: {  	(v2sf) =	vpush @!p0 v1, $0x0;
	_ =	sdelay $0xe  }
.Ltmp12:
0x10f: {  	s9 =	spop @!p0 (v2sf);
	(pc) =	sbr.rel @p1 .LBB2_15-.Ltmp12, $4  }
0x110: {  	p2 =	seq.s32 @!p0 s5, s9  }
0x111: {  	p2 =	por !p2, p0  }
0x112: {  	s6 =	simm.s32 @p2 $0xFFFFFFFF  }
0x113: {  	s6 =	smov.u32 @p0 s8  }
.LBB2_16:
0x114: {  	p0 =	sne.s32 s6, $0xFFFFFFFF  }
.Ltmp13:
0x115: {  	_ = 	snop;
	(pc) =	sbr.rel @!p0 .LBB2_17-.Ltmp13, $1  }
0x116: {  	_ =	sdelay $0x3  }
0x117: {  	v0 =	vld.msk [tilespmem:s4+$0xE0], $0x1;
	v1 =	vmov s6  }
.Ltmp14:
0x118: {  	_ = 	snop;
	(pc) =	sbr.rel .LBB2_19-.Ltmp14, $2  }
0x119: {  	_ =	sdelay $0x2  }
0x11a: {  	[tilespmem:v1+s3+$0x0], v0 =	vst.idx.ret.add.f32.msk $0x1, v0  }
.LBB2_20:
0x11b: {  	p0 =	slt.s32 s2, $0x1  }
.Ltmp15:
0x11c: {  	_ = 	snop;
	(pc) =	sbr.rel @p0 .LBB2_24-.Ltmp15, $3  }
0x11d: {  	_ =	sdelay $0x1  }
0x11e: {  	s0 =	simm.s32 $0x6  }
0x11f: {  	s3 =	simm.s32 $0x0;
	[sflag:s0] =	ssyncpa.u1 $0x1  }
0x120: {  	s0 =	simm.s32 $0xC0  }
0x121: {  	v0 =	vld.msk [tilespmem:s0+$0x0], $0x1;
	_ =	sdelay $0x4  }
0x122: {  	(v2sf) =	vpush v0, $0x0;
	_ =	sdelay $0xe  }
0x123: {  	s2 =	sadd.s32 $0xFFFFFFFF, s2;
	s4 =	spop (v2sf)  }
0x124: {  	p1 =	sne.s32 s2, $0x0;
	p0 =	sgt.u32 s4, $0x27FF  }
.Ltmp16:
0x125: {  	s5 =	sshrl.u32 @!p0 s4, $0x3;
	(pc) =	sbr.rel @!p1 .LBB2_23-.Ltmp16, $4  }
0x126: {  	s0 =	simm.s32 $0xE0;
	s4 =	sand.u32 @!p0 $0x7, s4;
	s5 =	sadd.s32 @!p0 s1, s5  }
0x127: {  	[hbm4b:s5+s4] =	stream.linear.scatter @!p0 [tilespmem:s0], [sflag:$0x5], $0x1, $0x38;
	[tilespmem:$0xD410] =	vst v63  }
0x128: {  	s5 =	simm.s32 $0x0  }
0x129: {  	s4 =	simm.s32 $0xC1;
	s5 =	simm.s32 @!p0 $0x4  }
.LBB2_22:
0x12a: {  	v0 =	vld.msk [tilespmem:s4+$0x0], $0x1;
	s2 =	sadd.s32 $0xFFFFFFFF, s2;
	s3 =	sadd.s32 s3, s5  }
0x12b: {  	p0 =	sne.s32 s2, $0x0;
	_ =	sdelay $0x3  }
0x12c: {  	(v2sf) =	vpush v0, $0x0;
	_ =	sdelay $0xe  }
.Ltmp17:
0x12d: {  	s6 =	spop (v2sf);
	(pc) =	sbr.rel @p0 .LBB2_22-.Ltmp17, $4  }
0x12e: {  	s5 =	simm.s32 $0x0;
	p1 =	sgt.u32 s6, $0x27FF  }
0x12f: {  	s0 =	sadd.s32 $0x1, s0;
	s5 =	simm.s32 @!p1 $0x4;
	s7 =	sshrl.u32 @!p1 s6, $0x3  }
0x130: {  	s4 =	sadd.s32 $0x1, s4;
	s6 =	sand.u32 @!p1 $0x7, s6;
	s7 =	sadd.s32 @!p1 s1, s7  }
0x131: {  	[hbm4b:s7+s6] =	stream.linear.scatter @!p1 [tilespmem:s0], [sflag:$0x5], $0x1, $0x38;
	[tilespmem:$0xD410] =	vst v63  }
.LBB2_23:
0x132: {  	s0 =	sadd.s32 s3, s5  }
0x133: {  	s3 =	sshrl.u32 s0, $0x2  }
.LBB2_24:
0x134: {  	s0 =	simm.s32 $0x5  }
0x135: {  	_ =	swait.ge [sflag:s0], s3  }
0x136: {  	s1 =	ssub.s32 $0x0, s3;
	[sflag:s0] =	ssyncset.done $0x0  }
0x137: {  	[sflag:s0] =	ssyncadd.s32 s1  }
0x138: {  	[sflag:s0] =	ssyncpa.u1 $0x1  }
0x139: {  	s29 =	simm.s32 $0x1;
	_ =	sfence  }
0x13a: {  	s30 =	simm.s32 $0x2;
	[sflag:s29] =	ssyncpa.u1 $0x1  }
0x13b: {  	[sflag:s30] =	ssyncpa.u1 $0x1  }
0x13c: {  	_ =	strace $0x90000047  }
0x13d: {  	[bflag:$0x2] =	sbarrier.arrive $0xFFFF  }
0x13e: {  	s31 =	rddreg [dreg:$0x2]  }
0x13f: {  	s0 =	sadd.s32 $0x100000, s31  }
0x140: {  	[sflag:s0] =	ssyncadd.tile.s32 $0x1;
	_ =	shalt  }
.Lfunc_end2:
_tile_overlayer_lowered:
.L_overlay_start_2:
0x141: {  	(tag) =	ssettag $0x2  }
0x142: {  	s0 =	rddreg [dreg:$0x0];
	s2 =	stileid.u32  }
0x143: {  	s1 =	rddreg [dreg:$0x1];
	p0 =	sne.s32 s2, $0x0  }
0x144: {  	s3 =	rddreg [dreg:$0x2];
	[bflag:$0x3] =	sbarrier.arrive $0xFFFF;
	s2 =	simm.s32 @!p0 $0x1C01  }
0x145: {  	[timem:s3], [sflag:s2] =	dma.local @!p0 [hbm:s0], s1  }
0x146: {  	s0 =	simm.s32 @!p0 $0x1  }
0x147: {  	_ =	swait.ge @!p0 [sflag:s0], s1  }
0x148: {  	s1 =	ssub.s32 @!p0 $0x0, s1;
	[sflag:s0] =	ssyncset.done @!p0 $0x0  }
0x149: {  	[sflag:s0] =	ssyncadd.s32 @!p0 s1  }
0x14a: {  	[bflag:$0x3] =	sbarrier.arrive $0xFFFF  }
0x14b: {  	_ =	shalt  }

</sc_bundles>
